<compile_context>
chip_gen: v7x
topology: tpu7x:2x2x1
jax: 0.10.2.dev20260603
libtpu: 0.0.44.dev20260713+nightly
codegen_flags: <defaults>
</compile_context>

<pallas_src>
import functools

import jax
import jax.numpy as jnp
from jax import lax
from jax.experimental import pallas as pl
from jax.experimental.pallas import tpu as pltpu
from jax.experimental.pallas import tpu_sc as plsc

_IMG = 320.0
_NCLS = 30
_POSW = 20.0
_LEVELS = ((8, 40, 0), (16, 20, 1600), (32, 10, 2000))
_B, _T, _N, _C = 8, 50, 2100, 35
_TPAD = 64


def _sc_assign_body(xy_hbm, idx_hbm, x_v, y_v, idx_v):
    sid = lax.axis_index("s")
    for c in range(2):
        wid = sid * 2 + c
        base = wid * 16
        base_t = (wid % 4) * 16
        img = wid // 4
        pltpu.sync_copy(xy_hbm.at[0, img, pl.ds(base_t, 16)], x_v)
        pltpu.sync_copy(xy_hbm.at[1, img, pl.ds(base_t, 16)], y_v)
        lane = jax.lax.iota(jnp.int32, 16)
        valid = base_t + lane < _T
        x = x_v[...] * _IMG
        y = y_v[...] * _IMG
        best_d = jnp.full((16,), 1e30, jnp.float32)
        best_i = jnp.zeros((16,), jnp.int32)
        for s, g, off in _LEVELS:
            inv = 1.0 / s
            gx0 = (x * inv).astype(jnp.int32)
            gy0 = (y * inv).astype(jnp.int32)
            for dgy in (-1, 0, 1):
                for dgx in (-1, 0, 1):
                    gx = jnp.clip(gx0 + dgx, 0, g - 1)
                    gy = jnp.clip(gy0 + dgy, 0, g - 1)
                    ax = (gx.astype(jnp.float32) + 0.5) * s
                    ay = (gy.astype(jnp.float32) + 0.5) * s
                    dx = x - ax
                    dy = y - ay
                    d = dx * dx + dy * dy
                    i = off + gy * g + gx
                    better = (d < best_d) | ((d == best_d) & (i < best_i))
                    best_d = jnp.where(better, d, best_d)
                    best_i = jnp.where(better, i, best_i)
        idx_v[...] = jnp.where(valid, best_i, -1)
        pltpu.sync_copy(idx_v, idx_hbm.at[pl.ds(base, 16)])


@functools.cache
def _sc_assign():
    return pl.kernel(
        _sc_assign_body,
        out_type=jax.ShapeDtypeStruct((_B * _TPAD,), jnp.int32),
        mesh=plsc.VectorSubcoreMesh(
            core_axis_name="c", subcore_axis_name="s", num_cores=1
        ),
        scratch_types=[
            pltpu.VMEM((16,), jnp.float32),
            pltpu.VMEM((16,), jnp.float32),
            pltpu.VMEM((16,), jnp.int32),
        ],
    )


def _softplus(x):
    return jnp.maximum(x, 0.0) + jnp.log1p(jnp.exp(-jnp.abs(x)))


def _tc_loss_body(pred_ref, tgt_ref, idx_ref, out_ref):
    idx_all = idx_ref[...]
    io_r = lax.broadcasted_iota(jnp.int32, (_TPAD, _TPAD), 0)
    io_c = lax.broadcasted_iota(jnp.int32, (_TPAD, _TPAD), 1)
    eye = (io_r == io_c).astype(jnp.int32)
    total = jnp.zeros((1, 1), jnp.float32)
    for b in range(_B):
        pred_b = pred_ref[b]
        tgt = tgt_ref[b]
        row = idx_all[b * _TPAD:(b + 1) * _TPAD].reshape(1, _TPAD)
        idxc = jnp.sum(
            jnp.broadcast_to(row, (_TPAD, _TPAD)) * eye, axis=1, keepdims=True
        )

        io_n = lax.broadcasted_iota(jnp.int32, (_TPAD, _N), 1)
        onehot = (io_n == idxc).astype(jnp.float32)

        g = lax.dot_general(
            onehot, pred_b, (((1,), (1,)), ((), ())),
            preferred_element_type=jnp.float32,
        )

        boxes = jax.nn.sigmoid(g[:_T, 0:4])
        dbox = boxes - tgt[:, 1:5]
        loss_box = jnp.sum(dbox * dbox) * (1.0 / (_T * 4))

        cls_logits = g[:_T, 5:_C]
        cls_idx = tgt[:, 0:1].astype(jnp.int32)
        io_cl = lax.broadcasted_iota(jnp.int32, (_T, _NCLS), 1)
        z = (io_cl == cls_idx).astype(jnp.float32)
        loss_cls = jnp.sum(_softplus(cls_logits) - z * cls_logits) * (
            1.0 / (_T * _NCLS)
        )

        tobj = jnp.max(onehot, axis=0, keepdims=True)
        po = pred_b[4:5, :]
        loss_obj = jnp.sum(
            _softplus(po) * (1.0 + (_POSW - 1.0) * tobj) - _POSW * tobj * po
        ) * (1.0 / _N)

        total = total + (5.0 * loss_box + loss_obj + loss_cls)
    out_ref[...] = total


def _tc_loss(pred, targets, idx_flat):
    out = pl.pallas_call(
        _tc_loss_body,
        out_shape=jax.ShapeDtypeStruct((1, 1), jnp.float32),
    )(pred, targets, idx_flat)
    return out[0, 0]


def kernel(pred, targets):
    t_xy = targets[:, :, 1:3]
    xy = jnp.pad(
        jnp.moveaxis(t_xy, 2, 0), ((0, 0), (0, 0), (0, _TPAD - _T))
    )
    idx_flat = _sc_assign()(xy)
    return _tc_loss(pred, targets, idx_flat)

# --- scband reference (transcript-rebuilt; emitter-appended) ---
"""Pipeline reference for scband-loss-86895778332718 (READ-ONLY COPY).

The authoritative reference and input builder live on the scoring server;
editing this copy changes nothing except your own understanding.
"""

import jax, jax.numpy as jnp
import numpy as np

IMG_SIZE = 320
NC = 30
POS_WEIGHT = 20.0


def make_anchors(img_size=320, strides=(8, 16, 32)):
    anchor_points = []
    for s in strides:
        h, w = img_size // s, img_size // s
        sx = jnp.arange(w, dtype=jnp.float32) + 0.5
        sy = jnp.arange(h, dtype=jnp.float32) + 0.5
        grid_y, grid_x = jnp.meshgrid(sy, sx, indexing='ij')
        anchor_points.append(jnp.stack((grid_x, grid_y), -1).reshape(-1, 2) * s)
    return jnp.concatenate(anchor_points, axis=0)


def _bce_with_logits(x, z, pos_weight=1.0):
    # stable BCEWithLogits: pw*z*softplus(-x) + (1-z)*softplus(x), mean-reduced
    return jnp.mean(pos_weight * z * jax.nn.softplus(-x) + (1.0 - z) * jax.nn.softplus(x))


def setup_inputs(seed: int = 0) -> dict:
    key = jax.random.key(seed)
    k1, k2 = jax.random.split(key)
    pred = jax.random.normal(k1, (8, 35, 2100), dtype=jnp.float32)
    # targets[i] = [class, x, y, w, h] with normalized coords in [0,1)
    targets = jax.random.uniform(k2, (8, 50, 5), dtype=jnp.float32)
    return {"pred": pred, "targets": targets}


def reference(pred, targets):
    anchors = make_anchors(IMG_SIZE)
    B, C, N = pred.shape
    pb = pred[:, :4, :]
    po = pred[:, 4, :]
    pc = pred[:, 5:, :]
    loss_box = 0.0
    loss_obj = 0.0
    loss_cls = 0.0
    for i in range(B):
        t = targets[i]
        t_centers = t[:, 1:3] * IMG_SIZE
        # cdist(p=2) then argmin == argmin of squared distances
        d2 = jnp.sum((t_centers[:, None, :] - anchors[None, :, :]) ** 2, axis=-1)
        idx = jnp.argmin(d2, axis=1)
        pred_boxes = jax.nn.sigmoid(pb[i][:, idx].T)
        loss_box = loss_box + jnp.mean((pred_boxes - t[:, 1:5]) ** 2)
        cls_idx = t[:, 0].astype(jnp.int32)
        # one_hot yields zero rows for out-of-range classes, matching `if c < nc`
        t_cls = jax.nn.one_hot(cls_idx, NC, dtype=pred.dtype)
        loss_cls = loss_cls + _bce_with_logits(pc[i][:, idx].T, t_cls)
        tobj = jnp.zeros(N, dtype=pred.dtype).at[idx].set(1.0)
        loss_obj = loss_obj + _bce_with_logits(po[i], tobj, pos_weight=POS_WEIGHT)
    return loss_box * 5.0 + loss_obj * 1.0 + loss_cls * 1.0

if __name__ == "__main__":
    import jax
    _d = setup_inputs()
    print(jax.jit(kernel)(*tuple(_d.values())))

</pallas_src>

<mosaic_0001>
#map = affine_map<(d0, d1) -> (0, 0, 0)>
#map1 = affine_map<(d0, d1) -> (0)>
module attributes {stable_mosaic.version = 14 : i64} {
  func.func @_sc_assign_body(%arg0: i32, %arg1: i32, %arg2: memref<2x8x64xf32, #tpu.memory_space<hbm>>, %arg3: memref<512xi32, #tpu.memory_space<hbm>>, %arg4: memref<16xf32, #tpu.memory_space<vmem>>, %arg5: memref<16xf32, #tpu.memory_space<vmem>>, %arg6: memref<16xi32, #tpu.memory_space<vmem>>) attributes {dimension_semantics = [#tpu.dimension_semantics<core_parallel>, #tpu.dimension_semantics<subcore_parallel>], iteration_bounds = array<i64: 1, 16>, scalar_prefetch = 0 : i64, scratch_operands = 3 : i64, tpu.core_type = #tpu.core_type<sc_vector_subcore>, window_params = [{transform_indices = #map}, {transform_indices = #map1}]} {
    %mul3A = arith.constant 2 : i32
    %mul3A_0 = arith.muli %arg1, %mul3A : i32
    %add3A = arith.constant 0 : i32
    %add3A_1 = arith.addi %mul3A_0, %add3A : i32
    %mul3A_2 = arith.constant 16 : i32
    %mul3A_3 = arith.muli %add3A_1, %mul3A_2 : i32
    %jit3A = arith.constant 4 : i32
    %eq3A = arith.constant 0 : i32
    %eq3A_4 = arith.cmpi eq, %jit3A, %eq3A : i32
    %jit3A_5 = arith.constant 1 : i32
    %select_n3A = arith.select %eq3A_4, %jit3A_5, %jit3A : i32
    %rem3A = arith.remsi %add3A_1, %select_n3A : i32
    %ne3A = arith.constant 0 : i32
    %ne3A_6 = arith.cmpi ne, %rem3A, %ne3A : i32
    %lt3A = arith.constant 0 : i32
    %lt3A_7 = arith.cmpi slt, %rem3A, %lt3A : i32
    %lt3A_8 = arith.constant 0 : i32
    %lt3A_9 = arith.cmpi slt, %select_n3A, %lt3A_8 : i32
    %ne3A_10 = arith.xori %lt3A_7, %lt3A_9 : i1
    %and3A = arith.andi %ne3A_10, %ne3A_6 : i1
    %add3A_11 = arith.addi %rem3A, %select_n3A : i32
    %select_n3A_12 = arith.select %and3A, %add3A_11, %rem3A : i32
    %mul3A_13 = arith.constant 16 : i32
    %mul3A_14 = arith.muli %select_n3A_12, %mul3A_13 : i32
    %jit3A_15 = arith.constant 4 : i32
    %div3A = arith.divsi %add3A_1, %jit3A_15 : i32
    %sign3A = arith.constant 0 : i32
    %sign3A_16 = arith.cmpi sgt, %add3A_1, %sign3A : i32
    %sign3A_17 = arith.extui %sign3A_16 : i1 to i32
    %sign3A_18 = arith.constant 0 : i32
    %sign3A_19 = arith.cmpi slt, %add3A_1, %sign3A_18 : i32
    %sign3A_20 = arith.extui %sign3A_19 : i1 to i32
    %sign3A_21 = arith.subi %sign3A_17, %sign3A_20 : i32
    %sign3A_22 = arith.constant 0 : i32
    %sign3A_23 = arith.cmpi sgt, %jit3A_15, %sign3A_22 : i32
    %sign3A_24 = arith.extui %sign3A_23 : i1 to i32
    %sign3A_25 = arith.constant 0 : i32
    %sign3A_26 = arith.cmpi slt, %jit3A_15, %sign3A_25 : i32
    %sign3A_27 = arith.extui %sign3A_26 : i1 to i32
    %sign3A_28 = arith.subi %sign3A_24, %sign3A_27 : i32
    %ne3A_29 = arith.cmpi ne, %sign3A_21, %sign3A_28 : i32
    %rem3A_30 = arith.remsi %add3A_1, %jit3A_15 : i32
    %ne3A_31 = arith.constant 0 : i32
    %ne3A_32 = arith.cmpi ne, %rem3A_30, %ne3A_31 : i32
    %and3A_33 = arith.andi %ne3A_29, %ne3A_32 : i1
    %sub3A = arith.constant 1 : i32
    %sub3A_34 = arith.subi %div3A, %sub3A : i32
    %select_n3A_35 = arith.select %and3A_33, %sub3A_34, %div3A : i32
    %run_scoped3A = arith.constant 0 : i32
    "tpu.region"() ({
      %run_scoped3A_2939 = tpu.sem_alloc : memref<!tpu.dma_semaphore, #tpu.memory_space<semaphore_mem>>
      %dma_start3A = tpu.memref_slice %arg2[%run_scoped3A, %select_n3A_35, %mul3A_14] : memref<2x8x64xf32, #tpu.memory_space<hbm>> -> memref<1x1x16xf32, #tpu.memory_space<hbm>>
      %dma_start3A_2940 = tpu.memref_squeeze %dma_start3A : memref<1x1x16xf32, #tpu.memory_space<hbm>> -> memref<16xf32, #tpu.memory_space<hbm>>
      %dma_start3A_2941 = tpu.memref_slice %arg2[%run_scoped3A, %select_n3A_35, %mul3A_14] : memref<2x8x64xf32, #tpu.memory_space<hbm>> -> memref<1x1x16xf32, #tpu.memory_space<hbm>>
      %dma_start3A_2942 = tpu.memref_squeeze %dma_start3A_2941 : memref<1x1x16xf32, #tpu.memory_space<hbm>> -> memref<16xf32, #tpu.memory_space<hbm>>
      tpu.enqueue_dma source(%dma_start3A_2942 : memref<16xf32, #tpu.memory_space<hbm>>) target(%arg4 : memref<16xf32, #tpu.memory_space<vmem>>) target_semaphore(%run_scoped3A_2939 : memref<!tpu.dma_semaphore, #tpu.memory_space<semaphore_mem>>)
      %dma_wait3A = tpu.memref_slice %arg2[%run_scoped3A, %select_n3A_35, %mul3A_14] : memref<2x8x64xf32, #tpu.memory_space<hbm>> -> memref<1x1x16xf32, #tpu.memory_space<hbm>>
      %dma_wait3A_2943 = tpu.memref_squeeze %dma_wait3A : memref<1x1x16xf32, #tpu.memory_space<hbm>> -> memref<16xf32, #tpu.memory_space<hbm>>
      %dma_wait3A_2944 = tpu.memref_slice %arg2[%run_scoped3A, %select_n3A_35, %mul3A_14] : memref<2x8x64xf32, #tpu.memory_space<hbm>> -> memref<1x1x16xf32, #tpu.memory_space<hbm>>
      %dma_wait3A_2945 = tpu.memref_squeeze %dma_wait3A_2944 : memref<1x1x16xf32, #tpu.memory_space<hbm>> -> memref<16xf32, #tpu.memory_space<hbm>>
      tpu.wait_dma2 semaphore(%run_scoped3A_2939 : memref<!tpu.dma_semaphore, #tpu.memory_space<semaphore_mem>>) src(%dma_wait3A_2945 : memref<16xf32, #tpu.memory_space<hbm>>) dst(%arg4 : memref<16xf32, #tpu.memory_space<vmem>>)
      tpu.yield
    }) : () -> ()
    %run_scoped3A_36 = arith.constant 1 : i32
    "tpu.region"() ({
      %run_scoped3A_2939 = tpu.sem_alloc : memref<!tpu.dma_semaphore, #tpu.memory_space<semaphore_mem>>
      %dma_start3A = tpu.memref_slice %arg2[%run_scoped3A_36, %select_n3A_35, %mul3A_14] : memref<2x8x64xf32, #tpu.memory_space<hbm>> -> memref<1x1x16xf32, #tpu.memory_space<hbm>>
      %dma_start3A_2940 = tpu.memref_squeeze %dma_start3A : memref<1x1x16xf32, #tpu.memory_space<hbm>> -> memref<16xf32, #tpu.memory_space<hbm>>
      %dma_start3A_2941 = tpu.memref_slice %arg2[%run_scoped3A_36, %select_n3A_35, %mul3A_14] : memref<2x8x64xf32, #tpu.memory_space<hbm>> -> memref<1x1x16xf32, #tpu.memory_space<hbm>>
      %dma_start3A_2942 = tpu.memref_squeeze %dma_start3A_2941 : memref<1x1x16xf32, #tpu.memory_space<hbm>> -> memref<16xf32, #tpu.memory_space<hbm>>
      tpu.enqueue_dma source(%dma_start3A_2942 : memref<16xf32, #tpu.memory_space<hbm>>) target(%arg5 : memref<16xf32, #tpu.memory_space<vmem>>) target_semaphore(%run_scoped3A_2939 : memref<!tpu.dma_semaphore, #tpu.memory_space<semaphore_mem>>)
      %dma_wait3A = tpu.memref_slice %arg2[%run_scoped3A_36, %select_n3A_35, %mul3A_14] : memref<2x8x64xf32, #tpu.memory_space<hbm>> -> memref<1x1x16xf32, #tpu.memory_space<hbm>>
      %dma_wait3A_2943 = tpu.memref_squeeze %dma_wait3A : memref<1x1x16xf32, #tpu.memory_space<hbm>> -> memref<16xf32, #tpu.memory_space<hbm>>
      %dma_wait3A_2944 = tpu.memref_slice %arg2[%run_scoped3A_36, %select_n3A_35, %mul3A_14] : memref<2x8x64xf32, #tpu.memory_space<hbm>> -> memref<1x1x16xf32, #tpu.memory_space<hbm>>
      %dma_wait3A_2945 = tpu.memref_squeeze %dma_wait3A_2944 : memref<1x1x16xf32, #tpu.memory_space<hbm>> -> memref<16xf32, #tpu.memory_space<hbm>>
      tpu.wait_dma2 semaphore(%run_scoped3A_2939 : memref<!tpu.dma_semaphore, #tpu.memory_space<semaphore_mem>>) src(%dma_wait3A_2945 : memref<16xf32, #tpu.memory_space<hbm>>) dst(%arg5 : memref<16xf32, #tpu.memory_space<vmem>>)
      tpu.yield
    }) : () -> ()
    %iota3A = tpu.iota {dimensions = array<i32: 0>} : vector<16xi32>
    %add3A_37 = vector.broadcast %mul3A_14 : i32 to vector<16xi32>
    %add3A_38 = arith.addi %add3A_37, %iota3A : vector<16xi32>
    %lt3A_39 = arith.constant 50 : i32
    %lt3A_40 = vector.broadcast %lt3A_39 : i32 to vector<16xi32>
    %lt3A_41 = arith.cmpi slt, %add3A_38, %lt3A_40 : vector<16xi32>
    %get3A = arith.constant 0 : index
    %get3A_42 = tpu.vector_load %arg4[%get3A] {strides = array<i32>} : memref<16xf32, #tpu.memory_space<vmem>>, vector<16xf32>,
    %get3A_43 = vector.shape_cast %get3A_42 : vector<16xf32> to vector<16xf32>
    %mul3A_44 = arith.constant 3.200000e+02 : f32
    %mul3A_45 = vector.broadcast %mul3A_44 : f32 to vector<16xf32>
    %mul3A_46 = arith.mulf %get3A_43, %mul3A_45 : vector<16xf32>
    %get3A_47 = arith.constant 0 : index
    %get3A_48 = tpu.vector_load %arg5[%get3A_47] {strides = array<i32>} : memref<16xf32, #tpu.memory_space<vmem>>, vector<16xf32>,
    %get3A_49 = vector.shape_cast %get3A_48 : vector<16xf32> to vector<16xf32>
    %mul3A_50 = arith.constant 3.200000e+02 : f32
    %mul3A_51 = vector.broadcast %mul3A_50 : f32 to vector<16xf32>
    %mul3A_52 = arith.mulf %get3A_49, %mul3A_51 : vector<16xf32>
    %broadcast_in_dim3A = arith.constant 1.000000e+30 : f32
    %broadcast_in_dim3A_53 = vector.broadcast %broadcast_in_dim3A : f32 to vector<16xf32>
    %broadcast_in_dim3A_54 = arith.constant 0 : i32
    %broadcast_in_dim3A_55 = vector.broadcast %broadcast_in_dim3A_54 : i32 to vector<16xi32>
    %mul3A_56 = arith.constant 1.250000e-01 : f32
    %mul3A_57 = vector.broadcast %mul3A_56 : f32 to vector<16xf32>
    %mul3A_58 = arith.mulf %mul3A_46, %mul3A_57 : vector<16xf32>
    %convert_element_type3A = arith.fptosi %mul3A_58 : vector<16xf32> to vector<16xi32>
    %mul3A_59 = arith.constant 1.250000e-01 : f32
    %mul3A_60 = vector.broadcast %mul3A_59 : f32 to vector<16xf32>
    %mul3A_61 = arith.mulf %mul3A_52, %mul3A_60 : vector<16xf32>
    %convert_element_type3A_62 = arith.fptosi %mul3A_61 : vector<16xf32> to vector<16xi32>
    %add3A_63 = arith.constant -1 : i32
    %add3A_64 = vector.broadcast %add3A_63 : i32 to vector<16xi32>
    %add3A_65 = arith.addi %convert_element_type3A, %add3A_64 : vector<16xi32>
    %jit3A_66 = arith.constant 0 : i32
    %jit3A_67 = arith.constant 39 : i32
    %max3A = vector.broadcast %jit3A_66 : i32 to vector<16xi32>
    %max3A_68 = arith.maxsi %max3A, %add3A_65 : vector<16xi32>
    %min3A = vector.broadcast %jit3A_67 : i32 to vector<16xi32>
    %min3A_69 = arith.minsi %min3A, %max3A_68 : vector<16xi32>
    %add3A_70 = arith.constant -1 : i32
    %add3A_71 = vector.broadcast %add3A_70 : i32 to vector<16xi32>
    %add3A_72 = arith.addi %convert_element_type3A_62, %add3A_71 : vector<16xi32>
    %jit3A_73 = arith.constant 0 : i32
    %jit3A_74 = arith.constant 39 : i32
    %max3A_75 = vector.broadcast %jit3A_73 : i32 to vector<16xi32>
    %max3A_76 = arith.maxsi %max3A_75, %add3A_72 : vector<16xi32>
    %min3A_77 = vector.broadcast %jit3A_74 : i32 to vector<16xi32>
    %min3A_78 = arith.minsi %min3A_77, %max3A_76 : vector<16xi32>
    %convert_element_type3A_79 = arith.sitofp %min3A_69 : vector<16xi32> to vector<16xf32>
    %add3A_80 = arith.constant 5.000000e-01 : f32
    %add3A_81 = vector.broadcast %add3A_80 : f32 to vector<16xf32>
    %add3A_82 = arith.addf %convert_element_type3A_79, %add3A_81 : vector<16xf32>
    %mul3A_83 = arith.constant 8.000000e+00 : f32
    %mul3A_84 = vector.broadcast %mul3A_83 : f32 to vector<16xf32>
    %mul3A_85 = arith.mulf %add3A_82, %mul3A_84 : vector<16xf32>
    %convert_element_type3A_86 = arith.sitofp %min3A_78 : vector<16xi32> to vector<16xf32>
    %add3A_87 = arith.constant 5.000000e-01 : f32
    %add3A_88 = vector.broadcast %add3A_87 : f32 to vector<16xf32>
    %add3A_89 = arith.addf %convert_element_type3A_86, %add3A_88 : vector<16xf32>
    %mul3A_90 = arith.constant 8.000000e+00 : f32
    %mul3A_91 = vector.broadcast %mul3A_90 : f32 to vector<16xf32>
    %mul3A_92 = arith.mulf %add3A_89, %mul3A_91 : vector<16xf32>
    %sub3A_93 = arith.subf %mul3A_46, %mul3A_85 : vector<16xf32>
    %sub3A_94 = arith.subf %mul3A_52, %mul3A_92 : vector<16xf32>
    %mul3A_95 = arith.mulf %sub3A_93, %sub3A_93 : vector<16xf32>
    %mul3A_96 = arith.mulf %sub3A_94, %sub3A_94 : vector<16xf32>
    %add3A_97 = arith.addf %mul3A_95, %mul3A_96 : vector<16xf32>
    %mul3A_98 = arith.constant 40 : i32
    %mul3A_99 = vector.broadcast %mul3A_98 : i32 to vector<16xi32>
    %mul3A_100 = arith.muli %min3A_78, %mul3A_99 : vector<16xi32>
    %add3A_101 = arith.constant 0 : i32
    %add3A_102 = vector.broadcast %add3A_101 : i32 to vector<16xi32>
    %add3A_103 = arith.addi %add3A_102, %mul3A_100 : vector<16xi32>
    %add3A_104 = arith.addi %add3A_103, %min3A_69 : vector<16xi32>
    %lt3A_105 = arith.cmpf olt, %add3A_97, %broadcast_in_dim3A_53 : vector<16xf32>
    %eq3A_106 = arith.cmpf oeq, %add3A_97, %broadcast_in_dim3A_53 : vector<16xf32>
    %lt3A_107 = arith.cmpi slt, %add3A_104, %broadcast_in_dim3A_55 : vector<16xi32>
    %and3A_108 = arith.andi %eq3A_106, %lt3A_107 : vector<16xi1>
    %or3A = arith.ori %lt3A_105, %and3A_108 : vector<16xi1>
    %select_n3A_109 = arith.select %or3A, %add3A_97, %broadcast_in_dim3A_53 : vector<16xi1>, vector<16xf32>
    %select_n3A_110 = arith.select %or3A, %add3A_104, %broadcast_in_dim3A_55 : vector<16xi1>, vector<16xi32>
    %add3A_111 = arith.constant 0 : i32
    %add3A_112 = vector.broadcast %add3A_111 : i32 to vector<16xi32>
    %add3A_113 = arith.addi %convert_element_type3A, %add3A_112 : vector<16xi32>
    %jit3A_114 = arith.constant 0 : i32
    %jit3A_115 = arith.constant 39 : i32
    %max3A_116 = vector.broadcast %jit3A_114 : i32 to vector<16xi32>
    %max3A_117 = arith.maxsi %max3A_116, %add3A_113 : vector<16xi32>
    %min3A_118 = vector.broadcast %jit3A_115 : i32 to vector<16xi32>
    %min3A_119 = arith.minsi %min3A_118, %max3A_117 : vector<16xi32>
    %add3A_120 = arith.constant -1 : i32
    %add3A_121 = vector.broadcast %add3A_120 : i32 to vector<16xi32>
    %add3A_122 = arith.addi %convert_element_type3A_62, %add3A_121 : vector<16xi32>
    %jit3A_123 = arith.constant 0 : i32
    %jit3A_124 = arith.constant 39 : i32
    %max3A_125 = vector.broadcast %jit3A_123 : i32 to vector<16xi32>
    %max3A_126 = arith.maxsi %max3A_125, %add3A_122 : vector<16xi32>
    %min3A_127 = vector.broadcast %jit3A_124 : i32 to vector<16xi32>
    %min3A_128 = arith.minsi %min3A_127, %max3A_126 : vector<16xi32>
    %convert_element_type3A_129 = arith.sitofp %min3A_119 : vector<16xi32> to vector<16xf32>
    %add3A_130 = arith.constant 5.000000e-01 : f32
    %add3A_131 = vector.broadcast %add3A_130 : f32 to vector<16xf32>
    %add3A_132 = arith.addf %convert_element_type3A_129, %add3A_131 : vector<16xf32>
    %mul3A_133 = arith.constant 8.000000e+00 : f32
    %mul3A_134 = vector.broadcast %mul3A_133 : f32 to vector<16xf32>
    %mul3A_135 = arith.mulf %add3A_132, %mul3A_134 : vector<16xf32>
    %convert_element_type3A_136 = arith.sitofp %min3A_128 : vector<16xi32> to vector<16xf32>
    %add3A_137 = arith.constant 5.000000e-01 : f32
    %add3A_138 = vector.broadcast %add3A_137 : f32 to vector<16xf32>
    %add3A_139 = arith.addf %convert_element_type3A_136, %add3A_138 : vector<16xf32>
    %mul3A_140 = arith.constant 8.000000e+00 : f32
    %mul3A_141 = vector.broadcast %mul3A_140 : f32 to vector<16xf32>
    %mul3A_142 = arith.mulf %add3A_139, %mul3A_141 : vector<16xf32>
    %sub3A_143 = arith.subf %mul3A_46, %mul3A_135 : vector<16xf32>
    %sub3A_144 = arith.subf %mul3A_52, %mul3A_142 : vector<16xf32>
    %mul3A_145 = arith.mulf %sub3A_143, %sub3A_143 : vector<16xf32>
    %mul3A_146 = arith.mulf %sub3A_144, %sub3A_144 : vector<16xf32>
    %add3A_147 = arith.addf %mul3A_145, %mul3A_146 : vector<16xf32>
    %mul3A_148 = arith.constant 40 : i32
    %mul3A_149 = vector.broadcast %mul3A_148 : i32 to vector<16xi32>
    %mul3A_150 = arith.muli %min3A_128, %mul3A_149 : vector<16xi32>
    %add3A_151 = arith.constant 0 : i32
    %add3A_152 = vector.broadcast %add3A_151 : i32 to vector<16xi32>
    %add3A_153 = arith.addi %add3A_152, %mul3A_150 : vector<16xi32>
    %add3A_154 = arith.addi %add3A_153, %min3A_119 : vector<16xi32>
    %lt3A_155 = arith.cmpf olt, %add3A_147, %select_n3A_109 : vector<16xf32>
    %eq3A_156 = arith.cmpf oeq, %add3A_147, %select_n3A_109 : vector<16xf32>
    %lt3A_157 = arith.cmpi slt, %add3A_154, %select_n3A_110 : vector<16xi32>
    %and3A_158 = arith.andi %eq3A_156, %lt3A_157 : vector<16xi1>
    %or3A_159 = arith.ori %lt3A_155, %and3A_158 : vector<16xi1>
    %select_n3A_160 = arith.select %or3A_159, %add3A_147, %select_n3A_109 : vector<16xi1>, vector<16xf32>
    %select_n3A_161 = arith.select %or3A_159, %add3A_154, %select_n3A_110 : vector<16xi1>, vector<16xi32>
    %add3A_162 = arith.constant 1 : i32
    %add3A_163 = vector.broadcast %add3A_162 : i32 to vector<16xi32>
    %add3A_164 = arith.addi %convert_element_type3A, %add3A_163 : vector<16xi32>
    %jit3A_165 = arith.constant 0 : i32
    %jit3A_166 = arith.constant 39 : i32
    %max3A_167 = vector.broadcast %jit3A_165 : i32 to vector<16xi32>
    %max3A_168 = arith.maxsi %max3A_167, %add3A_164 : vector<16xi32>
    %min3A_169 = vector.broadcast %jit3A_166 : i32 to vector<16xi32>
    %min3A_170 = arith.minsi %min3A_169, %max3A_168 : vector<16xi32>
    %add3A_171 = arith.constant -1 : i32
    %add3A_172 = vector.broadcast %add3A_171 : i32 to vector<16xi32>
    %add3A_173 = arith.addi %convert_element_type3A_62, %add3A_172 : vector<16xi32>
    %jit3A_174 = arith.constant 0 : i32
    %jit3A_175 = arith.constant 39 : i32
    %max3A_176 = vector.broadcast %jit3A_174 : i32 to vector<16xi32>
    %max3A_177 = arith.maxsi %max3A_176, %add3A_173 : vector<16xi32>
    %min3A_178 = vector.broadcast %jit3A_175 : i32 to vector<16xi32>
    %min3A_179 = arith.minsi %min3A_178, %max3A_177 : vector<16xi32>
    %convert_element_type3A_180 = arith.sitofp %min3A_170 : vector<16xi32> to vector<16xf32>
    %add3A_181 = arith.constant 5.000000e-01 : f32
    %add3A_182 = vector.broadcast %add3A_181 : f32 to vector<16xf32>
    %add3A_183 = arith.addf %convert_element_type3A_180, %add3A_182 : vector<16xf32>
    %mul3A_184 = arith.constant 8.000000e+00 : f32
    %mul3A_185 = vector.broadcast %mul3A_184 : f32 to vector<16xf32>
    %mul3A_186 = arith.mulf %add3A_183, %mul3A_185 : vector<16xf32>
    %convert_element_type3A_187 = arith.sitofp %min3A_179 : vector<16xi32> to vector<16xf32>
    %add3A_188 = arith.constant 5.000000e-01 : f32
    %add3A_189 = vector.broadcast %add3A_188 : f32 to vector<16xf32>
    %add3A_190 = arith.addf %convert_element_type3A_187, %add3A_189 : vector<16xf32>
    %mul3A_191 = arith.constant 8.000000e+00 : f32
    %mul3A_192 = vector.broadcast %mul3A_191 : f32 to vector<16xf32>
    %mul3A_193 = arith.mulf %add3A_190, %mul3A_192 : vector<16xf32>
    %sub3A_194 = arith.subf %mul3A_46, %mul3A_186 : vector<16xf32>
    %sub3A_195 = arith.subf %mul3A_52, %mul3A_193 : vector<16xf32>
    %mul3A_196 = arith.mulf %sub3A_194, %sub3A_194 : vector<16xf32>
    %mul3A_197 = arith.mulf %sub3A_195, %sub3A_195 : vector<16xf32>
    %add3A_198 = arith.addf %mul3A_196, %mul3A_197 : vector<16xf32>
    %mul3A_199 = arith.constant 40 : i32
    %mul3A_200 = vector.broadcast %mul3A_199 : i32 to vector<16xi32>
    %mul3A_201 = arith.muli %min3A_179, %mul3A_200 : vector<16xi32>
    %add3A_202 = arith.constant 0 : i32
    %add3A_203 = vector.broadcast %add3A_202 : i32 to vector<16xi32>
    %add3A_204 = arith.addi %add3A_203, %mul3A_201 : vector<16xi32>
    %add3A_205 = arith.addi %add3A_204, %min3A_170 : vector<16xi32>
    %lt3A_206 = arith.cmpf olt, %add3A_198, %select_n3A_160 : vector<16xf32>
    %eq3A_207 = arith.cmpf oeq, %add3A_198, %select_n3A_160 : vector<16xf32>
    %lt3A_208 = arith.cmpi slt, %add3A_205, %select_n3A_161 : vector<16xi32>
    %and3A_209 = arith.andi %eq3A_207, %lt3A_208 : vector<16xi1>
    %or3A_210 = arith.ori %lt3A_206, %and3A_209 : vector<16xi1>
    %select_n3A_211 = arith.select %or3A_210, %add3A_198, %select_n3A_160 : vector<16xi1>, vector<16xf32>
    %select_n3A_212 = arith.select %or3A_210, %add3A_205, %select_n3A_161 : vector<16xi1>, vector<16xi32>
    %add3A_213 = arith.constant -1 : i32
    %add3A_214 = vector.broadcast %add3A_213 : i32 to vector<16xi32>
    %add3A_215 = arith.addi %convert_element_type3A, %add3A_214 : vector<16xi32>
    %jit3A_216 = arith.constant 0 : i32
    %jit3A_217 = arith.constant 39 : i32
    %max3A_218 = vector.broadcast %jit3A_216 : i32 to vector<16xi32>
    %max3A_219 = arith.maxsi %max3A_218, %add3A_215 : vector<16xi32>
    %min3A_220 = vector.broadcast %jit3A_217 : i32 to vector<16xi32>
    %min3A_221 = arith.minsi %min3A_220, %max3A_219 : vector<16xi32>
    %add3A_222 = arith.constant 0 : i32
    %add3A_223 = vector.broadcast %add3A_222 : i32 to vector<16xi32>
    %add3A_224 = arith.addi %convert_element_type3A_62, %add3A_223 : vector<16xi32>
    %jit3A_225 = arith.constant 0 : i32
    %jit3A_226 = arith.constant 39 : i32
    %max3A_227 = vector.broadcast %jit3A_225 : i32 to vector<16xi32>
    %max3A_228 = arith.maxsi %max3A_227, %add3A_224 : vector<16xi32>
    %min3A_229 = vector.broadcast %jit3A_226 : i32 to vector<16xi32>
    %min3A_230 = arith.minsi %min3A_229, %max3A_228 : vector<16xi32>
    %convert_element_type3A_231 = arith.sitofp %min3A_221 : vector<16xi32> to vector<16xf32>
    %add3A_232 = arith.constant 5.000000e-01 : f32
    %add3A_233 = vector.broadcast %add3A_232 : f32 to vector<16xf32>
    %add3A_234 = arith.addf %convert_element_type3A_231, %add3A_233 : vector<16xf32>
    %mul3A_235 = arith.constant 8.000000e+00 : f32
    %mul3A_236 = vector.broadcast %mul3A_235 : f32 to vector<16xf32>
    %mul3A_237 = arith.mulf %add3A_234, %mul3A_236 : vector<16xf32>
    %convert_element_type3A_238 = arith.sitofp %min3A_230 : vector<16xi32> to vector<16xf32>
    %add3A_239 = arith.constant 5.000000e-01 : f32
    %add3A_240 = vector.broadcast %add3A_239 : f32 to vector<16xf32>
    %add3A_241 = arith.addf %convert_element_type3A_238, %add3A_240 : vector<16xf32>
    %mul3A_242 = arith.constant 8.000000e+00 : f32
    %mul3A_243 = vector.broadcast %mul3A_242 : f32 to vector<16xf32>
    %mul3A_244 = arith.mulf %add3A_241, %mul3A_243 : vector<16xf32>
    %sub3A_245 = arith.subf %mul3A_46, %mul3A_237 : vector<16xf32>
    %sub3A_246 = arith.subf %mul3A_52, %mul3A_244 : vector<16xf32>
    %mul3A_247 = arith.mulf %sub3A_245, %sub3A_245 : vector<16xf32>
    %mul3A_248 = arith.mulf %sub3A_246, %sub3A_246 : vector<16xf32>
    %add3A_249 = arith.addf %mul3A_247, %mul3A_248 : vector<16xf32>
    %mul3A_250 = arith.constant 40 : i32
    %mul3A_251 = vector.broadcast %mul3A_250 : i32 to vector<16xi32>
    %mul3A_252 = arith.muli %min3A_230, %mul3A_251 : vector<16xi32>
    %add3A_253 = arith.constant 0 : i32
    %add3A_254 = vector.broadcast %add3A_253 : i32 to vector<16xi32>
    %add3A_255 = arith.addi %add3A_254, %mul3A_252 : vector<16xi32>
    %add3A_256 = arith.addi %add3A_255, %min3A_221 : vector<16xi32>
    %lt3A_257 = arith.cmpf olt, %add3A_249, %select_n3A_211 : vector<16xf32>
    %eq3A_258 = arith.cmpf oeq, %add3A_249, %select_n3A_211 : vector<16xf32>
    %lt3A_259 = arith.cmpi slt, %add3A_256, %select_n3A_212 : vector<16xi32>
    %and3A_260 = arith.andi %eq3A_258, %lt3A_259 : vector<16xi1>
    %or3A_261 = arith.ori %lt3A_257, %and3A_260 : vector<16xi1>
    %select_n3A_262 = arith.select %or3A_261, %add3A_249, %select_n3A_211 : vector<16xi1>, vector<16xf32>
    %select_n3A_263 = arith.select %or3A_261, %add3A_256, %select_n3A_212 : vector<16xi1>, vector<16xi32>
    %add3A_264 = arith.constant 0 : i32
    %add3A_265 = vector.broadcast %add3A_264 : i32 to vector<16xi32>
    %add3A_266 = arith.addi %convert_element_type3A, %add3A_265 : vector<16xi32>
    %jit3A_267 = arith.constant 0 : i32
    %jit3A_268 = arith.constant 39 : i32
    %max3A_269 = vector.broadcast %jit3A_267 : i32 to vector<16xi32>
    %max3A_270 = arith.maxsi %max3A_269, %add3A_266 : vector<16xi32>
    %min3A_271 = vector.broadcast %jit3A_268 : i32 to vector<16xi32>
    %min3A_272 = arith.minsi %min3A_271, %max3A_270 : vector<16xi32>
    %add3A_273 = arith.constant 0 : i32
    %add3A_274 = vector.broadcast %add3A_273 : i32 to vector<16xi32>
    %add3A_275 = arith.addi %convert_element_type3A_62, %add3A_274 : vector<16xi32>
    %jit3A_276 = arith.constant 0 : i32
    %jit3A_277 = arith.constant 39 : i32
    %max3A_278 = vector.broadcast %jit3A_276 : i32 to vector<16xi32>
    %max3A_279 = arith.maxsi %max3A_278, %add3A_275 : vector<16xi32>
    %min3A_280 = vector.broadcast %jit3A_277 : i32 to vector<16xi32>
    %min3A_281 = arith.minsi %min3A_280, %max3A_279 : vector<16xi32>
    %convert_element_type3A_282 = arith.sitofp %min3A_272 : vector<16xi32> to vector<16xf32>
    %add3A_283 = arith.constant 5.000000e-01 : f32
    %add3A_284 = vector.broadcast %add3A_283 : f32 to vector<16xf32>
    %add3A_285 = arith.addf %convert_element_type3A_282, %add3A_284 : vector<16xf32>
    %mul3A_286 = arith.constant 8.000000e+00 : f32
    %mul3A_287 = vector.broadcast %mul3A_286 : f32 to vector<16xf32>
    %mul3A_288 = arith.mulf %add3A_285, %mul3A_287 : vector<16xf32>
    %convert_element_type3A_289 = arith.sitofp %min3A_281 : vector<16xi32> to vector<16xf32>
    %add3A_290 = arith.constant 5.000000e-01 : f32
    %add3A_291 = vector.broadcast %add3A_290 : f32 to vector<16xf32>
    %add3A_292 = arith.addf %convert_element_type3A_289, %add3A_291 : vector<16xf32>
    %mul3A_293 = arith.constant 8.000000e+00 : f32
    %mul3A_294 = vector.broadcast %mul3A_293 : f32 to vector<16xf32>
    %mul3A_295 = arith.mulf %add3A_292, %mul3A_294 : vector<16xf32>
    %sub3A_296 = arith.subf %mul3A_46, %mul3A_288 : vector<16xf32>
    %sub3A_297 = arith.subf %mul3A_52, %mul3A_295 : vector<16xf32>
    %mul3A_298 = arith.mulf %sub3A_296, %sub3A_296 : vector<16xf32>
    %mul3A_299 = arith.mulf %sub3A_297, %sub3A_297 : vector<16xf32>
    %add3A_300 = arith.addf %mul3A_298, %mul3A_299 : vector<16xf32>
    %mul3A_301 = arith.constant 40 : i32
    %mul3A_302 = vector.broadcast %mul3A_301 : i32 to vector<16xi32>
    %mul3A_303 = arith.muli %min3A_281, %mul3A_302 : vector<16xi32>
    %add3A_304 = arith.constant 0 : i32
    %add3A_305 = vector.broadcast %add3A_304 : i32 to vector<16xi32>
    %add3A_306 = arith.addi %add3A_305, %mul3A_303 : vector<16xi32>
    %add3A_307 = arith.addi %add3A_306, %min3A_272 : vector<16xi32>
    %lt3A_308 = arith.cmpf olt, %add3A_300, %select_n3A_262 : vector<16xf32>
    %eq3A_309 = arith.cmpf oeq, %add3A_300, %select_n3A_262 : vector<16xf32>
    %lt3A_310 = arith.cmpi slt, %add3A_307, %select_n3A_263 : vector<16xi32>
    %and3A_311 = arith.andi %eq3A_309, %lt3A_310 : vector<16xi1>
    %or3A_312 = arith.ori %lt3A_308, %and3A_311 : vector<16xi1>
    %select_n3A_313 = arith.select %or3A_312, %add3A_300, %select_n3A_262 : vector<16xi1>, vector<16xf32>
    %select_n3A_314 = arith.select %or3A_312, %add3A_307, %select_n3A_263 : vector<16xi1>, vector<16xi32>
    %add3A_315 = arith.constant 1 : i32
    %add3A_316 = vector.broadcast %add3A_315 : i32 to vector<16xi32>
    %add3A_317 = arith.addi %convert_element_type3A, %add3A_316 : vector<16xi32>
    %jit3A_318 = arith.constant 0 : i32
    %jit3A_319 = arith.constant 39 : i32
    %max3A_320 = vector.broadcast %jit3A_318 : i32 to vector<16xi32>
    %max3A_321 = arith.maxsi %max3A_320, %add3A_317 : vector<16xi32>
    %min3A_322 = vector.broadcast %jit3A_319 : i32 to vector<16xi32>
    %min3A_323 = arith.minsi %min3A_322, %max3A_321 : vector<16xi32>
    %add3A_324 = arith.constant 0 : i32
    %add3A_325 = vector.broadcast %add3A_324 : i32 to vector<16xi32>
    %add3A_326 = arith.addi %convert_element_type3A_62, %add3A_325 : vector<16xi32>
    %jit3A_327 = arith.constant 0 : i32
    %jit3A_328 = arith.constant 39 : i32
    %max3A_329 = vector.broadcast %jit3A_327 : i32 to vector<16xi32>
    %max3A_330 = arith.maxsi %max3A_329, %add3A_326 : vector<16xi32>
    %min3A_331 = vector.broadcast %jit3A_328 : i32 to vector<16xi32>
    %min3A_332 = arith.minsi %min3A_331, %max3A_330 : vector<16xi32>
    %convert_element_type3A_333 = arith.sitofp %min3A_323 : vector<16xi32> to vector<16xf32>
    %add3A_334 = arith.constant 5.000000e-01 : f32
    %add3A_335 = vector.broadcast %add3A_334 : f32 to vector<16xf32>
    %add3A_336 = arith.addf %convert_element_type3A_333, %add3A_335 : vector<16xf32>
    %mul3A_337 = arith.constant 8.000000e+00 : f32
    %mul3A_338 = vector.broadcast %mul3A_337 : f32 to vector<16xf32>
    %mul3A_339 = arith.mulf %add3A_336, %mul3A_338 : vector<16xf32>
    %convert_element_type3A_340 = arith.sitofp %min3A_332 : vector<16xi32> to vector<16xf32>
    %add3A_341 = arith.constant 5.000000e-01 : f32
    %add3A_342 = vector.broadcast %add3A_341 : f32 to vector<16xf32>
    %add3A_343 = arith.addf %convert_element_type3A_340, %add3A_342 : vector<16xf32>
    %mul3A_344 = arith.constant 8.000000e+00 : f32
    %mul3A_345 = vector.broadcast %mul3A_344 : f32 to vector<16xf32>
    %mul3A_346 = arith.mulf %add3A_343, %mul3A_345 : vector<16xf32>
    %sub3A_347 = arith.subf %mul3A_46, %mul3A_339 : vector<16xf32>
    %sub3A_348 = arith.subf %mul3A_52, %mul3A_346 : vector<16xf32>
    %mul3A_349 = arith.mulf %sub3A_347, %sub3A_347 : vector<16xf32>
    %mul3A_350 = arith.mulf %sub3A_348, %sub3A_348 : vector<16xf32>
    %add3A_351 = arith.addf %mul3A_349, %mul3A_350 : vector<16xf32>
    %mul3A_352 = arith.constant 40 : i32
    %mul3A_353 = vector.broadcast %mul3A_352 : i32 to vector<16xi32>
    %mul3A_354 = arith.muli %min3A_332, %mul3A_353 : vector<16xi32>
    %add3A_355 = arith.constant 0 : i32
    %add3A_356 = vector.broadcast %add3A_355 : i32 to vector<16xi32>
    %add3A_357 = arith.addi %add3A_356, %mul3A_354 : vector<16xi32>
    %add3A_358 = arith.addi %add3A_357, %min3A_323 : vector<16xi32>
    %lt3A_359 = arith.cmpf olt, %add3A_351, %select_n3A_313 : vector<16xf32>
    %eq3A_360 = arith.cmpf oeq, %add3A_351, %select_n3A_313 : vector<16xf32>
    %lt3A_361 = arith.cmpi slt, %add3A_358, %select_n3A_314 : vector<16xi32>
    %and3A_362 = arith.andi %eq3A_360, %lt3A_361 : vector<16xi1>
    %or3A_363 = arith.ori %lt3A_359, %and3A_362 : vector<16xi1>
    %select_n3A_364 = arith.select %or3A_363, %add3A_351, %select_n3A_313 : vector<16xi1>, vector<16xf32>
    %select_n3A_365 = arith.select %or3A_363, %add3A_358, %select_n3A_314 : vector<16xi1>, vector<16xi32>
    %add3A_366 = arith.constant -1 : i32
    %add3A_367 = vector.broadcast %add3A_366 : i32 to vector<16xi32>
    %add3A_368 = arith.addi %convert_element_type3A, %add3A_367 : vector<16xi32>
    %jit3A_369 = arith.constant 0 : i32
    %jit3A_370 = arith.constant 39 : i32
    %max3A_371 = vector.broadcast %jit3A_369 : i32 to vector<16xi32>
    %max3A_372 = arith.maxsi %max3A_371, %add3A_368 : vector<16xi32>
    %min3A_373 = vector.broadcast %jit3A_370 : i32 to vector<16xi32>
    %min3A_374 = arith.minsi %min3A_373, %max3A_372 : vector<16xi32>
    %add3A_375 = arith.constant 1 : i32
    %add3A_376 = vector.broadcast %add3A_375 : i32 to vector<16xi32>
    %add3A_377 = arith.addi %convert_element_type3A_62, %add3A_376 : vector<16xi32>
    %jit3A_378 = arith.constant 0 : i32
    %jit3A_379 = arith.constant 39 : i32
    %max3A_380 = vector.broadcast %jit3A_378 : i32 to vector<16xi32>
    %max3A_381 = arith.maxsi %max3A_380, %add3A_377 : vector<16xi32>
    %min3A_382 = vector.broadcast %jit3A_379 : i32 to vector<16xi32>
    %min3A_383 = arith.minsi %min3A_382, %max3A_381 : vector<16xi32>
    %convert_element_type3A_384 = arith.sitofp %min3A_374 : vector<16xi32> to vector<16xf32>
    %add3A_385 = arith.constant 5.000000e-01 : f32
    %add3A_386 = vector.broadcast %add3A_385 : f32 to vector<16xf32>
    %add3A_387 = arith.addf %convert_element_type3A_384, %add3A_386 : vector<16xf32>
    %mul3A_388 = arith.constant 8.000000e+00 : f32
    %mul3A_389 = vector.broadcast %mul3A_388 : f32 to vector<16xf32>
    %mul3A_390 = arith.mulf %add3A_387, %mul3A_389 : vector<16xf32>
    %convert_element_type3A_391 = arith.sitofp %min3A_383 : vector<16xi32> to vector<16xf32>
    %add3A_392 = arith.constant 5.000000e-01 : f32
    %add3A_393 = vector.broadcast %add3A_392 : f32 to vector<16xf32>
    %add3A_394 = arith.addf %convert_element_type3A_391, %add3A_393 : vector<16xf32>
    %mul3A_395 = arith.constant 8.000000e+00 : f32
    %mul3A_396 = vector.broadcast %mul3A_395 : f32 to vector<16xf32>
    %mul3A_397 = arith.mulf %add3A_394, %mul3A_396 : vector<16xf32>
    %sub3A_398 = arith.subf %mul3A_46, %mul3A_390 : vector<16xf32>
    %sub3A_399 = arith.subf %mul3A_52, %mul3A_397 : vector<16xf32>
    %mul3A_400 = arith.mulf %sub3A_398, %sub3A_398 : vector<16xf32>
    %mul3A_401 = arith.mulf %sub3A_399, %sub3A_399 : vector<16xf32>
    %add3A_402 = arith.addf %mul3A_400, %mul3A_401 : vector<16xf32>
    %mul3A_403 = arith.constant 40 : i32
    %mul3A_404 = vector.broadcast %mul3A_403 : i32 to vector<16xi32>
    %mul3A_405 = arith.muli %min3A_383, %mul3A_404 : vector<16xi32>
    %add3A_406 = arith.constant 0 : i32
    %add3A_407 = vector.broadcast %add3A_406 : i32 to vector<16xi32>
    %add3A_408 = arith.addi %add3A_407, %mul3A_405 : vector<16xi32>
    %add3A_409 = arith.addi %add3A_408, %min3A_374 : vector<16xi32>
    %lt3A_410 = arith.cmpf olt, %add3A_402, %select_n3A_364 : vector<16xf32>
    %eq3A_411 = arith.cmpf oeq, %add3A_402, %select_n3A_364 : vector<16xf32>
    %lt3A_412 = arith.cmpi slt, %add3A_409, %select_n3A_365 : vector<16xi32>
    %and3A_413 = arith.andi %eq3A_411, %lt3A_412 : vector<16xi1>
    %or3A_414 = arith.ori %lt3A_410, %and3A_413 : vector<16xi1>
    %select_n3A_415 = arith.select %or3A_414, %add3A_402, %select_n3A_364 : vector<16xi1>, vector<16xf32>
    %select_n3A_416 = arith.select %or3A_414, %add3A_409, %select_n3A_365 : vector<16xi1>, vector<16xi32>
    %add3A_417 = arith.constant 0 : i32
    %add3A_418 = vector.broadcast %add3A_417 : i32 to vector<16xi32>
    %add3A_419 = arith.addi %convert_element_type3A, %add3A_418 : vector<16xi32>
    %jit3A_420 = arith.constant 0 : i32
    %jit3A_421 = arith.constant 39 : i32
    %max3A_422 = vector.broadcast %jit3A_420 : i32 to vector<16xi32>
    %max3A_423 = arith.maxsi %max3A_422, %add3A_419 : vector<16xi32>
    %min3A_424 = vector.broadcast %jit3A_421 : i32 to vector<16xi32>
    %min3A_425 = arith.minsi %min3A_424, %max3A_423 : vector<16xi32>
    %add3A_426 = arith.constant 1 : i32
    %add3A_427 = vector.broadcast %add3A_426 : i32 to vector<16xi32>
    %add3A_428 = arith.addi %convert_element_type3A_62, %add3A_427 : vector<16xi32>
    %jit3A_429 = arith.constant 0 : i32
    %jit3A_430 = arith.constant 39 : i32
    %max3A_431 = vector.broadcast %jit3A_429 : i32 to vector<16xi32>
    %max3A_432 = arith.maxsi %max3A_431, %add3A_428 : vector<16xi32>
    %min3A_433 = vector.broadcast %jit3A_430 : i32 to vector<16xi32>
    %min3A_434 = arith.minsi %min3A_433, %max3A_432 : vector<16xi32>
    %convert_element_type3A_435 = arith.sitofp %min3A_425 : vector<16xi32> to vector<16xf32>
    %add3A_436 = arith.constant 5.000000e-01 : f32
    %add3A_437 = vector.broadcast %add3A_436 : f32 to vector<16xf32>
    %add3A_438 = arith.addf %convert_element_type3A_435, %add3A_437 : vector<16xf32>
    %mul3A_439 = arith.constant 8.000000e+00 : f32
    %mul3A_440 = vector.broadcast %mul3A_439 : f32 to vector<16xf32>
    %mul3A_441 = arith.mulf %add3A_438, %mul3A_440 : vector<16xf32>
    %convert_element_type3A_442 = arith.sitofp %min3A_434 : vector<16xi32> to vector<16xf32>
    %add3A_443 = arith.constant 5.000000e-01 : f32
    %add3A_444 = vector.broadcast %add3A_443 : f32 to vector<16xf32>
    %add3A_445 = arith.addf %convert_element_type3A_442, %add3A_444 : vector<16xf32>
    %mul3A_446 = arith.constant 8.000000e+00 : f32
    %mul3A_447 = vector.broadcast %mul3A_446 : f32 to vector<16xf32>
    %mul3A_448 = arith.mulf %add3A_445, %mul3A_447 : vector<16xf32>
    %sub3A_449 = arith.subf %mul3A_46, %mul3A_441 : vector<16xf32>
    %sub3A_450 = arith.subf %mul3A_52, %mul3A_448 : vector<16xf32>
    %mul3A_451 = arith.mulf %sub3A_449, %sub3A_449 : vector<16xf32>
    %mul3A_452 = arith.mulf %sub3A_450, %sub3A_450 : vector<16xf32>
    %add3A_453 = arith.addf %mul3A_451, %mul3A_452 : vector<16xf32>
    %mul3A_454 = arith.constant 40 : i32
    %mul3A_455 = vector.broadcast %mul3A_454 : i32 to vector<16xi32>
    %mul3A_456 = arith.muli %min3A_434, %mul3A_455 : vector<16xi32>
    %add3A_457 = arith.constant 0 : i32
    %add3A_458 = vector.broadcast %add3A_457 : i32 to vector<16xi32>
    %add3A_459 = arith.addi %add3A_458, %mul3A_456 : vector<16xi32>
    %add3A_460 = arith.addi %add3A_459, %min3A_425 : vector<16xi32>
    %lt3A_461 = arith.cmpf olt, %add3A_453, %select_n3A_415 : vector<16xf32>
    %eq3A_462 = arith.cmpf oeq, %add3A_453, %select_n3A_415 : vector<16xf32>
    %lt3A_463 = arith.cmpi slt, %add3A_460, %select_n3A_416 : vector<16xi32>
    %and3A_464 = arith.andi %eq3A_462, %lt3A_463 : vector<16xi1>
    %or3A_465 = arith.ori %lt3A_461, %and3A_464 : vector<16xi1>
    %select_n3A_466 = arith.select %or3A_465, %add3A_453, %select_n3A_415 : vector<16xi1>, vector<16xf32>
    %select_n3A_467 = arith.select %or3A_465, %add3A_460, %select_n3A_416 : vector<16xi1>, vector<16xi32>
    %add3A_468 = arith.constant 1 : i32
    %add3A_469 = vector.broadcast %add3A_468 : i32 to vector<16xi32>
    %add3A_470 = arith.addi %convert_element_type3A, %add3A_469 : vector<16xi32>
    %jit3A_471 = arith.constant 0 : i32
    %jit3A_472 = arith.constant 39 : i32
    %max3A_473 = vector.broadcast %jit3A_471 : i32 to vector<16xi32>
    %max3A_474 = arith.maxsi %max3A_473, %add3A_470 : vector<16xi32>
    %min3A_475 = vector.broadcast %jit3A_472 : i32 to vector<16xi32>
    %min3A_476 = arith.minsi %min3A_475, %max3A_474 : vector<16xi32>
    %add3A_477 = arith.constant 1 : i32
    %add3A_478 = vector.broadcast %add3A_477 : i32 to vector<16xi32>
    %add3A_479 = arith.addi %convert_element_type3A_62, %add3A_478 : vector<16xi32>
    %jit3A_480 = arith.constant 0 : i32
    %jit3A_481 = arith.constant 39 : i32
    %max3A_482 = vector.broadcast %jit3A_480 : i32 to vector<16xi32>
    %max3A_483 = arith.maxsi %max3A_482, %add3A_479 : vector<16xi32>
    %min3A_484 = vector.broadcast %jit3A_481 : i32 to vector<16xi32>
    %min3A_485 = arith.minsi %min3A_484, %max3A_483 : vector<16xi32>
    %convert_element_type3A_486 = arith.sitofp %min3A_476 : vector<16xi32> to vector<16xf32>
    %add3A_487 = arith.constant 5.000000e-01 : f32
    %add3A_488 = vector.broadcast %add3A_487 : f32 to vector<16xf32>
    %add3A_489 = arith.addf %convert_element_type3A_486, %add3A_488 : vector<16xf32>
    %mul3A_490 = arith.constant 8.000000e+00 : f32
    %mul3A_491 = vector.broadcast %mul3A_490 : f32 to vector<16xf32>
    %mul3A_492 = arith.mulf %add3A_489, %mul3A_491 : vector<16xf32>
    %convert_element_type3A_493 = arith.sitofp %min3A_485 : vector<16xi32> to vector<16xf32>
    %add3A_494 = arith.constant 5.000000e-01 : f32
    %add3A_495 = vector.broadcast %add3A_494 : f32 to vector<16xf32>
    %add3A_496 = arith.addf %convert_element_type3A_493, %add3A_495 : vector<16xf32>
    %mul3A_497 = arith.constant 8.000000e+00 : f32
    %mul3A_498 = vector.broadcast %mul3A_497 : f32 to vector<16xf32>
    %mul3A_499 = arith.mulf %add3A_496, %mul3A_498 : vector<16xf32>
    %sub3A_500 = arith.subf %mul3A_46, %mul3A_492 : vector<16xf32>
    %sub3A_501 = arith.subf %mul3A_52, %mul3A_499 : vector<16xf32>
    %mul3A_502 = arith.mulf %sub3A_500, %sub3A_500 : vector<16xf32>
    %mul3A_503 = arith.mulf %sub3A_501, %sub3A_501 : vector<16xf32>
    %add3A_504 = arith.addf %mul3A_502, %mul3A_503 : vector<16xf32>
    %mul3A_505 = arith.constant 40 : i32
    %mul3A_506 = vector.broadcast %mul3A_505 : i32 to vector<16xi32>
    %mul3A_507 = arith.muli %min3A_485, %mul3A_506 : vector<16xi32>
    %add3A_508 = arith.constant 0 : i32
    %add3A_509 = vector.broadcast %add3A_508 : i32 to vector<16xi32>
    %add3A_510 = arith.addi %add3A_509, %mul3A_507 : vector<16xi32>
    %add3A_511 = arith.addi %add3A_510, %min3A_476 : vector<16xi32>
    %lt3A_512 = arith.cmpf olt, %add3A_504, %select_n3A_466 : vector<16xf32>
    %eq3A_513 = arith.cmpf oeq, %add3A_504, %select_n3A_466 : vector<16xf32>
    %lt3A_514 = arith.cmpi slt, %add3A_511, %select_n3A_467 : vector<16xi32>
    %and3A_515 = arith.andi %eq3A_513, %lt3A_514 : vector<16xi1>
    %or3A_516 = arith.ori %lt3A_512, %and3A_515 : vector<16xi1>
    %select_n3A_517 = arith.select %or3A_516, %add3A_504, %select_n3A_466 : vector<16xi1>, vector<16xf32>
    %select_n3A_518 = arith.select %or3A_516, %add3A_511, %select_n3A_467 : vector<16xi1>, vector<16xi32>
    %mul3A_519 = arith.constant 6.250000e-02 : f32
    %mul3A_520 = vector.broadcast %mul3A_519 : f32 to vector<16xf32>
    %mul3A_521 = arith.mulf %mul3A_46, %mul3A_520 : vector<16xf32>
    %convert_element_type3A_522 = arith.fptosi %mul3A_521 : vector<16xf32> to vector<16xi32>
    %mul3A_523 = arith.constant 6.250000e-02 : f32
    %mul3A_524 = vector.broadcast %mul3A_523 : f32 to vector<16xf32>
    %mul3A_525 = arith.mulf %mul3A_52, %mul3A_524 : vector<16xf32>
    %convert_element_type3A_526 = arith.fptosi %mul3A_525 : vector<16xf32> to vector<16xi32>
    %add3A_527 = arith.constant -1 : i32
    %add3A_528 = vector.broadcast %add3A_527 : i32 to vector<16xi32>
    %add3A_529 = arith.addi %convert_element_type3A_522, %add3A_528 : vector<16xi32>
    %jit3A_530 = arith.constant 0 : i32
    %jit3A_531 = arith.constant 19 : i32
    %max3A_532 = vector.broadcast %jit3A_530 : i32 to vector<16xi32>
    %max3A_533 = arith.maxsi %max3A_532, %add3A_529 : vector<16xi32>
    %min3A_534 = vector.broadcast %jit3A_531 : i32 to vector<16xi32>
    %min3A_535 = arith.minsi %min3A_534, %max3A_533 : vector<16xi32>
    %add3A_536 = arith.constant -1 : i32
    %add3A_537 = vector.broadcast %add3A_536 : i32 to vector<16xi32>
    %add3A_538 = arith.addi %convert_element_type3A_526, %add3A_537 : vector<16xi32>
    %jit3A_539 = arith.constant 0 : i32
    %jit3A_540 = arith.constant 19 : i32
    %max3A_541 = vector.broadcast %jit3A_539 : i32 to vector<16xi32>
    %max3A_542 = arith.maxsi %max3A_541, %add3A_538 : vector<16xi32>
    %min3A_543 = vector.broadcast %jit3A_540 : i32 to vector<16xi32>
    %min3A_544 = arith.minsi %min3A_543, %max3A_542 : vector<16xi32>
    %convert_element_type3A_545 = arith.sitofp %min3A_535 : vector<16xi32> to vector<16xf32>
    %add3A_546 = arith.constant 5.000000e-01 : f32
    %add3A_547 = vector.broadcast %add3A_546 : f32 to vector<16xf32>
    %add3A_548 = arith.addf %convert_element_type3A_545, %add3A_547 : vector<16xf32>
    %mul3A_549 = arith.constant 1.600000e+01 : f32
    %mul3A_550 = vector.broadcast %mul3A_549 : f32 to vector<16xf32>
    %mul3A_551 = arith.mulf %add3A_548, %mul3A_550 : vector<16xf32>
    %convert_element_type3A_552 = arith.sitofp %min3A_544 : vector<16xi32> to vector<16xf32>
    %add3A_553 = arith.constant 5.000000e-01 : f32
    %add3A_554 = vector.broadcast %add3A_553 : f32 to vector<16xf32>
    %add3A_555 = arith.addf %convert_element_type3A_552, %add3A_554 : vector<16xf32>
    %mul3A_556 = arith.constant 1.600000e+01 : f32
    %mul3A_557 = vector.broadcast %mul3A_556 : f32 to vector<16xf32>
    %mul3A_558 = arith.mulf %add3A_555, %mul3A_557 : vector<16xf32>
    %sub3A_559 = arith.subf %mul3A_46, %mul3A_551 : vector<16xf32>
    %sub3A_560 = arith.subf %mul3A_52, %mul3A_558 : vector<16xf32>
    %mul3A_561 = arith.mulf %sub3A_559, %sub3A_559 : vector<16xf32>
    %mul3A_562 = arith.mulf %sub3A_560, %sub3A_560 : vector<16xf32>
    %add3A_563 = arith.addf %mul3A_561, %mul3A_562 : vector<16xf32>
    %mul3A_564 = arith.constant 20 : i32
    %mul3A_565 = vector.broadcast %mul3A_564 : i32 to vector<16xi32>
    %mul3A_566 = arith.muli %min3A_544, %mul3A_565 : vector<16xi32>
    %add3A_567 = arith.constant 1600 : i32
    %add3A_568 = vector.broadcast %add3A_567 : i32 to vector<16xi32>
    %add3A_569 = arith.addi %add3A_568, %mul3A_566 : vector<16xi32>
    %add3A_570 = arith.addi %add3A_569, %min3A_535 : vector<16xi32>
    %lt3A_571 = arith.cmpf olt, %add3A_563, %select_n3A_517 : vector<16xf32>
    %eq3A_572 = arith.cmpf oeq, %add3A_563, %select_n3A_517 : vector<16xf32>
    %lt3A_573 = arith.cmpi slt, %add3A_570, %select_n3A_518 : vector<16xi32>
    %and3A_574 = arith.andi %eq3A_572, %lt3A_573 : vector<16xi1>
    %or3A_575 = arith.ori %lt3A_571, %and3A_574 : vector<16xi1>
    %select_n3A_576 = arith.select %or3A_575, %add3A_563, %select_n3A_517 : vector<16xi1>, vector<16xf32>
    %select_n3A_577 = arith.select %or3A_575, %add3A_570, %select_n3A_518 : vector<16xi1>, vector<16xi32>
    %add3A_578 = arith.constant 0 : i32
    %add3A_579 = vector.broadcast %add3A_578 : i32 to vector<16xi32>
    %add3A_580 = arith.addi %convert_element_type3A_522, %add3A_579 : vector<16xi32>
    %jit3A_581 = arith.constant 0 : i32
    %jit3A_582 = arith.constant 19 : i32
    %max3A_583 = vector.broadcast %jit3A_581 : i32 to vector<16xi32>
    %max3A_584 = arith.maxsi %max3A_583, %add3A_580 : vector<16xi32>
    %min3A_585 = vector.broadcast %jit3A_582 : i32 to vector<16xi32>
    %min3A_586 = arith.minsi %min3A_585, %max3A_584 : vector<16xi32>
    %add3A_587 = arith.constant -1 : i32
    %add3A_588 = vector.broadcast %add3A_587 : i32 to vector<16xi32>
    %add3A_589 = arith.addi %convert_element_type3A_526, %add3A_588 : vector<16xi32>
    %jit3A_590 = arith.constant 0 : i32
    %jit3A_591 = arith.constant 19 : i32
    %max3A_592 = vector.broadcast %jit3A_590 : i32 to vector<16xi32>
    %max3A_593 = arith.maxsi %max3A_592, %add3A_589 : vector<16xi32>
    %min3A_594 = vector.broadcast %jit3A_591 : i32 to vector<16xi32>
    %min3A_595 = arith.minsi %min3A_594, %max3A_593 : vector<16xi32>
    %convert_element_type3A_596 = arith.sitofp %min3A_586 : vector<16xi32> to vector<16xf32>
    %add3A_597 = arith.constant 5.000000e-01 : f32
    %add3A_598 = vector.broadcast %add3A_597 : f32 to vector<16xf32>
    %add3A_599 = arith.addf %convert_element_type3A_596, %add3A_598 : vector<16xf32>
    %mul3A_600 = arith.constant 1.600000e+01 : f32
    %mul3A_601 = vector.broadcast %mul3A_600 : f32 to vector<16xf32>
    %mul3A_602 = arith.mulf %add3A_599, %mul3A_601 : vector<16xf32>
    %convert_element_type3A_603 = arith.sitofp %min3A_595 : vector<16xi32> to vector<16xf32>
    %add3A_604 = arith.constant 5.000000e-01 : f32
    %add3A_605 = vector.broadcast %add3A_604 : f32 to vector<16xf32>
    %add3A_606 = arith.addf %convert_element_type3A_603, %add3A_605 : vector<16xf32>
    %mul3A_607 = arith.constant 1.600000e+01 : f32
    %mul3A_608 = vector.broadcast %mul3A_607 : f32 to vector<16xf32>
    %mul3A_609 = arith.mulf %add3A_606, %mul3A_608 : vector<16xf32>
    %sub3A_610 = arith.subf %mul3A_46, %mul3A_602 : vector<16xf32>
    %sub3A_611 = arith.subf %mul3A_52, %mul3A_609 : vector<16xf32>
    %mul3A_612 = arith.mulf %sub3A_610, %sub3A_610 : vector<16xf32>
    %mul3A_613 = arith.mulf %sub3A_611, %sub3A_611 : vector<16xf32>
    %add3A_614 = arith.addf %mul3A_612, %mul3A_613 : vector<16xf32>
    %mul3A_615 = arith.constant 20 : i32
    %mul3A_616 = vector.broadcast %mul3A_615 : i32 to vector<16xi32>
    %mul3A_617 = arith.muli %min3A_595, %mul3A_616 : vector<16xi32>
    %add3A_618 = arith.constant 1600 : i32
    %add3A_619 = vector.broadcast %add3A_618 : i32 to vector<16xi32>
    %add3A_620 = arith.addi %add3A_619, %mul3A_617 : vector<16xi32>
    %add3A_621 = arith.addi %add3A_620, %min3A_586 : vector<16xi32>
    %lt3A_622 = arith.cmpf olt, %add3A_614, %select_n3A_576 : vector<16xf32>
    %eq3A_623 = arith.cmpf oeq, %add3A_614, %select_n3A_576 : vector<16xf32>
    %lt3A_624 = arith.cmpi slt, %add3A_621, %select_n3A_577 : vector<16xi32>
    %and3A_625 = arith.andi %eq3A_623, %lt3A_624 : vector<16xi1>
    %or3A_626 = arith.ori %lt3A_622, %and3A_625 : vector<16xi1>
    %select_n3A_627 = arith.select %or3A_626, %add3A_614, %select_n3A_576 : vector<16xi1>, vector<16xf32>
    %select_n3A_628 = arith.select %or3A_626, %add3A_621, %select_n3A_577 : vector<16xi1>, vector<16xi32>
    %add3A_629 = arith.constant 1 : i32
    %add3A_630 = vector.broadcast %add3A_629 : i32 to vector<16xi32>
    %add3A_631 = arith.addi %convert_element_type3A_522, %add3A_630 : vector<16xi32>
    %jit3A_632 = arith.constant 0 : i32
    %jit3A_633 = arith.constant 19 : i32
    %max3A_634 = vector.broadcast %jit3A_632 : i32 to vector<16xi32>
    %max3A_635 = arith.maxsi %max3A_634, %add3A_631 : vector<16xi32>
    %min3A_636 = vector.broadcast %jit3A_633 : i32 to vector<16xi32>
    %min3A_637 = arith.minsi %min3A_636, %max3A_635 : vector<16xi32>
    %add3A_638 = arith.constant -1 : i32
    %add3A_639 = vector.broadcast %add3A_638 : i32 to vector<16xi32>
    %add3A_640 = arith.addi %convert_element_type3A_526, %add3A_639 : vector<16xi32>
    %jit3A_641 = arith.constant 0 : i32
    %jit3A_642 = arith.constant 19 : i32
    %max3A_643 = vector.broadcast %jit3A_641 : i32 to vector<16xi32>
    %max3A_644 = arith.maxsi %max3A_643, %add3A_640 : vector<16xi32>
    %min3A_645 = vector.broadcast %jit3A_642 : i32 to vector<16xi32>
    %min3A_646 = arith.minsi %min3A_645, %max3A_644 : vector<16xi32>
    %convert_element_type3A_647 = arith.sitofp %min3A_637 : vector<16xi32> to vector<16xf32>
    %add3A_648 = arith.constant 5.000000e-01 : f32
    %add3A_649 = vector.broadcast %add3A_648 : f32 to vector<16xf32>
    %add3A_650 = arith.addf %convert_element_type3A_647, %add3A_649 : vector<16xf32>
    %mul3A_651 = arith.constant 1.600000e+01 : f32
    %mul3A_652 = vector.broadcast %mul3A_651 : f32 to vector<16xf32>
    %mul3A_653 = arith.mulf %add3A_650, %mul3A_652 : vector<16xf32>
    %convert_element_type3A_654 = arith.sitofp %min3A_646 : vector<16xi32> to vector<16xf32>
    %add3A_655 = arith.constant 5.000000e-01 : f32
    %add3A_656 = vector.broadcast %add3A_655 : f32 to vector<16xf32>
    %add3A_657 = arith.addf %convert_element_type3A_654, %add3A_656 : vector<16xf32>
    %mul3A_658 = arith.constant 1.600000e+01 : f32
    %mul3A_659 = vector.broadcast %mul3A_658 : f32 to vector<16xf32>
    %mul3A_660 = arith.mulf %add3A_657, %mul3A_659 : vector<16xf32>
    %sub3A_661 = arith.subf %mul3A_46, %mul3A_653 : vector<16xf32>
    %sub3A_662 = arith.subf %mul3A_52, %mul3A_660 : vector<16xf32>
    %mul3A_663 = arith.mulf %sub3A_661, %sub3A_661 : vector<16xf32>
    %mul3A_664 = arith.mulf %sub3A_662, %sub3A_662 : vector<16xf32>
    %add3A_665 = arith.addf %mul3A_663, %mul3A_664 : vector<16xf32>
    %mul3A_666 = arith.constant 20 : i32
    %mul3A_667 = vector.broadcast %mul3A_666 : i32 to vector<16xi32>
    %mul3A_668 = arith.muli %min3A_646, %mul3A_667 : vector<16xi32>
    %add3A_669 = arith.constant 1600 : i32
    %add3A_670 = vector.broadcast %add3A_669 : i32 to vector<16xi32>
    %add3A_671 = arith.addi %add3A_670, %mul3A_668 : vector<16xi32>
    %add3A_672 = arith.addi %add3A_671, %min3A_637 : vector<16xi32>
    %lt3A_673 = arith.cmpf olt, %add3A_665, %select_n3A_627 : vector<16xf32>
    %eq3A_674 = arith.cmpf oeq, %add3A_665, %select_n3A_627 : vector<16xf32>
    %lt3A_675 = arith.cmpi slt, %add3A_672, %select_n3A_628 : vector<16xi32>
    %and3A_676 = arith.andi %eq3A_674, %lt3A_675 : vector<16xi1>
    %or3A_677 = arith.ori %lt3A_673, %and3A_676 : vector<16xi1>
    %select_n3A_678 = arith.select %or3A_677, %add3A_665, %select_n3A_627 : vector<16xi1>, vector<16xf32>
    %select_n3A_679 = arith.select %or3A_677, %add3A_672, %select_n3A_628 : vector<16xi1>, vector<16xi32>
    %add3A_680 = arith.constant -1 : i32
    %add3A_681 = vector.broadcast %add3A_680 : i32 to vector<16xi32>
    %add3A_682 = arith.addi %convert_element_type3A_522, %add3A_681 : vector<16xi32>
    %jit3A_683 = arith.constant 0 : i32
    %jit3A_684 = arith.constant 19 : i32
    %max3A_685 = vector.broadcast %jit3A_683 : i32 to vector<16xi32>
    %max3A_686 = arith.maxsi %max3A_685, %add3A_682 : vector<16xi32>
    %min3A_687 = vector.broadcast %jit3A_684 : i32 to vector<16xi32>
    %min3A_688 = arith.minsi %min3A_687, %max3A_686 : vector<16xi32>
    %add3A_689 = arith.constant 0 : i32
    %add3A_690 = vector.broadcast %add3A_689 : i32 to vector<16xi32>
    %add3A_691 = arith.addi %convert_element_type3A_526, %add3A_690 : vector<16xi32>
    %jit3A_692 = arith.constant 0 : i32
    %jit3A_693 = arith.constant 19 : i32
    %max3A_694 = vector.broadcast %jit3A_692 : i32 to vector<16xi32>
    %max3A_695 = arith.maxsi %max3A_694, %add3A_691 : vector<16xi32>
    %min3A_696 = vector.broadcast %jit3A_693 : i32 to vector<16xi32>
    %min3A_697 = arith.minsi %min3A_696, %max3A_695 : vector<16xi32>
    %convert_element_type3A_698 = arith.sitofp %min3A_688 : vector<16xi32> to vector<16xf32>
    %add3A_699 = arith.constant 5.000000e-01 : f32
    %add3A_700 = vector.broadcast %add3A_699 : f32 to vector<16xf32>
    %add3A_701 = arith.addf %convert_element_type3A_698, %add3A_700 : vector<16xf32>
    %mul3A_702 = arith.constant 1.600000e+01 : f32
    %mul3A_703 = vector.broadcast %mul3A_702 : f32 to vector<16xf32>
    %mul3A_704 = arith.mulf %add3A_701, %mul3A_703 : vector<16xf32>
    %convert_element_type3A_705 = arith.sitofp %min3A_697 : vector<16xi32> to vector<16xf32>
    %add3A_706 = arith.constant 5.000000e-01 : f32
    %add3A_707 = vector.broadcast %add3A_706 : f32 to vector<16xf32>
    %add3A_708 = arith.addf %convert_element_type3A_705, %add3A_707 : vector<16xf32>
    %mul3A_709 = arith.constant 1.600000e+01 : f32
    %mul3A_710 = vector.broadcast %mul3A_709 : f32 to vector<16xf32>
    %mul3A_711 = arith.mulf %add3A_708, %mul3A_710 : vector<16xf32>
    %sub3A_712 = arith.subf %mul3A_46, %mul3A_704 : vector<16xf32>
    %sub3A_713 = arith.subf %mul3A_52, %mul3A_711 : vector<16xf32>
    %mul3A_714 = arith.mulf %sub3A_712, %sub3A_712 : vector<16xf32>
    %mul3A_715 = arith.mulf %sub3A_713, %sub3A_713 : vector<16xf32>
    %add3A_716 = arith.addf %mul3A_714, %mul3A_715 : vector<16xf32>
    %mul3A_717 = arith.constant 20 : i32
    %mul3A_718 = vector.broadcast %mul3A_717 : i32 to vector<16xi32>
    %mul3A_719 = arith.muli %min3A_697, %mul3A_718 : vector<16xi32>
    %add3A_720 = arith.constant 1600 : i32
    %add3A_721 = vector.broadcast %add3A_720 : i32 to vector<16xi32>
    %add3A_722 = arith.addi %add3A_721, %mul3A_719 : vector<16xi32>
    %add3A_723 = arith.addi %add3A_722, %min3A_688 : vector<16xi32>
    %lt3A_724 = arith.cmpf olt, %add3A_716, %select_n3A_678 : vector<16xf32>
    %eq3A_725 = arith.cmpf oeq, %add3A_716, %select_n3A_678 : vector<16xf32>
    %lt3A_726 = arith.cmpi slt, %add3A_723, %select_n3A_679 : vector<16xi32>
    %and3A_727 = arith.andi %eq3A_725, %lt3A_726 : vector<16xi1>
    %or3A_728 = arith.ori %lt3A_724, %and3A_727 : vector<16xi1>
    %select_n3A_729 = arith.select %or3A_728, %add3A_716, %select_n3A_678 : vector<16xi1>, vector<16xf32>
    %select_n3A_730 = arith.select %or3A_728, %add3A_723, %select_n3A_679 : vector<16xi1>, vector<16xi32>
    %add3A_731 = arith.constant 0 : i32
    %add3A_732 = vector.broadcast %add3A_731 : i32 to vector<16xi32>
    %add3A_733 = arith.addi %convert_element_type3A_522, %add3A_732 : vector<16xi32>
    %jit3A_734 = arith.constant 0 : i32
    %jit3A_735 = arith.constant 19 : i32
    %max3A_736 = vector.broadcast %jit3A_734 : i32 to vector<16xi32>
    %max3A_737 = arith.maxsi %max3A_736, %add3A_733 : vector<16xi32>
    %min3A_738 = vector.broadcast %jit3A_735 : i32 to vector<16xi32>
    %min3A_739 = arith.minsi %min3A_738, %max3A_737 : vector<16xi32>
    %add3A_740 = arith.constant 0 : i32
    %add3A_741 = vector.broadcast %add3A_740 : i32 to vector<16xi32>
    %add3A_742 = arith.addi %convert_element_type3A_526, %add3A_741 : vector<16xi32>
    %jit3A_743 = arith.constant 0 : i32
    %jit3A_744 = arith.constant 19 : i32
    %max3A_745 = vector.broadcast %jit3A_743 : i32 to vector<16xi32>
    %max3A_746 = arith.maxsi %max3A_745, %add3A_742 : vector<16xi32>
    %min3A_747 = vector.broadcast %jit3A_744 : i32 to vector<16xi32>
    %min3A_748 = arith.minsi %min3A_747, %max3A_746 : vector<16xi32>
    %convert_element_type3A_749 = arith.sitofp %min3A_739 : vector<16xi32> to vector<16xf32>
    %add3A_750 = arith.constant 5.000000e-01 : f32
    %add3A_751 = vector.broadcast %add3A_750 : f32 to vector<16xf32>
    %add3A_752 = arith.addf %convert_element_type3A_749, %add3A_751 : vector<16xf32>
    %mul3A_753 = arith.constant 1.600000e+01 : f32
    %mul3A_754 = vector.broadcast %mul3A_753 : f32 to vector<16xf32>
    %mul3A_755 = arith.mulf %add3A_752, %mul3A_754 : vector<16xf32>
    %convert_element_type3A_756 = arith.sitofp %min3A_748 : vector<16xi32> to vector<16xf32>
    %add3A_757 = arith.constant 5.000000e-01 : f32
    %add3A_758 = vector.broadcast %add3A_757 : f32 to vector<16xf32>
    %add3A_759 = arith.addf %convert_element_type3A_756, %add3A_758 : vector<16xf32>
    %mul3A_760 = arith.constant 1.600000e+01 : f32
    %mul3A_761 = vector.broadcast %mul3A_760 : f32 to vector<16xf32>
    %mul3A_762 = arith.mulf %add3A_759, %mul3A_761 : vector<16xf32>
    %sub3A_763 = arith.subf %mul3A_46, %mul3A_755 : vector<16xf32>
    %sub3A_764 = arith.subf %mul3A_52, %mul3A_762 : vector<16xf32>
    %mul3A_765 = arith.mulf %sub3A_763, %sub3A_763 : vector<16xf32>
    %mul3A_766 = arith.mulf %sub3A_764, %sub3A_764 : vector<16xf32>
    %add3A_767 = arith.addf %mul3A_765, %mul3A_766 : vector<16xf32>
    %mul3A_768 = arith.constant 20 : i32
    %mul3A_769 = vector.broadcast %mul3A_768 : i32 to vector<16xi32>
    %mul3A_770 = arith.muli %min3A_748, %mul3A_769 : vector<16xi32>
    %add3A_771 = arith.constant 1600 : i32
    %add3A_772 = vector.broadcast %add3A_771 : i32 to vector<16xi32>
    %add3A_773 = arith.addi %add3A_772, %mul3A_770 : vector<16xi32>
    %add3A_774 = arith.addi %add3A_773, %min3A_739 : vector<16xi32>
    %lt3A_775 = arith.cmpf olt, %add3A_767, %select_n3A_729 : vector<16xf32>
    %eq3A_776 = arith.cmpf oeq, %add3A_767, %select_n3A_729 : vector<16xf32>
    %lt3A_777 = arith.cmpi slt, %add3A_774, %select_n3A_730 : vector<16xi32>
    %and3A_778 = arith.andi %eq3A_776, %lt3A_777 : vector<16xi1>
    %or3A_779 = arith.ori %lt3A_775, %and3A_778 : vector<16xi1>
    %select_n3A_780 = arith.select %or3A_779, %add3A_767, %select_n3A_729 : vector<16xi1>, vector<16xf32>
    %select_n3A_781 = arith.select %or3A_779, %add3A_774, %select_n3A_730 : vector<16xi1>, vector<16xi32>
    %add3A_782 = arith.constant 1 : i32
    %add3A_783 = vector.broadcast %add3A_782 : i32 to vector<16xi32>
    %add3A_784 = arith.addi %convert_element_type3A_522, %add3A_783 : vector<16xi32>
    %jit3A_785 = arith.constant 0 : i32
    %jit3A_786 = arith.constant 19 : i32
    %max3A_787 = vector.broadcast %jit3A_785 : i32 to vector<16xi32>
    %max3A_788 = arith.maxsi %max3A_787, %add3A_784 : vector<16xi32>
    %min3A_789 = vector.broadcast %jit3A_786 : i32 to vector<16xi32>
    %min3A_790 = arith.minsi %min3A_789, %max3A_788 : vector<16xi32>
    %add3A_791 = arith.constant 0 : i32
    %add3A_792 = vector.broadcast %add3A_791 : i32 to vector<16xi32>
    %add3A_793 = arith.addi %convert_element_type3A_526, %add3A_792 : vector<16xi32>
    %jit3A_794 = arith.constant 0 : i32
    %jit3A_795 = arith.constant 19 : i32
    %max3A_796 = vector.broadcast %jit3A_794 : i32 to vector<16xi32>
    %max3A_797 = arith.maxsi %max3A_796, %add3A_793 : vector<16xi32>
    %min3A_798 = vector.broadcast %jit3A_795 : i32 to vector<16xi32>
    %min3A_799 = arith.minsi %min3A_798, %max3A_797 : vector<16xi32>
    %convert_element_type3A_800 = arith.sitofp %min3A_790 : vector<16xi32> to vector<16xf32>
    %add3A_801 = arith.constant 5.000000e-01 : f32
    %add3A_802 = vector.broadcast %add3A_801 : f32 to vector<16xf32>
    %add3A_803 = arith.addf %convert_element_type3A_800, %add3A_802 : vector<16xf32>
    %mul3A_804 = arith.constant 1.600000e+01 : f32
    %mul3A_805 = vector.broadcast %mul3A_804 : f32 to vector<16xf32>
    %mul3A_806 = arith.mulf %add3A_803, %mul3A_805 : vector<16xf32>
    %convert_element_type3A_807 = arith.sitofp %min3A_799 : vector<16xi32> to vector<16xf32>
    %add3A_808 = arith.constant 5.000000e-01 : f32
    %add3A_809 = vector.broadcast %add3A_808 : f32 to vector<16xf32>
    %add3A_810 = arith.addf %convert_element_type3A_807, %add3A_809 : vector<16xf32>
    %mul3A_811 = arith.constant 1.600000e+01 : f32
    %mul3A_812 = vector.broadcast %mul3A_811 : f32 to vector<16xf32>
    %mul3A_813 = arith.mulf %add3A_810, %mul3A_812 : vector<16xf32>
    %sub3A_814 = arith.subf %mul3A_46, %mul3A_806 : vector<16xf32>
    %sub3A_815 = arith.subf %mul3A_52, %mul3A_813 : vector<16xf32>
    %mul3A_816 = arith.mulf %sub3A_814, %sub3A_814 : vector<16xf32>
    %mul3A_817 = arith.mulf %sub3A_815, %sub3A_815 : vector<16xf32>
    %add3A_818 = arith.addf %mul3A_816, %mul3A_817 : vector<16xf32>
    %mul3A_819 = arith.constant 20 : i32
    %mul3A_820 = vector.broadcast %mul3A_819 : i32 to vector<16xi32>
    %mul3A_821 = arith.muli %min3A_799, %mul3A_820 : vector<16xi32>
    %add3A_822 = arith.constant 1600 : i32
    %add3A_823 = vector.broadcast %add3A_822 : i32 to vector<16xi32>
    %add3A_824 = arith.addi %add3A_823, %mul3A_821 : vector<16xi32>
    %add3A_825 = arith.addi %add3A_824, %min3A_790 : vector<16xi32>
    %lt3A_826 = arith.cmpf olt, %add3A_818, %select_n3A_780 : vector<16xf32>
    %eq3A_827 = arith.cmpf oeq, %add3A_818, %select_n3A_780 : vector<16xf32>
    %lt3A_828 = arith.cmpi slt, %add3A_825, %select_n3A_781 : vector<16xi32>
    %and3A_829 = arith.andi %eq3A_827, %lt3A_828 : vector<16xi1>
    %or3A_830 = arith.ori %lt3A_826, %and3A_829 : vector<16xi1>
    %select_n3A_831 = arith.select %or3A_830, %add3A_818, %select_n3A_780 : vector<16xi1>, vector<16xf32>
    %select_n3A_832 = arith.select %or3A_830, %add3A_825, %select_n3A_781 : vector<16xi1>, vector<16xi32>
    %add3A_833 = arith.constant -1 : i32
    %add3A_834 = vector.broadcast %add3A_833 : i32 to vector<16xi32>
    %add3A_835 = arith.addi %convert_element_type3A_522, %add3A_834 : vector<16xi32>
    %jit3A_836 = arith.constant 0 : i32
    %jit3A_837 = arith.constant 19 : i32
    %max3A_838 = vector.broadcast %jit3A_836 : i32 to vector<16xi32>
    %max3A_839 = arith.maxsi %max3A_838, %add3A_835 : vector<16xi32>
    %min3A_840 = vector.broadcast %jit3A_837 : i32 to vector<16xi32>
    %min3A_841 = arith.minsi %min3A_840, %max3A_839 : vector<16xi32>
    %add3A_842 = arith.constant 1 : i32
    %add3A_843 = vector.broadcast %add3A_842 : i32 to vector<16xi32>
    %add3A_844 = arith.addi %convert_element_type3A_526, %add3A_843 : vector<16xi32>
    %jit3A_845 = arith.constant 0 : i32
    %jit3A_846 = arith.constant 19 : i32
    %max3A_847 = vector.broadcast %jit3A_845 : i32 to vector<16xi32>
    %max3A_848 = arith.maxsi %max3A_847, %add3A_844 : vector<16xi32>
    %min3A_849 = vector.broadcast %jit3A_846 : i32 to vector<16xi32>
    %min3A_850 = arith.minsi %min3A_849, %max3A_848 : vector<16xi32>
    %convert_element_type3A_851 = arith.sitofp %min3A_841 : vector<16xi32> to vector<16xf32>
    %add3A_852 = arith.constant 5.000000e-01 : f32
    %add3A_853 = vector.broadcast %add3A_852 : f32 to vector<16xf32>
    %add3A_854 = arith.addf %convert_element_type3A_851, %add3A_853 : vector<16xf32>
    %mul3A_855 = arith.constant 1.600000e+01 : f32
    %mul3A_856 = vector.broadcast %mul3A_855 : f32 to vector<16xf32>
    %mul3A_857 = arith.mulf %add3A_854, %mul3A_856 : vector<16xf32>
    %convert_element_type3A_858 = arith.sitofp %min3A_850 : vector<16xi32> to vector<16xf32>
    %add3A_859 = arith.constant 5.000000e-01 : f32
    %add3A_860 = vector.broadcast %add3A_859 : f32 to vector<16xf32>
    %add3A_861 = arith.addf %convert_element_type3A_858, %add3A_860 : vector<16xf32>
    %mul3A_862 = arith.constant 1.600000e+01 : f32
    %mul3A_863 = vector.broadcast %mul3A_862 : f32 to vector<16xf32>
    %mul3A_864 = arith.mulf %add3A_861, %mul3A_863 : vector<16xf32>
    %sub3A_865 = arith.subf %mul3A_46, %mul3A_857 : vector<16xf32>
    %sub3A_866 = arith.subf %mul3A_52, %mul3A_864 : vector<16xf32>
    %mul3A_867 = arith.mulf %sub3A_865, %sub3A_865 : vector<16xf32>
    %mul3A_868 = arith.mulf %sub3A_866, %sub3A_866 : vector<16xf32>
    %add3A_869 = arith.addf %mul3A_867, %mul3A_868 : vector<16xf32>
    %mul3A_870 = arith.constant 20 : i32
    %mul3A_871 = vector.broadcast %mul3A_870 : i32 to vector<16xi32>
    %mul3A_872 = arith.muli %min3A_850, %mul3A_871 : vector<16xi32>
    %add3A_873 = arith.constant 1600 : i32
    %add3A_874 = vector.broadcast %add3A_873 : i32 to vector<16xi32>
    %add3A_875 = arith.addi %add3A_874, %mul3A_872 : vector<16xi32>
    %add3A_876 = arith.addi %add3A_875, %min3A_841 : vector<16xi32>
    %lt3A_877 = arith.cmpf olt, %add3A_869, %select_n3A_831 : vector<16xf32>
    %eq3A_878 = arith.cmpf oeq, %add3A_869, %select_n3A_831 : vector<16xf32>
    %lt3A_879 = arith.cmpi slt, %add3A_876, %select_n3A_832 : vector<16xi32>
    %and3A_880 = arith.andi %eq3A_878, %lt3A_879 : vector<16xi1>
    %or3A_881 = arith.ori %lt3A_877, %and3A_880 : vector<16xi1>
    %select_n3A_882 = arith.select %or3A_881, %add3A_869, %select_n3A_831 : vector<16xi1>, vector<16xf32>
    %select_n3A_883 = arith.select %or3A_881, %add3A_876, %select_n3A_832 : vector<16xi1>, vector<16xi32>
    %add3A_884 = arith.constant 0 : i32
    %add3A_885 = vector.broadcast %add3A_884 : i32 to vector<16xi32>
    %add3A_886 = arith.addi %convert_element_type3A_522, %add3A_885 : vector<16xi32>
    %jit3A_887 = arith.constant 0 : i32
    %jit3A_888 = arith.constant 19 : i32
    %max3A_889 = vector.broadcast %jit3A_887 : i32 to vector<16xi32>
    %max3A_890 = arith.maxsi %max3A_889, %add3A_886 : vector<16xi32>
    %min3A_891 = vector.broadcast %jit3A_888 : i32 to vector<16xi32>
    %min3A_892 = arith.minsi %min3A_891, %max3A_890 : vector<16xi32>
    %add3A_893 = arith.constant 1 : i32
    %add3A_894 = vector.broadcast %add3A_893 : i32 to vector<16xi32>
    %add3A_895 = arith.addi %convert_element_type3A_526, %add3A_894 : vector<16xi32>
    %jit3A_896 = arith.constant 0 : i32
    %jit3A_897 = arith.constant 19 : i32
    %max3A_898 = vector.broadcast %jit3A_896 : i32 to vector<16xi32>
    %max3A_899 = arith.maxsi %max3A_898, %add3A_895 : vector<16xi32>
    %min3A_900 = vector.broadcast %jit3A_897 : i32 to vector<16xi32>
    %min3A_901 = arith.minsi %min3A_900, %max3A_899 : vector<16xi32>
    %convert_element_type3A_902 = arith.sitofp %min3A_892 : vector<16xi32> to vector<16xf32>
    %add3A_903 = arith.constant 5.000000e-01 : f32
    %add3A_904 = vector.broadcast %add3A_903 : f32 to vector<16xf32>
    %add3A_905 = arith.addf %convert_element_type3A_902, %add3A_904 : vector<16xf32>
    %mul3A_906 = arith.constant 1.600000e+01 : f32
    %mul3A_907 = vector.broadcast %mul3A_906 : f32 to vector<16xf32>
    %mul3A_908 = arith.mulf %add3A_905, %mul3A_907 : vector<16xf32>
    %convert_element_type3A_909 = arith.sitofp %min3A_901 : vector<16xi32> to vector<16xf32>
    %add3A_910 = arith.constant 5.000000e-01 : f32
    %add3A_911 = vector.broadcast %add3A_910 : f32 to vector<16xf32>
    %add3A_912 = arith.addf %convert_element_type3A_909, %add3A_911 : vector<16xf32>
    %mul3A_913 = arith.constant 1.600000e+01 : f32
    %mul3A_914 = vector.broadcast %mul3A_913 : f32 to vector<16xf32>
    %mul3A_915 = arith.mulf %add3A_912, %mul3A_914 : vector<16xf32>
    %sub3A_916 = arith.subf %mul3A_46, %mul3A_908 : vector<16xf32>
    %sub3A_917 = arith.subf %mul3A_52, %mul3A_915 : vector<16xf32>
    %mul3A_918 = arith.mulf %sub3A_916, %sub3A_916 : vector<16xf32>
    %mul3A_919 = arith.mulf %sub3A_917, %sub3A_917 : vector<16xf32>
    %add3A_920 = arith.addf %mul3A_918, %mul3A_919 : vector<16xf32>
    %mul3A_921 = arith.constant 20 : i32
    %mul3A_922 = vector.broadcast %mul3A_921 : i32 to vector<16xi32>
    %mul3A_923 = arith.muli %min3A_901, %mul3A_922 : vector<16xi32>
    %add3A_924 = arith.constant 1600 : i32
    %add3A_925 = vector.broadcast %add3A_924 : i32 to vector<16xi32>
    %add3A_926 = arith.addi %add3A_925, %mul3A_923 : vector<16xi32>
    %add3A_927 = arith.addi %add3A_926, %min3A_892 : vector<16xi32>
    %lt3A_928 = arith.cmpf olt, %add3A_920, %select_n3A_882 : vector<16xf32>
    %eq3A_929 = arith.cmpf oeq, %add3A_920, %select_n3A_882 : vector<16xf32>
    %lt3A_930 = arith.cmpi slt, %add3A_927, %select_n3A_883 : vector<16xi32>
    %and3A_931 = arith.andi %eq3A_929, %lt3A_930 : vector<16xi1>
    %or3A_932 = arith.ori %lt3A_928, %and3A_931 : vector<16xi1>
    %select_n3A_933 = arith.select %or3A_932, %add3A_920, %select_n3A_882 : vector<16xi1>, vector<16xf32>
    %select_n3A_934 = arith.select %or3A_932, %add3A_927, %select_n3A_883 : vector<16xi1>, vector<16xi32>
    %add3A_935 = arith.constant 1 : i32
    %add3A_936 = vector.broadcast %add3A_935 : i32 to vector<16xi32>
    %add3A_937 = arith.addi %convert_element_type3A_522, %add3A_936 : vector<16xi32>
    %jit3A_938 = arith.constant 0 : i32
    %jit3A_939 = arith.constant 19 : i32
    %max3A_940 = vector.broadcast %jit3A_938 : i32 to vector<16xi32>
    %max3A_941 = arith.maxsi %max3A_940, %add3A_937 : vector<16xi32>
    %min3A_942 = vector.broadcast %jit3A_939 : i32 to vector<16xi32>
    %min3A_943 = arith.minsi %min3A_942, %max3A_941 : vector<16xi32>
    %add3A_944 = arith.constant 1 : i32
    %add3A_945 = vector.broadcast %add3A_944 : i32 to vector<16xi32>
    %add3A_946 = arith.addi %convert_element_type3A_526, %add3A_945 : vector<16xi32>
    %jit3A_947 = arith.constant 0 : i32
    %jit3A_948 = arith.constant 19 : i32
    %max3A_949 = vector.broadcast %jit3A_947 : i32 to vector<16xi32>
    %max3A_950 = arith.maxsi %max3A_949, %add3A_946 : vector<16xi32>
    %min3A_951 = vector.broadcast %jit3A_948 : i32 to vector<16xi32>
    %min3A_952 = arith.minsi %min3A_951, %max3A_950 : vector<16xi32>
    %convert_element_type3A_953 = arith.sitofp %min3A_943 : vector<16xi32> to vector<16xf32>
    %add3A_954 = arith.constant 5.000000e-01 : f32
    %add3A_955 = vector.broadcast %add3A_954 : f32 to vector<16xf32>
    %add3A_956 = arith.addf %convert_element_type3A_953, %add3A_955 : vector<16xf32>
    %mul3A_957 = arith.constant 1.600000e+01 : f32
    %mul3A_958 = vector.broadcast %mul3A_957 : f32 to vector<16xf32>
    %mul3A_959 = arith.mulf %add3A_956, %mul3A_958 : vector<16xf32>
    %convert_element_type3A_960 = arith.sitofp %min3A_952 : vector<16xi32> to vector<16xf32>
    %add3A_961 = arith.constant 5.000000e-01 : f32
    %add3A_962 = vector.broadcast %add3A_961 : f32 to vector<16xf32>
    %add3A_963 = arith.addf %convert_element_type3A_960, %add3A_962 : vector<16xf32>
    %mul3A_964 = arith.constant 1.600000e+01 : f32
    %mul3A_965 = vector.broadcast %mul3A_964 : f32 to vector<16xf32>
    %mul3A_966 = arith.mulf %add3A_963, %mul3A_965 : vector<16xf32>
    %sub3A_967 = arith.subf %mul3A_46, %mul3A_959 : vector<16xf32>
    %sub3A_968 = arith.subf %mul3A_52, %mul3A_966 : vector<16xf32>
    %mul3A_969 = arith.mulf %sub3A_967, %sub3A_967 : vector<16xf32>
    %mul3A_970 = arith.mulf %sub3A_968, %sub3A_968 : vector<16xf32>
    %add3A_971 = arith.addf %mul3A_969, %mul3A_970 : vector<16xf32>
    %mul3A_972 = arith.constant 20 : i32
    %mul3A_973 = vector.broadcast %mul3A_972 : i32 to vector<16xi32>
    %mul3A_974 = arith.muli %min3A_952, %mul3A_973 : vector<16xi32>
    %add3A_975 = arith.constant 1600 : i32
    %add3A_976 = vector.broadcast %add3A_975 : i32 to vector<16xi32>
    %add3A_977 = arith.addi %add3A_976, %mul3A_974 : vector<16xi32>
    %add3A_978 = arith.addi %add3A_977, %min3A_943 : vector<16xi32>
    %lt3A_979 = arith.cmpf olt, %add3A_971, %select_n3A_933 : vector<16xf32>
    %eq3A_980 = arith.cmpf oeq, %add3A_971, %select_n3A_933 : vector<16xf32>
    %lt3A_981 = arith.cmpi slt, %add3A_978, %select_n3A_934 : vector<16xi32>
    %and3A_982 = arith.andi %eq3A_980, %lt3A_981 : vector<16xi1>
    %or3A_983 = arith.ori %lt3A_979, %and3A_982 : vector<16xi1>
    %select_n3A_984 = arith.select %or3A_983, %add3A_971, %select_n3A_933 : vector<16xi1>, vector<16xf32>
    %select_n3A_985 = arith.select %or3A_983, %add3A_978, %select_n3A_934 : vector<16xi1>, vector<16xi32>
    %mul3A_986 = arith.constant 3.125000e-02 : f32
    %mul3A_987 = vector.broadcast %mul3A_986 : f32 to vector<16xf32>
    %mul3A_988 = arith.mulf %mul3A_46, %mul3A_987 : vector<16xf32>
    %convert_element_type3A_989 = arith.fptosi %mul3A_988 : vector<16xf32> to vector<16xi32>
    %mul3A_990 = arith.constant 3.125000e-02 : f32
    %mul3A_991 = vector.broadcast %mul3A_990 : f32 to vector<16xf32>
    %mul3A_992 = arith.mulf %mul3A_52, %mul3A_991 : vector<16xf32>
    %convert_element_type3A_993 = arith.fptosi %mul3A_992 : vector<16xf32> to vector<16xi32>
    %add3A_994 = arith.constant -1 : i32
    %add3A_995 = vector.broadcast %add3A_994 : i32 to vector<16xi32>
    %add3A_996 = arith.addi %convert_element_type3A_989, %add3A_995 : vector<16xi32>
    %jit3A_997 = arith.constant 0 : i32
    %jit3A_998 = arith.constant 9 : i32
    %max3A_999 = vector.broadcast %jit3A_997 : i32 to vector<16xi32>
    %max3A_1000 = arith.maxsi %max3A_999, %add3A_996 : vector<16xi32>
    %min3A_1001 = vector.broadcast %jit3A_998 : i32 to vector<16xi32>
    %min3A_1002 = arith.minsi %min3A_1001, %max3A_1000 : vector<16xi32>
    %add3A_1003 = arith.constant -1 : i32
    %add3A_1004 = vector.broadcast %add3A_1003 : i32 to vector<16xi32>
    %add3A_1005 = arith.addi %convert_element_type3A_993, %add3A_1004 : vector<16xi32>
    %jit3A_1006 = arith.constant 0 : i32
    %jit3A_1007 = arith.constant 9 : i32
    %max3A_1008 = vector.broadcast %jit3A_1006 : i32 to vector<16xi32>
    %max3A_1009 = arith.maxsi %max3A_1008, %add3A_1005 : vector<16xi32>
    %min3A_1010 = vector.broadcast %jit3A_1007 : i32 to vector<16xi32>
    %min3A_1011 = arith.minsi %min3A_1010, %max3A_1009 : vector<16xi32>
    %convert_element_type3A_1012 = arith.sitofp %min3A_1002 : vector<16xi32> to vector<16xf32>
    %add3A_1013 = arith.constant 5.000000e-01 : f32
    %add3A_1014 = vector.broadcast %add3A_1013 : f32 to vector<16xf32>
    %add3A_1015 = arith.addf %convert_element_type3A_1012, %add3A_1014 : vector<16xf32>
    %mul3A_1016 = arith.constant 3.200000e+01 : f32
    %mul3A_1017 = vector.broadcast %mul3A_1016 : f32 to vector<16xf32>
    %mul3A_1018 = arith.mulf %add3A_1015, %mul3A_1017 : vector<16xf32>
    %convert_element_type3A_1019 = arith.sitofp %min3A_1011 : vector<16xi32> to vector<16xf32>
    %add3A_1020 = arith.constant 5.000000e-01 : f32
    %add3A_1021 = vector.broadcast %add3A_1020 : f32 to vector<16xf32>
    %add3A_1022 = arith.addf %convert_element_type3A_1019, %add3A_1021 : vector<16xf32>
    %mul3A_1023 = arith.constant 3.200000e+01 : f32
    %mul3A_1024 = vector.broadcast %mul3A_1023 : f32 to vector<16xf32>
    %mul3A_1025 = arith.mulf %add3A_1022, %mul3A_1024 : vector<16xf32>
    %sub3A_1026 = arith.subf %mul3A_46, %mul3A_1018 : vector<16xf32>
    %sub3A_1027 = arith.subf %mul3A_52, %mul3A_1025 : vector<16xf32>
    %mul3A_1028 = arith.mulf %sub3A_1026, %sub3A_1026 : vector<16xf32>
    %mul3A_1029 = arith.mulf %sub3A_1027, %sub3A_1027 : vector<16xf32>
    %add3A_1030 = arith.addf %mul3A_1028, %mul3A_1029 : vector<16xf32>
    %mul3A_1031 = arith.constant 10 : i32
    %mul3A_1032 = vector.broadcast %mul3A_1031 : i32 to vector<16xi32>
    %mul3A_1033 = arith.muli %min3A_1011, %mul3A_1032 : vector<16xi32>
    %add3A_1034 = arith.constant 2000 : i32
    %add3A_1035 = vector.broadcast %add3A_1034 : i32 to vector<16xi32>
    %add3A_1036 = arith.addi %add3A_1035, %mul3A_1033 : vector<16xi32>
    %add3A_1037 = arith.addi %add3A_1036, %min3A_1002 : vector<16xi32>
    %lt3A_1038 = arith.cmpf olt, %add3A_1030, %select_n3A_984 : vector<16xf32>
    %eq3A_1039 = arith.cmpf oeq, %add3A_1030, %select_n3A_984 : vector<16xf32>
    %lt3A_1040 = arith.cmpi slt, %add3A_1037, %select_n3A_985 : vector<16xi32>
    %and3A_1041 = arith.andi %eq3A_1039, %lt3A_1040 : vector<16xi1>
    %or3A_1042 = arith.ori %lt3A_1038, %and3A_1041 : vector<16xi1>
    %select_n3A_1043 = arith.select %or3A_1042, %add3A_1030, %select_n3A_984 : vector<16xi1>, vector<16xf32>
    %select_n3A_1044 = arith.select %or3A_1042, %add3A_1037, %select_n3A_985 : vector<16xi1>, vector<16xi32>
    %add3A_1045 = arith.constant 0 : i32
    %add3A_1046 = vector.broadcast %add3A_1045 : i32 to vector<16xi32>
    %add3A_1047 = arith.addi %convert_element_type3A_989, %add3A_1046 : vector<16xi32>
    %jit3A_1048 = arith.constant 0 : i32
    %jit3A_1049 = arith.constant 9 : i32
    %max3A_1050 = vector.broadcast %jit3A_1048 : i32 to vector<16xi32>
    %max3A_1051 = arith.maxsi %max3A_1050, %add3A_1047 : vector<16xi32>
    %min3A_1052 = vector.broadcast %jit3A_1049 : i32 to vector<16xi32>
    %min3A_1053 = arith.minsi %min3A_1052, %max3A_1051 : vector<16xi32>
    %add3A_1054 = arith.constant -1 : i32
    %add3A_1055 = vector.broadcast %add3A_1054 : i32 to vector<16xi32>
    %add3A_1056 = arith.addi %convert_element_type3A_993, %add3A_1055 : vector<16xi32>
    %jit3A_1057 = arith.constant 0 : i32
    %jit3A_1058 = arith.constant 9 : i32
    %max3A_1059 = vector.broadcast %jit3A_1057 : i32 to vector<16xi32>
    %max3A_1060 = arith.maxsi %max3A_1059, %add3A_1056 : vector<16xi32>
    %min3A_1061 = vector.broadcast %jit3A_1058 : i32 to vector<16xi32>
    %min3A_1062 = arith.minsi %min3A_1061, %max3A_1060 : vector<16xi32>
    %convert_element_type3A_1063 = arith.sitofp %min3A_1053 : vector<16xi32> to vector<16xf32>
    %add3A_1064 = arith.constant 5.000000e-01 : f32
    %add3A_1065 = vector.broadcast %add3A_1064 : f32 to vector<16xf32>
    %add3A_1066 = arith.addf %convert_element_type3A_1063, %add3A_1065 : vector<16xf32>
    %mul3A_1067 = arith.constant 3.200000e+01 : f32
    %mul3A_1068 = vector.broadcast %mul3A_1067 : f32 to vector<16xf32>
    %mul3A_1069 = arith.mulf %add3A_1066, %mul3A_1068 : vector<16xf32>
    %convert_element_type3A_1070 = arith.sitofp %min3A_1062 : vector<16xi32> to vector<16xf32>
    %add3A_1071 = arith.constant 5.000000e-01 : f32
    %add3A_1072 = vector.broadcast %add3A_1071 : f32 to vector<16xf32>
    %add3A_1073 = arith.addf %convert_element_type3A_1070, %add3A_1072 : vector<16xf32>
    %mul3A_1074 = arith.constant 3.200000e+01 : f32
    %mul3A_1075 = vector.broadcast %mul3A_1074 : f32 to vector<16xf32>
    %mul3A_1076 = arith.mulf %add3A_1073, %mul3A_1075 : vector<16xf32>
    %sub3A_1077 = arith.subf %mul3A_46, %mul3A_1069 : vector<16xf32>
    %sub3A_1078 = arith.subf %mul3A_52, %mul3A_1076 : vector<16xf32>
    %mul3A_1079 = arith.mulf %sub3A_1077, %sub3A_1077 : vector<16xf32>
    %mul3A_1080 = arith.mulf %sub3A_1078, %sub3A_1078 : vector<16xf32>
    %add3A_1081 = arith.addf %mul3A_1079, %mul3A_1080 : vector<16xf32>
    %mul3A_1082 = arith.constant 10 : i32
    %mul3A_1083 = vector.broadcast %mul3A_1082 : i32 to vector<16xi32>
    %mul3A_1084 = arith.muli %min3A_1062, %mul3A_1083 : vector<16xi32>
    %add3A_1085 = arith.constant 2000 : i32
    %add3A_1086 = vector.broadcast %add3A_1085 : i32 to vector<16xi32>
    %add3A_1087 = arith.addi %add3A_1086, %mul3A_1084 : vector<16xi32>
    %add3A_1088 = arith.addi %add3A_1087, %min3A_1053 : vector<16xi32>
    %lt3A_1089 = arith.cmpf olt, %add3A_1081, %select_n3A_1043 : vector<16xf32>
    %eq3A_1090 = arith.cmpf oeq, %add3A_1081, %select_n3A_1043 : vector<16xf32>
    %lt3A_1091 = arith.cmpi slt, %add3A_1088, %select_n3A_1044 : vector<16xi32>
    %and3A_1092 = arith.andi %eq3A_1090, %lt3A_1091 : vector<16xi1>
    %or3A_1093 = arith.ori %lt3A_1089, %and3A_1092 : vector<16xi1>
    %select_n3A_1094 = arith.select %or3A_1093, %add3A_1081, %select_n3A_1043 : vector<16xi1>, vector<16xf32>
    %select_n3A_1095 = arith.select %or3A_1093, %add3A_1088, %select_n3A_1044 : vector<16xi1>, vector<16xi32>
    %add3A_1096 = arith.constant 1 : i32
    %add3A_1097 = vector.broadcast %add3A_1096 : i32 to vector<16xi32>
    %add3A_1098 = arith.addi %convert_element_type3A_989, %add3A_1097 : vector<16xi32>
    %jit3A_1099 = arith.constant 0 : i32
    %jit3A_1100 = arith.constant 9 : i32
    %max3A_1101 = vector.broadcast %jit3A_1099 : i32 to vector<16xi32>
    %max3A_1102 = arith.maxsi %max3A_1101, %add3A_1098 : vector<16xi32>
    %min3A_1103 = vector.broadcast %jit3A_1100 : i32 to vector<16xi32>
    %min3A_1104 = arith.minsi %min3A_1103, %max3A_1102 : vector<16xi32>
    %add3A_1105 = arith.constant -1 : i32
    %add3A_1106 = vector.broadcast %add3A_1105 : i32 to vector<16xi32>
    %add3A_1107 = arith.addi %convert_element_type3A_993, %add3A_1106 : vector<16xi32>
    %jit3A_1108 = arith.constant 0 : i32
    %jit3A_1109 = arith.constant 9 : i32
    %max3A_1110 = vector.broadcast %jit3A_1108 : i32 to vector<16xi32>
    %max3A_1111 = arith.maxsi %max3A_1110, %add3A_1107 : vector<16xi32>
    %min3A_1112 = vector.broadcast %jit3A_1109 : i32 to vector<16xi32>
    %min3A_1113 = arith.minsi %min3A_1112, %max3A_1111 : vector<16xi32>
    %convert_element_type3A_1114 = arith.sitofp %min3A_1104 : vector<16xi32> to vector<16xf32>
    %add3A_1115 = arith.constant 5.000000e-01 : f32
    %add3A_1116 = vector.broadcast %add3A_1115 : f32 to vector<16xf32>
    %add3A_1117 = arith.addf %convert_element_type3A_1114, %add3A_1116 : vector<16xf32>
    %mul3A_1118 = arith.constant 3.200000e+01 : f32
    %mul3A_1119 = vector.broadcast %mul3A_1118 : f32 to vector<16xf32>
    %mul3A_1120 = arith.mulf %add3A_1117, %mul3A_1119 : vector<16xf32>
    %convert_element_type3A_1121 = arith.sitofp %min3A_1113 : vector<16xi32> to vector<16xf32>
    %add3A_1122 = arith.constant 5.000000e-01 : f32
    %add3A_1123 = vector.broadcast %add3A_1122 : f32 to vector<16xf32>
    %add3A_1124 = arith.addf %convert_element_type3A_1121, %add3A_1123 : vector<16xf32>
    %mul3A_1125 = arith.constant 3.200000e+01 : f32
    %mul3A_1126 = vector.broadcast %mul3A_1125 : f32 to vector<16xf32>
    %mul3A_1127 = arith.mulf %add3A_1124, %mul3A_1126 : vector<16xf32>
    %sub3A_1128 = arith.subf %mul3A_46, %mul3A_1120 : vector<16xf32>
    %sub3A_1129 = arith.subf %mul3A_52, %mul3A_1127 : vector<16xf32>
    %mul3A_1130 = arith.mulf %sub3A_1128, %sub3A_1128 : vector<16xf32>
    %mul3A_1131 = arith.mulf %sub3A_1129, %sub3A_1129 : vector<16xf32>
    %add3A_1132 = arith.addf %mul3A_1130, %mul3A_1131 : vector<16xf32>
    %mul3A_1133 = arith.constant 10 : i32
    %mul3A_1134 = vector.broadcast %mul3A_1133 : i32 to vector<16xi32>
    %mul3A_1135 = arith.muli %min3A_1113, %mul3A_1134 : vector<16xi32>
    %add3A_1136 = arith.constant 2000 : i32
    %add3A_1137 = vector.broadcast %add3A_1136 : i32 to vector<16xi32>
    %add3A_1138 = arith.addi %add3A_1137, %mul3A_1135 : vector<16xi32>
    %add3A_1139 = arith.addi %add3A_1138, %min3A_1104 : vector<16xi32>
    %lt3A_1140 = arith.cmpf olt, %add3A_1132, %select_n3A_1094 : vector<16xf32>
    %eq3A_1141 = arith.cmpf oeq, %add3A_1132, %select_n3A_1094 : vector<16xf32>
    %lt3A_1142 = arith.cmpi slt, %add3A_1139, %select_n3A_1095 : vector<16xi32>
    %and3A_1143 = arith.andi %eq3A_1141, %lt3A_1142 : vector<16xi1>
    %or3A_1144 = arith.ori %lt3A_1140, %and3A_1143 : vector<16xi1>
    %select_n3A_1145 = arith.select %or3A_1144, %add3A_1132, %select_n3A_1094 : vector<16xi1>, vector<16xf32>
    %select_n3A_1146 = arith.select %or3A_1144, %add3A_1139, %select_n3A_1095 : vector<16xi1>, vector<16xi32>
    %add3A_1147 = arith.constant -1 : i32
    %add3A_1148 = vector.broadcast %add3A_1147 : i32 to vector<16xi32>
    %add3A_1149 = arith.addi %convert_element_type3A_989, %add3A_1148 : vector<16xi32>
    %jit3A_1150 = arith.constant 0 : i32
    %jit3A_1151 = arith.constant 9 : i32
    %max3A_1152 = vector.broadcast %jit3A_1150 : i32 to vector<16xi32>
    %max3A_1153 = arith.maxsi %max3A_1152, %add3A_1149 : vector<16xi32>
    %min3A_1154 = vector.broadcast %jit3A_1151 : i32 to vector<16xi32>
    %min3A_1155 = arith.minsi %min3A_1154, %max3A_1153 : vector<16xi32>
    %add3A_1156 = arith.constant 0 : i32
    %add3A_1157 = vector.broadcast %add3A_1156 : i32 to vector<16xi32>
    %add3A_1158 = arith.addi %convert_element_type3A_993, %add3A_1157 : vector<16xi32>
    %jit3A_1159 = arith.constant 0 : i32
    %jit3A_1160 = arith.constant 9 : i32
    %max3A_1161 = vector.broadcast %jit3A_1159 : i32 to vector<16xi32>
    %max3A_1162 = arith.maxsi %max3A_1161, %add3A_1158 : vector<16xi32>
    %min3A_1163 = vector.broadcast %jit3A_1160 : i32 to vector<16xi32>
    %min3A_1164 = arith.minsi %min3A_1163, %max3A_1162 : vector<16xi32>
    %convert_element_type3A_1165 = arith.sitofp %min3A_1155 : vector<16xi32> to vector<16xf32>
    %add3A_1166 = arith.constant 5.000000e-01 : f32
    %add3A_1167 = vector.broadcast %add3A_1166 : f32 to vector<16xf32>
    %add3A_1168 = arith.addf %convert_element_type3A_1165, %add3A_1167 : vector<16xf32>
    %mul3A_1169 = arith.constant 3.200000e+01 : f32
    %mul3A_1170 = vector.broadcast %mul3A_1169 : f32 to vector<16xf32>
    %mul3A_1171 = arith.mulf %add3A_1168, %mul3A_1170 : vector<16xf32>
    %convert_element_type3A_1172 = arith.sitofp %min3A_1164 : vector<16xi32> to vector<16xf32>
    %add3A_1173 = arith.constant 5.000000e-01 : f32
    %add3A_1174 = vector.broadcast %add3A_1173 : f32 to vector<16xf32>
    %add3A_1175 = arith.addf %convert_element_type3A_1172, %add3A_1174 : vector<16xf32>
    %mul3A_1176 = arith.constant 3.200000e+01 : f32
    %mul3A_1177 = vector.broadcast %mul3A_1176 : f32 to vector<16xf32>
    %mul3A_1178 = arith.mulf %add3A_1175, %mul3A_1177 : vector<16xf32>
    %sub3A_1179 = arith.subf %mul3A_46, %mul3A_1171 : vector<16xf32>
    %sub3A_1180 = arith.subf %mul3A_52, %mul3A_1178 : vector<16xf32>
    %mul3A_1181 = arith.mulf %sub3A_1179, %sub3A_1179 : vector<16xf32>
    %mul3A_1182 = arith.mulf %sub3A_1180, %sub3A_1180 : vector<16xf32>
    %add3A_1183 = arith.addf %mul3A_1181, %mul3A_1182 : vector<16xf32>
    %mul3A_1184 = arith.constant 10 : i32
    %mul3A_1185 = vector.broadcast %mul3A_1184 : i32 to vector<16xi32>
    %mul3A_1186 = arith.muli %min3A_1164, %mul3A_1185 : vector<16xi32>
    %add3A_1187 = arith.constant 2000 : i32
    %add3A_1188 = vector.broadcast %add3A_1187 : i32 to vector<16xi32>
    %add3A_1189 = arith.addi %add3A_1188, %mul3A_1186 : vector<16xi32>
    %add3A_1190 = arith.addi %add3A_1189, %min3A_1155 : vector<16xi32>
    %lt3A_1191 = arith.cmpf olt, %add3A_1183, %select_n3A_1145 : vector<16xf32>
    %eq3A_1192 = arith.cmpf oeq, %add3A_1183, %select_n3A_1145 : vector<16xf32>
    %lt3A_1193 = arith.cmpi slt, %add3A_1190, %select_n3A_1146 : vector<16xi32>
    %and3A_1194 = arith.andi %eq3A_1192, %lt3A_1193 : vector<16xi1>
    %or3A_1195 = arith.ori %lt3A_1191, %and3A_1194 : vector<16xi1>
    %select_n3A_1196 = arith.select %or3A_1195, %add3A_1183, %select_n3A_1145 : vector<16xi1>, vector<16xf32>
    %select_n3A_1197 = arith.select %or3A_1195, %add3A_1190, %select_n3A_1146 : vector<16xi1>, vector<16xi32>
    %add3A_1198 = arith.constant 0 : i32
    %add3A_1199 = vector.broadcast %add3A_1198 : i32 to vector<16xi32>
    %add3A_1200 = arith.addi %convert_element_type3A_989, %add3A_1199 : vector<16xi32>
    %jit3A_1201 = arith.constant 0 : i32
    %jit3A_1202 = arith.constant 9 : i32
    %max3A_1203 = vector.broadcast %jit3A_1201 : i32 to vector<16xi32>
    %max3A_1204 = arith.maxsi %max3A_1203, %add3A_1200 : vector<16xi32>
    %min3A_1205 = vector.broadcast %jit3A_1202 : i32 to vector<16xi32>
    %min3A_1206 = arith.minsi %min3A_1205, %max3A_1204 : vector<16xi32>
    %add3A_1207 = arith.constant 0 : i32
    %add3A_1208 = vector.broadcast %add3A_1207 : i32 to vector<16xi32>
    %add3A_1209 = arith.addi %convert_element_type3A_993, %add3A_1208 : vector<16xi32>
    %jit3A_1210 = arith.constant 0 : i32
    %jit3A_1211 = arith.constant 9 : i32
    %max3A_1212 = vector.broadcast %jit3A_1210 : i32 to vector<16xi32>
    %max3A_1213 = arith.maxsi %max3A_1212, %add3A_1209 : vector<16xi32>
    %min3A_1214 = vector.broadcast %jit3A_1211 : i32 to vector<16xi32>
    %min3A_1215 = arith.minsi %min3A_1214, %max3A_1213 : vector<16xi32>
    %convert_element_type3A_1216 = arith.sitofp %min3A_1206 : vector<16xi32> to vector<16xf32>
    %add3A_1217 = arith.constant 5.000000e-01 : f32
    %add3A_1218 = vector.broadcast %add3A_1217 : f32 to vector<16xf32>
    %add3A_1219 = arith.addf %convert_element_type3A_1216, %add3A_1218 : vector<16xf32>
    %mul3A_1220 = arith.constant 3.200000e+01 : f32
    %mul3A_1221 = vector.broadcast %mul3A_1220 : f32 to vector<16xf32>
    %mul3A_1222 = arith.mulf %add3A_1219, %mul3A_1221 : vector<16xf32>
    %convert_element_type3A_1223 = arith.sitofp %min3A_1215 : vector<16xi32> to vector<16xf32>
    %add3A_1224 = arith.constant 5.000000e-01 : f32
    %add3A_1225 = vector.broadcast %add3A_1224 : f32 to vector<16xf32>
    %add3A_1226 = arith.addf %convert_element_type3A_1223, %add3A_1225 : vector<16xf32>
    %mul3A_1227 = arith.constant 3.200000e+01 : f32
    %mul3A_1228 = vector.broadcast %mul3A_1227 : f32 to vector<16xf32>
    %mul3A_1229 = arith.mulf %add3A_1226, %mul3A_1228 : vector<16xf32>
    %sub3A_1230 = arith.subf %mul3A_46, %mul3A_1222 : vector<16xf32>
    %sub3A_1231 = arith.subf %mul3A_52, %mul3A_1229 : vector<16xf32>
    %mul3A_1232 = arith.mulf %sub3A_1230, %sub3A_1230 : vector<16xf32>
    %mul3A_1233 = arith.mulf %sub3A_1231, %sub3A_1231 : vector<16xf32>
    %add3A_1234 = arith.addf %mul3A_1232, %mul3A_1233 : vector<16xf32>
    %mul3A_1235 = arith.constant 10 : i32
    %mul3A_1236 = vector.broadcast %mul3A_1235 : i32 to vector<16xi32>
    %mul3A_1237 = arith.muli %min3A_1215, %mul3A_1236 : vector<16xi32>
    %add3A_1238 = arith.constant 2000 : i32
    %add3A_1239 = vector.broadcast %add3A_1238 : i32 to vector<16xi32>
    %add3A_1240 = arith.addi %add3A_1239, %mul3A_1237 : vector<16xi32>
    %add3A_1241 = arith.addi %add3A_1240, %min3A_1206 : vector<16xi32>
    %lt3A_1242 = arith.cmpf olt, %add3A_1234, %select_n3A_1196 : vector<16xf32>
    %eq3A_1243 = arith.cmpf oeq, %add3A_1234, %select_n3A_1196 : vector<16xf32>
    %lt3A_1244 = arith.cmpi slt, %add3A_1241, %select_n3A_1197 : vector<16xi32>
    %and3A_1245 = arith.andi %eq3A_1243, %lt3A_1244 : vector<16xi1>
    %or3A_1246 = arith.ori %lt3A_1242, %and3A_1245 : vector<16xi1>
    %select_n3A_1247 = arith.select %or3A_1246, %add3A_1234, %select_n3A_1196 : vector<16xi1>, vector<16xf32>
    %select_n3A_1248 = arith.select %or3A_1246, %add3A_1241, %select_n3A_1197 : vector<16xi1>, vector<16xi32>
    %add3A_1249 = arith.constant 1 : i32
    %add3A_1250 = vector.broadcast %add3A_1249 : i32 to vector<16xi32>
    %add3A_1251 = arith.addi %convert_element_type3A_989, %add3A_1250 : vector<16xi32>
    %jit3A_1252 = arith.constant 0 : i32
    %jit3A_1253 = arith.constant 9 : i32
    %max3A_1254 = vector.broadcast %jit3A_1252 : i32 to vector<16xi32>
    %max3A_1255 = arith.maxsi %max3A_1254, %add3A_1251 : vector<16xi32>
    %min3A_1256 = vector.broadcast %jit3A_1253 : i32 to vector<16xi32>
    %min3A_1257 = arith.minsi %min3A_1256, %max3A_1255 : vector<16xi32>
    %add3A_1258 = arith.constant 0 : i32
    %add3A_1259 = vector.broadcast %add3A_1258 : i32 to vector<16xi32>
    %add3A_1260 = arith.addi %convert_element_type3A_993, %add3A_1259 : vector<16xi32>
    %jit3A_1261 = arith.constant 0 : i32
    %jit3A_1262 = arith.constant 9 : i32
    %max3A_1263 = vector.broadcast %jit3A_1261 : i32 to vector<16xi32>
    %max3A_1264 = arith.maxsi %max3A_1263, %add3A_1260 : vector<16xi32>
    %min3A_1265 = vector.broadcast %jit3A_1262 : i32 to vector<16xi32>
    %min3A_1266 = arith.minsi %min3A_1265, %max3A_1264 : vector<16xi32>
    %convert_element_type3A_1267 = arith.sitofp %min3A_1257 : vector<16xi32> to vector<16xf32>
    %add3A_1268 = arith.constant 5.000000e-01 : f32
    %add3A_1269 = vector.broadcast %add3A_1268 : f32 to vector<16xf32>
    %add3A_1270 = arith.addf %convert_element_type3A_1267, %add3A_1269 : vector<16xf32>
    %mul3A_1271 = arith.constant 3.200000e+01 : f32
    %mul3A_1272 = vector.broadcast %mul3A_1271 : f32 to vector<16xf32>
    %mul3A_1273 = arith.mulf %add3A_1270, %mul3A_1272 : vector<16xf32>
    %convert_element_type3A_1274 = arith.sitofp %min3A_1266 : vector<16xi32> to vector<16xf32>
    %add3A_1275 = arith.constant 5.000000e-01 : f32
    %add3A_1276 = vector.broadcast %add3A_1275 : f32 to vector<16xf32>
    %add3A_1277 = arith.addf %convert_element_type3A_1274, %add3A_1276 : vector<16xf32>
    %mul3A_1278 = arith.constant 3.200000e+01 : f32
    %mul3A_1279 = vector.broadcast %mul3A_1278 : f32 to vector<16xf32>
    %mul3A_1280 = arith.mulf %add3A_1277, %mul3A_1279 : vector<16xf32>
    %sub3A_1281 = arith.subf %mul3A_46, %mul3A_1273 : vector<16xf32>
    %sub3A_1282 = arith.subf %mul3A_52, %mul3A_1280 : vector<16xf32>
    %mul3A_1283 = arith.mulf %sub3A_1281, %sub3A_1281 : vector<16xf32>
    %mul3A_1284 = arith.mulf %sub3A_1282, %sub3A_1282 : vector<16xf32>
    %add3A_1285 = arith.addf %mul3A_1283, %mul3A_1284 : vector<16xf32>
    %mul3A_1286 = arith.constant 10 : i32
    %mul3A_1287 = vector.broadcast %mul3A_1286 : i32 to vector<16xi32>
    %mul3A_1288 = arith.muli %min3A_1266, %mul3A_1287 : vector<16xi32>
    %add3A_1289 = arith.constant 2000 : i32
    %add3A_1290 = vector.broadcast %add3A_1289 : i32 to vector<16xi32>
    %add3A_1291 = arith.addi %add3A_1290, %mul3A_1288 : vector<16xi32>
    %add3A_1292 = arith.addi %add3A_1291, %min3A_1257 : vector<16xi32>
    %lt3A_1293 = arith.cmpf olt, %add3A_1285, %select_n3A_1247 : vector<16xf32>
    %eq3A_1294 = arith.cmpf oeq, %add3A_1285, %select_n3A_1247 : vector<16xf32>
    %lt3A_1295 = arith.cmpi slt, %add3A_1292, %select_n3A_1248 : vector<16xi32>
    %and3A_1296 = arith.andi %eq3A_1294, %lt3A_1295 : vector<16xi1>
    %or3A_1297 = arith.ori %lt3A_1293, %and3A_1296 : vector<16xi1>
    %select_n3A_1298 = arith.select %or3A_1297, %add3A_1285, %select_n3A_1247 : vector<16xi1>, vector<16xf32>
    %select_n3A_1299 = arith.select %or3A_1297, %add3A_1292, %select_n3A_1248 : vector<16xi1>, vector<16xi32>
    %add3A_1300 = arith.constant -1 : i32
    %add3A_1301 = vector.broadcast %add3A_1300 : i32 to vector<16xi32>
    %add3A_1302 = arith.addi %convert_element_type3A_989, %add3A_1301 : vector<16xi32>
    %jit3A_1303 = arith.constant 0 : i32
    %jit3A_1304 = arith.constant 9 : i32
    %max3A_1305 = vector.broadcast %jit3A_1303 : i32 to vector<16xi32>
    %max3A_1306 = arith.maxsi %max3A_1305, %add3A_1302 : vector<16xi32>
    %min3A_1307 = vector.broadcast %jit3A_1304 : i32 to vector<16xi32>
    %min3A_1308 = arith.minsi %min3A_1307, %max3A_1306 : vector<16xi32>
    %add3A_1309 = arith.constant 1 : i32
    %add3A_1310 = vector.broadcast %add3A_1309 : i32 to vector<16xi32>
    %add3A_1311 = arith.addi %convert_element_type3A_993, %add3A_1310 : vector<16xi32>
    %jit3A_1312 = arith.constant 0 : i32
    %jit3A_1313 = arith.constant 9 : i32
    %max3A_1314 = vector.broadcast %jit3A_1312 : i32 to vector<16xi32>
    %max3A_1315 = arith.maxsi %max3A_1314, %add3A_1311 : vector<16xi32>
    %min3A_1316 = vector.broadcast %jit3A_1313 : i32 to vector<16xi32>
    %min3A_1317 = arith.minsi %min3A_1316, %max3A_1315 : vector<16xi32>
    %convert_element_type3A_1318 = arith.sitofp %min3A_1308 : vector<16xi32> to vector<16xf32>
    %add3A_1319 = arith.constant 5.000000e-01 : f32
    %add3A_1320 = vector.broadcast %add3A_1319 : f32 to vector<16xf32>
    %add3A_1321 = arith.addf %convert_element_type3A_1318, %add3A_1320 : vector<16xf32>
    %mul3A_1322 = arith.constant 3.200000e+01 : f32
    %mul3A_1323 = vector.broadcast %mul3A_1322 : f32 to vector<16xf32>
    %mul3A_1324 = arith.mulf %add3A_1321, %mul3A_1323 : vector<16xf32>
    %convert_element_type3A_1325 = arith.sitofp %min3A_1317 : vector<16xi32> to vector<16xf32>
    %add3A_1326 = arith.constant 5.000000e-01 : f32
    %add3A_1327 = vector.broadcast %add3A_1326 : f32 to vector<16xf32>
    %add3A_1328 = arith.addf %convert_element_type3A_1325, %add3A_1327 : vector<16xf32>
    %mul3A_1329 = arith.constant 3.200000e+01 : f32
    %mul3A_1330 = vector.broadcast %mul3A_1329 : f32 to vector<16xf32>
    %mul3A_1331 = arith.mulf %add3A_1328, %mul3A_1330 : vector<16xf32>
    %sub3A_1332 = arith.subf %mul3A_46, %mul3A_1324 : vector<16xf32>
    %sub3A_1333 = arith.subf %mul3A_52, %mul3A_1331 : vector<16xf32>
    %mul3A_1334 = arith.mulf %sub3A_1332, %sub3A_1332 : vector<16xf32>
    %mul3A_1335 = arith.mulf %sub3A_1333, %sub3A_1333 : vector<16xf32>
    %add3A_1336 = arith.addf %mul3A_1334, %mul3A_1335 : vector<16xf32>
    %mul3A_1337 = arith.constant 10 : i32
    %mul3A_1338 = vector.broadcast %mul3A_1337 : i32 to vector<16xi32>
    %mul3A_1339 = arith.muli %min3A_1317, %mul3A_1338 : vector<16xi32>
    %add3A_1340 = arith.constant 2000 : i32
    %add3A_1341 = vector.broadcast %add3A_1340 : i32 to vector<16xi32>
    %add3A_1342 = arith.addi %add3A_1341, %mul3A_1339 : vector<16xi32>
    %add3A_1343 = arith.addi %add3A_1342, %min3A_1308 : vector<16xi32>
    %lt3A_1344 = arith.cmpf olt, %add3A_1336, %select_n3A_1298 : vector<16xf32>
    %eq3A_1345 = arith.cmpf oeq, %add3A_1336, %select_n3A_1298 : vector<16xf32>
    %lt3A_1346 = arith.cmpi slt, %add3A_1343, %select_n3A_1299 : vector<16xi32>
    %and3A_1347 = arith.andi %eq3A_1345, %lt3A_1346 : vector<16xi1>
    %or3A_1348 = arith.ori %lt3A_1344, %and3A_1347 : vector<16xi1>
    %select_n3A_1349 = arith.select %or3A_1348, %add3A_1336, %select_n3A_1298 : vector<16xi1>, vector<16xf32>
    %select_n3A_1350 = arith.select %or3A_1348, %add3A_1343, %select_n3A_1299 : vector<16xi1>, vector<16xi32>
    %add3A_1351 = arith.constant 0 : i32
    %add3A_1352 = vector.broadcast %add3A_1351 : i32 to vector<16xi32>
    %add3A_1353 = arith.addi %convert_element_type3A_989, %add3A_1352 : vector<16xi32>
    %jit3A_1354 = arith.constant 0 : i32
    %jit3A_1355 = arith.constant 9 : i32
    %max3A_1356 = vector.broadcast %jit3A_1354 : i32 to vector<16xi32>
    %max3A_1357 = arith.maxsi %max3A_1356, %add3A_1353 : vector<16xi32>
    %min3A_1358 = vector.broadcast %jit3A_1355 : i32 to vector<16xi32>
    %min3A_1359 = arith.minsi %min3A_1358, %max3A_1357 : vector<16xi32>
    %add3A_1360 = arith.constant 1 : i32
    %add3A_1361 = vector.broadcast %add3A_1360 : i32 to vector<16xi32>
    %add3A_1362 = arith.addi %convert_element_type3A_993, %add3A_1361 : vector<16xi32>
    %jit3A_1363 = arith.constant 0 : i32
    %jit3A_1364 = arith.constant 9 : i32
    %max3A_1365 = vector.broadcast %jit3A_1363 : i32 to vector<16xi32>
    %max3A_1366 = arith.maxsi %max3A_1365, %add3A_1362 : vector<16xi32>
    %min3A_1367 = vector.broadcast %jit3A_1364 : i32 to vector<16xi32>
    %min3A_1368 = arith.minsi %min3A_1367, %max3A_1366 : vector<16xi32>
    %convert_element_type3A_1369 = arith.sitofp %min3A_1359 : vector<16xi32> to vector<16xf32>
    %add3A_1370 = arith.constant 5.000000e-01 : f32
    %add3A_1371 = vector.broadcast %add3A_1370 : f32 to vector<16xf32>
    %add3A_1372 = arith.addf %convert_element_type3A_1369, %add3A_1371 : vector<16xf32>
    %mul3A_1373 = arith.constant 3.200000e+01 : f32
    %mul3A_1374 = vector.broadcast %mul3A_1373 : f32 to vector<16xf32>
    %mul3A_1375 = arith.mulf %add3A_1372, %mul3A_1374 : vector<16xf32>
    %convert_element_type3A_1376 = arith.sitofp %min3A_1368 : vector<16xi32> to vector<16xf32>
    %add3A_1377 = arith.constant 5.000000e-01 : f32
    %add3A_1378 = vector.broadcast %add3A_1377 : f32 to vector<16xf32>
    %add3A_1379 = arith.addf %convert_element_type3A_1376, %add3A_1378 : vector<16xf32>
    %mul3A_1380 = arith.constant 3.200000e+01 : f32
    %mul3A_1381 = vector.broadcast %mul3A_1380 : f32 to vector<16xf32>
    %mul3A_1382 = arith.mulf %add3A_1379, %mul3A_1381 : vector<16xf32>
    %sub3A_1383 = arith.subf %mul3A_46, %mul3A_1375 : vector<16xf32>
    %sub3A_1384 = arith.subf %mul3A_52, %mul3A_1382 : vector<16xf32>
    %mul3A_1385 = arith.mulf %sub3A_1383, %sub3A_1383 : vector<16xf32>
    %mul3A_1386 = arith.mulf %sub3A_1384, %sub3A_1384 : vector<16xf32>
    %add3A_1387 = arith.addf %mul3A_1385, %mul3A_1386 : vector<16xf32>
    %mul3A_1388 = arith.constant 10 : i32
    %mul3A_1389 = vector.broadcast %mul3A_1388 : i32 to vector<16xi32>
    %mul3A_1390 = arith.muli %min3A_1368, %mul3A_1389 : vector<16xi32>
    %add3A_1391 = arith.constant 2000 : i32
    %add3A_1392 = vector.broadcast %add3A_1391 : i32 to vector<16xi32>
    %add3A_1393 = arith.addi %add3A_1392, %mul3A_1390 : vector<16xi32>
    %add3A_1394 = arith.addi %add3A_1393, %min3A_1359 : vector<16xi32>
    %lt3A_1395 = arith.cmpf olt, %add3A_1387, %select_n3A_1349 : vector<16xf32>
    %eq3A_1396 = arith.cmpf oeq, %add3A_1387, %select_n3A_1349 : vector<16xf32>
    %lt3A_1397 = arith.cmpi slt, %add3A_1394, %select_n3A_1350 : vector<16xi32>
    %and3A_1398 = arith.andi %eq3A_1396, %lt3A_1397 : vector<16xi1>
    %or3A_1399 = arith.ori %lt3A_1395, %and3A_1398 : vector<16xi1>
    %select_n3A_1400 = arith.select %or3A_1399, %add3A_1387, %select_n3A_1349 : vector<16xi1>, vector<16xf32>
    %select_n3A_1401 = arith.select %or3A_1399, %add3A_1394, %select_n3A_1350 : vector<16xi1>, vector<16xi32>
    %add3A_1402 = arith.constant 1 : i32
    %add3A_1403 = vector.broadcast %add3A_1402 : i32 to vector<16xi32>
    %add3A_1404 = arith.addi %convert_element_type3A_989, %add3A_1403 : vector<16xi32>
    %jit3A_1405 = arith.constant 0 : i32
    %jit3A_1406 = arith.constant 9 : i32
    %max3A_1407 = vector.broadcast %jit3A_1405 : i32 to vector<16xi32>
    %max3A_1408 = arith.maxsi %max3A_1407, %add3A_1404 : vector<16xi32>
    %min3A_1409 = vector.broadcast %jit3A_1406 : i32 to vector<16xi32>
    %min3A_1410 = arith.minsi %min3A_1409, %max3A_1408 : vector<16xi32>
    %add3A_1411 = arith.constant 1 : i32
    %add3A_1412 = vector.broadcast %add3A_1411 : i32 to vector<16xi32>
    %add3A_1413 = arith.addi %convert_element_type3A_993, %add3A_1412 : vector<16xi32>
    %jit3A_1414 = arith.constant 0 : i32
    %jit3A_1415 = arith.constant 9 : i32
    %max3A_1416 = vector.broadcast %jit3A_1414 : i32 to vector<16xi32>
    %max3A_1417 = arith.maxsi %max3A_1416, %add3A_1413 : vector<16xi32>
    %min3A_1418 = vector.broadcast %jit3A_1415 : i32 to vector<16xi32>
    %min3A_1419 = arith.minsi %min3A_1418, %max3A_1417 : vector<16xi32>
    %convert_element_type3A_1420 = arith.sitofp %min3A_1410 : vector<16xi32> to vector<16xf32>
    %add3A_1421 = arith.constant 5.000000e-01 : f32
    %add3A_1422 = vector.broadcast %add3A_1421 : f32 to vector<16xf32>
    %add3A_1423 = arith.addf %convert_element_type3A_1420, %add3A_1422 : vector<16xf32>
    %mul3A_1424 = arith.constant 3.200000e+01 : f32
    %mul3A_1425 = vector.broadcast %mul3A_1424 : f32 to vector<16xf32>
    %mul3A_1426 = arith.mulf %add3A_1423, %mul3A_1425 : vector<16xf32>
    %convert_element_type3A_1427 = arith.sitofp %min3A_1419 : vector<16xi32> to vector<16xf32>
    %add3A_1428 = arith.constant 5.000000e-01 : f32
    %add3A_1429 = vector.broadcast %add3A_1428 : f32 to vector<16xf32>
    %add3A_1430 = arith.addf %convert_element_type3A_1427, %add3A_1429 : vector<16xf32>
    %mul3A_1431 = arith.constant 3.200000e+01 : f32
    %mul3A_1432 = vector.broadcast %mul3A_1431 : f32 to vector<16xf32>
    %mul3A_1433 = arith.mulf %add3A_1430, %mul3A_1432 : vector<16xf32>
    %sub3A_1434 = arith.subf %mul3A_46, %mul3A_1426 : vector<16xf32>
    %sub3A_1435 = arith.subf %mul3A_52, %mul3A_1433 : vector<16xf32>
    %mul3A_1436 = arith.mulf %sub3A_1434, %sub3A_1434 : vector<16xf32>
    %mul3A_1437 = arith.mulf %sub3A_1435, %sub3A_1435 : vector<16xf32>
    %add3A_1438 = arith.addf %mul3A_1436, %mul3A_1437 : vector<16xf32>
    %mul3A_1439 = arith.constant 10 : i32
    %mul3A_1440 = vector.broadcast %mul3A_1439 : i32 to vector<16xi32>
    %mul3A_1441 = arith.muli %min3A_1419, %mul3A_1440 : vector<16xi32>
    %add3A_1442 = arith.constant 2000 : i32
    %add3A_1443 = vector.broadcast %add3A_1442 : i32 to vector<16xi32>
    %add3A_1444 = arith.addi %add3A_1443, %mul3A_1441 : vector<16xi32>
    %add3A_1445 = arith.addi %add3A_1444, %min3A_1410 : vector<16xi32>
    %lt3A_1446 = arith.cmpf olt, %add3A_1438, %select_n3A_1400 : vector<16xf32>
    %eq3A_1447 = arith.cmpf oeq, %add3A_1438, %select_n3A_1400 : vector<16xf32>
    %lt3A_1448 = arith.cmpi slt, %add3A_1445, %select_n3A_1401 : vector<16xi32>
    %and3A_1449 = arith.andi %eq3A_1447, %lt3A_1448 : vector<16xi1>
    %or3A_1450 = arith.ori %lt3A_1446, %and3A_1449 : vector<16xi1>
    %select_n3A_1451 = arith.select %or3A_1450, %add3A_1438, %select_n3A_1400 : vector<16xi1>, vector<16xf32>
    %select_n3A_1452 = arith.select %or3A_1450, %add3A_1445, %select_n3A_1401 : vector<16xi1>, vector<16xi32>
    %jit3A_1453 = arith.constant -1 : i32
    %broadcast_in_dim3A_1454 = vector.broadcast %jit3A_1453 : i32 to vector<16xi32>
    %select_n3A_1455 = arith.select %lt3A_41, %select_n3A_1452, %broadcast_in_dim3A_1454 : vector<16xi1>, vector<16xi32>
    %swap3A = arith.constant 0 : index
    %swap3A_1456 = tpu.vector_load %arg6[%swap3A] {strides = array<i32>} : memref<16xi32, #tpu.memory_space<vmem>>, vector<16xi32>,
    %swap3A_1457 = vector.shape_cast %swap3A_1456 : vector<16xi32> to vector<16xi32>
    %swap3A_1458 = vector.shape_cast %select_n3A_1455 : vector<16xi32> to vector<16xi32>
    tpu.vector_store %arg6[%swap3A], %swap3A_1458 {strides = array<i32>} : memref<16xi32, #tpu.memory_space<vmem>>, vector<16xi32>,
    "tpu.region"() ({
      %run_scoped3A_2939 = tpu.sem_alloc : memref<!tpu.dma_semaphore, #tpu.memory_space<semaphore_mem>>
      %dma_start3A = tpu.memref_slice %arg3[%mul3A_3] : memref<512xi32, #tpu.memory_space<hbm>> -> memref<16xi32, #tpu.memory_space<hbm>>
      %dma_start3A_2940 = tpu.memref_slice %arg3[%mul3A_3] : memref<512xi32, #tpu.memory_space<hbm>> -> memref<16xi32, #tpu.memory_space<hbm>>
      tpu.enqueue_dma source(%arg6 : memref<16xi32, #tpu.memory_space<vmem>>) target(%dma_start3A_2940 : memref<16xi32, #tpu.memory_space<hbm>>) target_semaphore(%run_scoped3A_2939 : memref<!tpu.dma_semaphore, #tpu.memory_space<semaphore_mem>>)
      %dma_wait3A = tpu.memref_slice %arg3[%mul3A_3] : memref<512xi32, #tpu.memory_space<hbm>> -> memref<16xi32, #tpu.memory_space<hbm>>
      %dma_wait3A_2941 = tpu.memref_slice %arg3[%mul3A_3] : memref<512xi32, #tpu.memory_space<hbm>> -> memref<16xi32, #tpu.memory_space<hbm>>
      tpu.wait_dma2 semaphore(%run_scoped3A_2939 : memref<!tpu.dma_semaphore, #tpu.memory_space<semaphore_mem>>) src(%arg6 : memref<16xi32, #tpu.memory_space<vmem>>) dst(%dma_wait3A_2941 : memref<16xi32, #tpu.memory_space<hbm>>)
      tpu.yield
    }) : () -> ()
    %mul3A_1459 = arith.constant 2 : i32
    %mul3A_1460 = arith.muli %arg1, %mul3A_1459 : i32
    %add3A_1461 = arith.constant 1 : i32
    %add3A_1462 = arith.addi %mul3A_1460, %add3A_1461 : i32
    %mul3A_1463 = arith.constant 16 : i32
    %mul3A_1464 = arith.muli %add3A_1462, %mul3A_1463 : i32
    %jit3A_1465 = arith.constant 4 : i32
    %eq3A_1466 = arith.constant 0 : i32
    %eq3A_1467 = arith.cmpi eq, %jit3A_1465, %eq3A_1466 : i32
    %jit3A_1468 = arith.constant 1 : i32
    %select_n3A_1469 = arith.select %eq3A_1467, %jit3A_1468, %jit3A_1465 : i32
    %rem3A_1470 = arith.remsi %add3A_1462, %select_n3A_1469 : i32
    %ne3A_1471 = arith.constant 0 : i32
    %ne3A_1472 = arith.cmpi ne, %rem3A_1470, %ne3A_1471 : i32
    %lt3A_1473 = arith.constant 0 : i32
    %lt3A_1474 = arith.cmpi slt, %rem3A_1470, %lt3A_1473 : i32
    %lt3A_1475 = arith.constant 0 : i32
    %lt3A_1476 = arith.cmpi slt, %select_n3A_1469, %lt3A_1475 : i32
    %ne3A_1477 = arith.xori %lt3A_1474, %lt3A_1476 : i1
    %and3A_1478 = arith.andi %ne3A_1477, %ne3A_1472 : i1
    %add3A_1479 = arith.addi %rem3A_1470, %select_n3A_1469 : i32
    %select_n3A_1480 = arith.select %and3A_1478, %add3A_1479, %rem3A_1470 : i32
    %mul3A_1481 = arith.constant 16 : i32
    %mul3A_1482 = arith.muli %select_n3A_1480, %mul3A_1481 : i32
    %jit3A_1483 = arith.constant 4 : i32
    %div3A_1484 = arith.divsi %add3A_1462, %jit3A_1483 : i32
    %sign3A_1485 = arith.constant 0 : i32
    %sign3A_1486 = arith.cmpi sgt, %add3A_1462, %sign3A_1485 : i32
    %sign3A_1487 = arith.extui %sign3A_1486 : i1 to i32
    %sign3A_1488 = arith.constant 0 : i32
    %sign3A_1489 = arith.cmpi slt, %add3A_1462, %sign3A_1488 : i32
    %sign3A_1490 = arith.extui %sign3A_1489 : i1 to i32
    %sign3A_1491 = arith.subi %sign3A_1487, %sign3A_1490 : i32
    %sign3A_1492 = arith.constant 0 : i32
    %sign3A_1493 = arith.cmpi sgt, %jit3A_1483, %sign3A_1492 : i32
    %sign3A_1494 = arith.extui %sign3A_1493 : i1 to i32
    %sign3A_1495 = arith.constant 0 : i32
    %sign3A_1496 = arith.cmpi slt, %jit3A_1483, %sign3A_1495 : i32
    %sign3A_1497 = arith.extui %sign3A_1496 : i1 to i32
    %sign3A_1498 = arith.subi %sign3A_1494, %sign3A_1497 : i32
    %ne3A_1499 = arith.cmpi ne, %sign3A_1491, %sign3A_1498 : i32
    %rem3A_1500 = arith.remsi %add3A_1462, %jit3A_1483 : i32
    %ne3A_1501 = arith.constant 0 : i32
    %ne3A_1502 = arith.cmpi ne, %rem3A_1500, %ne3A_1501 : i32
    %and3A_1503 = arith.andi %ne3A_1499, %ne3A_1502 : i1
    %sub3A_1504 = arith.constant 1 : i32
    %sub3A_1505 = arith.subi %div3A_1484, %sub3A_1504 : i32
    %select_n3A_1506 = arith.select %and3A_1503, %sub3A_1505, %div3A_1484 : i32
    %run_scoped3A_1507 = arith.constant 0 : i32
    "tpu.region"() ({
      %run_scoped3A_2939 = tpu.sem_alloc : memref<!tpu.dma_semaphore, #tpu.memory_space<semaphore_mem>>
      %dma_start3A = tpu.memref_slice %arg2[%run_scoped3A_1507, %select_n3A_1506, %mul3A_1482] : memref<2x8x64xf32, #tpu.memory_space<hbm>> -> memref<1x1x16xf32, #tpu.memory_space<hbm>>
      %dma_start3A_2940 = tpu.memref_squeeze %dma_start3A : memref<1x1x16xf32, #tpu.memory_space<hbm>> -> memref<16xf32, #tpu.memory_space<hbm>>
      %dma_start3A_2941 = tpu.memref_slice %arg2[%run_scoped3A_1507, %select_n3A_1506, %mul3A_1482] : memref<2x8x64xf32, #tpu.memory_space<hbm>> -> memref<1x1x16xf32, #tpu.memory_space<hbm>>
      %dma_start3A_2942 = tpu.memref_squeeze %dma_start3A_2941 : memref<1x1x16xf32, #tpu.memory_space<hbm>> -> memref<16xf32, #tpu.memory_space<hbm>>
      tpu.enqueue_dma source(%dma_start3A_2942 : memref<16xf32, #tpu.memory_space<hbm>>) target(%arg4 : memref<16xf32, #tpu.memory_space<vmem>>) target_semaphore(%run_scoped3A_2939 : memref<!tpu.dma_semaphore, #tpu.memory_space<semaphore_mem>>)
      %dma_wait3A = tpu.memref_slice %arg2[%run_scoped3A_1507, %select_n3A_1506, %mul3A_1482] : memref<2x8x64xf32, #tpu.memory_space<hbm>> -> memref<1x1x16xf32, #tpu.memory_space<hbm>>
      %dma_wait3A_2943 = tpu.memref_squeeze %dma_wait3A : memref<1x1x16xf32, #tpu.memory_space<hbm>> -> memref<16xf32, #tpu.memory_space<hbm>>
      %dma_wait3A_2944 = tpu.memref_slice %arg2[%run_scoped3A_1507, %select_n3A_1506, %mul3A_1482] : memref<2x8x64xf32, #tpu.memory_space<hbm>> -> memref<1x1x16xf32, #tpu.memory_space<hbm>>
      %dma_wait3A_2945 = tpu.memref_squeeze %dma_wait3A_2944 : memref<1x1x16xf32, #tpu.memory_space<hbm>> -> memref<16xf32, #tpu.memory_space<hbm>>
      tpu.wait_dma2 semaphore(%run_scoped3A_2939 : memref<!tpu.dma_semaphore, #tpu.memory_space<semaphore_mem>>) src(%dma_wait3A_2945 : memref<16xf32, #tpu.memory_space<hbm>>) dst(%arg4 : memref<16xf32, #tpu.memory_space<vmem>>)
      tpu.yield
    }) : () -> ()
    %run_scoped3A_1508 = arith.constant 1 : i32
    "tpu.region"() ({
      %run_scoped3A_2939 = tpu.sem_alloc : memref<!tpu.dma_semaphore, #tpu.memory_space<semaphore_mem>>
      %dma_start3A = tpu.memref_slice %arg2[%run_scoped3A_1508, %select_n3A_1506, %mul3A_1482] : memref<2x8x64xf32, #tpu.memory_space<hbm>> -> memref<1x1x16xf32, #tpu.memory_space<hbm>>
      %dma_start3A_2940 = tpu.memref_squeeze %dma_start3A : memref<1x1x16xf32, #tpu.memory_space<hbm>> -> memref<16xf32, #tpu.memory_space<hbm>>
      %dma_start3A_2941 = tpu.memref_slice %arg2[%run_scoped3A_1508, %select_n3A_1506, %mul3A_1482] : memref<2x8x64xf32, #tpu.memory_space<hbm>> -> memref<1x1x16xf32, #tpu.memory_space<hbm>>
      %dma_start3A_2942 = tpu.memref_squeeze %dma_start3A_2941 : memref<1x1x16xf32, #tpu.memory_space<hbm>> -> memref<16xf32, #tpu.memory_space<hbm>>
      tpu.enqueue_dma source(%dma_start3A_2942 : memref<16xf32, #tpu.memory_space<hbm>>) target(%arg5 : memref<16xf32, #tpu.memory_space<vmem>>) target_semaphore(%run_scoped3A_2939 : memref<!tpu.dma_semaphore, #tpu.memory_space<semaphore_mem>>)
      %dma_wait3A = tpu.memref_slice %arg2[%run_scoped3A_1508, %select_n3A_1506, %mul3A_1482] : memref<2x8x64xf32, #tpu.memory_space<hbm>> -> memref<1x1x16xf32, #tpu.memory_space<hbm>>
      %dma_wait3A_2943 = tpu.memref_squeeze %dma_wait3A : memref<1x1x16xf32, #tpu.memory_space<hbm>> -> memref<16xf32, #tpu.memory_space<hbm>>
      %dma_wait3A_2944 = tpu.memref_slice %arg2[%run_scoped3A_1508, %select_n3A_1506, %mul3A_1482] : memref<2x8x64xf32, #tpu.memory_space<hbm>> -> memref<1x1x16xf32, #tpu.memory_space<hbm>>
      %dma_wait3A_2945 = tpu.memref_squeeze %dma_wait3A_2944 : memref<1x1x16xf32, #tpu.memory_space<hbm>> -> memref<16xf32, #tpu.memory_space<hbm>>
      tpu.wait_dma2 semaphore(%run_scoped3A_2939 : memref<!tpu.dma_semaphore, #tpu.memory_space<semaphore_mem>>) src(%dma_wait3A_2945 : memref<16xf32, #tpu.memory_space<hbm>>) dst(%arg5 : memref<16xf32, #tpu.memory_space<vmem>>)
      tpu.yield
    }) : () -> ()
    %iota3A_1509 = tpu.iota {dimensions = array<i32: 0>} : vector<16xi32>
    %add3A_1510 = vector.broadcast %mul3A_1482 : i32 to vector<16xi32>
    %add3A_1511 = arith.addi %add3A_1510, %iota3A_1509 : vector<16xi32>
    %lt3A_1512 = arith.constant 50 : i32
    %lt3A_1513 = vector.broadcast %lt3A_1512 : i32 to vector<16xi32>
    %lt3A_1514 = arith.cmpi slt, %add3A_1511, %lt3A_1513 : vector<16xi32>
    %get3A_1515 = arith.constant 0 : index
    %get3A_1516 = tpu.vector_load %arg4[%get3A_1515] {strides = array<i32>} : memref<16xf32, #tpu.memory_space<vmem>>, vector<16xf32>,
    %get3A_1517 = vector.shape_cast %get3A_1516 : vector<16xf32> to vector<16xf32>
    %mul3A_1518 = arith.constant 3.200000e+02 : f32
    %mul3A_1519 = vector.broadcast %mul3A_1518 : f32 to vector<16xf32>
    %mul3A_1520 = arith.mulf %get3A_1517, %mul3A_1519 : vector<16xf32>
    %get3A_1521 = arith.constant 0 : index
    %get3A_1522 = tpu.vector_load %arg5[%get3A_1521] {strides = array<i32>} : memref<16xf32, #tpu.memory_space<vmem>>, vector<16xf32>,
    %get3A_1523 = vector.shape_cast %get3A_1522 : vector<16xf32> to vector<16xf32>
    %mul3A_1524 = arith.constant 3.200000e+02 : f32
    %mul3A_1525 = vector.broadcast %mul3A_1524 : f32 to vector<16xf32>
    %mul3A_1526 = arith.mulf %get3A_1523, %mul3A_1525 : vector<16xf32>
    %broadcast_in_dim3A_1527 = arith.constant 1.000000e+30 : f32
    %broadcast_in_dim3A_1528 = vector.broadcast %broadcast_in_dim3A_1527 : f32 to vector<16xf32>
    %broadcast_in_dim3A_1529 = arith.constant 0 : i32
    %broadcast_in_dim3A_1530 = vector.broadcast %broadcast_in_dim3A_1529 : i32 to vector<16xi32>
    %mul3A_1531 = arith.constant 1.250000e-01 : f32
    %mul3A_1532 = vector.broadcast %mul3A_1531 : f32 to vector<16xf32>
    %mul3A_1533 = arith.mulf %mul3A_1520, %mul3A_1532 : vector<16xf32>
    %convert_element_type3A_1534 = arith.fptosi %mul3A_1533 : vector<16xf32> to vector<16xi32>
    %mul3A_1535 = arith.constant 1.250000e-01 : f32
    %mul3A_1536 = vector.broadcast %mul3A_1535 : f32 to vector<16xf32>
    %mul3A_1537 = arith.mulf %mul3A_1526, %mul3A_1536 : vector<16xf32>
    %convert_element_type3A_1538 = arith.fptosi %mul3A_1537 : vector<16xf32> to vector<16xi32>
    %add3A_1539 = arith.constant -1 : i32
    %add3A_1540 = vector.broadcast %add3A_1539 : i32 to vector<16xi32>
    %add3A_1541 = arith.addi %convert_element_type3A_1534, %add3A_1540 : vector<16xi32>
    %jit3A_1542 = arith.constant 0 : i32
    %jit3A_1543 = arith.constant 39 : i32
    %max3A_1544 = vector.broadcast %jit3A_1542 : i32 to vector<16xi32>
    %max3A_1545 = arith.maxsi %max3A_1544, %add3A_1541 : vector<16xi32>
    %min3A_1546 = vector.broadcast %jit3A_1543 : i32 to vector<16xi32>
    %min3A_1547 = arith.minsi %min3A_1546, %max3A_1545 : vector<16xi32>
    %add3A_1548 = arith.constant -1 : i32
    %add3A_1549 = vector.broadcast %add3A_1548 : i32 to vector<16xi32>
    %add3A_1550 = arith.addi %convert_element_type3A_1538, %add3A_1549 : vector<16xi32>
    %jit3A_1551 = arith.constant 0 : i32
    %jit3A_1552 = arith.constant 39 : i32
    %max3A_1553 = vector.broadcast %jit3A_1551 : i32 to vector<16xi32>
    %max3A_1554 = arith.maxsi %max3A_1553, %add3A_1550 : vector<16xi32>
    %min3A_1555 = vector.broadcast %jit3A_1552 : i32 to vector<16xi32>
    %min3A_1556 = arith.minsi %min3A_1555, %max3A_1554 : vector<16xi32>
    %convert_element_type3A_1557 = arith.sitofp %min3A_1547 : vector<16xi32> to vector<16xf32>
    %add3A_1558 = arith.constant 5.000000e-01 : f32
    %add3A_1559 = vector.broadcast %add3A_1558 : f32 to vector<16xf32>
    %add3A_1560 = arith.addf %convert_element_type3A_1557, %add3A_1559 : vector<16xf32>
    %mul3A_1561 = arith.constant 8.000000e+00 : f32
    %mul3A_1562 = vector.broadcast %mul3A_1561 : f32 to vector<16xf32>
    %mul3A_1563 = arith.mulf %add3A_1560, %mul3A_1562 : vector<16xf32>
    %convert_element_type3A_1564 = arith.sitofp %min3A_1556 : vector<16xi32> to vector<16xf32>
    %add3A_1565 = arith.constant 5.000000e-01 : f32
    %add3A_1566 = vector.broadcast %add3A_1565 : f32 to vector<16xf32>
    %add3A_1567 = arith.addf %convert_element_type3A_1564, %add3A_1566 : vector<16xf32>
    %mul3A_1568 = arith.constant 8.000000e+00 : f32
    %mul3A_1569 = vector.broadcast %mul3A_1568 : f32 to vector<16xf32>
    %mul3A_1570 = arith.mulf %add3A_1567, %mul3A_1569 : vector<16xf32>
    %sub3A_1571 = arith.subf %mul3A_1520, %mul3A_1563 : vector<16xf32>
    %sub3A_1572 = arith.subf %mul3A_1526, %mul3A_1570 : vector<16xf32>
    %mul3A_1573 = arith.mulf %sub3A_1571, %sub3A_1571 : vector<16xf32>
    %mul3A_1574 = arith.mulf %sub3A_1572, %sub3A_1572 : vector<16xf32>
    %add3A_1575 = arith.addf %mul3A_1573, %mul3A_1574 : vector<16xf32>
    %mul3A_1576 = arith.constant 40 : i32
    %mul3A_1577 = vector.broadcast %mul3A_1576 : i32 to vector<16xi32>
    %mul3A_1578 = arith.muli %min3A_1556, %mul3A_1577 : vector<16xi32>
    %add3A_1579 = arith.constant 0 : i32
    %add3A_1580 = vector.broadcast %add3A_1579 : i32 to vector<16xi32>
    %add3A_1581 = arith.addi %add3A_1580, %mul3A_1578 : vector<16xi32>
    %add3A_1582 = arith.addi %add3A_1581, %min3A_1547 : vector<16xi32>
    %lt3A_1583 = arith.cmpf olt, %add3A_1575, %broadcast_in_dim3A_1528 : vector<16xf32>
    %eq3A_1584 = arith.cmpf oeq, %add3A_1575, %broadcast_in_dim3A_1528 : vector<16xf32>
    %lt3A_1585 = arith.cmpi slt, %add3A_1582, %broadcast_in_dim3A_1530 : vector<16xi32>
    %and3A_1586 = arith.andi %eq3A_1584, %lt3A_1585 : vector<16xi1>
    %or3A_1587 = arith.ori %lt3A_1583, %and3A_1586 : vector<16xi1>
    %select_n3A_1588 = arith.select %or3A_1587, %add3A_1575, %broadcast_in_dim3A_1528 : vector<16xi1>, vector<16xf32>
    %select_n3A_1589 = arith.select %or3A_1587, %add3A_1582, %broadcast_in_dim3A_1530 : vector<16xi1>, vector<16xi32>
    %add3A_1590 = arith.constant 0 : i32
    %add3A_1591 = vector.broadcast %add3A_1590 : i32 to vector<16xi32>
    %add3A_1592 = arith.addi %convert_element_type3A_1534, %add3A_1591 : vector<16xi32>
    %jit3A_1593 = arith.constant 0 : i32
    %jit3A_1594 = arith.constant 39 : i32
    %max3A_1595 = vector.broadcast %jit3A_1593 : i32 to vector<16xi32>
    %max3A_1596 = arith.maxsi %max3A_1595, %add3A_1592 : vector<16xi32>
    %min3A_1597 = vector.broadcast %jit3A_1594 : i32 to vector<16xi32>
    %min3A_1598 = arith.minsi %min3A_1597, %max3A_1596 : vector<16xi32>
    %add3A_1599 = arith.constant -1 : i32
    %add3A_1600 = vector.broadcast %add3A_1599 : i32 to vector<16xi32>
    %add3A_1601 = arith.addi %convert_element_type3A_1538, %add3A_1600 : vector<16xi32>
    %jit3A_1602 = arith.constant 0 : i32
    %jit3A_1603 = arith.constant 39 : i32
    %max3A_1604 = vector.broadcast %jit3A_1602 : i32 to vector<16xi32>
    %max3A_1605 = arith.maxsi %max3A_1604, %add3A_1601 : vector<16xi32>
    %min3A_1606 = vector.broadcast %jit3A_1603 : i32 to vector<16xi32>
    %min3A_1607 = arith.minsi %min3A_1606, %max3A_1605 : vector<16xi32>
    %convert_element_type3A_1608 = arith.sitofp %min3A_1598 : vector<16xi32> to vector<16xf32>
    %add3A_1609 = arith.constant 5.000000e-01 : f32
    %add3A_1610 = vector.broadcast %add3A_1609 : f32 to vector<16xf32>
    %add3A_1611 = arith.addf %convert_element_type3A_1608, %add3A_1610 : vector<16xf32>
    %mul3A_1612 = arith.constant 8.000000e+00 : f32
    %mul3A_1613 = vector.broadcast %mul3A_1612 : f32 to vector<16xf32>
    %mul3A_1614 = arith.mulf %add3A_1611, %mul3A_1613 : vector<16xf32>
    %convert_element_type3A_1615 = arith.sitofp %min3A_1607 : vector<16xi32> to vector<16xf32>
    %add3A_1616 = arith.constant 5.000000e-01 : f32
    %add3A_1617 = vector.broadcast %add3A_1616 : f32 to vector<16xf32>
    %add3A_1618 = arith.addf %convert_element_type3A_1615, %add3A_1617 : vector<16xf32>
    %mul3A_1619 = arith.constant 8.000000e+00 : f32
    %mul3A_1620 = vector.broadcast %mul3A_1619 : f32 to vector<16xf32>
    %mul3A_1621 = arith.mulf %add3A_1618, %mul3A_1620 : vector<16xf32>
    %sub3A_1622 = arith.subf %mul3A_1520, %mul3A_1614 : vector<16xf32>
    %sub3A_1623 = arith.subf %mul3A_1526, %mul3A_1621 : vector<16xf32>
    %mul3A_1624 = arith.mulf %sub3A_1622, %sub3A_1622 : vector<16xf32>
    %mul3A_1625 = arith.mulf %sub3A_1623, %sub3A_1623 : vector<16xf32>
    %add3A_1626 = arith.addf %mul3A_1624, %mul3A_1625 : vector<16xf32>
    %mul3A_1627 = arith.constant 40 : i32
    %mul3A_1628 = vector.broadcast %mul3A_1627 : i32 to vector<16xi32>
    %mul3A_1629 = arith.muli %min3A_1607, %mul3A_1628 : vector<16xi32>
    %add3A_1630 = arith.constant 0 : i32
    %add3A_1631 = vector.broadcast %add3A_1630 : i32 to vector<16xi32>
    %add3A_1632 = arith.addi %add3A_1631, %mul3A_1629 : vector<16xi32>
    %add3A_1633 = arith.addi %add3A_1632, %min3A_1598 : vector<16xi32>
    %lt3A_1634 = arith.cmpf olt, %add3A_1626, %select_n3A_1588 : vector<16xf32>
    %eq3A_1635 = arith.cmpf oeq, %add3A_1626, %select_n3A_1588 : vector<16xf32>
    %lt3A_1636 = arith.cmpi slt, %add3A_1633, %select_n3A_1589 : vector<16xi32>
    %and3A_1637 = arith.andi %eq3A_1635, %lt3A_1636 : vector<16xi1>
    %or3A_1638 = arith.ori %lt3A_1634, %and3A_1637 : vector<16xi1>
    %select_n3A_1639 = arith.select %or3A_1638, %add3A_1626, %select_n3A_1588 : vector<16xi1>, vector<16xf32>
    %select_n3A_1640 = arith.select %or3A_1638, %add3A_1633, %select_n3A_1589 : vector<16xi1>, vector<16xi32>
    %add3A_1641 = arith.constant 1 : i32
    %add3A_1642 = vector.broadcast %add3A_1641 : i32 to vector<16xi32>
    %add3A_1643 = arith.addi %convert_element_type3A_1534, %add3A_1642 : vector<16xi32>
    %jit3A_1644 = arith.constant 0 : i32
    %jit3A_1645 = arith.constant 39 : i32
    %max3A_1646 = vector.broadcast %jit3A_1644 : i32 to vector<16xi32>
    %max3A_1647 = arith.maxsi %max3A_1646, %add3A_1643 : vector<16xi32>
    %min3A_1648 = vector.broadcast %jit3A_1645 : i32 to vector<16xi32>
    %min3A_1649 = arith.minsi %min3A_1648, %max3A_1647 : vector<16xi32>
    %add3A_1650 = arith.constant -1 : i32
    %add3A_1651 = vector.broadcast %add3A_1650 : i32 to vector<16xi32>
    %add3A_1652 = arith.addi %convert_element_type3A_1538, %add3A_1651 : vector<16xi32>
    %jit3A_1653 = arith.constant 0 : i32
    %jit3A_1654 = arith.constant 39 : i32
    %max3A_1655 = vector.broadcast %jit3A_1653 : i32 to vector<16xi32>
    %max3A_1656 = arith.maxsi %max3A_1655, %add3A_1652 : vector<16xi32>
    %min3A_1657 = vector.broadcast %jit3A_1654 : i32 to vector<16xi32>
    %min3A_1658 = arith.minsi %min3A_1657, %max3A_1656 : vector<16xi32>
    %convert_element_type3A_1659 = arith.sitofp %min3A_1649 : vector<16xi32> to vector<16xf32>
    %add3A_1660 = arith.constant 5.000000e-01 : f32
    %add3A_1661 = vector.broadcast %add3A_1660 : f32 to vector<16xf32>
    %add3A_1662 = arith.addf %convert_element_type3A_1659, %add3A_1661 : vector<16xf32>
    %mul3A_1663 = arith.constant 8.000000e+00 : f32
    %mul3A_1664 = vector.broadcast %mul3A_1663 : f32 to vector<16xf32>
    %mul3A_1665 = arith.mulf %add3A_1662, %mul3A_1664 : vector<16xf32>
    %convert_element_type3A_1666 = arith.sitofp %min3A_1658 : vector<16xi32> to vector<16xf32>
    %add3A_1667 = arith.constant 5.000000e-01 : f32
    %add3A_1668 = vector.broadcast %add3A_1667 : f32 to vector<16xf32>
    %add3A_1669 = arith.addf %convert_element_type3A_1666, %add3A_1668 : vector<16xf32>
    %mul3A_1670 = arith.constant 8.000000e+00 : f32
    %mul3A_1671 = vector.broadcast %mul3A_1670 : f32 to vector<16xf32>
    %mul3A_1672 = arith.mulf %add3A_1669, %mul3A_1671 : vector<16xf32>
    %sub3A_1673 = arith.subf %mul3A_1520, %mul3A_1665 : vector<16xf32>
    %sub3A_1674 = arith.subf %mul3A_1526, %mul3A_1672 : vector<16xf32>
    %mul3A_1675 = arith.mulf %sub3A_1673, %sub3A_1673 : vector<16xf32>
    %mul3A_1676 = arith.mulf %sub3A_1674, %sub3A_1674 : vector<16xf32>
    %add3A_1677 = arith.addf %mul3A_1675, %mul3A_1676 : vector<16xf32>
    %mul3A_1678 = arith.constant 40 : i32
    %mul3A_1679 = vector.broadcast %mul3A_1678 : i32 to vector<16xi32>
    %mul3A_1680 = arith.muli %min3A_1658, %mul3A_1679 : vector<16xi32>
    %add3A_1681 = arith.constant 0 : i32
    %add3A_1682 = vector.broadcast %add3A_1681 : i32 to vector<16xi32>
    %add3A_1683 = arith.addi %add3A_1682, %mul3A_1680 : vector<16xi32>
    %add3A_1684 = arith.addi %add3A_1683, %min3A_1649 : vector<16xi32>
    %lt3A_1685 = arith.cmpf olt, %add3A_1677, %select_n3A_1639 : vector<16xf32>
    %eq3A_1686 = arith.cmpf oeq, %add3A_1677, %select_n3A_1639 : vector<16xf32>
    %lt3A_1687 = arith.cmpi slt, %add3A_1684, %select_n3A_1640 : vector<16xi32>
    %and3A_1688 = arith.andi %eq3A_1686, %lt3A_1687 : vector<16xi1>
    %or3A_1689 = arith.ori %lt3A_1685, %and3A_1688 : vector<16xi1>
    %select_n3A_1690 = arith.select %or3A_1689, %add3A_1677, %select_n3A_1639 : vector<16xi1>, vector<16xf32>
    %select_n3A_1691 = arith.select %or3A_1689, %add3A_1684, %select_n3A_1640 : vector<16xi1>, vector<16xi32>
    %add3A_1692 = arith.constant -1 : i32
    %add3A_1693 = vector.broadcast %add3A_1692 : i32 to vector<16xi32>
    %add3A_1694 = arith.addi %convert_element_type3A_1534, %add3A_1693 : vector<16xi32>
    %jit3A_1695 = arith.constant 0 : i32
    %jit3A_1696 = arith.constant 39 : i32
    %max3A_1697 = vector.broadcast %jit3A_1695 : i32 to vector<16xi32>
    %max3A_1698 = arith.maxsi %max3A_1697, %add3A_1694 : vector<16xi32>
    %min3A_1699 = vector.broadcast %jit3A_1696 : i32 to vector<16xi32>
    %min3A_1700 = arith.minsi %min3A_1699, %max3A_1698 : vector<16xi32>
    %add3A_1701 = arith.constant 0 : i32
    %add3A_1702 = vector.broadcast %add3A_1701 : i32 to vector<16xi32>
    %add3A_1703 = arith.addi %convert_element_type3A_1538, %add3A_1702 : vector<16xi32>
    %jit3A_1704 = arith.constant 0 : i32
    %jit3A_1705 = arith.constant 39 : i32
    %max3A_1706 = vector.broadcast %jit3A_1704 : i32 to vector<16xi32>
    %max3A_1707 = arith.maxsi %max3A_1706, %add3A_1703 : vector<16xi32>
    %min3A_1708 = vector.broadcast %jit3A_1705 : i32 to vector<16xi32>
    %min3A_1709 = arith.minsi %min3A_1708, %max3A_1707 : vector<16xi32>
    %convert_element_type3A_1710 = arith.sitofp %min3A_1700 : vector<16xi32> to vector<16xf32>
    %add3A_1711 = arith.constant 5.000000e-01 : f32
    %add3A_1712 = vector.broadcast %add3A_1711 : f32 to vector<16xf32>
    %add3A_1713 = arith.addf %convert_element_type3A_1710, %add3A_1712 : vector<16xf32>
    %mul3A_1714 = arith.constant 8.000000e+00 : f32
    %mul3A_1715 = vector.broadcast %mul3A_1714 : f32 to vector<16xf32>
    %mul3A_1716 = arith.mulf %add3A_1713, %mul3A_1715 : vector<16xf32>
    %convert_element_type3A_1717 = arith.sitofp %min3A_1709 : vector<16xi32> to vector<16xf32>
    %add3A_1718 = arith.constant 5.000000e-01 : f32
    %add3A_1719 = vector.broadcast %add3A_1718 : f32 to vector<16xf32>
    %add3A_1720 = arith.addf %convert_element_type3A_1717, %add3A_1719 : vector<16xf32>
    %mul3A_1721 = arith.constant 8.000000e+00 : f32
    %mul3A_1722 = vector.broadcast %mul3A_1721 : f32 to vector<16xf32>
    %mul3A_1723 = arith.mulf %add3A_1720, %mul3A_1722 : vector<16xf32>
    %sub3A_1724 = arith.subf %mul3A_1520, %mul3A_1716 : vector<16xf32>
    %sub3A_1725 = arith.subf %mul3A_1526, %mul3A_1723 : vector<16xf32>
    %mul3A_1726 = arith.mulf %sub3A_1724, %sub3A_1724 : vector<16xf32>
    %mul3A_1727 = arith.mulf %sub3A_1725, %sub3A_1725 : vector<16xf32>
    %add3A_1728 = arith.addf %mul3A_1726, %mul3A_1727 : vector<16xf32>
    %mul3A_1729 = arith.constant 40 : i32
    %mul3A_1730 = vector.broadcast %mul3A_1729 : i32 to vector<16xi32>
    %mul3A_1731 = arith.muli %min3A_1709, %mul3A_1730 : vector<16xi32>
    %add3A_1732 = arith.constant 0 : i32
    %add3A_1733 = vector.broadcast %add3A_1732 : i32 to vector<16xi32>
    %add3A_1734 = arith.addi %add3A_1733, %mul3A_1731 : vector<16xi32>
    %add3A_1735 = arith.addi %add3A_1734, %min3A_1700 : vector<16xi32>
    %lt3A_1736 = arith.cmpf olt, %add3A_1728, %select_n3A_1690 : vector<16xf32>
    %eq3A_1737 = arith.cmpf oeq, %add3A_1728, %select_n3A_1690 : vector<16xf32>
    %lt3A_1738 = arith.cmpi slt, %add3A_1735, %select_n3A_1691 : vector<16xi32>
    %and3A_1739 = arith.andi %eq3A_1737, %lt3A_1738 : vector<16xi1>
    %or3A_1740 = arith.ori %lt3A_1736, %and3A_1739 : vector<16xi1>
    %select_n3A_1741 = arith.select %or3A_1740, %add3A_1728, %select_n3A_1690 : vector<16xi1>, vector<16xf32>
    %select_n3A_1742 = arith.select %or3A_1740, %add3A_1735, %select_n3A_1691 : vector<16xi1>, vector<16xi32>
    %add3A_1743 = arith.constant 0 : i32
    %add3A_1744 = vector.broadcast %add3A_1743 : i32 to vector<16xi32>
    %add3A_1745 = arith.addi %convert_element_type3A_1534, %add3A_1744 : vector<16xi32>
    %jit3A_1746 = arith.constant 0 : i32
    %jit3A_1747 = arith.constant 39 : i32
    %max3A_1748 = vector.broadcast %jit3A_1746 : i32 to vector<16xi32>
    %max3A_1749 = arith.maxsi %max3A_1748, %add3A_1745 : vector<16xi32>
    %min3A_1750 = vector.broadcast %jit3A_1747 : i32 to vector<16xi32>
    %min3A_1751 = arith.minsi %min3A_1750, %max3A_1749 : vector<16xi32>
    %add3A_1752 = arith.constant 0 : i32
    %add3A_1753 = vector.broadcast %add3A_1752 : i32 to vector<16xi32>
    %add3A_1754 = arith.addi %convert_element_type3A_1538, %add3A_1753 : vector<16xi32>
    %jit3A_1755 = arith.constant 0 : i32
    %jit3A_1756 = arith.constant 39 : i32
    %max3A_1757 = vector.broadcast %jit3A_1755 : i32 to vector<16xi32>
    %max3A_1758 = arith.maxsi %max3A_1757, %add3A_1754 : vector<16xi32>
    %min3A_1759 = vector.broadcast %jit3A_1756 : i32 to vector<16xi32>
    %min3A_1760 = arith.minsi %min3A_1759, %max3A_1758 : vector<16xi32>
    %convert_element_type3A_1761 = arith.sitofp %min3A_1751 : vector<16xi32> to vector<16xf32>
    %add3A_1762 = arith.constant 5.000000e-01 : f32
    %add3A_1763 = vector.broadcast %add3A_1762 : f32 to vector<16xf32>
    %add3A_1764 = arith.addf %convert_element_type3A_1761, %add3A_1763 : vector<16xf32>
    %mul3A_1765 = arith.constant 8.000000e+00 : f32
    %mul3A_1766 = vector.broadcast %mul3A_1765 : f32 to vector<16xf32>
    %mul3A_1767 = arith.mulf %add3A_1764, %mul3A_1766 : vector<16xf32>
    %convert_element_type3A_1768 = arith.sitofp %min3A_1760 : vector<16xi32> to vector<16xf32>
    %add3A_1769 = arith.constant 5.000000e-01 : f32
    %add3A_1770 = vector.broadcast %add3A_1769 : f32 to vector<16xf32>
    %add3A_1771 = arith.addf %convert_element_type3A_1768, %add3A_1770 : vector<16xf32>
    %mul3A_1772 = arith.constant 8.000000e+00 : f32
    %mul3A_1773 = vector.broadcast %mul3A_1772 : f32 to vector<16xf32>
    %mul3A_1774 = arith.mulf %add3A_1771, %mul3A_1773 : vector<16xf32>
    %sub3A_1775 = arith.subf %mul3A_1520, %mul3A_1767 : vector<16xf32>
    %sub3A_1776 = arith.subf %mul3A_1526, %mul3A_1774 : vector<16xf32>
    %mul3A_1777 = arith.mulf %sub3A_1775, %sub3A_1775 : vector<16xf32>
    %mul3A_1778 = arith.mulf %sub3A_1776, %sub3A_1776 : vector<16xf32>
    %add3A_1779 = arith.addf %mul3A_1777, %mul3A_1778 : vector<16xf32>
    %mul3A_1780 = arith.constant 40 : i32
    %mul3A_1781 = vector.broadcast %mul3A_1780 : i32 to vector<16xi32>
    %mul3A_1782 = arith.muli %min3A_1760, %mul3A_1781 : vector<16xi32>
    %add3A_1783 = arith.constant 0 : i32
    %add3A_1784 = vector.broadcast %add3A_1783 : i32 to vector<16xi32>
    %add3A_1785 = arith.addi %add3A_1784, %mul3A_1782 : vector<16xi32>
    %add3A_1786 = arith.addi %add3A_1785, %min3A_1751 : vector<16xi32>
    %lt3A_1787 = arith.cmpf olt, %add3A_1779, %select_n3A_1741 : vector<16xf32>
    %eq3A_1788 = arith.cmpf oeq, %add3A_1779, %select_n3A_1741 : vector<16xf32>
    %lt3A_1789 = arith.cmpi slt, %add3A_1786, %select_n3A_1742 : vector<16xi32>
    %and3A_1790 = arith.andi %eq3A_1788, %lt3A_1789 : vector<16xi1>
    %or3A_1791 = arith.ori %lt3A_1787, %and3A_1790 : vector<16xi1>
    %select_n3A_1792 = arith.select %or3A_1791, %add3A_1779, %select_n3A_1741 : vector<16xi1>, vector<16xf32>
    %select_n3A_1793 = arith.select %or3A_1791, %add3A_1786, %select_n3A_1742 : vector<16xi1>, vector<16xi32>
    %add3A_1794 = arith.constant 1 : i32
    %add3A_1795 = vector.broadcast %add3A_1794 : i32 to vector<16xi32>
    %add3A_1796 = arith.addi %convert_element_type3A_1534, %add3A_1795 : vector<16xi32>
    %jit3A_1797 = arith.constant 0 : i32
    %jit3A_1798 = arith.constant 39 : i32
    %max3A_1799 = vector.broadcast %jit3A_1797 : i32 to vector<16xi32>
    %max3A_1800 = arith.maxsi %max3A_1799, %add3A_1796 : vector<16xi32>
    %min3A_1801 = vector.broadcast %jit3A_1798 : i32 to vector<16xi32>
    %min3A_1802 = arith.minsi %min3A_1801, %max3A_1800 : vector<16xi32>
    %add3A_1803 = arith.constant 0 : i32
    %add3A_1804 = vector.broadcast %add3A_1803 : i32 to vector<16xi32>
    %add3A_1805 = arith.addi %convert_element_type3A_1538, %add3A_1804 : vector<16xi32>
    %jit3A_1806 = arith.constant 0 : i32
    %jit3A_1807 = arith.constant 39 : i32
    %max3A_1808 = vector.broadcast %jit3A_1806 : i32 to vector<16xi32>
    %max3A_1809 = arith.maxsi %max3A_1808, %add3A_1805 : vector<16xi32>
    %min3A_1810 = vector.broadcast %jit3A_1807 : i32 to vector<16xi32>
    %min3A_1811 = arith.minsi %min3A_1810, %max3A_1809 : vector<16xi32>
    %convert_element_type3A_1812 = arith.sitofp %min3A_1802 : vector<16xi32> to vector<16xf32>
    %add3A_1813 = arith.constant 5.000000e-01 : f32
    %add3A_1814 = vector.broadcast %add3A_1813 : f32 to vector<16xf32>
    %add3A_1815 = arith.addf %convert_element_type3A_1812, %add3A_1814 : vector<16xf32>
    %mul3A_1816 = arith.constant 8.000000e+00 : f32
    %mul3A_1817 = vector.broadcast %mul3A_1816 : f32 to vector<16xf32>
    %mul3A_1818 = arith.mulf %add3A_1815, %mul3A_1817 : vector<16xf32>
    %convert_element_type3A_1819 = arith.sitofp %min3A_1811 : vector<16xi32> to vector<16xf32>
    %add3A_1820 = arith.constant 5.000000e-01 : f32
    %add3A_1821 = vector.broadcast %add3A_1820 : f32 to vector<16xf32>
    %add3A_1822 = arith.addf %convert_element_type3A_1819, %add3A_1821 : vector<16xf32>
    %mul3A_1823 = arith.constant 8.000000e+00 : f32
    %mul3A_1824 = vector.broadcast %mul3A_1823 : f32 to vector<16xf32>
    %mul3A_1825 = arith.mulf %add3A_1822, %mul3A_1824 : vector<16xf32>
    %sub3A_1826 = arith.subf %mul3A_1520, %mul3A_1818 : vector<16xf32>
    %sub3A_1827 = arith.subf %mul3A_1526, %mul3A_1825 : vector<16xf32>
    %mul3A_1828 = arith.mulf %sub3A_1826, %sub3A_1826 : vector<16xf32>
    %mul3A_1829 = arith.mulf %sub3A_1827, %sub3A_1827 : vector<16xf32>
    %add3A_1830 = arith.addf %mul3A_1828, %mul3A_1829 : vector<16xf32>
    %mul3A_1831 = arith.constant 40 : i32
    %mul3A_1832 = vector.broadcast %mul3A_1831 : i32 to vector<16xi32>
    %mul3A_1833 = arith.muli %min3A_1811, %mul3A_1832 : vector<16xi32>
    %add3A_1834 = arith.constant 0 : i32
    %add3A_1835 = vector.broadcast %add3A_1834 : i32 to vector<16xi32>
    %add3A_1836 = arith.addi %add3A_1835, %mul3A_1833 : vector<16xi32>
    %add3A_1837 = arith.addi %add3A_1836, %min3A_1802 : vector<16xi32>
    %lt3A_1838 = arith.cmpf olt, %add3A_1830, %select_n3A_1792 : vector<16xf32>
    %eq3A_1839 = arith.cmpf oeq, %add3A_1830, %select_n3A_1792 : vector<16xf32>
    %lt3A_1840 = arith.cmpi slt, %add3A_1837, %select_n3A_1793 : vector<16xi32>
    %and3A_1841 = arith.andi %eq3A_1839, %lt3A_1840 : vector<16xi1>
    %or3A_1842 = arith.ori %lt3A_1838, %and3A_1841 : vector<16xi1>
    %select_n3A_1843 = arith.select %or3A_1842, %add3A_1830, %select_n3A_1792 : vector<16xi1>, vector<16xf32>
    %select_n3A_1844 = arith.select %or3A_1842, %add3A_1837, %select_n3A_1793 : vector<16xi1>, vector<16xi32>
    %add3A_1845 = arith.constant -1 : i32
    %add3A_1846 = vector.broadcast %add3A_1845 : i32 to vector<16xi32>
    %add3A_1847 = arith.addi %convert_element_type3A_1534, %add3A_1846 : vector<16xi32>
    %jit3A_1848 = arith.constant 0 : i32
    %jit3A_1849 = arith.constant 39 : i32
    %max3A_1850 = vector.broadcast %jit3A_1848 : i32 to vector<16xi32>
    %max3A_1851 = arith.maxsi %max3A_1850, %add3A_1847 : vector<16xi32>
    %min3A_1852 = vector.broadcast %jit3A_1849 : i32 to vector<16xi32>
    %min3A_1853 = arith.minsi %min3A_1852, %max3A_1851 : vector<16xi32>
    %add3A_1854 = arith.constant 1 : i32
    %add3A_1855 = vector.broadcast %add3A_1854 : i32 to vector<16xi32>
    %add3A_1856 = arith.addi %convert_element_type3A_1538, %add3A_1855 : vector<16xi32>
    %jit3A_1857 = arith.constant 0 : i32
    %jit3A_1858 = arith.constant 39 : i32
    %max3A_1859 = vector.broadcast %jit3A_1857 : i32 to vector<16xi32>
    %max3A_1860 = arith.maxsi %max3A_1859, %add3A_1856 : vector<16xi32>
    %min3A_1861 = vector.broadcast %jit3A_1858 : i32 to vector<16xi32>
    %min3A_1862 = arith.minsi %min3A_1861, %max3A_1860 : vector<16xi32>
    %convert_element_type3A_1863 = arith.sitofp %min3A_1853 : vector<16xi32> to vector<16xf32>
    %add3A_1864 = arith.constant 5.000000e-01 : f32
    %add3A_1865 = vector.broadcast %add3A_1864 : f32 to vector<16xf32>
    %add3A_1866 = arith.addf %convert_element_type3A_1863, %add3A_1865 : vector<16xf32>
    %mul3A_1867 = arith.constant 8.000000e+00 : f32
    %mul3A_1868 = vector.broadcast %mul3A_1867 : f32 to vector<16xf32>
    %mul3A_1869 = arith.mulf %add3A_1866, %mul3A_1868 : vector<16xf32>
    %convert_element_type3A_1870 = arith.sitofp %min3A_1862 : vector<16xi32> to vector<16xf32>
    %add3A_1871 = arith.constant 5.000000e-01 : f32
    %add3A_1872 = vector.broadcast %add3A_1871 : f32 to vector<16xf32>
    %add3A_1873 = arith.addf %convert_element_type3A_1870, %add3A_1872 : vector<16xf32>
    %mul3A_1874 = arith.constant 8.000000e+00 : f32
    %mul3A_1875 = vector.broadcast %mul3A_1874 : f32 to vector<16xf32>
    %mul3A_1876 = arith.mulf %add3A_1873, %mul3A_1875 : vector<16xf32>
    %sub3A_1877 = arith.subf %mul3A_1520, %mul3A_1869 : vector<16xf32>
    %sub3A_1878 = arith.subf %mul3A_1526, %mul3A_1876 : vector<16xf32>
    %mul3A_1879 = arith.mulf %sub3A_1877, %sub3A_1877 : vector<16xf32>
    %mul3A_1880 = arith.mulf %sub3A_1878, %sub3A_1878 : vector<16xf32>
    %add3A_1881 = arith.addf %mul3A_1879, %mul3A_1880 : vector<16xf32>
    %mul3A_1882 = arith.constant 40 : i32
    %mul3A_1883 = vector.broadcast %mul3A_1882 : i32 to vector<16xi32>
    %mul3A_1884 = arith.muli %min3A_1862, %mul3A_1883 : vector<16xi32>
    %add3A_1885 = arith.constant 0 : i32
    %add3A_1886 = vector.broadcast %add3A_1885 : i32 to vector<16xi32>
    %add3A_1887 = arith.addi %add3A_1886, %mul3A_1884 : vector<16xi32>
    %add3A_1888 = arith.addi %add3A_1887, %min3A_1853 : vector<16xi32>
    %lt3A_1889 = arith.cmpf olt, %add3A_1881, %select_n3A_1843 : vector<16xf32>
    %eq3A_1890 = arith.cmpf oeq, %add3A_1881, %select_n3A_1843 : vector<16xf32>
    %lt3A_1891 = arith.cmpi slt, %add3A_1888, %select_n3A_1844 : vector<16xi32>
    %and3A_1892 = arith.andi %eq3A_1890, %lt3A_1891 : vector<16xi1>
    %or3A_1893 = arith.ori %lt3A_1889, %and3A_1892 : vector<16xi1>
    %select_n3A_1894 = arith.select %or3A_1893, %add3A_1881, %select_n3A_1843 : vector<16xi1>, vector<16xf32>
    %select_n3A_1895 = arith.select %or3A_1893, %add3A_1888, %select_n3A_1844 : vector<16xi1>, vector<16xi32>
    %add3A_1896 = arith.constant 0 : i32
    %add3A_1897 = vector.broadcast %add3A_1896 : i32 to vector<16xi32>
    %add3A_1898 = arith.addi %convert_element_type3A_1534, %add3A_1897 : vector<16xi32>
    %jit3A_1899 = arith.constant 0 : i32
    %jit3A_1900 = arith.constant 39 : i32
    %max3A_1901 = vector.broadcast %jit3A_1899 : i32 to vector<16xi32>
    %max3A_1902 = arith.maxsi %max3A_1901, %add3A_1898 : vector<16xi32>
    %min3A_1903 = vector.broadcast %jit3A_1900 : i32 to vector<16xi32>
    %min3A_1904 = arith.minsi %min3A_1903, %max3A_1902 : vector<16xi32>
    %add3A_1905 = arith.constant 1 : i32
    %add3A_1906 = vector.broadcast %add3A_1905 : i32 to vector<16xi32>
    %add3A_1907 = arith.addi %convert_element_type3A_1538, %add3A_1906 : vector<16xi32>
    %jit3A_1908 = arith.constant 0 : i32
    %jit3A_1909 = arith.constant 39 : i32
    %max3A_1910 = vector.broadcast %jit3A_1908 : i32 to vector<16xi32>
    %max3A_1911 = arith.maxsi %max3A_1910, %add3A_1907 : vector<16xi32>
    %min3A_1912 = vector.broadcast %jit3A_1909 : i32 to vector<16xi32>
    %min3A_1913 = arith.minsi %min3A_1912, %max3A_1911 : vector<16xi32>
    %convert_element_type3A_1914 = arith.sitofp %min3A_1904 : vector<16xi32> to vector<16xf32>
    %add3A_1915 = arith.constant 5.000000e-01 : f32
    %add3A_1916 = vector.broadcast %add3A_1915 : f32 to vector<16xf32>
    %add3A_1917 = arith.addf %convert_element_type3A_1914, %add3A_1916 : vector<16xf32>
    %mul3A_1918 = arith.constant 8.000000e+00 : f32
    %mul3A_1919 = vector.broadcast %mul3A_1918 : f32 to vector<16xf32>
    %mul3A_1920 = arith.mulf %add3A_1917, %mul3A_1919 : vector<16xf32>
    %convert_element_type3A_1921 = arith.sitofp %min3A_1913 : vector<16xi32> to vector<16xf32>
    %add3A_1922 = arith.constant 5.000000e-01 : f32
    %add3A_1923 = vector.broadcast %add3A_1922 : f32 to vector<16xf32>
    %add3A_1924 = arith.addf %convert_element_type3A_1921, %add3A_1923 : vector<16xf32>
    %mul3A_1925 = arith.constant 8.000000e+00 : f32
    %mul3A_1926 = vector.broadcast %mul3A_1925 : f32 to vector<16xf32>
    %mul3A_1927 = arith.mulf %add3A_1924, %mul3A_1926 : vector<16xf32>
    %sub3A_1928 = arith.subf %mul3A_1520, %mul3A_1920 : vector<16xf32>
    %sub3A_1929 = arith.subf %mul3A_1526, %mul3A_1927 : vector<16xf32>
    %mul3A_1930 = arith.mulf %sub3A_1928, %sub3A_1928 : vector<16xf32>
    %mul3A_1931 = arith.mulf %sub3A_1929, %sub3A_1929 : vector<16xf32>
    %add3A_1932 = arith.addf %mul3A_1930, %mul3A_1931 : vector<16xf32>
    %mul3A_1933 = arith.constant 40 : i32
    %mul3A_1934 = vector.broadcast %mul3A_1933 : i32 to vector<16xi32>
    %mul3A_1935 = arith.muli %min3A_1913, %mul3A_1934 : vector<16xi32>
    %add3A_1936 = arith.constant 0 : i32
    %add3A_1937 = vector.broadcast %add3A_1936 : i32 to vector<16xi32>
    %add3A_1938 = arith.addi %add3A_1937, %mul3A_1935 : vector<16xi32>
    %add3A_1939 = arith.addi %add3A_1938, %min3A_1904 : vector<16xi32>
    %lt3A_1940 = arith.cmpf olt, %add3A_1932, %select_n3A_1894 : vector<16xf32>
    %eq3A_1941 = arith.cmpf oeq, %add3A_1932, %select_n3A_1894 : vector<16xf32>
    %lt3A_1942 = arith.cmpi slt, %add3A_1939, %select_n3A_1895 : vector<16xi32>
    %and3A_1943 = arith.andi %eq3A_1941, %lt3A_1942 : vector<16xi1>
    %or3A_1944 = arith.ori %lt3A_1940, %and3A_1943 : vector<16xi1>
    %select_n3A_1945 = arith.select %or3A_1944, %add3A_1932, %select_n3A_1894 : vector<16xi1>, vector<16xf32>
    %select_n3A_1946 = arith.select %or3A_1944, %add3A_1939, %select_n3A_1895 : vector<16xi1>, vector<16xi32>
    %add3A_1947 = arith.constant 1 : i32
    %add3A_1948 = vector.broadcast %add3A_1947 : i32 to vector<16xi32>
    %add3A_1949 = arith.addi %convert_element_type3A_1534, %add3A_1948 : vector<16xi32>
    %jit3A_1950 = arith.constant 0 : i32
    %jit3A_1951 = arith.constant 39 : i32
    %max3A_1952 = vector.broadcast %jit3A_1950 : i32 to vector<16xi32>
    %max3A_1953 = arith.maxsi %max3A_1952, %add3A_1949 : vector<16xi32>
    %min3A_1954 = vector.broadcast %jit3A_1951 : i32 to vector<16xi32>
    %min3A_1955 = arith.minsi %min3A_1954, %max3A_1953 : vector<16xi32>
    %add3A_1956 = arith.constant 1 : i32
    %add3A_1957 = vector.broadcast %add3A_1956 : i32 to vector<16xi32>
    %add3A_1958 = arith.addi %convert_element_type3A_1538, %add3A_1957 : vector<16xi32>
    %jit3A_1959 = arith.constant 0 : i32
    %jit3A_1960 = arith.constant 39 : i32
    %max3A_1961 = vector.broadcast %jit3A_1959 : i32 to vector<16xi32>
    %max3A_1962 = arith.maxsi %max3A_1961, %add3A_1958 : vector<16xi32>
    %min3A_1963 = vector.broadcast %jit3A_1960 : i32 to vector<16xi32>
    %min3A_1964 = arith.minsi %min3A_1963, %max3A_1962 : vector<16xi32>
    %convert_element_type3A_1965 = arith.sitofp %min3A_1955 : vector<16xi32> to vector<16xf32>
    %add3A_1966 = arith.constant 5.000000e-01 : f32
    %add3A_1967 = vector.broadcast %add3A_1966 : f32 to vector<16xf32>
    %add3A_1968 = arith.addf %convert_element_type3A_1965, %add3A_1967 : vector<16xf32>
    %mul3A_1969 = arith.constant 8.000000e+00 : f32
    %mul3A_1970 = vector.broadcast %mul3A_1969 : f32 to vector<16xf32>
    %mul3A_1971 = arith.mulf %add3A_1968, %mul3A_1970 : vector<16xf32>
    %convert_element_type3A_1972 = arith.sitofp %min3A_1964 : vector<16xi32> to vector<16xf32>
    %add3A_1973 = arith.constant 5.000000e-01 : f32
    %add3A_1974 = vector.broadcast %add3A_1973 : f32 to vector<16xf32>
    %add3A_1975 = arith.addf %convert_element_type3A_1972, %add3A_1974 : vector<16xf32>
    %mul3A_1976 = arith.constant 8.000000e+00 : f32
    %mul3A_1977 = vector.broadcast %mul3A_1976 : f32 to vector<16xf32>
    %mul3A_1978 = arith.mulf %add3A_1975, %mul3A_1977 : vector<16xf32>
    %sub3A_1979 = arith.subf %mul3A_1520, %mul3A_1971 : vector<16xf32>
    %sub3A_1980 = arith.subf %mul3A_1526, %mul3A_1978 : vector<16xf32>
    %mul3A_1981 = arith.mulf %sub3A_1979, %sub3A_1979 : vector<16xf32>
    %mul3A_1982 = arith.mulf %sub3A_1980, %sub3A_1980 : vector<16xf32>
    %add3A_1983 = arith.addf %mul3A_1981, %mul3A_1982 : vector<16xf32>
    %mul3A_1984 = arith.constant 40 : i32
    %mul3A_1985 = vector.broadcast %mul3A_1984 : i32 to vector<16xi32>
    %mul3A_1986 = arith.muli %min3A_1964, %mul3A_1985 : vector<16xi32>
    %add3A_1987 = arith.constant 0 : i32
    %add3A_1988 = vector.broadcast %add3A_1987 : i32 to vector<16xi32>
    %add3A_1989 = arith.addi %add3A_1988, %mul3A_1986 : vector<16xi32>
    %add3A_1990 = arith.addi %add3A_1989, %min3A_1955 : vector<16xi32>
    %lt3A_1991 = arith.cmpf olt, %add3A_1983, %select_n3A_1945 : vector<16xf32>
    %eq3A_1992 = arith.cmpf oeq, %add3A_1983, %select_n3A_1945 : vector<16xf32>
    %lt3A_1993 = arith.cmpi slt, %add3A_1990, %select_n3A_1946 : vector<16xi32>
    %and3A_1994 = arith.andi %eq3A_1992, %lt3A_1993 : vector<16xi1>
    %or3A_1995 = arith.ori %lt3A_1991, %and3A_1994 : vector<16xi1>
    %select_n3A_1996 = arith.select %or3A_1995, %add3A_1983, %select_n3A_1945 : vector<16xi1>, vector<16xf32>
    %select_n3A_1997 = arith.select %or3A_1995, %add3A_1990, %select_n3A_1946 : vector<16xi1>, vector<16xi32>
    %mul3A_1998 = arith.constant 6.250000e-02 : f32
    %mul3A_1999 = vector.broadcast %mul3A_1998 : f32 to vector<16xf32>
    %mul3A_2000 = arith.mulf %mul3A_1520, %mul3A_1999 : vector<16xf32>
    %convert_element_type3A_2001 = arith.fptosi %mul3A_2000 : vector<16xf32> to vector<16xi32>
    %mul3A_2002 = arith.constant 6.250000e-02 : f32
    %mul3A_2003 = vector.broadcast %mul3A_2002 : f32 to vector<16xf32>
    %mul3A_2004 = arith.mulf %mul3A_1526, %mul3A_2003 : vector<16xf32>
    %convert_element_type3A_2005 = arith.fptosi %mul3A_2004 : vector<16xf32> to vector<16xi32>
    %add3A_2006 = arith.constant -1 : i32
    %add3A_2007 = vector.broadcast %add3A_2006 : i32 to vector<16xi32>
    %add3A_2008 = arith.addi %convert_element_type3A_2001, %add3A_2007 : vector<16xi32>
    %jit3A_2009 = arith.constant 0 : i32
    %jit3A_2010 = arith.constant 19 : i32
    %max3A_2011 = vector.broadcast %jit3A_2009 : i32 to vector<16xi32>
    %max3A_2012 = arith.maxsi %max3A_2011, %add3A_2008 : vector<16xi32>
    %min3A_2013 = vector.broadcast %jit3A_2010 : i32 to vector<16xi32>
    %min3A_2014 = arith.minsi %min3A_2013, %max3A_2012 : vector<16xi32>
    %add3A_2015 = arith.constant -1 : i32
    %add3A_2016 = vector.broadcast %add3A_2015 : i32 to vector<16xi32>
    %add3A_2017 = arith.addi %convert_element_type3A_2005, %add3A_2016 : vector<16xi32>
    %jit3A_2018 = arith.constant 0 : i32
    %jit3A_2019 = arith.constant 19 : i32
    %max3A_2020 = vector.broadcast %jit3A_2018 : i32 to vector<16xi32>
    %max3A_2021 = arith.maxsi %max3A_2020, %add3A_2017 : vector<16xi32>
    %min3A_2022 = vector.broadcast %jit3A_2019 : i32 to vector<16xi32>
    %min3A_2023 = arith.minsi %min3A_2022, %max3A_2021 : vector<16xi32>
    %convert_element_type3A_2024 = arith.sitofp %min3A_2014 : vector<16xi32> to vector<16xf32>
    %add3A_2025 = arith.constant 5.000000e-01 : f32
    %add3A_2026 = vector.broadcast %add3A_2025 : f32 to vector<16xf32>
    %add3A_2027 = arith.addf %convert_element_type3A_2024, %add3A_2026 : vector<16xf32>
    %mul3A_2028 = arith.constant 1.600000e+01 : f32
    %mul3A_2029 = vector.broadcast %mul3A_2028 : f32 to vector<16xf32>
    %mul3A_2030 = arith.mulf %add3A_2027, %mul3A_2029 : vector<16xf32>
    %convert_element_type3A_2031 = arith.sitofp %min3A_2023 : vector<16xi32> to vector<16xf32>
    %add3A_2032 = arith.constant 5.000000e-01 : f32
    %add3A_2033 = vector.broadcast %add3A_2032 : f32 to vector<16xf32>
    %add3A_2034 = arith.addf %convert_element_type3A_2031, %add3A_2033 : vector<16xf32>
    %mul3A_2035 = arith.constant 1.600000e+01 : f32
    %mul3A_2036 = vector.broadcast %mul3A_2035 : f32 to vector<16xf32>
    %mul3A_2037 = arith.mulf %add3A_2034, %mul3A_2036 : vector<16xf32>
    %sub3A_2038 = arith.subf %mul3A_1520, %mul3A_2030 : vector<16xf32>
    %sub3A_2039 = arith.subf %mul3A_1526, %mul3A_2037 : vector<16xf32>
    %mul3A_2040 = arith.mulf %sub3A_2038, %sub3A_2038 : vector<16xf32>
    %mul3A_2041 = arith.mulf %sub3A_2039, %sub3A_2039 : vector<16xf32>
    %add3A_2042 = arith.addf %mul3A_2040, %mul3A_2041 : vector<16xf32>
    %mul3A_2043 = arith.constant 20 : i32
    %mul3A_2044 = vector.broadcast %mul3A_2043 : i32 to vector<16xi32>
    %mul3A_2045 = arith.muli %min3A_2023, %mul3A_2044 : vector<16xi32>
    %add3A_2046 = arith.constant 1600 : i32
    %add3A_2047 = vector.broadcast %add3A_2046 : i32 to vector<16xi32>
    %add3A_2048 = arith.addi %add3A_2047, %mul3A_2045 : vector<16xi32>
    %add3A_2049 = arith.addi %add3A_2048, %min3A_2014 : vector<16xi32>
    %lt3A_2050 = arith.cmpf olt, %add3A_2042, %select_n3A_1996 : vector<16xf32>
    %eq3A_2051 = arith.cmpf oeq, %add3A_2042, %select_n3A_1996 : vector<16xf32>
    %lt3A_2052 = arith.cmpi slt, %add3A_2049, %select_n3A_1997 : vector<16xi32>
    %and3A_2053 = arith.andi %eq3A_2051, %lt3A_2052 : vector<16xi1>
    %or3A_2054 = arith.ori %lt3A_2050, %and3A_2053 : vector<16xi1>
    %select_n3A_2055 = arith.select %or3A_2054, %add3A_2042, %select_n3A_1996 : vector<16xi1>, vector<16xf32>
    %select_n3A_2056 = arith.select %or3A_2054, %add3A_2049, %select_n3A_1997 : vector<16xi1>, vector<16xi32>
    %add3A_2057 = arith.constant 0 : i32
    %add3A_2058 = vector.broadcast %add3A_2057 : i32 to vector<16xi32>
    %add3A_2059 = arith.addi %convert_element_type3A_2001, %add3A_2058 : vector<16xi32>
    %jit3A_2060 = arith.constant 0 : i32
    %jit3A_2061 = arith.constant 19 : i32
    %max3A_2062 = vector.broadcast %jit3A_2060 : i32 to vector<16xi32>
    %max3A_2063 = arith.maxsi %max3A_2062, %add3A_2059 : vector<16xi32>
    %min3A_2064 = vector.broadcast %jit3A_2061 : i32 to vector<16xi32>
    %min3A_2065 = arith.minsi %min3A_2064, %max3A_2063 : vector<16xi32>
    %add3A_2066 = arith.constant -1 : i32
    %add3A_2067 = vector.broadcast %add3A_2066 : i32 to vector<16xi32>
    %add3A_2068 = arith.addi %convert_element_type3A_2005, %add3A_2067 : vector<16xi32>
    %jit3A_2069 = arith.constant 0 : i32
    %jit3A_2070 = arith.constant 19 : i32
    %max3A_2071 = vector.broadcast %jit3A_2069 : i32 to vector<16xi32>
    %max3A_2072 = arith.maxsi %max3A_2071, %add3A_2068 : vector<16xi32>
    %min3A_2073 = vector.broadcast %jit3A_2070 : i32 to vector<16xi32>
    %min3A_2074 = arith.minsi %min3A_2073, %max3A_2072 : vector<16xi32>
    %convert_element_type3A_2075 = arith.sitofp %min3A_2065 : vector<16xi32> to vector<16xf32>
    %add3A_2076 = arith.constant 5.000000e-01 : f32
    %add3A_2077 = vector.broadcast %add3A_2076 : f32 to vector<16xf32>
    %add3A_2078 = arith.addf %convert_element_type3A_2075, %add3A_2077 : vector<16xf32>
    %mul3A_2079 = arith.constant 1.600000e+01 : f32
    %mul3A_2080 = vector.broadcast %mul3A_2079 : f32 to vector<16xf32>
    %mul3A_2081 = arith.mulf %add3A_2078, %mul3A_2080 : vector<16xf32>
    %convert_element_type3A_2082 = arith.sitofp %min3A_2074 : vector<16xi32> to vector<16xf32>
    %add3A_2083 = arith.constant 5.000000e-01 : f32
    %add3A_2084 = vector.broadcast %add3A_2083 : f32 to vector<16xf32>
    %add3A_2085 = arith.addf %convert_element_type3A_2082, %add3A_2084 : vector<16xf32>
    %mul3A_2086 = arith.constant 1.600000e+01 : f32
    %mul3A_2087 = vector.broadcast %mul3A_2086 : f32 to vector<16xf32>
    %mul3A_2088 = arith.mulf %add3A_2085, %mul3A_2087 : vector<16xf32>
    %sub3A_2089 = arith.subf %mul3A_1520, %mul3A_2081 : vector<16xf32>
    %sub3A_2090 = arith.subf %mul3A_1526, %mul3A_2088 : vector<16xf32>
    %mul3A_2091 = arith.mulf %sub3A_2089, %sub3A_2089 : vector<16xf32>
    %mul3A_2092 = arith.mulf %sub3A_2090, %sub3A_2090 : vector<16xf32>
    %add3A_2093 = arith.addf %mul3A_2091, %mul3A_2092 : vector<16xf32>
    %mul3A_2094 = arith.constant 20 : i32
    %mul3A_2095 = vector.broadcast %mul3A_2094 : i32 to vector<16xi32>
    %mul3A_2096 = arith.muli %min3A_2074, %mul3A_2095 : vector<16xi32>
    %add3A_2097 = arith.constant 1600 : i32
    %add3A_2098 = vector.broadcast %add3A_2097 : i32 to vector<16xi32>
    %add3A_2099 = arith.addi %add3A_2098, %mul3A_2096 : vector<16xi32>
    %add3A_2100 = arith.addi %add3A_2099, %min3A_2065 : vector<16xi32>
    %lt3A_2101 = arith.cmpf olt, %add3A_2093, %select_n3A_2055 : vector<16xf32>
    %eq3A_2102 = arith.cmpf oeq, %add3A_2093, %select_n3A_2055 : vector<16xf32>
    %lt3A_2103 = arith.cmpi slt, %add3A_2100, %select_n3A_2056 : vector<16xi32>
    %and3A_2104 = arith.andi %eq3A_2102, %lt3A_2103 : vector<16xi1>
    %or3A_2105 = arith.ori %lt3A_2101, %and3A_2104 : vector<16xi1>
    %select_n3A_2106 = arith.select %or3A_2105, %add3A_2093, %select_n3A_2055 : vector<16xi1>, vector<16xf32>
    %select_n3A_2107 = arith.select %or3A_2105, %add3A_2100, %select_n3A_2056 : vector<16xi1>, vector<16xi32>
    %add3A_2108 = arith.constant 1 : i32
    %add3A_2109 = vector.broadcast %add3A_2108 : i32 to vector<16xi32>
    %add3A_2110 = arith.addi %convert_element_type3A_2001, %add3A_2109 : vector<16xi32>
    %jit3A_2111 = arith.constant 0 : i32
    %jit3A_2112 = arith.constant 19 : i32
    %max3A_2113 = vector.broadcast %jit3A_2111 : i32 to vector<16xi32>
    %max3A_2114 = arith.maxsi %max3A_2113, %add3A_2110 : vector<16xi32>
    %min3A_2115 = vector.broadcast %jit3A_2112 : i32 to vector<16xi32>
    %min3A_2116 = arith.minsi %min3A_2115, %max3A_2114 : vector<16xi32>
    %add3A_2117 = arith.constant -1 : i32
    %add3A_2118 = vector.broadcast %add3A_2117 : i32 to vector<16xi32>
    %add3A_2119 = arith.addi %convert_element_type3A_2005, %add3A_2118 : vector<16xi32>
    %jit3A_2120 = arith.constant 0 : i32
    %jit3A_2121 = arith.constant 19 : i32
    %max3A_2122 = vector.broadcast %jit3A_2120 : i32 to vector<16xi32>
    %max3A_2123 = arith.maxsi %max3A_2122, %add3A_2119 : vector<16xi32>
    %min3A_2124 = vector.broadcast %jit3A_2121 : i32 to vector<16xi32>
    %min3A_2125 = arith.minsi %min3A_2124, %max3A_2123 : vector<16xi32>
    %convert_element_type3A_2126 = arith.sitofp %min3A_2116 : vector<16xi32> to vector<16xf32>
    %add3A_2127 = arith.constant 5.000000e-01 : f32
    %add3A_2128 = vector.broadcast %add3A_2127 : f32 to vector<16xf32>
    %add3A_2129 = arith.addf %convert_element_type3A_2126, %add3A_2128 : vector<16xf32>
    %mul3A_2130 = arith.constant 1.600000e+01 : f32
    %mul3A_2131 = vector.broadcast %mul3A_2130 : f32 to vector<16xf32>
    %mul3A_2132 = arith.mulf %add3A_2129, %mul3A_2131 : vector<16xf32>
    %convert_element_type3A_2133 = arith.sitofp %min3A_2125 : vector<16xi32> to vector<16xf32>
    %add3A_2134 = arith.constant 5.000000e-01 : f32
    %add3A_2135 = vector.broadcast %add3A_2134 : f32 to vector<16xf32>
    %add3A_2136 = arith.addf %convert_element_type3A_2133, %add3A_2135 : vector<16xf32>
    %mul3A_2137 = arith.constant 1.600000e+01 : f32
    %mul3A_2138 = vector.broadcast %mul3A_2137 : f32 to vector<16xf32>
    %mul3A_2139 = arith.mulf %add3A_2136, %mul3A_2138 : vector<16xf32>
    %sub3A_2140 = arith.subf %mul3A_1520, %mul3A_2132 : vector<16xf32>
    %sub3A_2141 = arith.subf %mul3A_1526, %mul3A_2139 : vector<16xf32>
    %mul3A_2142 = arith.mulf %sub3A_2140, %sub3A_2140 : vector<16xf32>
    %mul3A_2143 = arith.mulf %sub3A_2141, %sub3A_2141 : vector<16xf32>
    %add3A_2144 = arith.addf %mul3A_2142, %mul3A_2143 : vector<16xf32>
    %mul3A_2145 = arith.constant 20 : i32
    %mul3A_2146 = vector.broadcast %mul3A_2145 : i32 to vector<16xi32>
    %mul3A_2147 = arith.muli %min3A_2125, %mul3A_2146 : vector<16xi32>
    %add3A_2148 = arith.constant 1600 : i32
    %add3A_2149 = vector.broadcast %add3A_2148 : i32 to vector<16xi32>
    %add3A_2150 = arith.addi %add3A_2149, %mul3A_2147 : vector<16xi32>
    %add3A_2151 = arith.addi %add3A_2150, %min3A_2116 : vector<16xi32>
    %lt3A_2152 = arith.cmpf olt, %add3A_2144, %select_n3A_2106 : vector<16xf32>
    %eq3A_2153 = arith.cmpf oeq, %add3A_2144, %select_n3A_2106 : vector<16xf32>
    %lt3A_2154 = arith.cmpi slt, %add3A_2151, %select_n3A_2107 : vector<16xi32>
    %and3A_2155 = arith.andi %eq3A_2153, %lt3A_2154 : vector<16xi1>
    %or3A_2156 = arith.ori %lt3A_2152, %and3A_2155 : vector<16xi1>
    %select_n3A_2157 = arith.select %or3A_2156, %add3A_2144, %select_n3A_2106 : vector<16xi1>, vector<16xf32>
    %select_n3A_2158 = arith.select %or3A_2156, %add3A_2151, %select_n3A_2107 : vector<16xi1>, vector<16xi32>
    %add3A_2159 = arith.constant -1 : i32
    %add3A_2160 = vector.broadcast %add3A_2159 : i32 to vector<16xi32>
    %add3A_2161 = arith.addi %convert_element_type3A_2001, %add3A_2160 : vector<16xi32>
    %jit3A_2162 = arith.constant 0 : i32
    %jit3A_2163 = arith.constant 19 : i32
    %max3A_2164 = vector.broadcast %jit3A_2162 : i32 to vector<16xi32>
    %max3A_2165 = arith.maxsi %max3A_2164, %add3A_2161 : vector<16xi32>
    %min3A_2166 = vector.broadcast %jit3A_2163 : i32 to vector<16xi32>
    %min3A_2167 = arith.minsi %min3A_2166, %max3A_2165 : vector<16xi32>
    %add3A_2168 = arith.constant 0 : i32
    %add3A_2169 = vector.broadcast %add3A_2168 : i32 to vector<16xi32>
    %add3A_2170 = arith.addi %convert_element_type3A_2005, %add3A_2169 : vector<16xi32>
    %jit3A_2171 = arith.constant 0 : i32
    %jit3A_2172 = arith.constant 19 : i32
    %max3A_2173 = vector.broadcast %jit3A_2171 : i32 to vector<16xi32>
    %max3A_2174 = arith.maxsi %max3A_2173, %add3A_2170 : vector<16xi32>
    %min3A_2175 = vector.broadcast %jit3A_2172 : i32 to vector<16xi32>
    %min3A_2176 = arith.minsi %min3A_2175, %max3A_2174 : vector<16xi32>
    %convert_element_type3A_2177 = arith.sitofp %min3A_2167 : vector<16xi32> to vector<16xf32>
    %add3A_2178 = arith.constant 5.000000e-01 : f32
    %add3A_2179 = vector.broadcast %add3A_2178 : f32 to vector<16xf32>
    %add3A_2180 = arith.addf %convert_element_type3A_2177, %add3A_2179 : vector<16xf32>
    %mul3A_2181 = arith.constant 1.600000e+01 : f32
    %mul3A_2182 = vector.broadcast %mul3A_2181 : f32 to vector<16xf32>
    %mul3A_2183 = arith.mulf %add3A_2180, %mul3A_2182 : vector<16xf32>
    %convert_element_type3A_2184 = arith.sitofp %min3A_2176 : vector<16xi32> to vector<16xf32>
    %add3A_2185 = arith.constant 5.000000e-01 : f32
    %add3A_2186 = vector.broadcast %add3A_2185 : f32 to vector<16xf32>
    %add3A_2187 = arith.addf %convert_element_type3A_2184, %add3A_2186 : vector<16xf32>
    %mul3A_2188 = arith.constant 1.600000e+01 : f32
    %mul3A_2189 = vector.broadcast %mul3A_2188 : f32 to vector<16xf32>
    %mul3A_2190 = arith.mulf %add3A_2187, %mul3A_2189 : vector<16xf32>
    %sub3A_2191 = arith.subf %mul3A_1520, %mul3A_2183 : vector<16xf32>
    %sub3A_2192 = arith.subf %mul3A_1526, %mul3A_2190 : vector<16xf32>
    %mul3A_2193 = arith.mulf %sub3A_2191, %sub3A_2191 : vector<16xf32>
    %mul3A_2194 = arith.mulf %sub3A_2192, %sub3A_2192 : vector<16xf32>
    %add3A_2195 = arith.addf %mul3A_2193, %mul3A_2194 : vector<16xf32>
    %mul3A_2196 = arith.constant 20 : i32
    %mul3A_2197 = vector.broadcast %mul3A_2196 : i32 to vector<16xi32>
    %mul3A_2198 = arith.muli %min3A_2176, %mul3A_2197 : vector<16xi32>
    %add3A_2199 = arith.constant 1600 : i32
    %add3A_2200 = vector.broadcast %add3A_2199 : i32 to vector<16xi32>
    %add3A_2201 = arith.addi %add3A_2200, %mul3A_2198 : vector<16xi32>
    %add3A_2202 = arith.addi %add3A_2201, %min3A_2167 : vector<16xi32>
    %lt3A_2203 = arith.cmpf olt, %add3A_2195, %select_n3A_2157 : vector<16xf32>
    %eq3A_2204 = arith.cmpf oeq, %add3A_2195, %select_n3A_2157 : vector<16xf32>
    %lt3A_2205 = arith.cmpi slt, %add3A_2202, %select_n3A_2158 : vector<16xi32>
    %and3A_2206 = arith.andi %eq3A_2204, %lt3A_2205 : vector<16xi1>
    %or3A_2207 = arith.ori %lt3A_2203, %and3A_2206 : vector<16xi1>
    %select_n3A_2208 = arith.select %or3A_2207, %add3A_2195, %select_n3A_2157 : vector<16xi1>, vector<16xf32>
    %select_n3A_2209 = arith.select %or3A_2207, %add3A_2202, %select_n3A_2158 : vector<16xi1>, vector<16xi32>
    %add3A_2210 = arith.constant 0 : i32
    %add3A_2211 = vector.broadcast %add3A_2210 : i32 to vector<16xi32>
    %add3A_2212 = arith.addi %convert_element_type3A_2001, %add3A_2211 : vector<16xi32>
    %jit3A_2213 = arith.constant 0 : i32
    %jit3A_2214 = arith.constant 19 : i32
    %max3A_2215 = vector.broadcast %jit3A_2213 : i32 to vector<16xi32>
    %max3A_2216 = arith.maxsi %max3A_2215, %add3A_2212 : vector<16xi32>
    %min3A_2217 = vector.broadcast %jit3A_2214 : i32 to vector<16xi32>
    %min3A_2218 = arith.minsi %min3A_2217, %max3A_2216 : vector<16xi32>
    %add3A_2219 = arith.constant 0 : i32
    %add3A_2220 = vector.broadcast %add3A_2219 : i32 to vector<16xi32>
    %add3A_2221 = arith.addi %convert_element_type3A_2005, %add3A_2220 : vector<16xi32>
    %jit3A_2222 = arith.constant 0 : i32
    %jit3A_2223 = arith.constant 19 : i32
    %max3A_2224 = vector.broadcast %jit3A_2222 : i32 to vector<16xi32>
    %max3A_2225 = arith.maxsi %max3A_2224, %add3A_2221 : vector<16xi32>
    %min3A_2226 = vector.broadcast %jit3A_2223 : i32 to vector<16xi32>
    %min3A_2227 = arith.minsi %min3A_2226, %max3A_2225 : vector<16xi32>
    %convert_element_type3A_2228 = arith.sitofp %min3A_2218 : vector<16xi32> to vector<16xf32>
    %add3A_2229 = arith.constant 5.000000e-01 : f32
    %add3A_2230 = vector.broadcast %add3A_2229 : f32 to vector<16xf32>
    %add3A_2231 = arith.addf %convert_element_type3A_2228, %add3A_2230 : vector<16xf32>
    %mul3A_2232 = arith.constant 1.600000e+01 : f32
    %mul3A_2233 = vector.broadcast %mul3A_2232 : f32 to vector<16xf32>
    %mul3A_2234 = arith.mulf %add3A_2231, %mul3A_2233 : vector<16xf32>
    %convert_element_type3A_2235 = arith.sitofp %min3A_2227 : vector<16xi32> to vector<16xf32>
    %add3A_2236 = arith.constant 5.000000e-01 : f32
    %add3A_2237 = vector.broadcast %add3A_2236 : f32 to vector<16xf32>
    %add3A_2238 = arith.addf %convert_element_type3A_2235, %add3A_2237 : vector<16xf32>
    %mul3A_2239 = arith.constant 1.600000e+01 : f32
    %mul3A_2240 = vector.broadcast %mul3A_2239 : f32 to vector<16xf32>
    %mul3A_2241 = arith.mulf %add3A_2238, %mul3A_2240 : vector<16xf32>
    %sub3A_2242 = arith.subf %mul3A_1520, %mul3A_2234 : vector<16xf32>
    %sub3A_2243 = arith.subf %mul3A_1526, %mul3A_2241 : vector<16xf32>
    %mul3A_2244 = arith.mulf %sub3A_2242, %sub3A_2242 : vector<16xf32>
    %mul3A_2245 = arith.mulf %sub3A_2243, %sub3A_2243 : vector<16xf32>
    %add3A_2246 = arith.addf %mul3A_2244, %mul3A_2245 : vector<16xf32>
    %mul3A_2247 = arith.constant 20 : i32
    %mul3A_2248 = vector.broadcast %mul3A_2247 : i32 to vector<16xi32>
    %mul3A_2249 = arith.muli %min3A_2227, %mul3A_2248 : vector<16xi32>
    %add3A_2250 = arith.constant 1600 : i32
    %add3A_2251 = vector.broadcast %add3A_2250 : i32 to vector<16xi32>
    %add3A_2252 = arith.addi %add3A_2251, %mul3A_2249 : vector<16xi32>
    %add3A_2253 = arith.addi %add3A_2252, %min3A_2218 : vector<16xi32>
    %lt3A_2254 = arith.cmpf olt, %add3A_2246, %select_n3A_2208 : vector<16xf32>
    %eq3A_2255 = arith.cmpf oeq, %add3A_2246, %select_n3A_2208 : vector<16xf32>
    %lt3A_2256 = arith.cmpi slt, %add3A_2253, %select_n3A_2209 : vector<16xi32>
    %and3A_2257 = arith.andi %eq3A_2255, %lt3A_2256 : vector<16xi1>
    %or3A_2258 = arith.ori %lt3A_2254, %and3A_2257 : vector<16xi1>
    %select_n3A_2259 = arith.select %or3A_2258, %add3A_2246, %select_n3A_2208 : vector<16xi1>, vector<16xf32>
    %select_n3A_2260 = arith.select %or3A_2258, %add3A_2253, %select_n3A_2209 : vector<16xi1>, vector<16xi32>
    %add3A_2261 = arith.constant 1 : i32
    %add3A_2262 = vector.broadcast %add3A_2261 : i32 to vector<16xi32>
    %add3A_2263 = arith.addi %convert_element_type3A_2001, %add3A_2262 : vector<16xi32>
    %jit3A_2264 = arith.constant 0 : i32
    %jit3A_2265 = arith.constant 19 : i32
    %max3A_2266 = vector.broadcast %jit3A_2264 : i32 to vector<16xi32>
    %max3A_2267 = arith.maxsi %max3A_2266, %add3A_2263 : vector<16xi32>
    %min3A_2268 = vector.broadcast %jit3A_2265 : i32 to vector<16xi32>
    %min3A_2269 = arith.minsi %min3A_2268, %max3A_2267 : vector<16xi32>
    %add3A_2270 = arith.constant 0 : i32
    %add3A_2271 = vector.broadcast %add3A_2270 : i32 to vector<16xi32>
    %add3A_2272 = arith.addi %convert_element_type3A_2005, %add3A_2271 : vector<16xi32>
    %jit3A_2273 = arith.constant 0 : i32
    %jit3A_2274 = arith.constant 19 : i32
    %max3A_2275 = vector.broadcast %jit3A_2273 : i32 to vector<16xi32>
    %max3A_2276 = arith.maxsi %max3A_2275, %add3A_2272 : vector<16xi32>
    %min3A_2277 = vector.broadcast %jit3A_2274 : i32 to vector<16xi32>
    %min3A_2278 = arith.minsi %min3A_2277, %max3A_2276 : vector<16xi32>
    %convert_element_type3A_2279 = arith.sitofp %min3A_2269 : vector<16xi32> to vector<16xf32>
    %add3A_2280 = arith.constant 5.000000e-01 : f32
    %add3A_2281 = vector.broadcast %add3A_2280 : f32 to vector<16xf32>
    %add3A_2282 = arith.addf %convert_element_type3A_2279, %add3A_2281 : vector<16xf32>
    %mul3A_2283 = arith.constant 1.600000e+01 : f32
    %mul3A_2284 = vector.broadcast %mul3A_2283 : f32 to vector<16xf32>
    %mul3A_2285 = arith.mulf %add3A_2282, %mul3A_2284 : vector<16xf32>
    %convert_element_type3A_2286 = arith.sitofp %min3A_2278 : vector<16xi32> to vector<16xf32>
    %add3A_2287 = arith.constant 5.000000e-01 : f32
    %add3A_2288 = vector.broadcast %add3A_2287 : f32 to vector<16xf32>
    %add3A_2289 = arith.addf %convert_element_type3A_2286, %add3A_2288 : vector<16xf32>
    %mul3A_2290 = arith.constant 1.600000e+01 : f32
    %mul3A_2291 = vector.broadcast %mul3A_2290 : f32 to vector<16xf32>
    %mul3A_2292 = arith.mulf %add3A_2289, %mul3A_2291 : vector<16xf32>
    %sub3A_2293 = arith.subf %mul3A_1520, %mul3A_2285 : vector<16xf32>
    %sub3A_2294 = arith.subf %mul3A_1526, %mul3A_2292 : vector<16xf32>
    %mul3A_2295 = arith.mulf %sub3A_2293, %sub3A_2293 : vector<16xf32>
    %mul3A_2296 = arith.mulf %sub3A_2294, %sub3A_2294 : vector<16xf32>
    %add3A_2297 = arith.addf %mul3A_2295, %mul3A_2296 : vector<16xf32>
    %mul3A_2298 = arith.constant 20 : i32
    %mul3A_2299 = vector.broadcast %mul3A_2298 : i32 to vector<16xi32>
    %mul3A_2300 = arith.muli %min3A_2278, %mul3A_2299 : vector<16xi32>
    %add3A_2301 = arith.constant 1600 : i32
    %add3A_2302 = vector.broadcast %add3A_2301 : i32 to vector<16xi32>
    %add3A_2303 = arith.addi %add3A_2302, %mul3A_2300 : vector<16xi32>
    %add3A_2304 = arith.addi %add3A_2303, %min3A_2269 : vector<16xi32>
    %lt3A_2305 = arith.cmpf olt, %add3A_2297, %select_n3A_2259 : vector<16xf32>
    %eq3A_2306 = arith.cmpf oeq, %add3A_2297, %select_n3A_2259 : vector<16xf32>
    %lt3A_2307 = arith.cmpi slt, %add3A_2304, %select_n3A_2260 : vector<16xi32>
    %and3A_2308 = arith.andi %eq3A_2306, %lt3A_2307 : vector<16xi1>
    %or3A_2309 = arith.ori %lt3A_2305, %and3A_2308 : vector<16xi1>
    %select_n3A_2310 = arith.select %or3A_2309, %add3A_2297, %select_n3A_2259 : vector<16xi1>, vector<16xf32>
    %select_n3A_2311 = arith.select %or3A_2309, %add3A_2304, %select_n3A_2260 : vector<16xi1>, vector<16xi32>
    %add3A_2312 = arith.constant -1 : i32
    %add3A_2313 = vector.broadcast %add3A_2312 : i32 to vector<16xi32>
    %add3A_2314 = arith.addi %convert_element_type3A_2001, %add3A_2313 : vector<16xi32>
    %jit3A_2315 = arith.constant 0 : i32
    %jit3A_2316 = arith.constant 19 : i32
    %max3A_2317 = vector.broadcast %jit3A_2315 : i32 to vector<16xi32>
    %max3A_2318 = arith.maxsi %max3A_2317, %add3A_2314 : vector<16xi32>
    %min3A_2319 = vector.broadcast %jit3A_2316 : i32 to vector<16xi32>
    %min3A_2320 = arith.minsi %min3A_2319, %max3A_2318 : vector<16xi32>
    %add3A_2321 = arith.constant 1 : i32
    %add3A_2322 = vector.broadcast %add3A_2321 : i32 to vector<16xi32>
    %add3A_2323 = arith.addi %convert_element_type3A_2005, %add3A_2322 : vector<16xi32>
    %jit3A_2324 = arith.constant 0 : i32
    %jit3A_2325 = arith.constant 19 : i32
    %max3A_2326 = vector.broadcast %jit3A_2324 : i32 to vector<16xi32>
    %max3A_2327 = arith.maxsi %max3A_2326, %add3A_2323 : vector<16xi32>
    %min3A_2328 = vector.broadcast %jit3A_2325 : i32 to vector<16xi32>
    %min3A_2329 = arith.minsi %min3A_2328, %max3A_2327 : vector<16xi32>
    %convert_element_type3A_2330 = arith.sitofp %min3A_2320 : vector<16xi32> to vector<16xf32>
    %add3A_2331 = arith.constant 5.000000e-01 : f32
    %add3A_2332 = vector.broadcast %add3A_2331 : f32 to vector<16xf32>
    %add3A_2333 = arith.addf %convert_element_type3A_2330, %add3A_2332 : vector<16xf32>
    %mul3A_2334 = arith.constant 1.600000e+01 : f32
    %mul3A_2335 = vector.broadcast %mul3A_2334 : f32 to vector<16xf32>
    %mul3A_2336 = arith.mulf %add3A_2333, %mul3A_2335 : vector<16xf32>
    %convert_element_type3A_2337 = arith.sitofp %min3A_2329 : vector<16xi32> to vector<16xf32>
    %add3A_2338 = arith.constant 5.000000e-01 : f32
    %add3A_2339 = vector.broadcast %add3A_2338 : f32 to vector<16xf32>
    %add3A_2340 = arith.addf %convert_element_type3A_2337, %add3A_2339 : vector<16xf32>
    %mul3A_2341 = arith.constant 1.600000e+01 : f32
    %mul3A_2342 = vector.broadcast %mul3A_2341 : f32 to vector<16xf32>
    %mul3A_2343 = arith.mulf %add3A_2340, %mul3A_2342 : vector<16xf32>
    %sub3A_2344 = arith.subf %mul3A_1520, %mul3A_2336 : vector<16xf32>
    %sub3A_2345 = arith.subf %mul3A_1526, %mul3A_2343 : vector<16xf32>
    %mul3A_2346 = arith.mulf %sub3A_2344, %sub3A_2344 : vector<16xf32>
    %mul3A_2347 = arith.mulf %sub3A_2345, %sub3A_2345 : vector<16xf32>
    %add3A_2348 = arith.addf %mul3A_2346, %mul3A_2347 : vector<16xf32>
    %mul3A_2349 = arith.constant 20 : i32
    %mul3A_2350 = vector.broadcast %mul3A_2349 : i32 to vector<16xi32>
    %mul3A_2351 = arith.muli %min3A_2329, %mul3A_2350 : vector<16xi32>
    %add3A_2352 = arith.constant 1600 : i32
    %add3A_2353 = vector.broadcast %add3A_2352 : i32 to vector<16xi32>
    %add3A_2354 = arith.addi %add3A_2353, %mul3A_2351 : vector<16xi32>
    %add3A_2355 = arith.addi %add3A_2354, %min3A_2320 : vector<16xi32>
    %lt3A_2356 = arith.cmpf olt, %add3A_2348, %select_n3A_2310 : vector<16xf32>
    %eq3A_2357 = arith.cmpf oeq, %add3A_2348, %select_n3A_2310 : vector<16xf32>
    %lt3A_2358 = arith.cmpi slt, %add3A_2355, %select_n3A_2311 : vector<16xi32>
    %and3A_2359 = arith.andi %eq3A_2357, %lt3A_2358 : vector<16xi1>
    %or3A_2360 = arith.ori %lt3A_2356, %and3A_2359 : vector<16xi1>
    %select_n3A_2361 = arith.select %or3A_2360, %add3A_2348, %select_n3A_2310 : vector<16xi1>, vector<16xf32>
    %select_n3A_2362 = arith.select %or3A_2360, %add3A_2355, %select_n3A_2311 : vector<16xi1>, vector<16xi32>
    %add3A_2363 = arith.constant 0 : i32
    %add3A_2364 = vector.broadcast %add3A_2363 : i32 to vector<16xi32>
    %add3A_2365 = arith.addi %convert_element_type3A_2001, %add3A_2364 : vector<16xi32>
    %jit3A_2366 = arith.constant 0 : i32
    %jit3A_2367 = arith.constant 19 : i32
    %max3A_2368 = vector.broadcast %jit3A_2366 : i32 to vector<16xi32>
    %max3A_2369 = arith.maxsi %max3A_2368, %add3A_2365 : vector<16xi32>
    %min3A_2370 = vector.broadcast %jit3A_2367 : i32 to vector<16xi32>
    %min3A_2371 = arith.minsi %min3A_2370, %max3A_2369 : vector<16xi32>
    %add3A_2372 = arith.constant 1 : i32
    %add3A_2373 = vector.broadcast %add3A_2372 : i32 to vector<16xi32>
    %add3A_2374 = arith.addi %convert_element_type3A_2005, %add3A_2373 : vector<16xi32>
    %jit3A_2375 = arith.constant 0 : i32
    %jit3A_2376 = arith.constant 19 : i32
    %max3A_2377 = vector.broadcast %jit3A_2375 : i32 to vector<16xi32>
    %max3A_2378 = arith.maxsi %max3A_2377, %add3A_2374 : vector<16xi32>
    %min3A_2379 = vector.broadcast %jit3A_2376 : i32 to vector<16xi32>
    %min3A_2380 = arith.minsi %min3A_2379, %max3A_2378 : vector<16xi32>
    %convert_element_type3A_2381 = arith.sitofp %min3A_2371 : vector<16xi32> to vector<16xf32>
    %add3A_2382 = arith.constant 5.000000e-01 : f32
    %add3A_2383 = vector.broadcast %add3A_2382 : f32 to vector<16xf32>
    %add3A_2384 = arith.addf %convert_element_type3A_2381, %add3A_2383 : vector<16xf32>
    %mul3A_2385 = arith.constant 1.600000e+01 : f32
    %mul3A_2386 = vector.broadcast %mul3A_2385 : f32 to vector<16xf32>
    %mul3A_2387 = arith.mulf %add3A_2384, %mul3A_2386 : vector<16xf32>
    %convert_element_type3A_2388 = arith.sitofp %min3A_2380 : vector<16xi32> to vector<16xf32>
    %add3A_2389 = arith.constant 5.000000e-01 : f32
    %add3A_2390 = vector.broadcast %add3A_2389 : f32 to vector<16xf32>
    %add3A_2391 = arith.addf %convert_element_type3A_2388, %add3A_2390 : vector<16xf32>
    %mul3A_2392 = arith.constant 1.600000e+01 : f32
    %mul3A_2393 = vector.broadcast %mul3A_2392 : f32 to vector<16xf32>
    %mul3A_2394 = arith.mulf %add3A_2391, %mul3A_2393 : vector<16xf32>
    %sub3A_2395 = arith.subf %mul3A_1520, %mul3A_2387 : vector<16xf32>
    %sub3A_2396 = arith.subf %mul3A_1526, %mul3A_2394 : vector<16xf32>
    %mul3A_2397 = arith.mulf %sub3A_2395, %sub3A_2395 : vector<16xf32>
    %mul3A_2398 = arith.mulf %sub3A_2396, %sub3A_2396 : vector<16xf32>
    %add3A_2399 = arith.addf %mul3A_2397, %mul3A_2398 : vector<16xf32>
    %mul3A_2400 = arith.constant 20 : i32
    %mul3A_2401 = vector.broadcast %mul3A_2400 : i32 to vector<16xi32>
    %mul3A_2402 = arith.muli %min3A_2380, %mul3A_2401 : vector<16xi32>
    %add3A_2403 = arith.constant 1600 : i32
    %add3A_2404 = vector.broadcast %add3A_2403 : i32 to vector<16xi32>
    %add3A_2405 = arith.addi %add3A_2404, %mul3A_2402 : vector<16xi32>
    %add3A_2406 = arith.addi %add3A_2405, %min3A_2371 : vector<16xi32>
    %lt3A_2407 = arith.cmpf olt, %add3A_2399, %select_n3A_2361 : vector<16xf32>
    %eq3A_2408 = arith.cmpf oeq, %add3A_2399, %select_n3A_2361 : vector<16xf32>
    %lt3A_2409 = arith.cmpi slt, %add3A_2406, %select_n3A_2362 : vector<16xi32>
    %and3A_2410 = arith.andi %eq3A_2408, %lt3A_2409 : vector<16xi1>
    %or3A_2411 = arith.ori %lt3A_2407, %and3A_2410 : vector<16xi1>
    %select_n3A_2412 = arith.select %or3A_2411, %add3A_2399, %select_n3A_2361 : vector<16xi1>, vector<16xf32>
    %select_n3A_2413 = arith.select %or3A_2411, %add3A_2406, %select_n3A_2362 : vector<16xi1>, vector<16xi32>
    %add3A_2414 = arith.constant 1 : i32
    %add3A_2415 = vector.broadcast %add3A_2414 : i32 to vector<16xi32>
    %add3A_2416 = arith.addi %convert_element_type3A_2001, %add3A_2415 : vector<16xi32>
    %jit3A_2417 = arith.constant 0 : i32
    %jit3A_2418 = arith.constant 19 : i32
    %max3A_2419 = vector.broadcast %jit3A_2417 : i32 to vector<16xi32>
    %max3A_2420 = arith.maxsi %max3A_2419, %add3A_2416 : vector<16xi32>
    %min3A_2421 = vector.broadcast %jit3A_2418 : i32 to vector<16xi32>
    %min3A_2422 = arith.minsi %min3A_2421, %max3A_2420 : vector<16xi32>
    %add3A_2423 = arith.constant 1 : i32
    %add3A_2424 = vector.broadcast %add3A_2423 : i32 to vector<16xi32>
    %add3A_2425 = arith.addi %convert_element_type3A_2005, %add3A_2424 : vector<16xi32>
    %jit3A_2426 = arith.constant 0 : i32
    %jit3A_2427 = arith.constant 19 : i32
    %max3A_2428 = vector.broadcast %jit3A_2426 : i32 to vector<16xi32>
    %max3A_2429 = arith.maxsi %max3A_2428, %add3A_2425 : vector<16xi32>
    %min3A_2430 = vector.broadcast %jit3A_2427 : i32 to vector<16xi32>
    %min3A_2431 = arith.minsi %min3A_2430, %max3A_2429 : vector<16xi32>
    %convert_element_type3A_2432 = arith.sitofp %min3A_2422 : vector<16xi32> to vector<16xf32>
    %add3A_2433 = arith.constant 5.000000e-01 : f32
    %add3A_2434 = vector.broadcast %add3A_2433 : f32 to vector<16xf32>
    %add3A_2435 = arith.addf %convert_element_type3A_2432, %add3A_2434 : vector<16xf32>
    %mul3A_2436 = arith.constant 1.600000e+01 : f32
    %mul3A_2437 = vector.broadcast %mul3A_2436 : f32 to vector<16xf32>
    %mul3A_2438 = arith.mulf %add3A_2435, %mul3A_2437 : vector<16xf32>
    %convert_element_type3A_2439 = arith.sitofp %min3A_2431 : vector<16xi32> to vector<16xf32>
    %add3A_2440 = arith.constant 5.000000e-01 : f32
    %add3A_2441 = vector.broadcast %add3A_2440 : f32 to vector<16xf32>
    %add3A_2442 = arith.addf %convert_element_type3A_2439, %add3A_2441 : vector<16xf32>
    %mul3A_2443 = arith.constant 1.600000e+01 : f32
    %mul3A_2444 = vector.broadcast %mul3A_2443 : f32 to vector<16xf32>
    %mul3A_2445 = arith.mulf %add3A_2442, %mul3A_2444 : vector<16xf32>
    %sub3A_2446 = arith.subf %mul3A_1520, %mul3A_2438 : vector<16xf32>
    %sub3A_2447 = arith.subf %mul3A_1526, %mul3A_2445 : vector<16xf32>
    %mul3A_2448 = arith.mulf %sub3A_2446, %sub3A_2446 : vector<16xf32>
    %mul3A_2449 = arith.mulf %sub3A_2447, %sub3A_2447 : vector<16xf32>
    %add3A_2450 = arith.addf %mul3A_2448, %mul3A_2449 : vector<16xf32>
    %mul3A_2451 = arith.constant 20 : i32
    %mul3A_2452 = vector.broadcast %mul3A_2451 : i32 to vector<16xi32>
    %mul3A_2453 = arith.muli %min3A_2431, %mul3A_2452 : vector<16xi32>
    %add3A_2454 = arith.constant 1600 : i32
    %add3A_2455 = vector.broadcast %add3A_2454 : i32 to vector<16xi32>
    %add3A_2456 = arith.addi %add3A_2455, %mul3A_2453 : vector<16xi32>
    %add3A_2457 = arith.addi %add3A_2456, %min3A_2422 : vector<16xi32>
    %lt3A_2458 = arith.cmpf olt, %add3A_2450, %select_n3A_2412 : vector<16xf32>
    %eq3A_2459 = arith.cmpf oeq, %add3A_2450, %select_n3A_2412 : vector<16xf32>
    %lt3A_2460 = arith.cmpi slt, %add3A_2457, %select_n3A_2413 : vector<16xi32>
    %and3A_2461 = arith.andi %eq3A_2459, %lt3A_2460 : vector<16xi1>
    %or3A_2462 = arith.ori %lt3A_2458, %and3A_2461 : vector<16xi1>
    %select_n3A_2463 = arith.select %or3A_2462, %add3A_2450, %select_n3A_2412 : vector<16xi1>, vector<16xf32>
    %select_n3A_2464 = arith.select %or3A_2462, %add3A_2457, %select_n3A_2413 : vector<16xi1>, vector<16xi32>
    %mul3A_2465 = arith.constant 3.125000e-02 : f32
    %mul3A_2466 = vector.broadcast %mul3A_2465 : f32 to vector<16xf32>
    %mul3A_2467 = arith.mulf %mul3A_1520, %mul3A_2466 : vector<16xf32>
    %convert_element_type3A_2468 = arith.fptosi %mul3A_2467 : vector<16xf32> to vector<16xi32>
    %mul3A_2469 = arith.constant 3.125000e-02 : f32
    %mul3A_2470 = vector.broadcast %mul3A_2469 : f32 to vector<16xf32>
    %mul3A_2471 = arith.mulf %mul3A_1526, %mul3A_2470 : vector<16xf32>
    %convert_element_type3A_2472 = arith.fptosi %mul3A_2471 : vector<16xf32> to vector<16xi32>
    %add3A_2473 = arith.constant -1 : i32
    %add3A_2474 = vector.broadcast %add3A_2473 : i32 to vector<16xi32>
    %add3A_2475 = arith.addi %convert_element_type3A_2468, %add3A_2474 : vector<16xi32>
    %jit3A_2476 = arith.constant 0 : i32
    %jit3A_2477 = arith.constant 9 : i32
    %max3A_2478 = vector.broadcast %jit3A_2476 : i32 to vector<16xi32>
    %max3A_2479 = arith.maxsi %max3A_2478, %add3A_2475 : vector<16xi32>
    %min3A_2480 = vector.broadcast %jit3A_2477 : i32 to vector<16xi32>
    %min3A_2481 = arith.minsi %min3A_2480, %max3A_2479 : vector<16xi32>
    %add3A_2482 = arith.constant -1 : i32
    %add3A_2483 = vector.broadcast %add3A_2482 : i32 to vector<16xi32>
    %add3A_2484 = arith.addi %convert_element_type3A_2472, %add3A_2483 : vector<16xi32>
    %jit3A_2485 = arith.constant 0 : i32
    %jit3A_2486 = arith.constant 9 : i32
    %max3A_2487 = vector.broadcast %jit3A_2485 : i32 to vector<16xi32>
    %max3A_2488 = arith.maxsi %max3A_2487, %add3A_2484 : vector<16xi32>
    %min3A_2489 = vector.broadcast %jit3A_2486 : i32 to vector<16xi32>
    %min3A_2490 = arith.minsi %min3A_2489, %max3A_2488 : vector<16xi32>
    %convert_element_type3A_2491 = arith.sitofp %min3A_2481 : vector<16xi32> to vector<16xf32>
    %add3A_2492 = arith.constant 5.000000e-01 : f32
    %add3A_2493 = vector.broadcast %add3A_2492 : f32 to vector<16xf32>
    %add3A_2494 = arith.addf %convert_element_type3A_2491, %add3A_2493 : vector<16xf32>
    %mul3A_2495 = arith.constant 3.200000e+01 : f32
    %mul3A_2496 = vector.broadcast %mul3A_2495 : f32 to vector<16xf32>
    %mul3A_2497 = arith.mulf %add3A_2494, %mul3A_2496 : vector<16xf32>
    %convert_element_type3A_2498 = arith.sitofp %min3A_2490 : vector<16xi32> to vector<16xf32>
    %add3A_2499 = arith.constant 5.000000e-01 : f32
    %add3A_2500 = vector.broadcast %add3A_2499 : f32 to vector<16xf32>
    %add3A_2501 = arith.addf %convert_element_type3A_2498, %add3A_2500 : vector<16xf32>
    %mul3A_2502 = arith.constant 3.200000e+01 : f32
    %mul3A_2503 = vector.broadcast %mul3A_2502 : f32 to vector<16xf32>
    %mul3A_2504 = arith.mulf %add3A_2501, %mul3A_2503 : vector<16xf32>
    %sub3A_2505 = arith.subf %mul3A_1520, %mul3A_2497 : vector<16xf32>
    %sub3A_2506 = arith.subf %mul3A_1526, %mul3A_2504 : vector<16xf32>
    %mul3A_2507 = arith.mulf %sub3A_2505, %sub3A_2505 : vector<16xf32>
    %mul3A_2508 = arith.mulf %sub3A_2506, %sub3A_2506 : vector<16xf32>
    %add3A_2509 = arith.addf %mul3A_2507, %mul3A_2508 : vector<16xf32>
    %mul3A_2510 = arith.constant 10 : i32
    %mul3A_2511 = vector.broadcast %mul3A_2510 : i32 to vector<16xi32>
    %mul3A_2512 = arith.muli %min3A_2490, %mul3A_2511 : vector<16xi32>
    %add3A_2513 = arith.constant 2000 : i32
    %add3A_2514 = vector.broadcast %add3A_2513 : i32 to vector<16xi32>
    %add3A_2515 = arith.addi %add3A_2514, %mul3A_2512 : vector<16xi32>
    %add3A_2516 = arith.addi %add3A_2515, %min3A_2481 : vector<16xi32>
    %lt3A_2517 = arith.cmpf olt, %add3A_2509, %select_n3A_2463 : vector<16xf32>
    %eq3A_2518 = arith.cmpf oeq, %add3A_2509, %select_n3A_2463 : vector<16xf32>
    %lt3A_2519 = arith.cmpi slt, %add3A_2516, %select_n3A_2464 : vector<16xi32>
    %and3A_2520 = arith.andi %eq3A_2518, %lt3A_2519 : vector<16xi1>
    %or3A_2521 = arith.ori %lt3A_2517, %and3A_2520 : vector<16xi1>
    %select_n3A_2522 = arith.select %or3A_2521, %add3A_2509, %select_n3A_2463 : vector<16xi1>, vector<16xf32>
    %select_n3A_2523 = arith.select %or3A_2521, %add3A_2516, %select_n3A_2464 : vector<16xi1>, vector<16xi32>
    %add3A_2524 = arith.constant 0 : i32
    %add3A_2525 = vector.broadcast %add3A_2524 : i32 to vector<16xi32>
    %add3A_2526 = arith.addi %convert_element_type3A_2468, %add3A_2525 : vector<16xi32>
    %jit3A_2527 = arith.constant 0 : i32
    %jit3A_2528 = arith.constant 9 : i32
    %max3A_2529 = vector.broadcast %jit3A_2527 : i32 to vector<16xi32>
    %max3A_2530 = arith.maxsi %max3A_2529, %add3A_2526 : vector<16xi32>
    %min3A_2531 = vector.broadcast %jit3A_2528 : i32 to vector<16xi32>
    %min3A_2532 = arith.minsi %min3A_2531, %max3A_2530 : vector<16xi32>
    %add3A_2533 = arith.constant -1 : i32
    %add3A_2534 = vector.broadcast %add3A_2533 : i32 to vector<16xi32>
    %add3A_2535 = arith.addi %convert_element_type3A_2472, %add3A_2534 : vector<16xi32>
    %jit3A_2536 = arith.constant 0 : i32
    %jit3A_2537 = arith.constant 9 : i32
    %max3A_2538 = vector.broadcast %jit3A_2536 : i32 to vector<16xi32>
    %max3A_2539 = arith.maxsi %max3A_2538, %add3A_2535 : vector<16xi32>
    %min3A_2540 = vector.broadcast %jit3A_2537 : i32 to vector<16xi32>
    %min3A_2541 = arith.minsi %min3A_2540, %max3A_2539 : vector<16xi32>
    %convert_element_type3A_2542 = arith.sitofp %min3A_2532 : vector<16xi32> to vector<16xf32>
    %add3A_2543 = arith.constant 5.000000e-01 : f32
    %add3A_2544 = vector.broadcast %add3A_2543 : f32 to vector<16xf32>
    %add3A_2545 = arith.addf %convert_element_type3A_2542, %add3A_2544 : vector<16xf32>
    %mul3A_2546 = arith.constant 3.200000e+01 : f32
    %mul3A_2547 = vector.broadcast %mul3A_2546 : f32 to vector<16xf32>
    %mul3A_2548 = arith.mulf %add3A_2545, %mul3A_2547 : vector<16xf32>
    %convert_element_type3A_2549 = arith.sitofp %min3A_2541 : vector<16xi32> to vector<16xf32>
    %add3A_2550 = arith.constant 5.000000e-01 : f32
    %add3A_2551 = vector.broadcast %add3A_2550 : f32 to vector<16xf32>
    %add3A_2552 = arith.addf %convert_element_type3A_2549, %add3A_2551 : vector<16xf32>
    %mul3A_2553 = arith.constant 3.200000e+01 : f32
    %mul3A_2554 = vector.broadcast %mul3A_2553 : f32 to vector<16xf32>
    %mul3A_2555 = arith.mulf %add3A_2552, %mul3A_2554 : vector<16xf32>
    %sub3A_2556 = arith.subf %mul3A_1520, %mul3A_2548 : vector<16xf32>
    %sub3A_2557 = arith.subf %mul3A_1526, %mul3A_2555 : vector<16xf32>
    %mul3A_2558 = arith.mulf %sub3A_2556, %sub3A_2556 : vector<16xf32>
    %mul3A_2559 = arith.mulf %sub3A_2557, %sub3A_2557 : vector<16xf32>
    %add3A_2560 = arith.addf %mul3A_2558, %mul3A_2559 : vector<16xf32>
    %mul3A_2561 = arith.constant 10 : i32
    %mul3A_2562 = vector.broadcast %mul3A_2561 : i32 to vector<16xi32>
    %mul3A_2563 = arith.muli %min3A_2541, %mul3A_2562 : vector<16xi32>
    %add3A_2564 = arith.constant 2000 : i32
    %add3A_2565 = vector.broadcast %add3A_2564 : i32 to vector<16xi32>
    %add3A_2566 = arith.addi %add3A_2565, %mul3A_2563 : vector<16xi32>
    %add3A_2567 = arith.addi %add3A_2566, %min3A_2532 : vector<16xi32>
    %lt3A_2568 = arith.cmpf olt, %add3A_2560, %select_n3A_2522 : vector<16xf32>
    %eq3A_2569 = arith.cmpf oeq, %add3A_2560, %select_n3A_2522 : vector<16xf32>
    %lt3A_2570 = arith.cmpi slt, %add3A_2567, %select_n3A_2523 : vector<16xi32>
    %and3A_2571 = arith.andi %eq3A_2569, %lt3A_2570 : vector<16xi1>
    %or3A_2572 = arith.ori %lt3A_2568, %and3A_2571 : vector<16xi1>
    %select_n3A_2573 = arith.select %or3A_2572, %add3A_2560, %select_n3A_2522 : vector<16xi1>, vector<16xf32>
    %select_n3A_2574 = arith.select %or3A_2572, %add3A_2567, %select_n3A_2523 : vector<16xi1>, vector<16xi32>
    %add3A_2575 = arith.constant 1 : i32
    %add3A_2576 = vector.broadcast %add3A_2575 : i32 to vector<16xi32>
    %add3A_2577 = arith.addi %convert_element_type3A_2468, %add3A_2576 : vector<16xi32>
    %jit3A_2578 = arith.constant 0 : i32
    %jit3A_2579 = arith.constant 9 : i32
    %max3A_2580 = vector.broadcast %jit3A_2578 : i32 to vector<16xi32>
    %max3A_2581 = arith.maxsi %max3A_2580, %add3A_2577 : vector<16xi32>
    %min3A_2582 = vector.broadcast %jit3A_2579 : i32 to vector<16xi32>
    %min3A_2583 = arith.minsi %min3A_2582, %max3A_2581 : vector<16xi32>
    %add3A_2584 = arith.constant -1 : i32
    %add3A_2585 = vector.broadcast %add3A_2584 : i32 to vector<16xi32>
    %add3A_2586 = arith.addi %convert_element_type3A_2472, %add3A_2585 : vector<16xi32>
    %jit3A_2587 = arith.constant 0 : i32
    %jit3A_2588 = arith.constant 9 : i32
    %max3A_2589 = vector.broadcast %jit3A_2587 : i32 to vector<16xi32>
    %max3A_2590 = arith.maxsi %max3A_2589, %add3A_2586 : vector<16xi32>
    %min3A_2591 = vector.broadcast %jit3A_2588 : i32 to vector<16xi32>
    %min3A_2592 = arith.minsi %min3A_2591, %max3A_2590 : vector<16xi32>
    %convert_element_type3A_2593 = arith.sitofp %min3A_2583 : vector<16xi32> to vector<16xf32>
    %add3A_2594 = arith.constant 5.000000e-01 : f32
    %add3A_2595 = vector.broadcast %add3A_2594 : f32 to vector<16xf32>
    %add3A_2596 = arith.addf %convert_element_type3A_2593, %add3A_2595 : vector<16xf32>
    %mul3A_2597 = arith.constant 3.200000e+01 : f32
    %mul3A_2598 = vector.broadcast %mul3A_2597 : f32 to vector<16xf32>
    %mul3A_2599 = arith.mulf %add3A_2596, %mul3A_2598 : vector<16xf32>
    %convert_element_type3A_2600 = arith.sitofp %min3A_2592 : vector<16xi32> to vector<16xf32>
    %add3A_2601 = arith.constant 5.000000e-01 : f32
    %add3A_2602 = vector.broadcast %add3A_2601 : f32 to vector<16xf32>
    %add3A_2603 = arith.addf %convert_element_type3A_2600, %add3A_2602 : vector<16xf32>
    %mul3A_2604 = arith.constant 3.200000e+01 : f32
    %mul3A_2605 = vector.broadcast %mul3A_2604 : f32 to vector<16xf32>
    %mul3A_2606 = arith.mulf %add3A_2603, %mul3A_2605 : vector<16xf32>
    %sub3A_2607 = arith.subf %mul3A_1520, %mul3A_2599 : vector<16xf32>
    %sub3A_2608 = arith.subf %mul3A_1526, %mul3A_2606 : vector<16xf32>
    %mul3A_2609 = arith.mulf %sub3A_2607, %sub3A_2607 : vector<16xf32>
    %mul3A_2610 = arith.mulf %sub3A_2608, %sub3A_2608 : vector<16xf32>
    %add3A_2611 = arith.addf %mul3A_2609, %mul3A_2610 : vector<16xf32>
    %mul3A_2612 = arith.constant 10 : i32
    %mul3A_2613 = vector.broadcast %mul3A_2612 : i32 to vector<16xi32>
    %mul3A_2614 = arith.muli %min3A_2592, %mul3A_2613 : vector<16xi32>
    %add3A_2615 = arith.constant 2000 : i32
    %add3A_2616 = vector.broadcast %add3A_2615 : i32 to vector<16xi32>
    %add3A_2617 = arith.addi %add3A_2616, %mul3A_2614 : vector<16xi32>
    %add3A_2618 = arith.addi %add3A_2617, %min3A_2583 : vector<16xi32>
    %lt3A_2619 = arith.cmpf olt, %add3A_2611, %select_n3A_2573 : vector<16xf32>
    %eq3A_2620 = arith.cmpf oeq, %add3A_2611, %select_n3A_2573 : vector<16xf32>
    %lt3A_2621 = arith.cmpi slt, %add3A_2618, %select_n3A_2574 : vector<16xi32>
    %and3A_2622 = arith.andi %eq3A_2620, %lt3A_2621 : vector<16xi1>
    %or3A_2623 = arith.ori %lt3A_2619, %and3A_2622 : vector<16xi1>
    %select_n3A_2624 = arith.select %or3A_2623, %add3A_2611, %select_n3A_2573 : vector<16xi1>, vector<16xf32>
    %select_n3A_2625 = arith.select %or3A_2623, %add3A_2618, %select_n3A_2574 : vector<16xi1>, vector<16xi32>
    %add3A_2626 = arith.constant -1 : i32
    %add3A_2627 = vector.broadcast %add3A_2626 : i32 to vector<16xi32>
    %add3A_2628 = arith.addi %convert_element_type3A_2468, %add3A_2627 : vector<16xi32>
    %jit3A_2629 = arith.constant 0 : i32
    %jit3A_2630 = arith.constant 9 : i32
    %max3A_2631 = vector.broadcast %jit3A_2629 : i32 to vector<16xi32>
    %max3A_2632 = arith.maxsi %max3A_2631, %add3A_2628 : vector<16xi32>
    %min3A_2633 = vector.broadcast %jit3A_2630 : i32 to vector<16xi32>
    %min3A_2634 = arith.minsi %min3A_2633, %max3A_2632 : vector<16xi32>
    %add3A_2635 = arith.constant 0 : i32
    %add3A_2636 = vector.broadcast %add3A_2635 : i32 to vector<16xi32>
    %add3A_2637 = arith.addi %convert_element_type3A_2472, %add3A_2636 : vector<16xi32>
    %jit3A_2638 = arith.constant 0 : i32
    %jit3A_2639 = arith.constant 9 : i32
    %max3A_2640 = vector.broadcast %jit3A_2638 : i32 to vector<16xi32>
    %max3A_2641 = arith.maxsi %max3A_2640, %add3A_2637 : vector<16xi32>
    %min3A_2642 = vector.broadcast %jit3A_2639 : i32 to vector<16xi32>
    %min3A_2643 = arith.minsi %min3A_2642, %max3A_2641 : vector<16xi32>
    %convert_element_type3A_2644 = arith.sitofp %min3A_2634 : vector<16xi32> to vector<16xf32>
    %add3A_2645 = arith.constant 5.000000e-01 : f32
    %add3A_2646 = vector.broadcast %add3A_2645 : f32 to vector<16xf32>
    %add3A_2647 = arith.addf %convert_element_type3A_2644, %add3A_2646 : vector<16xf32>
    %mul3A_2648 = arith.constant 3.200000e+01 : f32
    %mul3A_2649 = vector.broadcast %mul3A_2648 : f32 to vector<16xf32>
    %mul3A_2650 = arith.mulf %add3A_2647, %mul3A_2649 : vector<16xf32>
    %convert_element_type3A_2651 = arith.sitofp %min3A_2643 : vector<16xi32> to vector<16xf32>
    %add3A_2652 = arith.constant 5.000000e-01 : f32
    %add3A_2653 = vector.broadcast %add3A_2652 : f32 to vector<16xf32>
    %add3A_2654 = arith.addf %convert_element_type3A_2651, %add3A_2653 : vector<16xf32>
    %mul3A_2655 = arith.constant 3.200000e+01 : f32
    %mul3A_2656 = vector.broadcast %mul3A_2655 : f32 to vector<16xf32>
    %mul3A_2657 = arith.mulf %add3A_2654, %mul3A_2656 : vector<16xf32>
    %sub3A_2658 = arith.subf %mul3A_1520, %mul3A_2650 : vector<16xf32>
    %sub3A_2659 = arith.subf %mul3A_1526, %mul3A_2657 : vector<16xf32>
    %mul3A_2660 = arith.mulf %sub3A_2658, %sub3A_2658 : vector<16xf32>
    %mul3A_2661 = arith.mulf %sub3A_2659, %sub3A_2659 : vector<16xf32>
    %add3A_2662 = arith.addf %mul3A_2660, %mul3A_2661 : vector<16xf32>
    %mul3A_2663 = arith.constant 10 : i32
    %mul3A_2664 = vector.broadcast %mul3A_2663 : i32 to vector<16xi32>
    %mul3A_2665 = arith.muli %min3A_2643, %mul3A_2664 : vector<16xi32>
    %add3A_2666 = arith.constant 2000 : i32
    %add3A_2667 = vector.broadcast %add3A_2666 : i32 to vector<16xi32>
    %add3A_2668 = arith.addi %add3A_2667, %mul3A_2665 : vector<16xi32>
    %add3A_2669 = arith.addi %add3A_2668, %min3A_2634 : vector<16xi32>
    %lt3A_2670 = arith.cmpf olt, %add3A_2662, %select_n3A_2624 : vector<16xf32>
    %eq3A_2671 = arith.cmpf oeq, %add3A_2662, %select_n3A_2624 : vector<16xf32>
    %lt3A_2672 = arith.cmpi slt, %add3A_2669, %select_n3A_2625 : vector<16xi32>
    %and3A_2673 = arith.andi %eq3A_2671, %lt3A_2672 : vector<16xi1>
    %or3A_2674 = arith.ori %lt3A_2670, %and3A_2673 : vector<16xi1>
    %select_n3A_2675 = arith.select %or3A_2674, %add3A_2662, %select_n3A_2624 : vector<16xi1>, vector<16xf32>
    %select_n3A_2676 = arith.select %or3A_2674, %add3A_2669, %select_n3A_2625 : vector<16xi1>, vector<16xi32>
    %add3A_2677 = arith.constant 0 : i32
    %add3A_2678 = vector.broadcast %add3A_2677 : i32 to vector<16xi32>
    %add3A_2679 = arith.addi %convert_element_type3A_2468, %add3A_2678 : vector<16xi32>
    %jit3A_2680 = arith.constant 0 : i32
    %jit3A_2681 = arith.constant 9 : i32
    %max3A_2682 = vector.broadcast %jit3A_2680 : i32 to vector<16xi32>
    %max3A_2683 = arith.maxsi %max3A_2682, %add3A_2679 : vector<16xi32>
    %min3A_2684 = vector.broadcast %jit3A_2681 : i32 to vector<16xi32>
    %min3A_2685 = arith.minsi %min3A_2684, %max3A_2683 : vector<16xi32>
    %add3A_2686 = arith.constant 0 : i32
    %add3A_2687 = vector.broadcast %add3A_2686 : i32 to vector<16xi32>
    %add3A_2688 = arith.addi %convert_element_type3A_2472, %add3A_2687 : vector<16xi32>
    %jit3A_2689 = arith.constant 0 : i32
    %jit3A_2690 = arith.constant 9 : i32
    %max3A_2691 = vector.broadcast %jit3A_2689 : i32 to vector<16xi32>
    %max3A_2692 = arith.maxsi %max3A_2691, %add3A_2688 : vector<16xi32>
    %min3A_2693 = vector.broadcast %jit3A_2690 : i32 to vector<16xi32>
    %min3A_2694 = arith.minsi %min3A_2693, %max3A_2692 : vector<16xi32>
    %convert_element_type3A_2695 = arith.sitofp %min3A_2685 : vector<16xi32> to vector<16xf32>
    %add3A_2696 = arith.constant 5.000000e-01 : f32
    %add3A_2697 = vector.broadcast %add3A_2696 : f32 to vector<16xf32>
    %add3A_2698 = arith.addf %convert_element_type3A_2695, %add3A_2697 : vector<16xf32>
    %mul3A_2699 = arith.constant 3.200000e+01 : f32
    %mul3A_2700 = vector.broadcast %mul3A_2699 : f32 to vector<16xf32>
    %mul3A_2701 = arith.mulf %add3A_2698, %mul3A_2700 : vector<16xf32>
    %convert_element_type3A_2702 = arith.sitofp %min3A_2694 : vector<16xi32> to vector<16xf32>
    %add3A_2703 = arith.constant 5.000000e-01 : f32
    %add3A_2704 = vector.broadcast %add3A_2703 : f32 to vector<16xf32>
    %add3A_2705 = arith.addf %convert_element_type3A_2702, %add3A_2704 : vector<16xf32>
    %mul3A_2706 = arith.constant 3.200000e+01 : f32
    %mul3A_2707 = vector.broadcast %mul3A_2706 : f32 to vector<16xf32>
    %mul3A_2708 = arith.mulf %add3A_2705, %mul3A_2707 : vector<16xf32>
    %sub3A_2709 = arith.subf %mul3A_1520, %mul3A_2701 : vector<16xf32>
    %sub3A_2710 = arith.subf %mul3A_1526, %mul3A_2708 : vector<16xf32>
    %mul3A_2711 = arith.mulf %sub3A_2709, %sub3A_2709 : vector<16xf32>
    %mul3A_2712 = arith.mulf %sub3A_2710, %sub3A_2710 : vector<16xf32>
    %add3A_2713 = arith.addf %mul3A_2711, %mul3A_2712 : vector<16xf32>
    %mul3A_2714 = arith.constant 10 : i32
    %mul3A_2715 = vector.broadcast %mul3A_2714 : i32 to vector<16xi32>
    %mul3A_2716 = arith.muli %min3A_2694, %mul3A_2715 : vector<16xi32>
    %add3A_2717 = arith.constant 2000 : i32
    %add3A_2718 = vector.broadcast %add3A_2717 : i32 to vector<16xi32>
    %add3A_2719 = arith.addi %add3A_2718, %mul3A_2716 : vector<16xi32>
    %add3A_2720 = arith.addi %add3A_2719, %min3A_2685 : vector<16xi32>
    %lt3A_2721 = arith.cmpf olt, %add3A_2713, %select_n3A_2675 : vector<16xf32>
    %eq3A_2722 = arith.cmpf oeq, %add3A_2713, %select_n3A_2675 : vector<16xf32>
    %lt3A_2723 = arith.cmpi slt, %add3A_2720, %select_n3A_2676 : vector<16xi32>
    %and3A_2724 = arith.andi %eq3A_2722, %lt3A_2723 : vector<16xi1>
    %or3A_2725 = arith.ori %lt3A_2721, %and3A_2724 : vector<16xi1>
    %select_n3A_2726 = arith.select %or3A_2725, %add3A_2713, %select_n3A_2675 : vector<16xi1>, vector<16xf32>
    %select_n3A_2727 = arith.select %or3A_2725, %add3A_2720, %select_n3A_2676 : vector<16xi1>, vector<16xi32>
    %add3A_2728 = arith.constant 1 : i32
    %add3A_2729 = vector.broadcast %add3A_2728 : i32 to vector<16xi32>
    %add3A_2730 = arith.addi %convert_element_type3A_2468, %add3A_2729 : vector<16xi32>
    %jit3A_2731 = arith.constant 0 : i32
    %jit3A_2732 = arith.constant 9 : i32
    %max3A_2733 = vector.broadcast %jit3A_2731 : i32 to vector<16xi32>
    %max3A_2734 = arith.maxsi %max3A_2733, %add3A_2730 : vector<16xi32>
    %min3A_2735 = vector.broadcast %jit3A_2732 : i32 to vector<16xi32>
    %min3A_2736 = arith.minsi %min3A_2735, %max3A_2734 : vector<16xi32>
    %add3A_2737 = arith.constant 0 : i32
    %add3A_2738 = vector.broadcast %add3A_2737 : i32 to vector<16xi32>
    %add3A_2739 = arith.addi %convert_element_type3A_2472, %add3A_2738 : vector<16xi32>
    %jit3A_2740 = arith.constant 0 : i32
    %jit3A_2741 = arith.constant 9 : i32
    %max3A_2742 = vector.broadcast %jit3A_2740 : i32 to vector<16xi32>
    %max3A_2743 = arith.maxsi %max3A_2742, %add3A_2739 : vector<16xi32>
    %min3A_2744 = vector.broadcast %jit3A_2741 : i32 to vector<16xi32>
    %min3A_2745 = arith.minsi %min3A_2744, %max3A_2743 : vector<16xi32>
    %convert_element_type3A_2746 = arith.sitofp %min3A_2736 : vector<16xi32> to vector<16xf32>
    %add3A_2747 = arith.constant 5.000000e-01 : f32
    %add3A_2748 = vector.broadcast %add3A_2747 : f32 to vector<16xf32>
    %add3A_2749 = arith.addf %convert_element_type3A_2746, %add3A_2748 : vector<16xf32>
    %mul3A_2750 = arith.constant 3.200000e+01 : f32
    %mul3A_2751 = vector.broadcast %mul3A_2750 : f32 to vector<16xf32>
    %mul3A_2752 = arith.mulf %add3A_2749, %mul3A_2751 : vector<16xf32>
    %convert_element_type3A_2753 = arith.sitofp %min3A_2745 : vector<16xi32> to vector<16xf32>
    %add3A_2754 = arith.constant 5.000000e-01 : f32
    %add3A_2755 = vector.broadcast %add3A_2754 : f32 to vector<16xf32>
    %add3A_2756 = arith.addf %convert_element_type3A_2753, %add3A_2755 : vector<16xf32>
    %mul3A_2757 = arith.constant 3.200000e+01 : f32
    %mul3A_2758 = vector.broadcast %mul3A_2757 : f32 to vector<16xf32>
    %mul3A_2759 = arith.mulf %add3A_2756, %mul3A_2758 : vector<16xf32>
    %sub3A_2760 = arith.subf %mul3A_1520, %mul3A_2752 : vector<16xf32>
    %sub3A_2761 = arith.subf %mul3A_1526, %mul3A_2759 : vector<16xf32>
    %mul3A_2762 = arith.mulf %sub3A_2760, %sub3A_2760 : vector<16xf32>
    %mul3A_2763 = arith.mulf %sub3A_2761, %sub3A_2761 : vector<16xf32>
    %add3A_2764 = arith.addf %mul3A_2762, %mul3A_2763 : vector<16xf32>
    %mul3A_2765 = arith.constant 10 : i32
    %mul3A_2766 = vector.broadcast %mul3A_2765 : i32 to vector<16xi32>
    %mul3A_2767 = arith.muli %min3A_2745, %mul3A_2766 : vector<16xi32>
    %add3A_2768 = arith.constant 2000 : i32
    %add3A_2769 = vector.broadcast %add3A_2768 : i32 to vector<16xi32>
    %add3A_2770 = arith.addi %add3A_2769, %mul3A_2767 : vector<16xi32>
    %add3A_2771 = arith.addi %add3A_2770, %min3A_2736 : vector<16xi32>
    %lt3A_2772 = arith.cmpf olt, %add3A_2764, %select_n3A_2726 : vector<16xf32>
    %eq3A_2773 = arith.cmpf oeq, %add3A_2764, %select_n3A_2726 : vector<16xf32>
    %lt3A_2774 = arith.cmpi slt, %add3A_2771, %select_n3A_2727 : vector<16xi32>
    %and3A_2775 = arith.andi %eq3A_2773, %lt3A_2774 : vector<16xi1>
    %or3A_2776 = arith.ori %lt3A_2772, %and3A_2775 : vector<16xi1>
    %select_n3A_2777 = arith.select %or3A_2776, %add3A_2764, %select_n3A_2726 : vector<16xi1>, vector<16xf32>
    %select_n3A_2778 = arith.select %or3A_2776, %add3A_2771, %select_n3A_2727 : vector<16xi1>, vector<16xi32>
    %add3A_2779 = arith.constant -1 : i32
    %add3A_2780 = vector.broadcast %add3A_2779 : i32 to vector<16xi32>
    %add3A_2781 = arith.addi %convert_element_type3A_2468, %add3A_2780 : vector<16xi32>
    %jit3A_2782 = arith.constant 0 : i32
    %jit3A_2783 = arith.constant 9 : i32
    %max3A_2784 = vector.broadcast %jit3A_2782 : i32 to vector<16xi32>
    %max3A_2785 = arith.maxsi %max3A_2784, %add3A_2781 : vector<16xi32>
    %min3A_2786 = vector.broadcast %jit3A_2783 : i32 to vector<16xi32>
    %min3A_2787 = arith.minsi %min3A_2786, %max3A_2785 : vector<16xi32>
    %add3A_2788 = arith.constant 1 : i32
    %add3A_2789 = vector.broadcast %add3A_2788 : i32 to vector<16xi32>
    %add3A_2790 = arith.addi %convert_element_type3A_2472, %add3A_2789 : vector<16xi32>
    %jit3A_2791 = arith.constant 0 : i32
    %jit3A_2792 = arith.constant 9 : i32
    %max3A_2793 = vector.broadcast %jit3A_2791 : i32 to vector<16xi32>
    %max3A_2794 = arith.maxsi %max3A_2793, %add3A_2790 : vector<16xi32>
    %min3A_2795 = vector.broadcast %jit3A_2792 : i32 to vector<16xi32>
    %min3A_2796 = arith.minsi %min3A_2795, %max3A_2794 : vector<16xi32>
    %convert_element_type3A_2797 = arith.sitofp %min3A_2787 : vector<16xi32> to vector<16xf32>
    %add3A_2798 = arith.constant 5.000000e-01 : f32
    %add3A_2799 = vector.broadcast %add3A_2798 : f32 to vector<16xf32>
    %add3A_2800 = arith.addf %convert_element_type3A_2797, %add3A_2799 : vector<16xf32>
    %mul3A_2801 = arith.constant 3.200000e+01 : f32
    %mul3A_2802 = vector.broadcast %mul3A_2801 : f32 to vector<16xf32>
    %mul3A_2803 = arith.mulf %add3A_2800, %mul3A_2802 : vector<16xf32>
    %convert_element_type3A_2804 = arith.sitofp %min3A_2796 : vector<16xi32> to vector<16xf32>
    %add3A_2805 = arith.constant 5.000000e-01 : f32
    %add3A_2806 = vector.broadcast %add3A_2805 : f32 to vector<16xf32>
    %add3A_2807 = arith.addf %convert_element_type3A_2804, %add3A_2806 : vector<16xf32>
    %mul3A_2808 = arith.constant 3.200000e+01 : f32
    %mul3A_2809 = vector.broadcast %mul3A_2808 : f32 to vector<16xf32>
    %mul3A_2810 = arith.mulf %add3A_2807, %mul3A_2809 : vector<16xf32>
    %sub3A_2811 = arith.subf %mul3A_1520, %mul3A_2803 : vector<16xf32>
    %sub3A_2812 = arith.subf %mul3A_1526, %mul3A_2810 : vector<16xf32>
    %mul3A_2813 = arith.mulf %sub3A_2811, %sub3A_2811 : vector<16xf32>
    %mul3A_2814 = arith.mulf %sub3A_2812, %sub3A_2812 : vector<16xf32>
    %add3A_2815 = arith.addf %mul3A_2813, %mul3A_2814 : vector<16xf32>
    %mul3A_2816 = arith.constant 10 : i32
    %mul3A_2817 = vector.broadcast %mul3A_2816 : i32 to vector<16xi32>
    %mul3A_2818 = arith.muli %min3A_2796, %mul3A_2817 : vector<16xi32>
    %add3A_2819 = arith.constant 2000 : i32
    %add3A_2820 = vector.broadcast %add3A_2819 : i32 to vector<16xi32>
    %add3A_2821 = arith.addi %add3A_2820, %mul3A_2818 : vector<16xi32>
    %add3A_2822 = arith.addi %add3A_2821, %min3A_2787 : vector<16xi32>
    %lt3A_2823 = arith.cmpf olt, %add3A_2815, %select_n3A_2777 : vector<16xf32>
    %eq3A_2824 = arith.cmpf oeq, %add3A_2815, %select_n3A_2777 : vector<16xf32>
    %lt3A_2825 = arith.cmpi slt, %add3A_2822, %select_n3A_2778 : vector<16xi32>
    %and3A_2826 = arith.andi %eq3A_2824, %lt3A_2825 : vector<16xi1>
    %or3A_2827 = arith.ori %lt3A_2823, %and3A_2826 : vector<16xi1>
    %select_n3A_2828 = arith.select %or3A_2827, %add3A_2815, %select_n3A_2777 : vector<16xi1>, vector<16xf32>
    %select_n3A_2829 = arith.select %or3A_2827, %add3A_2822, %select_n3A_2778 : vector<16xi1>, vector<16xi32>
    %add3A_2830 = arith.constant 0 : i32
    %add3A_2831 = vector.broadcast %add3A_2830 : i32 to vector<16xi32>
    %add3A_2832 = arith.addi %convert_element_type3A_2468, %add3A_2831 : vector<16xi32>
    %jit3A_2833 = arith.constant 0 : i32
    %jit3A_2834 = arith.constant 9 : i32
    %max3A_2835 = vector.broadcast %jit3A_2833 : i32 to vector<16xi32>
    %max3A_2836 = arith.maxsi %max3A_2835, %add3A_2832 : vector<16xi32>
    %min3A_2837 = vector.broadcast %jit3A_2834 : i32 to vector<16xi32>
    %min3A_2838 = arith.minsi %min3A_2837, %max3A_2836 : vector<16xi32>
    %add3A_2839 = arith.constant 1 : i32
    %add3A_2840 = vector.broadcast %add3A_2839 : i32 to vector<16xi32>
    %add3A_2841 = arith.addi %convert_element_type3A_2472, %add3A_2840 : vector<16xi32>
    %jit3A_2842 = arith.constant 0 : i32
    %jit3A_2843 = arith.constant 9 : i32
    %max3A_2844 = vector.broadcast %jit3A_2842 : i32 to vector<16xi32>
    %max3A_2845 = arith.maxsi %max3A_2844, %add3A_2841 : vector<16xi32>
    %min3A_2846 = vector.broadcast %jit3A_2843 : i32 to vector<16xi32>
    %min3A_2847 = arith.minsi %min3A_2846, %max3A_2845 : vector<16xi32>
    %convert_element_type3A_2848 = arith.sitofp %min3A_2838 : vector<16xi32> to vector<16xf32>
    %add3A_2849 = arith.constant 5.000000e-01 : f32
    %add3A_2850 = vector.broadcast %add3A_2849 : f32 to vector<16xf32>
    %add3A_2851 = arith.addf %convert_element_type3A_2848, %add3A_2850 : vector<16xf32>
    %mul3A_2852 = arith.constant 3.200000e+01 : f32
    %mul3A_2853 = vector.broadcast %mul3A_2852 : f32 to vector<16xf32>
    %mul3A_2854 = arith.mulf %add3A_2851, %mul3A_2853 : vector<16xf32>
    %convert_element_type3A_2855 = arith.sitofp %min3A_2847 : vector<16xi32> to vector<16xf32>
    %add3A_2856 = arith.constant 5.000000e-01 : f32
    %add3A_2857 = vector.broadcast %add3A_2856 : f32 to vector<16xf32>
    %add3A_2858 = arith.addf %convert_element_type3A_2855, %add3A_2857 : vector<16xf32>
    %mul3A_2859 = arith.constant 3.200000e+01 : f32
    %mul3A_2860 = vector.broadcast %mul3A_2859 : f32 to vector<16xf32>
    %mul3A_2861 = arith.mulf %add3A_2858, %mul3A_2860 : vector<16xf32>
    %sub3A_2862 = arith.subf %mul3A_1520, %mul3A_2854 : vector<16xf32>
    %sub3A_2863 = arith.subf %mul3A_1526, %mul3A_2861 : vector<16xf32>
    %mul3A_2864 = arith.mulf %sub3A_2862, %sub3A_2862 : vector<16xf32>
    %mul3A_2865 = arith.mulf %sub3A_2863, %sub3A_2863 : vector<16xf32>
    %add3A_2866 = arith.addf %mul3A_2864, %mul3A_2865 : vector<16xf32>
    %mul3A_2867 = arith.constant 10 : i32
    %mul3A_2868 = vector.broadcast %mul3A_2867 : i32 to vector<16xi32>
    %mul3A_2869 = arith.muli %min3A_2847, %mul3A_2868 : vector<16xi32>
    %add3A_2870 = arith.constant 2000 : i32
    %add3A_2871 = vector.broadcast %add3A_2870 : i32 to vector<16xi32>
    %add3A_2872 = arith.addi %add3A_2871, %mul3A_2869 : vector<16xi32>
    %add3A_2873 = arith.addi %add3A_2872, %min3A_2838 : vector<16xi32>
    %lt3A_2874 = arith.cmpf olt, %add3A_2866, %select_n3A_2828 : vector<16xf32>
    %eq3A_2875 = arith.cmpf oeq, %add3A_2866, %select_n3A_2828 : vector<16xf32>
    %lt3A_2876 = arith.cmpi slt, %add3A_2873, %select_n3A_2829 : vector<16xi32>
    %and3A_2877 = arith.andi %eq3A_2875, %lt3A_2876 : vector<16xi1>
    %or3A_2878 = arith.ori %lt3A_2874, %and3A_2877 : vector<16xi1>
    %select_n3A_2879 = arith.select %or3A_2878, %add3A_2866, %select_n3A_2828 : vector<16xi1>, vector<16xf32>
    %select_n3A_2880 = arith.select %or3A_2878, %add3A_2873, %select_n3A_2829 : vector<16xi1>, vector<16xi32>
    %add3A_2881 = arith.constant 1 : i32
    %add3A_2882 = vector.broadcast %add3A_2881 : i32 to vector<16xi32>
    %add3A_2883 = arith.addi %convert_element_type3A_2468, %add3A_2882 : vector<16xi32>
    %jit3A_2884 = arith.constant 0 : i32
    %jit3A_2885 = arith.constant 9 : i32
    %max3A_2886 = vector.broadcast %jit3A_2884 : i32 to vector<16xi32>
    %max3A_2887 = arith.maxsi %max3A_2886, %add3A_2883 : vector<16xi32>
    %min3A_2888 = vector.broadcast %jit3A_2885 : i32 to vector<16xi32>
    %min3A_2889 = arith.minsi %min3A_2888, %max3A_2887 : vector<16xi32>
    %add3A_2890 = arith.constant 1 : i32
    %add3A_2891 = vector.broadcast %add3A_2890 : i32 to vector<16xi32>
    %add3A_2892 = arith.addi %convert_element_type3A_2472, %add3A_2891 : vector<16xi32>
    %jit3A_2893 = arith.constant 0 : i32
    %jit3A_2894 = arith.constant 9 : i32
    %max3A_2895 = vector.broadcast %jit3A_2893 : i32 to vector<16xi32>
    %max3A_2896 = arith.maxsi %max3A_2895, %add3A_2892 : vector<16xi32>
    %min3A_2897 = vector.broadcast %jit3A_2894 : i32 to vector<16xi32>
    %min3A_2898 = arith.minsi %min3A_2897, %max3A_2896 : vector<16xi32>
    %convert_element_type3A_2899 = arith.sitofp %min3A_2889 : vector<16xi32> to vector<16xf32>
    %add3A_2900 = arith.constant 5.000000e-01 : f32
    %add3A_2901 = vector.broadcast %add3A_2900 : f32 to vector<16xf32>
    %add3A_2902 = arith.addf %convert_element_type3A_2899, %add3A_2901 : vector<16xf32>
    %mul3A_2903 = arith.constant 3.200000e+01 : f32
    %mul3A_2904 = vector.broadcast %mul3A_2903 : f32 to vector<16xf32>
    %mul3A_2905 = arith.mulf %add3A_2902, %mul3A_2904 : vector<16xf32>
    %convert_element_type3A_2906 = arith.sitofp %min3A_2898 : vector<16xi32> to vector<16xf32>
    %add3A_2907 = arith.constant 5.000000e-01 : f32
    %add3A_2908 = vector.broadcast %add3A_2907 : f32 to vector<16xf32>
    %add3A_2909 = arith.addf %convert_element_type3A_2906, %add3A_2908 : vector<16xf32>
    %mul3A_2910 = arith.constant 3.200000e+01 : f32
    %mul3A_2911 = vector.broadcast %mul3A_2910 : f32 to vector<16xf32>
    %mul3A_2912 = arith.mulf %add3A_2909, %mul3A_2911 : vector<16xf32>
    %sub3A_2913 = arith.subf %mul3A_1520, %mul3A_2905 : vector<16xf32>
    %sub3A_2914 = arith.subf %mul3A_1526, %mul3A_2912 : vector<16xf32>
    %mul3A_2915 = arith.mulf %sub3A_2913, %sub3A_2913 : vector<16xf32>
    %mul3A_2916 = arith.mulf %sub3A_2914, %sub3A_2914 : vector<16xf32>
    %add3A_2917 = arith.addf %mul3A_2915, %mul3A_2916 : vector<16xf32>
    %mul3A_2918 = arith.constant 10 : i32
    %mul3A_2919 = vector.broadcast %mul3A_2918 : i32 to vector<16xi32>
    %mul3A_2920 = arith.muli %min3A_2898, %mul3A_2919 : vector<16xi32>
    %add3A_2921 = arith.constant 2000 : i32
    %add3A_2922 = vector.broadcast %add3A_2921 : i32 to vector<16xi32>
    %add3A_2923 = arith.addi %add3A_2922, %mul3A_2920 : vector<16xi32>
    %add3A_2924 = arith.addi %add3A_2923, %min3A_2889 : vector<16xi32>
    %lt3A_2925 = arith.cmpf olt, %add3A_2917, %select_n3A_2879 : vector<16xf32>
    %eq3A_2926 = arith.cmpf oeq, %add3A_2917, %select_n3A_2879 : vector<16xf32>
    %lt3A_2927 = arith.cmpi slt, %add3A_2924, %select_n3A_2880 : vector<16xi32>
    %and3A_2928 = arith.andi %eq3A_2926, %lt3A_2927 : vector<16xi1>
    %or3A_2929 = arith.ori %lt3A_2925, %and3A_2928 : vector<16xi1>
    %select_n3A_2930 = arith.select %or3A_2929, %add3A_2917, %select_n3A_2879 : vector<16xi1>, vector<16xf32>
    %select_n3A_2931 = arith.select %or3A_2929, %add3A_2924, %select_n3A_2880 : vector<16xi1>, vector<16xi32>
    %jit3A_2932 = arith.constant -1 : i32
    %broadcast_in_dim3A_2933 = vector.broadcast %jit3A_2932 : i32 to vector<16xi32>
    %select_n3A_2934 = arith.select %lt3A_1514, %select_n3A_2931, %broadcast_in_dim3A_2933 : vector<16xi1>, vector<16xi32>
    %swap3A_2935 = arith.constant 0 : index
    %swap3A_2936 = tpu.vector_load %arg6[%swap3A_2935] {strides = array<i32>} : memref<16xi32, #tpu.memory_space<vmem>>, vector<16xi32>,
    %swap3A_2937 = vector.shape_cast %swap3A_2936 : vector<16xi32> to vector<16xi32>
    %swap3A_2938 = vector.shape_cast %select_n3A_2934 : vector<16xi32> to vector<16xi32>
    tpu.vector_store %arg6[%swap3A_2935], %swap3A_2938 {strides = array<i32>} : memref<16xi32, #tpu.memory_space<vmem>>, vector<16xi32>,
    "tpu.region"() ({
      %run_scoped3A_2939 = tpu.sem_alloc : memref<!tpu.dma_semaphore, #tpu.memory_space<semaphore_mem>>
      %dma_start3A = tpu.memref_slice %arg3[%mul3A_1464] : memref<512xi32, #tpu.memory_space<hbm>> -> memref<16xi32, #tpu.memory_space<hbm>>
      %dma_start3A_2940 = tpu.memref_slice %arg3[%mul3A_1464] : memref<512xi32, #tpu.memory_space<hbm>> -> memref<16xi32, #tpu.memory_space<hbm>>
      tpu.enqueue_dma source(%arg6 : memref<16xi32, #tpu.memory_space<vmem>>) target(%dma_start3A_2940 : memref<16xi32, #tpu.memory_space<hbm>>) target_semaphore(%run_scoped3A_2939 : memref<!tpu.dma_semaphore, #tpu.memory_space<semaphore_mem>>)
      %dma_wait3A = tpu.memref_slice %arg3[%mul3A_1464] : memref<512xi32, #tpu.memory_space<hbm>> -> memref<16xi32, #tpu.memory_space<hbm>>
      %dma_wait3A_2941 = tpu.memref_slice %arg3[%mul3A_1464] : memref<512xi32, #tpu.memory_space<hbm>> -> memref<16xi32, #tpu.memory_space<hbm>>
      tpu.wait_dma2 semaphore(%run_scoped3A_2939 : memref<!tpu.dma_semaphore, #tpu.memory_space<semaphore_mem>>) src(%arg6 : memref<16xi32, #tpu.memory_space<vmem>>) dst(%dma_wait3A_2941 : memref<16xi32, #tpu.memory_space<hbm>>)
      tpu.yield
    }) : () -> ()
    return
  }
}

module attributes {stable_mosaic.version = 14 : i64} {
  func.func @_tc_loss_body(%arg0: memref<8x35x2100xf32, #tpu.memory_space<vmem>>, %arg1: memref<8x50x5xf32, #tpu.memory_space<vmem>>, %arg2: memref<512xi32, #tpu.memory_space<vmem>>, %arg3: memref<1x1xf32, #tpu.memory_space<vmem>>) attributes {dimension_semantics = [], scalar_prefetch = 0 : i64, scratch_operands = 0 : i64, tpu.core_type = #tpu.core_type<tc>} {
    %get3A = arith.constant 0 : index
    %get3A_0 = vector.load %arg2[%get3A] : memref<512xi32, #tpu.memory_space<vmem>>, vector<512xi32>
    %iota3A = tpu.iota {dimensions = array<i32: 0>} : vector<64x64xi32>
    %iota3A_1 = tpu.iota {dimensions = array<i32: 1>} : vector<64x64xi32>
    %eq3A = arith.cmpi eq, %iota3A, %iota3A_1 : vector<64x64xi32>
    %convert_element_type3A = arith.extui %eq3A : vector<64x64xi1> to vector<64x64xi32>
    %broadcast_in_dim3A = arith.constant 0.000000e+00 : f32
    %broadcast_in_dim3A_2 = vector.broadcast %broadcast_in_dim3A : f32 to vector<1x1xf32>
    %get3A_3 = arith.constant 0 : index
    %get3A_4 = arith.constant 0 : index
    %get3A_5 = arith.constant 0 : index
    %get3A_6 = vector.load %arg0[%get3A_3, %get3A_4, %get3A_5] : memref<8x35x2100xf32, #tpu.memory_space<vmem>>, vector<1x35x2100xf32>
    %get3A_7 = vector.shape_cast %get3A_6 : vector<1x35x2100xf32> to vector<35x2100xf32>
    %get3A_8 = arith.constant 0 : index
    %get3A_9 = arith.constant 0 : index
    %get3A_10 = arith.constant 0 : index
    %get3A_11 = vector.load %arg1[%get3A_8, %get3A_9, %get3A_10] : memref<8x50x5xf32, #tpu.memory_space<vmem>>, vector<1x50x5xf32>
    %get3A_12 = vector.shape_cast %get3A_11 : vector<1x50x5xf32> to vector<50x5xf32>
    %slice3A = vector.extract_strided_slice %get3A_0 {offsets = [0], sizes = [64], strides = [1]} : vector<512xi32> to vector<64xi32>
    %reshape3A = vector.shape_cast %slice3A : vector<64xi32> to vector<1x64xi32>
    %broadcast_in_dim3A_13 = vector.shape_cast %reshape3A : vector<1x64xi32> to vector<1x64xi32>
    %broadcast_in_dim3A_14 = vector.broadcast %broadcast_in_dim3A_13 : vector<1x64xi32> to vector<64x64xi32>
    %mul3A = arith.muli %broadcast_in_dim3A_14, %convert_element_type3A : vector<64x64xi32>
    %reduce_sum3A = arith.constant dense<0> : vector<64xi32>
    %reduce_sum3A_15 = vector.multi_reduction <add>, %mul3A, %reduce_sum3A [1] : vector<64x64xi32> to vector<64xi32>
    %broadcast_in_dim3A_16 = vector.shape_cast %reduce_sum3A_15 : vector<64xi32> to vector<64x1xi32>
    %iota3A_17 = tpu.iota {dimensions = array<i32: 1>} : vector<64x2100xi32>
    %eq3A_18 = vector.broadcast %broadcast_in_dim3A_16 : vector<64x1xi32> to vector<64x2100xi32>
    %eq3A_19 = arith.cmpi eq, %iota3A_17, %eq3A_18 : vector<64x2100xi32>
    %convert_element_type3A_20 = arith.extui %eq3A_19 : vector<64x2100xi1> to vector<64x2100xi32>
    %convert_element_type3A_21 = arith.sitofp %convert_element_type3A_20 : vector<64x2100xi32> to vector<64x2100xf32>
    %dot_general3A = arith.constant dense<0.000000e+00> : vector<64x35xf32>
    %dot_general3A_22 = tpu.matmul %convert_element_type3A_21, %get3A_7, %dot_general3A {dimension_numbers = #tpu.dot_dimension_numbers<[1], [1], [0], [0], [0, 0, 1, 0], [], []>, transpose_lhs_hint = false} : vector<64x2100xf32>, vector<35x2100xf32>, vector<64x35xf32> -> vector<64x35xf32>
    %slice3A_23 = vector.extract_strided_slice %dot_general3A_22 {offsets = [0, 0], sizes = [50, 4], strides = [1, 1]} : vector<64x35xf32> to vector<50x4xf32>
    %logistic3A = arith.negf %slice3A_23 : vector<50x4xf32>
    %logistic3A_24 = math.exp %logistic3A : vector<50x4xf32>
    %logistic3A_25 = arith.constant 1.000000e+00 : f32
    %logistic3A_26 = vector.broadcast %logistic3A_25 : f32 to vector<50x4xf32>
    %logistic3A_27 = arith.addf %logistic3A_26, %logistic3A_24 : vector<50x4xf32>
    %logistic3A_28 = arith.divf %logistic3A_26, %logistic3A_27 : vector<50x4xf32>
    %slice3A_29 = vector.extract_strided_slice %get3A_12 {offsets = [0, 1], sizes = [50, 4], strides = [1, 1]} : vector<50x5xf32> to vector<50x4xf32>
    %sub3A = arith.subf %logistic3A_28, %slice3A_29 : vector<50x4xf32>
    %mul3A_30 = arith.mulf %sub3A, %sub3A : vector<50x4xf32>
    %reduce_sum3A_31 = vector.shape_cast %mul3A_30 : vector<50x4xf32> to vector<1x50x4xf32>
    %reduce_sum3A_32 = arith.constant dense<0.000000e+00> : vector<1xf32>
    %reduce_sum3A_33 = vector.multi_reduction <add>, %reduce_sum3A_31, %reduce_sum3A_32 [1, 2] : vector<1x50x4xf32> to vector<1xf32>
    %reduce_sum3A_34 = vector.shape_cast %reduce_sum3A_33 : vector<1xf32> to vector<1x1x1xf32>
    %reduce_sum3A_35 = vector.extract %reduce_sum3A_34[0, 0, 0] : f32 from vector<1x1x1xf32>
    %mul3A_36 = arith.constant 5.000000e-03 : f32
    %mul3A_37 = arith.mulf %reduce_sum3A_35, %mul3A_36 : f32
    %slice3A_38 = vector.extract_strided_slice %dot_general3A_22 {offsets = [0, 5], sizes = [50, 30], strides = [1, 1]} : vector<64x35xf32> to vector<50x30xf32>
    %slice3A_39 = vector.extract_strided_slice %get3A_12 {offsets = [0, 0], sizes = [50, 1], strides = [1, 1]} : vector<50x5xf32> to vector<50x1xf32>
    %convert_element_type3A_40 = arith.fptosi %slice3A_39 : vector<50x1xf32> to vector<50x1xi32>
    %iota3A_41 = tpu.iota {dimensions = array<i32: 1>} : vector<50x30xi32>
    %eq3A_42 = vector.broadcast %convert_element_type3A_40 : vector<50x1xi32> to vector<50x30xi32>
    %eq3A_43 = arith.cmpi eq, %iota3A_41, %eq3A_42 : vector<50x30xi32>
    %convert_element_type3A_44 = arith.extui %eq3A_43 : vector<50x30xi1> to vector<50x30xi32>
    %convert_element_type3A_45 = arith.sitofp %convert_element_type3A_44 : vector<50x30xi32> to vector<50x30xf32>
    %max3A = arith.constant 0.000000e+00 : f32
    %max3A_46 = vector.broadcast %max3A : f32 to vector<50x30xf32>
    %max3A_47 = arith.maximumf %slice3A_38, %max3A_46 : vector<50x30xf32>
    %abs3A = math.absf %slice3A_38 : vector<50x30xf32>
    %neg3A = arith.constant 0.000000e+00 : f32
    %neg3A_48 = vector.broadcast %neg3A : f32 to vector<50x30xf32>
    %neg3A_49 = arith.subf %neg3A_48, %abs3A : vector<50x30xf32>
    %exp3A = math.exp %neg3A_49 : vector<50x30xf32>
    %log1p3A = math.log1p %exp3A : vector<50x30xf32>
    %add3A = arith.addf %max3A_47, %log1p3A : vector<50x30xf32>
    %mul3A_50 = arith.mulf %convert_element_type3A_45, %slice3A_38 : vector<50x30xf32>
    %sub3A_51 = arith.subf %add3A, %mul3A_50 : vector<50x30xf32>
    %reduce_sum3A_52 = vector.shape_cast %sub3A_51 : vector<50x30xf32> to vector<1x50x30xf32>
    %reduce_sum3A_53 = arith.constant dense<0.000000e+00> : vector<1xf32>
    %reduce_sum3A_54 = vector.multi_reduction <add>, %reduce_sum3A_52, %reduce_sum3A_53 [1, 2] : vector<1x50x30xf32> to vector<1xf32>
    %reduce_sum3A_55 = vector.shape_cast %reduce_sum3A_54 : vector<1xf32> to vector<1x1x1xf32>
    %reduce_sum3A_56 = vector.extract %reduce_sum3A_55[0, 0, 0] : f32 from vector<1x1x1xf32>
    %mul3A_57 = arith.constant 6.66666659E-4 : f32
    %mul3A_58 = arith.mulf %reduce_sum3A_56, %mul3A_57 : f32
    %reduce_max3A = arith.constant dense<0xFF800000> : vector<2100xf32>
    %reduce_max3A_59 = vector.multi_reduction <maximumf>, %convert_element_type3A_21, %reduce_max3A [0] : vector<64x2100xf32> to vector<2100xf32>
    %broadcast_in_dim3A_60 = vector.shape_cast %reduce_max3A_59 : vector<2100xf32> to vector<1x2100xf32>
    %slice3A_61 = vector.extract_strided_slice %get3A_7 {offsets = [4, 0], sizes = [1, 2100], strides = [1, 1]} : vector<35x2100xf32> to vector<1x2100xf32>
    %max3A_62 = arith.constant 0.000000e+00 : f32
    %max3A_63 = vector.broadcast %max3A_62 : f32 to vector<1x2100xf32>
    %max3A_64 = arith.maximumf %slice3A_61, %max3A_63 : vector<1x2100xf32>
    %abs3A_65 = math.absf %slice3A_61 : vector<1x2100xf32>
    %neg3A_66 = arith.constant 0.000000e+00 : f32
    %neg3A_67 = vector.broadcast %neg3A_66 : f32 to vector<1x2100xf32>
    %neg3A_68 = arith.subf %neg3A_67, %abs3A_65 : vector<1x2100xf32>
    %exp3A_69 = math.exp %neg3A_68 : vector<1x2100xf32>
    %log1p3A_70 = math.log1p %exp3A_69 : vector<1x2100xf32>
    %add3A_71 = arith.addf %max3A_64, %log1p3A_70 : vector<1x2100xf32>
    %mul3A_72 = arith.constant 1.900000e+01 : f32
    %mul3A_73 = vector.broadcast %mul3A_72 : f32 to vector<1x2100xf32>
    %mul3A_74 = arith.mulf %mul3A_73, %broadcast_in_dim3A_60 : vector<1x2100xf32>
    %add3A_75 = arith.constant 1.000000e+00 : f32
    %add3A_76 = vector.broadcast %add3A_75 : f32 to vector<1x2100xf32>
    %add3A_77 = arith.addf %add3A_76, %mul3A_74 : vector<1x2100xf32>
    %mul3A_78 = arith.mulf %add3A_71, %add3A_77 : vector<1x2100xf32>
    %mul3A_79 = arith.constant 2.000000e+01 : f32
    %mul3A_80 = vector.broadcast %mul3A_79 : f32 to vector<1x2100xf32>
    %mul3A_81 = arith.mulf %mul3A_80, %broadcast_in_dim3A_60 : vector<1x2100xf32>
    %mul3A_82 = arith.mulf %mul3A_81, %slice3A_61 : vector<1x2100xf32>
    %sub3A_83 = arith.subf %mul3A_78, %mul3A_82 : vector<1x2100xf32>
    %reduce_sum3A_84 = vector.shape_cast %sub3A_83 : vector<1x2100xf32> to vector<1x1x2100xf32>
    %reduce_sum3A_85 = arith.constant dense<0.000000e+00> : vector<1xf32>
    %reduce_sum3A_86 = vector.multi_reduction <add>, %reduce_sum3A_84, %reduce_sum3A_85 [1, 2] : vector<1x1x2100xf32> to vector<1xf32>
    %reduce_sum3A_87 = vector.shape_cast %reduce_sum3A_86 : vector<1xf32> to vector<1x1x1xf32>
    %reduce_sum3A_88 = vector.extract %reduce_sum3A_87[0, 0, 0] : f32 from vector<1x1x1xf32>
    %mul3A_89 = arith.constant 4.76190471E-4 : f32
    %mul3A_90 = arith.mulf %reduce_sum3A_88, %mul3A_89 : f32
    %mul3A_91 = arith.constant 5.000000e+00 : f32
    %mul3A_92 = arith.mulf %mul3A_91, %mul3A_37 : f32
    %add3A_93 = arith.addf %mul3A_92, %mul3A_90 : f32
    %add3A_94 = arith.addf %add3A_93, %mul3A_58 : f32
    %add3A_95 = vector.broadcast %add3A_94 : f32 to vector<1x1xf32>
    %add3A_96 = arith.addf %broadcast_in_dim3A_2, %add3A_95 : vector<1x1xf32>
    %get3A_97 = arith.constant 1 : index
    %get3A_98 = arith.constant 0 : index
    %get3A_99 = arith.constant 0 : index
    %get3A_100 = vector.load %arg0[%get3A_97, %get3A_98, %get3A_99] : memref<8x35x2100xf32, #tpu.memory_space<vmem>>, vector<1x35x2100xf32>
    %get3A_101 = vector.shape_cast %get3A_100 : vector<1x35x2100xf32> to vector<35x2100xf32>
    %get3A_102 = arith.constant 1 : index
    %get3A_103 = arith.constant 0 : index
    %get3A_104 = arith.constant 0 : index
    %get3A_105 = vector.load %arg1[%get3A_102, %get3A_103, %get3A_104] : memref<8x50x5xf32, #tpu.memory_space<vmem>>, vector<1x50x5xf32>
    %get3A_106 = vector.shape_cast %get3A_105 : vector<1x50x5xf32> to vector<50x5xf32>
    %slice3A_107 = vector.extract_strided_slice %get3A_0 {offsets = [64], sizes = [64], strides = [1]} : vector<512xi32> to vector<64xi32>
    %reshape3A_108 = vector.shape_cast %slice3A_107 : vector<64xi32> to vector<1x64xi32>
    %broadcast_in_dim3A_109 = vector.shape_cast %reshape3A_108 : vector<1x64xi32> to vector<1x64xi32>
    %broadcast_in_dim3A_110 = vector.broadcast %broadcast_in_dim3A_109 : vector<1x64xi32> to vector<64x64xi32>
    %mul3A_111 = arith.muli %broadcast_in_dim3A_110, %convert_element_type3A : vector<64x64xi32>
    %reduce_sum3A_112 = arith.constant dense<0> : vector<64xi32>
    %reduce_sum3A_113 = vector.multi_reduction <add>, %mul3A_111, %reduce_sum3A_112 [1] : vector<64x64xi32> to vector<64xi32>
    %broadcast_in_dim3A_114 = vector.shape_cast %reduce_sum3A_113 : vector<64xi32> to vector<64x1xi32>
    %iota3A_115 = tpu.iota {dimensions = array<i32: 1>} : vector<64x2100xi32>
    %eq3A_116 = vector.broadcast %broadcast_in_dim3A_114 : vector<64x1xi32> to vector<64x2100xi32>
    %eq3A_117 = arith.cmpi eq, %iota3A_115, %eq3A_116 : vector<64x2100xi32>
    %convert_element_type3A_118 = arith.extui %eq3A_117 : vector<64x2100xi1> to vector<64x2100xi32>
    %convert_element_type3A_119 = arith.sitofp %convert_element_type3A_118 : vector<64x2100xi32> to vector<64x2100xf32>
    %dot_general3A_120 = arith.constant dense<0.000000e+00> : vector<64x35xf32>
    %dot_general3A_121 = tpu.matmul %convert_element_type3A_119, %get3A_101, %dot_general3A_120 {dimension_numbers = #tpu.dot_dimension_numbers<[1], [1], [0], [0], [0, 0, 1, 0], [], []>, transpose_lhs_hint = false} : vector<64x2100xf32>, vector<35x2100xf32>, vector<64x35xf32> -> vector<64x35xf32>
    %slice3A_122 = vector.extract_strided_slice %dot_general3A_121 {offsets = [0, 0], sizes = [50, 4], strides = [1, 1]} : vector<64x35xf32> to vector<50x4xf32>
    %logistic3A_123 = arith.negf %slice3A_122 : vector<50x4xf32>
    %logistic3A_124 = math.exp %logistic3A_123 : vector<50x4xf32>
    %logistic3A_125 = arith.constant 1.000000e+00 : f32
    %logistic3A_126 = vector.broadcast %logistic3A_125 : f32 to vector<50x4xf32>
    %logistic3A_127 = arith.addf %logistic3A_126, %logistic3A_124 : vector<50x4xf32>
    %logistic3A_128 = arith.divf %logistic3A_126, %logistic3A_127 : vector<50x4xf32>
    %slice3A_129 = vector.extract_strided_slice %get3A_106 {offsets = [0, 1], sizes = [50, 4], strides = [1, 1]} : vector<50x5xf32> to vector<50x4xf32>
    %sub3A_130 = arith.subf %logistic3A_128, %slice3A_129 : vector<50x4xf32>
    %mul3A_131 = arith.mulf %sub3A_130, %sub3A_130 : vector<50x4xf32>
    %reduce_sum3A_132 = vector.shape_cast %mul3A_131 : vector<50x4xf32> to vector<1x50x4xf32>
    %reduce_sum3A_133 = arith.constant dense<0.000000e+00> : vector<1xf32>
    %reduce_sum3A_134 = vector.multi_reduction <add>, %reduce_sum3A_132, %reduce_sum3A_133 [1, 2] : vector<1x50x4xf32> to vector<1xf32>
    %reduce_sum3A_135 = vector.shape_cast %reduce_sum3A_134 : vector<1xf32> to vector<1x1x1xf32>
    %reduce_sum3A_136 = vector.extract %reduce_sum3A_135[0, 0, 0] : f32 from vector<1x1x1xf32>
    %mul3A_137 = arith.constant 5.000000e-03 : f32
    %mul3A_138 = arith.mulf %reduce_sum3A_136, %mul3A_137 : f32
    %slice3A_139 = vector.extract_strided_slice %dot_general3A_121 {offsets = [0, 5], sizes = [50, 30], strides = [1, 1]} : vector<64x35xf32> to vector<50x30xf32>
    %slice3A_140 = vector.extract_strided_slice %get3A_106 {offsets = [0, 0], sizes = [50, 1], strides = [1, 1]} : vector<50x5xf32> to vector<50x1xf32>
    %convert_element_type3A_141 = arith.fptosi %slice3A_140 : vector<50x1xf32> to vector<50x1xi32>
    %iota3A_142 = tpu.iota {dimensions = array<i32: 1>} : vector<50x30xi32>
    %eq3A_143 = vector.broadcast %convert_element_type3A_141 : vector<50x1xi32> to vector<50x30xi32>
    %eq3A_144 = arith.cmpi eq, %iota3A_142, %eq3A_143 : vector<50x30xi32>
    %convert_element_type3A_145 = arith.extui %eq3A_144 : vector<50x30xi1> to vector<50x30xi32>
    %convert_element_type3A_146 = arith.sitofp %convert_element_type3A_145 : vector<50x30xi32> to vector<50x30xf32>
    %max3A_147 = arith.constant 0.000000e+00 : f32
    %max3A_148 = vector.broadcast %max3A_147 : f32 to vector<50x30xf32>
    %max3A_149 = arith.maximumf %slice3A_139, %max3A_148 : vector<50x30xf32>
    %abs3A_150 = math.absf %slice3A_139 : vector<50x30xf32>
    %neg3A_151 = arith.constant 0.000000e+00 : f32
    %neg3A_152 = vector.broadcast %neg3A_151 : f32 to vector<50x30xf32>
    %neg3A_153 = arith.subf %neg3A_152, %abs3A_150 : vector<50x30xf32>
    %exp3A_154 = math.exp %neg3A_153 : vector<50x30xf32>
    %log1p3A_155 = math.log1p %exp3A_154 : vector<50x30xf32>
    %add3A_156 = arith.addf %max3A_149, %log1p3A_155 : vector<50x30xf32>
    %mul3A_157 = arith.mulf %convert_element_type3A_146, %slice3A_139 : vector<50x30xf32>
    %sub3A_158 = arith.subf %add3A_156, %mul3A_157 : vector<50x30xf32>
    %reduce_sum3A_159 = vector.shape_cast %sub3A_158 : vector<50x30xf32> to vector<1x50x30xf32>
    %reduce_sum3A_160 = arith.constant dense<0.000000e+00> : vector<1xf32>
    %reduce_sum3A_161 = vector.multi_reduction <add>, %reduce_sum3A_159, %reduce_sum3A_160 [1, 2] : vector<1x50x30xf32> to vector<1xf32>
    %reduce_sum3A_162 = vector.shape_cast %reduce_sum3A_161 : vector<1xf32> to vector<1x1x1xf32>
    %reduce_sum3A_163 = vector.extract %reduce_sum3A_162[0, 0, 0] : f32 from vector<1x1x1xf32>
    %mul3A_164 = arith.constant 6.66666659E-4 : f32
    %mul3A_165 = arith.mulf %reduce_sum3A_163, %mul3A_164 : f32
    %reduce_max3A_166 = arith.constant dense<0xFF800000> : vector<2100xf32>
    %reduce_max3A_167 = vector.multi_reduction <maximumf>, %convert_element_type3A_119, %reduce_max3A_166 [0] : vector<64x2100xf32> to vector<2100xf32>
    %broadcast_in_dim3A_168 = vector.shape_cast %reduce_max3A_167 : vector<2100xf32> to vector<1x2100xf32>
    %slice3A_169 = vector.extract_strided_slice %get3A_101 {offsets = [4, 0], sizes = [1, 2100], strides = [1, 1]} : vector<35x2100xf32> to vector<1x2100xf32>
    %max3A_170 = arith.constant 0.000000e+00 : f32
    %max3A_171 = vector.broadcast %max3A_170 : f32 to vector<1x2100xf32>
    %max3A_172 = arith.maximumf %slice3A_169, %max3A_171 : vector<1x2100xf32>
    %abs3A_173 = math.absf %slice3A_169 : vector<1x2100xf32>
    %neg3A_174 = arith.constant 0.000000e+00 : f32
    %neg3A_175 = vector.broadcast %neg3A_174 : f32 to vector<1x2100xf32>
    %neg3A_176 = arith.subf %neg3A_175, %abs3A_173 : vector<1x2100xf32>
    %exp3A_177 = math.exp %neg3A_176 : vector<1x2100xf32>
    %log1p3A_178 = math.log1p %exp3A_177 : vector<1x2100xf32>
    %add3A_179 = arith.addf %max3A_172, %log1p3A_178 : vector<1x2100xf32>
    %mul3A_180 = arith.constant 1.900000e+01 : f32
    %mul3A_181 = vector.broadcast %mul3A_180 : f32 to vector<1x2100xf32>
    %mul3A_182 = arith.mulf %mul3A_181, %broadcast_in_dim3A_168 : vector<1x2100xf32>
    %add3A_183 = arith.constant 1.000000e+00 : f32
    %add3A_184 = vector.broadcast %add3A_183 : f32 to vector<1x2100xf32>
    %add3A_185 = arith.addf %add3A_184, %mul3A_182 : vector<1x2100xf32>
    %mul3A_186 = arith.mulf %add3A_179, %add3A_185 : vector<1x2100xf32>
    %mul3A_187 = arith.constant 2.000000e+01 : f32
    %mul3A_188 = vector.broadcast %mul3A_187 : f32 to vector<1x2100xf32>
    %mul3A_189 = arith.mulf %mul3A_188, %broadcast_in_dim3A_168 : vector<1x2100xf32>
    %mul3A_190 = arith.mulf %mul3A_189, %slice3A_169 : vector<1x2100xf32>
    %sub3A_191 = arith.subf %mul3A_186, %mul3A_190 : vector<1x2100xf32>
    %reduce_sum3A_192 = vector.shape_cast %sub3A_191 : vector<1x2100xf32> to vector<1x1x2100xf32>
    %reduce_sum3A_193 = arith.constant dense<0.000000e+00> : vector<1xf32>
    %reduce_sum3A_194 = vector.multi_reduction <add>, %reduce_sum3A_192, %reduce_sum3A_193 [1, 2] : vector<1x1x2100xf32> to vector<1xf32>
    %reduce_sum3A_195 = vector.shape_cast %reduce_sum3A_194 : vector<1xf32> to vector<1x1x1xf32>
    %reduce_sum3A_196 = vector.extract %reduce_sum3A_195[0, 0, 0] : f32 from vector<1x1x1xf32>
    %mul3A_197 = arith.constant 4.76190471E-4 : f32
    %mul3A_198 = arith.mulf %reduce_sum3A_196, %mul3A_197 : f32
    %mul3A_199 = arith.constant 5.000000e+00 : f32
    %mul3A_200 = arith.mulf %mul3A_199, %mul3A_138 : f32
    %add3A_201 = arith.addf %mul3A_200, %mul3A_198 : f32
    %add3A_202 = arith.addf %add3A_201, %mul3A_165 : f32
    %add3A_203 = vector.broadcast %add3A_202 : f32 to vector<1x1xf32>
    %add3A_204 = arith.addf %add3A_96, %add3A_203 : vector<1x1xf32>
    %get3A_205 = arith.constant 2 : index
    %get3A_206 = arith.constant 0 : index
    %get3A_207 = arith.constant 0 : index
    %get3A_208 = vector.load %arg0[%get3A_205, %get3A_206, %get3A_207] : memref<8x35x2100xf32, #tpu.memory_space<vmem>>, vector<1x35x2100xf32>
    %get3A_209 = vector.shape_cast %get3A_208 : vector<1x35x2100xf32> to vector<35x2100xf32>
    %get3A_210 = arith.constant 2 : index
    %get3A_211 = arith.constant 0 : index
    %get3A_212 = arith.constant 0 : index
    %get3A_213 = vector.load %arg1[%get3A_210, %get3A_211, %get3A_212] : memref<8x50x5xf32, #tpu.memory_space<vmem>>, vector<1x50x5xf32>
    %get3A_214 = vector.shape_cast %get3A_213 : vector<1x50x5xf32> to vector<50x5xf32>
    %slice3A_215 = vector.extract_strided_slice %get3A_0 {offsets = [128], sizes = [64], strides = [1]} : vector<512xi32> to vector<64xi32>
    %reshape3A_216 = vector.shape_cast %slice3A_215 : vector<64xi32> to vector<1x64xi32>
    %broadcast_in_dim3A_217 = vector.shape_cast %reshape3A_216 : vector<1x64xi32> to vector<1x64xi32>
    %broadcast_in_dim3A_218 = vector.broadcast %broadcast_in_dim3A_217 : vector<1x64xi32> to vector<64x64xi32>
    %mul3A_219 = arith.muli %broadcast_in_dim3A_218, %convert_element_type3A : vector<64x64xi32>
    %reduce_sum3A_220 = arith.constant dense<0> : vector<64xi32>
    %reduce_sum3A_221 = vector.multi_reduction <add>, %mul3A_219, %reduce_sum3A_220 [1] : vector<64x64xi32> to vector<64xi32>
    %broadcast_in_dim3A_222 = vector.shape_cast %reduce_sum3A_221 : vector<64xi32> to vector<64x1xi32>
    %iota3A_223 = tpu.iota {dimensions = array<i32: 1>} : vector<64x2100xi32>
    %eq3A_224 = vector.broadcast %broadcast_in_dim3A_222 : vector<64x1xi32> to vector<64x2100xi32>
    %eq3A_225 = arith.cmpi eq, %iota3A_223, %eq3A_224 : vector<64x2100xi32>
    %convert_element_type3A_226 = arith.extui %eq3A_225 : vector<64x2100xi1> to vector<64x2100xi32>
    %convert_element_type3A_227 = arith.sitofp %convert_element_type3A_226 : vector<64x2100xi32> to vector<64x2100xf32>
    %dot_general3A_228 = arith.constant dense<0.000000e+00> : vector<64x35xf32>
    %dot_general3A_229 = tpu.matmul %convert_element_type3A_227, %get3A_209, %dot_general3A_228 {dimension_numbers = #tpu.dot_dimension_numbers<[1], [1], [0], [0], [0, 0, 1, 0], [], []>, transpose_lhs_hint = false} : vector<64x2100xf32>, vector<35x2100xf32>, vector<64x35xf32> -> vector<64x35xf32>
    %slice3A_230 = vector.extract_strided_slice %dot_general3A_229 {offsets = [0, 0], sizes = [50, 4], strides = [1, 1]} : vector<64x35xf32> to vector<50x4xf32>
    %logistic3A_231 = arith.negf %slice3A_230 : vector<50x4xf32>
    %logistic3A_232 = math.exp %logistic3A_231 : vector<50x4xf32>
    %logistic3A_233 = arith.constant 1.000000e+00 : f32
    %logistic3A_234 = vector.broadcast %logistic3A_233 : f32 to vector<50x4xf32>
    %logistic3A_235 = arith.addf %logistic3A_234, %logistic3A_232 : vector<50x4xf32>
    %logistic3A_236 = arith.divf %logistic3A_234, %logistic3A_235 : vector<50x4xf32>
    %slice3A_237 = vector.extract_strided_slice %get3A_214 {offsets = [0, 1], sizes = [50, 4], strides = [1, 1]} : vector<50x5xf32> to vector<50x4xf32>
    %sub3A_238 = arith.subf %logistic3A_236, %slice3A_237 : vector<50x4xf32>
    %mul3A_239 = arith.mulf %sub3A_238, %sub3A_238 : vector<50x4xf32>
    %reduce_sum3A_240 = vector.shape_cast %mul3A_239 : vector<50x4xf32> to vector<1x50x4xf32>
    %reduce_sum3A_241 = arith.constant dense<0.000000e+00> : vector<1xf32>
    %reduce_sum3A_242 = vector.multi_reduction <add>, %reduce_sum3A_240, %reduce_sum3A_241 [1, 2] : vector<1x50x4xf32> to vector<1xf32>
    %reduce_sum3A_243 = vector.shape_cast %reduce_sum3A_242 : vector<1xf32> to vector<1x1x1xf32>
    %reduce_sum3A_244 = vector.extract %reduce_sum3A_243[0, 0, 0] : f32 from vector<1x1x1xf32>
    %mul3A_245 = arith.constant 5.000000e-03 : f32
    %mul3A_246 = arith.mulf %reduce_sum3A_244, %mul3A_245 : f32
    %slice3A_247 = vector.extract_strided_slice %dot_general3A_229 {offsets = [0, 5], sizes = [50, 30], strides = [1, 1]} : vector<64x35xf32> to vector<50x30xf32>
    %slice3A_248 = vector.extract_strided_slice %get3A_214 {offsets = [0, 0], sizes = [50, 1], strides = [1, 1]} : vector<50x5xf32> to vector<50x1xf32>
    %convert_element_type3A_249 = arith.fptosi %slice3A_248 : vector<50x1xf32> to vector<50x1xi32>
    %iota3A_250 = tpu.iota {dimensions = array<i32: 1>} : vector<50x30xi32>
    %eq3A_251 = vector.broadcast %convert_element_type3A_249 : vector<50x1xi32> to vector<50x30xi32>
    %eq3A_252 = arith.cmpi eq, %iota3A_250, %eq3A_251 : vector<50x30xi32>
    %convert_element_type3A_253 = arith.extui %eq3A_252 : vector<50x30xi1> to vector<50x30xi32>
    %convert_element_type3A_254 = arith.sitofp %convert_element_type3A_253 : vector<50x30xi32> to vector<50x30xf32>
    %max3A_255 = arith.constant 0.000000e+00 : f32
    %max3A_256 = vector.broadcast %max3A_255 : f32 to vector<50x30xf32>
    %max3A_257 = arith.maximumf %slice3A_247, %max3A_256 : vector<50x30xf32>
    %abs3A_258 = math.absf %slice3A_247 : vector<50x30xf32>
    %neg3A_259 = arith.constant 0.000000e+00 : f32
    %neg3A_260 = vector.broadcast %neg3A_259 : f32 to vector<50x30xf32>
    %neg3A_261 = arith.subf %neg3A_260, %abs3A_258 : vector<50x30xf32>
    %exp3A_262 = math.exp %neg3A_261 : vector<50x30xf32>
    %log1p3A_263 = math.log1p %exp3A_262 : vector<50x30xf32>
    %add3A_264 = arith.addf %max3A_257, %log1p3A_263 : vector<50x30xf32>
    %mul3A_265 = arith.mulf %convert_element_type3A_254, %slice3A_247 : vector<50x30xf32>
    %sub3A_266 = arith.subf %add3A_264, %mul3A_265 : vector<50x30xf32>
    %reduce_sum3A_267 = vector.shape_cast %sub3A_266 : vector<50x30xf32> to vector<1x50x30xf32>
    %reduce_sum3A_268 = arith.constant dense<0.000000e+00> : vector<1xf32>
    %reduce_sum3A_269 = vector.multi_reduction <add>, %reduce_sum3A_267, %reduce_sum3A_268 [1, 2] : vector<1x50x30xf32> to vector<1xf32>
    %reduce_sum3A_270 = vector.shape_cast %reduce_sum3A_269 : vector<1xf32> to vector<1x1x1xf32>
    %reduce_sum3A_271 = vector.extract %reduce_sum3A_270[0, 0, 0] : f32 from vector<1x1x1xf32>
    %mul3A_272 = arith.constant 6.66666659E-4 : f32
    %mul3A_273 = arith.mulf %reduce_sum3A_271, %mul3A_272 : f32
    %reduce_max3A_274 = arith.constant dense<0xFF800000> : vector<2100xf32>
    %reduce_max3A_275 = vector.multi_reduction <maximumf>, %convert_element_type3A_227, %reduce_max3A_274 [0] : vector<64x2100xf32> to vector<2100xf32>
    %broadcast_in_dim3A_276 = vector.shape_cast %reduce_max3A_275 : vector<2100xf32> to vector<1x2100xf32>
    %slice3A_277 = vector.extract_strided_slice %get3A_209 {offsets = [4, 0], sizes = [1, 2100], strides = [1, 1]} : vector<35x2100xf32> to vector<1x2100xf32>
    %max3A_278 = arith.constant 0.000000e+00 : f32
    %max3A_279 = vector.broadcast %max3A_278 : f32 to vector<1x2100xf32>
    %max3A_280 = arith.maximumf %slice3A_277, %max3A_279 : vector<1x2100xf32>
    %abs3A_281 = math.absf %slice3A_277 : vector<1x2100xf32>
    %neg3A_282 = arith.constant 0.000000e+00 : f32
    %neg3A_283 = vector.broadcast %neg3A_282 : f32 to vector<1x2100xf32>
    %neg3A_284 = arith.subf %neg3A_283, %abs3A_281 : vector<1x2100xf32>
    %exp3A_285 = math.exp %neg3A_284 : vector<1x2100xf32>
    %log1p3A_286 = math.log1p %exp3A_285 : vector<1x2100xf32>
    %add3A_287 = arith.addf %max3A_280, %log1p3A_286 : vector<1x2100xf32>
    %mul3A_288 = arith.constant 1.900000e+01 : f32
    %mul3A_289 = vector.broadcast %mul3A_288 : f32 to vector<1x2100xf32>
    %mul3A_290 = arith.mulf %mul3A_289, %broadcast_in_dim3A_276 : vector<1x2100xf32>
    %add3A_291 = arith.constant 1.000000e+00 : f32
    %add3A_292 = vector.broadcast %add3A_291 : f32 to vector<1x2100xf32>
    %add3A_293 = arith.addf %add3A_292, %mul3A_290 : vector<1x2100xf32>
    %mul3A_294 = arith.mulf %add3A_287, %add3A_293 : vector<1x2100xf32>
    %mul3A_295 = arith.constant 2.000000e+01 : f32
    %mul3A_296 = vector.broadcast %mul3A_295 : f32 to vector<1x2100xf32>
    %mul3A_297 = arith.mulf %mul3A_296, %broadcast_in_dim3A_276 : vector<1x2100xf32>
    %mul3A_298 = arith.mulf %mul3A_297, %slice3A_277 : vector<1x2100xf32>
    %sub3A_299 = arith.subf %mul3A_294, %mul3A_298 : vector<1x2100xf32>
    %reduce_sum3A_300 = vector.shape_cast %sub3A_299 : vector<1x2100xf32> to vector<1x1x2100xf32>
    %reduce_sum3A_301 = arith.constant dense<0.000000e+00> : vector<1xf32>
    %reduce_sum3A_302 = vector.multi_reduction <add>, %reduce_sum3A_300, %reduce_sum3A_301 [1, 2] : vector<1x1x2100xf32> to vector<1xf32>
    %reduce_sum3A_303 = vector.shape_cast %reduce_sum3A_302 : vector<1xf32> to vector<1x1x1xf32>
    %reduce_sum3A_304 = vector.extract %reduce_sum3A_303[0, 0, 0] : f32 from vector<1x1x1xf32>
    %mul3A_305 = arith.constant 4.76190471E-4 : f32
    %mul3A_306 = arith.mulf %reduce_sum3A_304, %mul3A_305 : f32
    %mul3A_307 = arith.constant 5.000000e+00 : f32
    %mul3A_308 = arith.mulf %mul3A_307, %mul3A_246 : f32
    %add3A_309 = arith.addf %mul3A_308, %mul3A_306 : f32
    %add3A_310 = arith.addf %add3A_309, %mul3A_273 : f32
    %add3A_311 = vector.broadcast %add3A_310 : f32 to vector<1x1xf32>
    %add3A_312 = arith.addf %add3A_204, %add3A_311 : vector<1x1xf32>
    %get3A_313 = arith.constant 3 : index
    %get3A_314 = arith.constant 0 : index
    %get3A_315 = arith.constant 0 : index
    %get3A_316 = vector.load %arg0[%get3A_313, %get3A_314, %get3A_315] : memref<8x35x2100xf32, #tpu.memory_space<vmem>>, vector<1x35x2100xf32>
    %get3A_317 = vector.shape_cast %get3A_316 : vector<1x35x2100xf32> to vector<35x2100xf32>
    %get3A_318 = arith.constant 3 : index
    %get3A_319 = arith.constant 0 : index
    %get3A_320 = arith.constant 0 : index
    %get3A_321 = vector.load %arg1[%get3A_318, %get3A_319, %get3A_320] : memref<8x50x5xf32, #tpu.memory_space<vmem>>, vector<1x50x5xf32>
    %get3A_322 = vector.shape_cast %get3A_321 : vector<1x50x5xf32> to vector<50x5xf32>
    %slice3A_323 = vector.extract_strided_slice %get3A_0 {offsets = [192], sizes = [64], strides = [1]} : vector<512xi32> to vector<64xi32>
    %reshape3A_324 = vector.shape_cast %slice3A_323 : vector<64xi32> to vector<1x64xi32>
    %broadcast_in_dim3A_325 = vector.shape_cast %reshape3A_324 : vector<1x64xi32> to vector<1x64xi32>
    %broadcast_in_dim3A_326 = vector.broadcast %broadcast_in_dim3A_325 : vector<1x64xi32> to vector<64x64xi32>
    %mul3A_327 = arith.muli %broadcast_in_dim3A_326, %convert_element_type3A : vector<64x64xi32>
    %reduce_sum3A_328 = arith.constant dense<0> : vector<64xi32>
    %reduce_sum3A_329 = vector.multi_reduction <add>, %mul3A_327, %reduce_sum3A_328 [1] : vector<64x64xi32> to vector<64xi32>
    %broadcast_in_dim3A_330 = vector.shape_cast %reduce_sum3A_329 : vector<64xi32> to vector<64x1xi32>
    %iota3A_331 = tpu.iota {dimensions = array<i32: 1>} : vector<64x2100xi32>
    %eq3A_332 = vector.broadcast %broadcast_in_dim3A_330 : vector<64x1xi32> to vector<64x2100xi32>
    %eq3A_333 = arith.cmpi eq, %iota3A_331, %eq3A_332 : vector<64x2100xi32>
    %convert_element_type3A_334 = arith.extui %eq3A_333 : vector<64x2100xi1> to vector<64x2100xi32>
    %convert_element_type3A_335 = arith.sitofp %convert_element_type3A_334 : vector<64x2100xi32> to vector<64x2100xf32>
    %dot_general3A_336 = arith.constant dense<0.000000e+00> : vector<64x35xf32>
    %dot_general3A_337 = tpu.matmul %convert_element_type3A_335, %get3A_317, %dot_general3A_336 {dimension_numbers = #tpu.dot_dimension_numbers<[1], [1], [0], [0], [0, 0, 1, 0], [], []>, transpose_lhs_hint = false} : vector<64x2100xf32>, vector<35x2100xf32>, vector<64x35xf32> -> vector<64x35xf32>
    %slice3A_338 = vector.extract_strided_slice %dot_general3A_337 {offsets = [0, 0], sizes = [50, 4], strides = [1, 1]} : vector<64x35xf32> to vector<50x4xf32>
    %logistic3A_339 = arith.negf %slice3A_338 : vector<50x4xf32>
    %logistic3A_340 = math.exp %logistic3A_339 : vector<50x4xf32>
    %logistic3A_341 = arith.constant 1.000000e+00 : f32
    %logistic3A_342 = vector.broadcast %logistic3A_341 : f32 to vector<50x4xf32>
    %logistic3A_343 = arith.addf %logistic3A_342, %logistic3A_340 : vector<50x4xf32>
    %logistic3A_344 = arith.divf %logistic3A_342, %logistic3A_343 : vector<50x4xf32>
    %slice3A_345 = vector.extract_strided_slice %get3A_322 {offsets = [0, 1], sizes = [50, 4], strides = [1, 1]} : vector<50x5xf32> to vector<50x4xf32>
    %sub3A_346 = arith.subf %logistic3A_344, %slice3A_345 : vector<50x4xf32>
    %mul3A_347 = arith.mulf %sub3A_346, %sub3A_346 : vector<50x4xf32>
    %reduce_sum3A_348 = vector.shape_cast %mul3A_347 : vector<50x4xf32> to vector<1x50x4xf32>
    %reduce_sum3A_349 = arith.constant dense<0.000000e+00> : vector<1xf32>
    %reduce_sum3A_350 = vector.multi_reduction <add>, %reduce_sum3A_348, %reduce_sum3A_349 [1, 2] : vector<1x50x4xf32> to vector<1xf32>
    %reduce_sum3A_351 = vector.shape_cast %reduce_sum3A_350 : vector<1xf32> to vector<1x1x1xf32>
    %reduce_sum3A_352 = vector.extract %reduce_sum3A_351[0, 0, 0] : f32 from vector<1x1x1xf32>
    %mul3A_353 = arith.constant 5.000000e-03 : f32
    %mul3A_354 = arith.mulf %reduce_sum3A_352, %mul3A_353 : f32
    %slice3A_355 = vector.extract_strided_slice %dot_general3A_337 {offsets = [0, 5], sizes = [50, 30], strides = [1, 1]} : vector<64x35xf32> to vector<50x30xf32>
    %slice3A_356 = vector.extract_strided_slice %get3A_322 {offsets = [0, 0], sizes = [50, 1], strides = [1, 1]} : vector<50x5xf32> to vector<50x1xf32>
    %convert_element_type3A_357 = arith.fptosi %slice3A_356 : vector<50x1xf32> to vector<50x1xi32>
    %iota3A_358 = tpu.iota {dimensions = array<i32: 1>} : vector<50x30xi32>
    %eq3A_359 = vector.broadcast %convert_element_type3A_357 : vector<50x1xi32> to vector<50x30xi32>
    %eq3A_360 = arith.cmpi eq, %iota3A_358, %eq3A_359 : vector<50x30xi32>
    %convert_element_type3A_361 = arith.extui %eq3A_360 : vector<50x30xi1> to vector<50x30xi32>
    %convert_element_type3A_362 = arith.sitofp %convert_element_type3A_361 : vector<50x30xi32> to vector<50x30xf32>
    %max3A_363 = arith.constant 0.000000e+00 : f32
    %max3A_364 = vector.broadcast %max3A_363 : f32 to vector<50x30xf32>
    %max3A_365 = arith.maximumf %slice3A_355, %max3A_364 : vector<50x30xf32>
    %abs3A_366 = math.absf %slice3A_355 : vector<50x30xf32>
    %neg3A_367 = arith.constant 0.000000e+00 : f32
    %neg3A_368 = vector.broadcast %neg3A_367 : f32 to vector<50x30xf32>
    %neg3A_369 = arith.subf %neg3A_368, %abs3A_366 : vector<50x30xf32>
    %exp3A_370 = math.exp %neg3A_369 : vector<50x30xf32>
    %log1p3A_371 = math.log1p %exp3A_370 : vector<50x30xf32>
    %add3A_372 = arith.addf %max3A_365, %log1p3A_371 : vector<50x30xf32>
    %mul3A_373 = arith.mulf %convert_element_type3A_362, %slice3A_355 : vector<50x30xf32>
    %sub3A_374 = arith.subf %add3A_372, %mul3A_373 : vector<50x30xf32>
    %reduce_sum3A_375 = vector.shape_cast %sub3A_374 : vector<50x30xf32> to vector<1x50x30xf32>
    %reduce_sum3A_376 = arith.constant dense<0.000000e+00> : vector<1xf32>
    %reduce_sum3A_377 = vector.multi_reduction <add>, %reduce_sum3A_375, %reduce_sum3A_376 [1, 2] : vector<1x50x30xf32> to vector<1xf32>
    %reduce_sum3A_378 = vector.shape_cast %reduce_sum3A_377 : vector<1xf32> to vector<1x1x1xf32>
    %reduce_sum3A_379 = vector.extract %reduce_sum3A_378[0, 0, 0] : f32 from vector<1x1x1xf32>
    %mul3A_380 = arith.constant 6.66666659E-4 : f32
    %mul3A_381 = arith.mulf %reduce_sum3A_379, %mul3A_380 : f32
    %reduce_max3A_382 = arith.constant dense<0xFF800000> : vector<2100xf32>
    %reduce_max3A_383 = vector.multi_reduction <maximumf>, %convert_element_type3A_335, %reduce_max3A_382 [0] : vector<64x2100xf32> to vector<2100xf32>
    %broadcast_in_dim3A_384 = vector.shape_cast %reduce_max3A_383 : vector<2100xf32> to vector<1x2100xf32>
    %slice3A_385 = vector.extract_strided_slice %get3A_317 {offsets = [4, 0], sizes = [1, 2100], strides = [1, 1]} : vector<35x2100xf32> to vector<1x2100xf32>
    %max3A_386 = arith.constant 0.000000e+00 : f32
    %max3A_387 = vector.broadcast %max3A_386 : f32 to vector<1x2100xf32>
    %max3A_388 = arith.maximumf %slice3A_385, %max3A_387 : vector<1x2100xf32>
    %abs3A_389 = math.absf %slice3A_385 : vector<1x2100xf32>
    %neg3A_390 = arith.constant 0.000000e+00 : f32
    %neg3A_391 = vector.broadcast %neg3A_390 : f32 to vector<1x2100xf32>
    %neg3A_392 = arith.subf %neg3A_391, %abs3A_389 : vector<1x2100xf32>
    %exp3A_393 = math.exp %neg3A_392 : vector<1x2100xf32>
    %log1p3A_394 = math.log1p %exp3A_393 : vector<1x2100xf32>
    %add3A_395 = arith.addf %max3A_388, %log1p3A_394 : vector<1x2100xf32>
    %mul3A_396 = arith.constant 1.900000e+01 : f32
    %mul3A_397 = vector.broadcast %mul3A_396 : f32 to vector<1x2100xf32>
    %mul3A_398 = arith.mulf %mul3A_397, %broadcast_in_dim3A_384 : vector<1x2100xf32>
    %add3A_399 = arith.constant 1.000000e+00 : f32
    %add3A_400 = vector.broadcast %add3A_399 : f32 to vector<1x2100xf32>
    %add3A_401 = arith.addf %add3A_400, %mul3A_398 : vector<1x2100xf32>
    %mul3A_402 = arith.mulf %add3A_395, %add3A_401 : vector<1x2100xf32>
    %mul3A_403 = arith.constant 2.000000e+01 : f32
    %mul3A_404 = vector.broadcast %mul3A_403 : f32 to vector<1x2100xf32>
    %mul3A_405 = arith.mulf %mul3A_404, %broadcast_in_dim3A_384 : vector<1x2100xf32>
    %mul3A_406 = arith.mulf %mul3A_405, %slice3A_385 : vector<1x2100xf32>
    %sub3A_407 = arith.subf %mul3A_402, %mul3A_406 : vector<1x2100xf32>
    %reduce_sum3A_408 = vector.shape_cast %sub3A_407 : vector<1x2100xf32> to vector<1x1x2100xf32>
    %reduce_sum3A_409 = arith.constant dense<0.000000e+00> : vector<1xf32>
    %reduce_sum3A_410 = vector.multi_reduction <add>, %reduce_sum3A_408, %reduce_sum3A_409 [1, 2] : vector<1x1x2100xf32> to vector<1xf32>
    %reduce_sum3A_411 = vector.shape_cast %reduce_sum3A_410 : vector<1xf32> to vector<1x1x1xf32>
    %reduce_sum3A_412 = vector.extract %reduce_sum3A_411[0, 0, 0] : f32 from vector<1x1x1xf32>
    %mul3A_413 = arith.constant 4.76190471E-4 : f32
    %mul3A_414 = arith.mulf %reduce_sum3A_412, %mul3A_413 : f32
    %mul3A_415 = arith.constant 5.000000e+00 : f32
    %mul3A_416 = arith.mulf %mul3A_415, %mul3A_354 : f32
    %add3A_417 = arith.addf %mul3A_416, %mul3A_414 : f32
    %add3A_418 = arith.addf %add3A_417, %mul3A_381 : f32
    %add3A_419 = vector.broadcast %add3A_418 : f32 to vector<1x1xf32>
    %add3A_420 = arith.addf %add3A_312, %add3A_419 : vector<1x1xf32>
    %get3A_421 = arith.constant 4 : index
    %get3A_422 = arith.constant 0 : index
    %get3A_423 = arith.constant 0 : index
    %get3A_424 = vector.load %arg0[%get3A_421, %get3A_422, %get3A_423] : memref<8x35x2100xf32, #tpu.memory_space<vmem>>, vector<1x35x2100xf32>
    %get3A_425 = vector.shape_cast %get3A_424 : vector<1x35x2100xf32> to vector<35x2100xf32>
    %get3A_426 = arith.constant 4 : index
    %get3A_427 = arith.constant 0 : index
    %get3A_428 = arith.constant 0 : index
    %get3A_429 = vector.load %arg1[%get3A_426, %get3A_427, %get3A_428] : memref<8x50x5xf32, #tpu.memory_space<vmem>>, vector<1x50x5xf32>
    %get3A_430 = vector.shape_cast %get3A_429 : vector<1x50x5xf32> to vector<50x5xf32>
    %slice3A_431 = vector.extract_strided_slice %get3A_0 {offsets = [256], sizes = [64], strides = [1]} : vector<512xi32> to vector<64xi32>
    %reshape3A_432 = vector.shape_cast %slice3A_431 : vector<64xi32> to vector<1x64xi32>
    %broadcast_in_dim3A_433 = vector.shape_cast %reshape3A_432 : vector<1x64xi32> to vector<1x64xi32>
    %broadcast_in_dim3A_434 = vector.broadcast %broadcast_in_dim3A_433 : vector<1x64xi32> to vector<64x64xi32>
    %mul3A_435 = arith.muli %broadcast_in_dim3A_434, %convert_element_type3A : vector<64x64xi32>
    %reduce_sum3A_436 = arith.constant dense<0> : vector<64xi32>
    %reduce_sum3A_437 = vector.multi_reduction <add>, %mul3A_435, %reduce_sum3A_436 [1] : vector<64x64xi32> to vector<64xi32>
    %broadcast_in_dim3A_438 = vector.shape_cast %reduce_sum3A_437 : vector<64xi32> to vector<64x1xi32>
    %iota3A_439 = tpu.iota {dimensions = array<i32: 1>} : vector<64x2100xi32>
    %eq3A_440 = vector.broadcast %broadcast_in_dim3A_438 : vector<64x1xi32> to vector<64x2100xi32>
    %eq3A_441 = arith.cmpi eq, %iota3A_439, %eq3A_440 : vector<64x2100xi32>
    %convert_element_type3A_442 = arith.extui %eq3A_441 : vector<64x2100xi1> to vector<64x2100xi32>
    %convert_element_type3A_443 = arith.sitofp %convert_element_type3A_442 : vector<64x2100xi32> to vector<64x2100xf32>
    %dot_general3A_444 = arith.constant dense<0.000000e+00> : vector<64x35xf32>
    %dot_general3A_445 = tpu.matmul %convert_element_type3A_443, %get3A_425, %dot_general3A_444 {dimension_numbers = #tpu.dot_dimension_numbers<[1], [1], [0], [0], [0, 0, 1, 0], [], []>, transpose_lhs_hint = false} : vector<64x2100xf32>, vector<35x2100xf32>, vector<64x35xf32> -> vector<64x35xf32>
    %slice3A_446 = vector.extract_strided_slice %dot_general3A_445 {offsets = [0, 0], sizes = [50, 4], strides = [1, 1]} : vector<64x35xf32> to vector<50x4xf32>
    %logistic3A_447 = arith.negf %slice3A_446 : vector<50x4xf32>
    %logistic3A_448 = math.exp %logistic3A_447 : vector<50x4xf32>
    %logistic3A_449 = arith.constant 1.000000e+00 : f32
    %logistic3A_450 = vector.broadcast %logistic3A_449 : f32 to vector<50x4xf32>
    %logistic3A_451 = arith.addf %logistic3A_450, %logistic3A_448 : vector<50x4xf32>
    %logistic3A_452 = arith.divf %logistic3A_450, %logistic3A_451 : vector<50x4xf32>
    %slice3A_453 = vector.extract_strided_slice %get3A_430 {offsets = [0, 1], sizes = [50, 4], strides = [1, 1]} : vector<50x5xf32> to vector<50x4xf32>
    %sub3A_454 = arith.subf %logistic3A_452, %slice3A_453 : vector<50x4xf32>
    %mul3A_455 = arith.mulf %sub3A_454, %sub3A_454 : vector<50x4xf32>
    %reduce_sum3A_456 = vector.shape_cast %mul3A_455 : vector<50x4xf32> to vector<1x50x4xf32>
    %reduce_sum3A_457 = arith.constant dense<0.000000e+00> : vector<1xf32>
    %reduce_sum3A_458 = vector.multi_reduction <add>, %reduce_sum3A_456, %reduce_sum3A_457 [1, 2] : vector<1x50x4xf32> to vector<1xf32>
    %reduce_sum3A_459 = vector.shape_cast %reduce_sum3A_458 : vector<1xf32> to vector<1x1x1xf32>
    %reduce_sum3A_460 = vector.extract %reduce_sum3A_459[0, 0, 0] : f32 from vector<1x1x1xf32>
    %mul3A_461 = arith.constant 5.000000e-03 : f32
    %mul3A_462 = arith.mulf %reduce_sum3A_460, %mul3A_461 : f32
    %slice3A_463 = vector.extract_strided_slice %dot_general3A_445 {offsets = [0, 5], sizes = [50, 30], strides = [1, 1]} : vector<64x35xf32> to vector<50x30xf32>
    %slice3A_464 = vector.extract_strided_slice %get3A_430 {offsets = [0, 0], sizes = [50, 1], strides = [1, 1]} : vector<50x5xf32> to vector<50x1xf32>
    %convert_element_type3A_465 = arith.fptosi %slice3A_464 : vector<50x1xf32> to vector<50x1xi32>
    %iota3A_466 = tpu.iota {dimensions = array<i32: 1>} : vector<50x30xi32>
    %eq3A_467 = vector.broadcast %convert_element_type3A_465 : vector<50x1xi32> to vector<50x30xi32>
    %eq3A_468 = arith.cmpi eq, %iota3A_466, %eq3A_467 : vector<50x30xi32>
    %convert_element_type3A_469 = arith.extui %eq3A_468 : vector<50x30xi1> to vector<50x30xi32>
    %convert_element_type3A_470 = arith.sitofp %convert_element_type3A_469 : vector<50x30xi32> to vector<50x30xf32>
    %max3A_471 = arith.constant 0.000000e+00 : f32
    %max3A_472 = vector.broadcast %max3A_471 : f32 to vector<50x30xf32>
    %max3A_473 = arith.maximumf %slice3A_463, %max3A_472 : vector<50x30xf32>
    %abs3A_474 = math.absf %slice3A_463 : vector<50x30xf32>
    %neg3A_475 = arith.constant 0.000000e+00 : f32
    %neg3A_476 = vector.broadcast %neg3A_475 : f32 to vector<50x30xf32>
    %neg3A_477 = arith.subf %neg3A_476, %abs3A_474 : vector<50x30xf32>
    %exp3A_478 = math.exp %neg3A_477 : vector<50x30xf32>
    %log1p3A_479 = math.log1p %exp3A_478 : vector<50x30xf32>
    %add3A_480 = arith.addf %max3A_473, %log1p3A_479 : vector<50x30xf32>
    %mul3A_481 = arith.mulf %convert_element_type3A_470, %slice3A_463 : vector<50x30xf32>
    %sub3A_482 = arith.subf %add3A_480, %mul3A_481 : vector<50x30xf32>
    %reduce_sum3A_483 = vector.shape_cast %sub3A_482 : vector<50x30xf32> to vector<1x50x30xf32>
    %reduce_sum3A_484 = arith.constant dense<0.000000e+00> : vector<1xf32>
    %reduce_sum3A_485 = vector.multi_reduction <add>, %reduce_sum3A_483, %reduce_sum3A_484 [1, 2] : vector<1x50x30xf32> to vector<1xf32>
    %reduce_sum3A_486 = vector.shape_cast %reduce_sum3A_485 : vector<1xf32> to vector<1x1x1xf32>
    %reduce_sum3A_487 = vector.extract %reduce_sum3A_486[0, 0, 0] : f32 from vector<1x1x1xf32>
    %mul3A_488 = arith.constant 6.66666659E-4 : f32
    %mul3A_489 = arith.mulf %reduce_sum3A_487, %mul3A_488 : f32
    %reduce_max3A_490 = arith.constant dense<0xFF800000> : vector<2100xf32>
    %reduce_max3A_491 = vector.multi_reduction <maximumf>, %convert_element_type3A_443, %reduce_max3A_490 [0] : vector<64x2100xf32> to vector<2100xf32>
    %broadcast_in_dim3A_492 = vector.shape_cast %reduce_max3A_491 : vector<2100xf32> to vector<1x2100xf32>
    %slice3A_493 = vector.extract_strided_slice %get3A_425 {offsets = [4, 0], sizes = [1, 2100], strides = [1, 1]} : vector<35x2100xf32> to vector<1x2100xf32>
    %max3A_494 = arith.constant 0.000000e+00 : f32
    %max3A_495 = vector.broadcast %max3A_494 : f32 to vector<1x2100xf32>
    %max3A_496 = arith.maximumf %slice3A_493, %max3A_495 : vector<1x2100xf32>
    %abs3A_497 = math.absf %slice3A_493 : vector<1x2100xf32>
    %neg3A_498 = arith.constant 0.000000e+00 : f32
    %neg3A_499 = vector.broadcast %neg3A_498 : f32 to vector<1x2100xf32>
    %neg3A_500 = arith.subf %neg3A_499, %abs3A_497 : vector<1x2100xf32>
    %exp3A_501 = math.exp %neg3A_500 : vector<1x2100xf32>
    %log1p3A_502 = math.log1p %exp3A_501 : vector<1x2100xf32>
    %add3A_503 = arith.addf %max3A_496, %log1p3A_502 : vector<1x2100xf32>
    %mul3A_504 = arith.constant 1.900000e+01 : f32
    %mul3A_505 = vector.broadcast %mul3A_504 : f32 to vector<1x2100xf32>
    %mul3A_506 = arith.mulf %mul3A_505, %broadcast_in_dim3A_492 : vector<1x2100xf32>
    %add3A_507 = arith.constant 1.000000e+00 : f32
    %add3A_508 = vector.broadcast %add3A_507 : f32 to vector<1x2100xf32>
    %add3A_509 = arith.addf %add3A_508, %mul3A_506 : vector<1x2100xf32>
    %mul3A_510 = arith.mulf %add3A_503, %add3A_509 : vector<1x2100xf32>
    %mul3A_511 = arith.constant 2.000000e+01 : f32
    %mul3A_512 = vector.broadcast %mul3A_511 : f32 to vector<1x2100xf32>
    %mul3A_513 = arith.mulf %mul3A_512, %broadcast_in_dim3A_492 : vector<1x2100xf32>
    %mul3A_514 = arith.mulf %mul3A_513, %slice3A_493 : vector<1x2100xf32>
    %sub3A_515 = arith.subf %mul3A_510, %mul3A_514 : vector<1x2100xf32>
    %reduce_sum3A_516 = vector.shape_cast %sub3A_515 : vector<1x2100xf32> to vector<1x1x2100xf32>
    %reduce_sum3A_517 = arith.constant dense<0.000000e+00> : vector<1xf32>
    %reduce_sum3A_518 = vector.multi_reduction <add>, %reduce_sum3A_516, %reduce_sum3A_517 [1, 2] : vector<1x1x2100xf32> to vector<1xf32>
    %reduce_sum3A_519 = vector.shape_cast %reduce_sum3A_518 : vector<1xf32> to vector<1x1x1xf32>
    %reduce_sum3A_520 = vector.extract %reduce_sum3A_519[0, 0, 0] : f32 from vector<1x1x1xf32>
    %mul3A_521 = arith.constant 4.76190471E-4 : f32
    %mul3A_522 = arith.mulf %reduce_sum3A_520, %mul3A_521 : f32
    %mul3A_523 = arith.constant 5.000000e+00 : f32
    %mul3A_524 = arith.mulf %mul3A_523, %mul3A_462 : f32
    %add3A_525 = arith.addf %mul3A_524, %mul3A_522 : f32
    %add3A_526 = arith.addf %add3A_525, %mul3A_489 : f32
    %add3A_527 = vector.broadcast %add3A_526 : f32 to vector<1x1xf32>
    %add3A_528 = arith.addf %add3A_420, %add3A_527 : vector<1x1xf32>
    %get3A_529 = arith.constant 5 : index
    %get3A_530 = arith.constant 0 : index
    %get3A_531 = arith.constant 0 : index
    %get3A_532 = vector.load %arg0[%get3A_529, %get3A_530, %get3A_531] : memref<8x35x2100xf32, #tpu.memory_space<vmem>>, vector<1x35x2100xf32>
    %get3A_533 = vector.shape_cast %get3A_532 : vector<1x35x2100xf32> to vector<35x2100xf32>
    %get3A_534 = arith.constant 5 : index
    %get3A_535 = arith.constant 0 : index
    %get3A_536 = arith.constant 0 : index
    %get3A_537 = vector.load %arg1[%get3A_534, %get3A_535, %get3A_536] : memref<8x50x5xf32, #tpu.memory_space<vmem>>, vector<1x50x5xf32>
    %get3A_538 = vector.shape_cast %get3A_537 : vector<1x50x5xf32> to vector<50x5xf32>
    %slice3A_539 = vector.extract_strided_slice %get3A_0 {offsets = [320], sizes = [64], strides = [1]} : vector<512xi32> to vector<64xi32>
    %reshape3A_540 = vector.shape_cast %slice3A_539 : vector<64xi32> to vector<1x64xi32>
    %broadcast_in_dim3A_541 = vector.shape_cast %reshape3A_540 : vector<1x64xi32> to vector<1x64xi32>
    %broadcast_in_dim3A_542 = vector.broadcast %broadcast_in_dim3A_541 : vector<1x64xi32> to vector<64x64xi32>
    %mul3A_543 = arith.muli %broadcast_in_dim3A_542, %convert_element_type3A : vector<64x64xi32>
    %reduce_sum3A_544 = arith.constant dense<0> : vector<64xi32>
    %reduce_sum3A_545 = vector.multi_reduction <add>, %mul3A_543, %reduce_sum3A_544 [1] : vector<64x64xi32> to vector<64xi32>
    %broadcast_in_dim3A_546 = vector.shape_cast %reduce_sum3A_545 : vector<64xi32> to vector<64x1xi32>
    %iota3A_547 = tpu.iota {dimensions = array<i32: 1>} : vector<64x2100xi32>
    %eq3A_548 = vector.broadcast %broadcast_in_dim3A_546 : vector<64x1xi32> to vector<64x2100xi32>
    %eq3A_549 = arith.cmpi eq, %iota3A_547, %eq3A_548 : vector<64x2100xi32>
    %convert_element_type3A_550 = arith.extui %eq3A_549 : vector<64x2100xi1> to vector<64x2100xi32>
    %convert_element_type3A_551 = arith.sitofp %convert_element_type3A_550 : vector<64x2100xi32> to vector<64x2100xf32>
    %dot_general3A_552 = arith.constant dense<0.000000e+00> : vector<64x35xf32>
    %dot_general3A_553 = tpu.matmul %convert_element_type3A_551, %get3A_533, %dot_general3A_552 {dimension_numbers = #tpu.dot_dimension_numbers<[1], [1], [0], [0], [0, 0, 1, 0], [], []>, transpose_lhs_hint = false} : vector<64x2100xf32>, vector<35x2100xf32>, vector<64x35xf32> -> vector<64x35xf32>
    %slice3A_554 = vector.extract_strided_slice %dot_general3A_553 {offsets = [0, 0], sizes = [50, 4], strides = [1, 1]} : vector<64x35xf32> to vector<50x4xf32>
    %logistic3A_555 = arith.negf %slice3A_554 : vector<50x4xf32>
    %logistic3A_556 = math.exp %logistic3A_555 : vector<50x4xf32>
    %logistic3A_557 = arith.constant 1.000000e+00 : f32
    %logistic3A_558 = vector.broadcast %logistic3A_557 : f32 to vector<50x4xf32>
    %logistic3A_559 = arith.addf %logistic3A_558, %logistic3A_556 : vector<50x4xf32>
    %logistic3A_560 = arith.divf %logistic3A_558, %logistic3A_559 : vector<50x4xf32>
    %slice3A_561 = vector.extract_strided_slice %get3A_538 {offsets = [0, 1], sizes = [50, 4], strides = [1, 1]} : vector<50x5xf32> to vector<50x4xf32>
    %sub3A_562 = arith.subf %logistic3A_560, %slice3A_561 : vector<50x4xf32>
    %mul3A_563 = arith.mulf %sub3A_562, %sub3A_562 : vector<50x4xf32>
    %reduce_sum3A_564 = vector.shape_cast %mul3A_563 : vector<50x4xf32> to vector<1x50x4xf32>
    %reduce_sum3A_565 = arith.constant dense<0.000000e+00> : vector<1xf32>
    %reduce_sum3A_566 = vector.multi_reduction <add>, %reduce_sum3A_564, %reduce_sum3A_565 [1, 2] : vector<1x50x4xf32> to vector<1xf32>
    %reduce_sum3A_567 = vector.shape_cast %reduce_sum3A_566 : vector<1xf32> to vector<1x1x1xf32>
    %reduce_sum3A_568 = vector.extract %reduce_sum3A_567[0, 0, 0] : f32 from vector<1x1x1xf32>
    %mul3A_569 = arith.constant 5.000000e-03 : f32
    %mul3A_570 = arith.mulf %reduce_sum3A_568, %mul3A_569 : f32
    %slice3A_571 = vector.extract_strided_slice %dot_general3A_553 {offsets = [0, 5], sizes = [50, 30], strides = [1, 1]} : vector<64x35xf32> to vector<50x30xf32>
    %slice3A_572 = vector.extract_strided_slice %get3A_538 {offsets = [0, 0], sizes = [50, 1], strides = [1, 1]} : vector<50x5xf32> to vector<50x1xf32>
    %convert_element_type3A_573 = arith.fptosi %slice3A_572 : vector<50x1xf32> to vector<50x1xi32>
    %iota3A_574 = tpu.iota {dimensions = array<i32: 1>} : vector<50x30xi32>
    %eq3A_575 = vector.broadcast %convert_element_type3A_573 : vector<50x1xi32> to vector<50x30xi32>
    %eq3A_576 = arith.cmpi eq, %iota3A_574, %eq3A_575 : vector<50x30xi32>
    %convert_element_type3A_577 = arith.extui %eq3A_576 : vector<50x30xi1> to vector<50x30xi32>
    %convert_element_type3A_578 = arith.sitofp %convert_element_type3A_577 : vector<50x30xi32> to vector<50x30xf32>
    %max3A_579 = arith.constant 0.000000e+00 : f32
    %max3A_580 = vector.broadcast %max3A_579 : f32 to vector<50x30xf32>
    %max3A_581 = arith.maximumf %slice3A_571, %max3A_580 : vector<50x30xf32>
    %abs3A_582 = math.absf %slice3A_571 : vector<50x30xf32>
    %neg3A_583 = arith.constant 0.000000e+00 : f32
    %neg3A_584 = vector.broadcast %neg3A_583 : f32 to vector<50x30xf32>
    %neg3A_585 = arith.subf %neg3A_584, %abs3A_582 : vector<50x30xf32>
    %exp3A_586 = math.exp %neg3A_585 : vector<50x30xf32>
    %log1p3A_587 = math.log1p %exp3A_586 : vector<50x30xf32>
    %add3A_588 = arith.addf %max3A_581, %log1p3A_587 : vector<50x30xf32>
    %mul3A_589 = arith.mulf %convert_element_type3A_578, %slice3A_571 : vector<50x30xf32>
    %sub3A_590 = arith.subf %add3A_588, %mul3A_589 : vector<50x30xf32>
    %reduce_sum3A_591 = vector.shape_cast %sub3A_590 : vector<50x30xf32> to vector<1x50x30xf32>
    %reduce_sum3A_592 = arith.constant dense<0.000000e+00> : vector<1xf32>
    %reduce_sum3A_593 = vector.multi_reduction <add>, %reduce_sum3A_591, %reduce_sum3A_592 [1, 2] : vector<1x50x30xf32> to vector<1xf32>
    %reduce_sum3A_594 = vector.shape_cast %reduce_sum3A_593 : vector<1xf32> to vector<1x1x1xf32>
    %reduce_sum3A_595 = vector.extract %reduce_sum3A_594[0, 0, 0] : f32 from vector<1x1x1xf32>
    %mul3A_596 = arith.constant 6.66666659E-4 : f32
    %mul3A_597 = arith.mulf %reduce_sum3A_595, %mul3A_596 : f32
    %reduce_max3A_598 = arith.constant dense<0xFF800000> : vector<2100xf32>
    %reduce_max3A_599 = vector.multi_reduction <maximumf>, %convert_element_type3A_551, %reduce_max3A_598 [0] : vector<64x2100xf32> to vector<2100xf32>
    %broadcast_in_dim3A_600 = vector.shape_cast %reduce_max3A_599 : vector<2100xf32> to vector<1x2100xf32>
    %slice3A_601 = vector.extract_strided_slice %get3A_533 {offsets = [4, 0], sizes = [1, 2100], strides = [1, 1]} : vector<35x2100xf32> to vector<1x2100xf32>
    %max3A_602 = arith.constant 0.000000e+00 : f32
    %max3A_603 = vector.broadcast %max3A_602 : f32 to vector<1x2100xf32>
    %max3A_604 = arith.maximumf %slice3A_601, %max3A_603 : vector<1x2100xf32>
    %abs3A_605 = math.absf %slice3A_601 : vector<1x2100xf32>
    %neg3A_606 = arith.constant 0.000000e+00 : f32
    %neg3A_607 = vector.broadcast %neg3A_606 : f32 to vector<1x2100xf32>
    %neg3A_608 = arith.subf %neg3A_607, %abs3A_605 : vector<1x2100xf32>
    %exp3A_609 = math.exp %neg3A_608 : vector<1x2100xf32>
    %log1p3A_610 = math.log1p %exp3A_609 : vector<1x2100xf32>
    %add3A_611 = arith.addf %max3A_604, %log1p3A_610 : vector<1x2100xf32>
    %mul3A_612 = arith.constant 1.900000e+01 : f32
    %mul3A_613 = vector.broadcast %mul3A_612 : f32 to vector<1x2100xf32>
    %mul3A_614 = arith.mulf %mul3A_613, %broadcast_in_dim3A_600 : vector<1x2100xf32>
    %add3A_615 = arith.constant 1.000000e+00 : f32
    %add3A_616 = vector.broadcast %add3A_615 : f32 to vector<1x2100xf32>
    %add3A_617 = arith.addf %add3A_616, %mul3A_614 : vector<1x2100xf32>
    %mul3A_618 = arith.mulf %add3A_611, %add3A_617 : vector<1x2100xf32>
    %mul3A_619 = arith.constant 2.000000e+01 : f32
    %mul3A_620 = vector.broadcast %mul3A_619 : f32 to vector<1x2100xf32>
    %mul3A_621 = arith.mulf %mul3A_620, %broadcast_in_dim3A_600 : vector<1x2100xf32>
    %mul3A_622 = arith.mulf %mul3A_621, %slice3A_601 : vector<1x2100xf32>
    %sub3A_623 = arith.subf %mul3A_618, %mul3A_622 : vector<1x2100xf32>
    %reduce_sum3A_624 = vector.shape_cast %sub3A_623 : vector<1x2100xf32> to vector<1x1x2100xf32>
    %reduce_sum3A_625 = arith.constant dense<0.000000e+00> : vector<1xf32>
    %reduce_sum3A_626 = vector.multi_reduction <add>, %reduce_sum3A_624, %reduce_sum3A_625 [1, 2] : vector<1x1x2100xf32> to vector<1xf32>
    %reduce_sum3A_627 = vector.shape_cast %reduce_sum3A_626 : vector<1xf32> to vector<1x1x1xf32>
    %reduce_sum3A_628 = vector.extract %reduce_sum3A_627[0, 0, 0] : f32 from vector<1x1x1xf32>
    %mul3A_629 = arith.constant 4.76190471E-4 : f32
    %mul3A_630 = arith.mulf %reduce_sum3A_628, %mul3A_629 : f32
    %mul3A_631 = arith.constant 5.000000e+00 : f32
    %mul3A_632 = arith.mulf %mul3A_631, %mul3A_570 : f32
    %add3A_633 = arith.addf %mul3A_632, %mul3A_630 : f32
    %add3A_634 = arith.addf %add3A_633, %mul3A_597 : f32
    %add3A_635 = vector.broadcast %add3A_634 : f32 to vector<1x1xf32>
    %add3A_636 = arith.addf %add3A_528, %add3A_635 : vector<1x1xf32>
    %get3A_637 = arith.constant 6 : index
    %get3A_638 = arith.constant 0 : index
    %get3A_639 = arith.constant 0 : index
    %get3A_640 = vector.load %arg0[%get3A_637, %get3A_638, %get3A_639] : memref<8x35x2100xf32, #tpu.memory_space<vmem>>, vector<1x35x2100xf32>
    %get3A_641 = vector.shape_cast %get3A_640 : vector<1x35x2100xf32> to vector<35x2100xf32>
    %get3A_642 = arith.constant 6 : index
    %get3A_643 = arith.constant 0 : index
    %get3A_644 = arith.constant 0 : index
    %get3A_645 = vector.load %arg1[%get3A_642, %get3A_643, %get3A_644] : memref<8x50x5xf32, #tpu.memory_space<vmem>>, vector<1x50x5xf32>
    %get3A_646 = vector.shape_cast %get3A_645 : vector<1x50x5xf32> to vector<50x5xf32>
    %slice3A_647 = vector.extract_strided_slice %get3A_0 {offsets = [384], sizes = [64], strides = [1]} : vector<512xi32> to vector<64xi32>
    %reshape3A_648 = vector.shape_cast %slice3A_647 : vector<64xi32> to vector<1x64xi32>
    %broadcast_in_dim3A_649 = vector.shape_cast %reshape3A_648 : vector<1x64xi32> to vector<1x64xi32>
    %broadcast_in_dim3A_650 = vector.broadcast %broadcast_in_dim3A_649 : vector<1x64xi32> to vector<64x64xi32>
    %mul3A_651 = arith.muli %broadcast_in_dim3A_650, %convert_element_type3A : vector<64x64xi32>
    %reduce_sum3A_652 = arith.constant dense<0> : vector<64xi32>
    %reduce_sum3A_653 = vector.multi_reduction <add>, %mul3A_651, %reduce_sum3A_652 [1] : vector<64x64xi32> to vector<64xi32>
    %broadcast_in_dim3A_654 = vector.shape_cast %reduce_sum3A_653 : vector<64xi32> to vector<64x1xi32>
    %iota3A_655 = tpu.iota {dimensions = array<i32: 1>} : vector<64x2100xi32>
    %eq3A_656 = vector.broadcast %broadcast_in_dim3A_654 : vector<64x1xi32> to vector<64x2100xi32>
    %eq3A_657 = arith.cmpi eq, %iota3A_655, %eq3A_656 : vector<64x2100xi32>
    %convert_element_type3A_658 = arith.extui %eq3A_657 : vector<64x2100xi1> to vector<64x2100xi32>
    %convert_element_type3A_659 = arith.sitofp %convert_element_type3A_658 : vector<64x2100xi32> to vector<64x2100xf32>
    %dot_general3A_660 = arith.constant dense<0.000000e+00> : vector<64x35xf32>
    %dot_general3A_661 = tpu.matmul %convert_element_type3A_659, %get3A_641, %dot_general3A_660 {dimension_numbers = #tpu.dot_dimension_numbers<[1], [1], [0], [0], [0, 0, 1, 0], [], []>, transpose_lhs_hint = false} : vector<64x2100xf32>, vector<35x2100xf32>, vector<64x35xf32> -> vector<64x35xf32>
    %slice3A_662 = vector.extract_strided_slice %dot_general3A_661 {offsets = [0, 0], sizes = [50, 4], strides = [1, 1]} : vector<64x35xf32> to vector<50x4xf32>
    %logistic3A_663 = arith.negf %slice3A_662 : vector<50x4xf32>
    %logistic3A_664 = math.exp %logistic3A_663 : vector<50x4xf32>
    %logistic3A_665 = arith.constant 1.000000e+00 : f32
    %logistic3A_666 = vector.broadcast %logistic3A_665 : f32 to vector<50x4xf32>
    %logistic3A_667 = arith.addf %logistic3A_666, %logistic3A_664 : vector<50x4xf32>
    %logistic3A_668 = arith.divf %logistic3A_666, %logistic3A_667 : vector<50x4xf32>
    %slice3A_669 = vector.extract_strided_slice %get3A_646 {offsets = [0, 1], sizes = [50, 4], strides = [1, 1]} : vector<50x5xf32> to vector<50x4xf32>
    %sub3A_670 = arith.subf %logistic3A_668, %slice3A_669 : vector<50x4xf32>
    %mul3A_671 = arith.mulf %sub3A_670, %sub3A_670 : vector<50x4xf32>
    %reduce_sum3A_672 = vector.shape_cast %mul3A_671 : vector<50x4xf32> to vector<1x50x4xf32>
    %reduce_sum3A_673 = arith.constant dense<0.000000e+00> : vector<1xf32>
    %reduce_sum3A_674 = vector.multi_reduction <add>, %reduce_sum3A_672, %reduce_sum3A_673 [1, 2] : vector<1x50x4xf32> to vector<1xf32>
    %reduce_sum3A_675 = vector.shape_cast %reduce_sum3A_674 : vector<1xf32> to vector<1x1x1xf32>
    %reduce_sum3A_676 = vector.extract %reduce_sum3A_675[0, 0, 0] : f32 from vector<1x1x1xf32>
    %mul3A_677 = arith.constant 5.000000e-03 : f32
    %mul3A_678 = arith.mulf %reduce_sum3A_676, %mul3A_677 : f32
    %slice3A_679 = vector.extract_strided_slice %dot_general3A_661 {offsets = [0, 5], sizes = [50, 30], strides = [1, 1]} : vector<64x35xf32> to vector<50x30xf32>
    %slice3A_680 = vector.extract_strided_slice %get3A_646 {offsets = [0, 0], sizes = [50, 1], strides = [1, 1]} : vector<50x5xf32> to vector<50x1xf32>
    %convert_element_type3A_681 = arith.fptosi %slice3A_680 : vector<50x1xf32> to vector<50x1xi32>
    %iota3A_682 = tpu.iota {dimensions = array<i32: 1>} : vector<50x30xi32>
    %eq3A_683 = vector.broadcast %convert_element_type3A_681 : vector<50x1xi32> to vector<50x30xi32>
    %eq3A_684 = arith.cmpi eq, %iota3A_682, %eq3A_683 : vector<50x30xi32>
    %convert_element_type3A_685 = arith.extui %eq3A_684 : vector<50x30xi1> to vector<50x30xi32>
    %convert_element_type3A_686 = arith.sitofp %convert_element_type3A_685 : vector<50x30xi32> to vector<50x30xf32>
    %max3A_687 = arith.constant 0.000000e+00 : f32
    %max3A_688 = vector.broadcast %max3A_687 : f32 to vector<50x30xf32>
    %max3A_689 = arith.maximumf %slice3A_679, %max3A_688 : vector<50x30xf32>
    %abs3A_690 = math.absf %slice3A_679 : vector<50x30xf32>
    %neg3A_691 = arith.constant 0.000000e+00 : f32
    %neg3A_692 = vector.broadcast %neg3A_691 : f32 to vector<50x30xf32>
    %neg3A_693 = arith.subf %neg3A_692, %abs3A_690 : vector<50x30xf32>
    %exp3A_694 = math.exp %neg3A_693 : vector<50x30xf32>
    %log1p3A_695 = math.log1p %exp3A_694 : vector<50x30xf32>
    %add3A_696 = arith.addf %max3A_689, %log1p3A_695 : vector<50x30xf32>
    %mul3A_697 = arith.mulf %convert_element_type3A_686, %slice3A_679 : vector<50x30xf32>
    %sub3A_698 = arith.subf %add3A_696, %mul3A_697 : vector<50x30xf32>
    %reduce_sum3A_699 = vector.shape_cast %sub3A_698 : vector<50x30xf32> to vector<1x50x30xf32>
    %reduce_sum3A_700 = arith.constant dense<0.000000e+00> : vector<1xf32>
    %reduce_sum3A_701 = vector.multi_reduction <add>, %reduce_sum3A_699, %reduce_sum3A_700 [1, 2] : vector<1x50x30xf32> to vector<1xf32>
    %reduce_sum3A_702 = vector.shape_cast %reduce_sum3A_701 : vector<1xf32> to vector<1x1x1xf32>
    %reduce_sum3A_703 = vector.extract %reduce_sum3A_702[0, 0, 0] : f32 from vector<1x1x1xf32>
    %mul3A_704 = arith.constant 6.66666659E-4 : f32
    %mul3A_705 = arith.mulf %reduce_sum3A_703, %mul3A_704 : f32
    %reduce_max3A_706 = arith.constant dense<0xFF800000> : vector<2100xf32>
    %reduce_max3A_707 = vector.multi_reduction <maximumf>, %convert_element_type3A_659, %reduce_max3A_706 [0] : vector<64x2100xf32> to vector<2100xf32>
    %broadcast_in_dim3A_708 = vector.shape_cast %reduce_max3A_707 : vector<2100xf32> to vector<1x2100xf32>
    %slice3A_709 = vector.extract_strided_slice %get3A_641 {offsets = [4, 0], sizes = [1, 2100], strides = [1, 1]} : vector<35x2100xf32> to vector<1x2100xf32>
    %max3A_710 = arith.constant 0.000000e+00 : f32
    %max3A_711 = vector.broadcast %max3A_710 : f32 to vector<1x2100xf32>
    %max3A_712 = arith.maximumf %slice3A_709, %max3A_711 : vector<1x2100xf32>
    %abs3A_713 = math.absf %slice3A_709 : vector<1x2100xf32>
    %neg3A_714 = arith.constant 0.000000e+00 : f32
    %neg3A_715 = vector.broadcast %neg3A_714 : f32 to vector<1x2100xf32>
    %neg3A_716 = arith.subf %neg3A_715, %abs3A_713 : vector<1x2100xf32>
    %exp3A_717 = math.exp %neg3A_716 : vector<1x2100xf32>
    %log1p3A_718 = math.log1p %exp3A_717 : vector<1x2100xf32>
    %add3A_719 = arith.addf %max3A_712, %log1p3A_718 : vector<1x2100xf32>
    %mul3A_720 = arith.constant 1.900000e+01 : f32
    %mul3A_721 = vector.broadcast %mul3A_720 : f32 to vector<1x2100xf32>
    %mul3A_722 = arith.mulf %mul3A_721, %broadcast_in_dim3A_708 : vector<1x2100xf32>
    %add3A_723 = arith.constant 1.000000e+00 : f32
    %add3A_724 = vector.broadcast %add3A_723 : f32 to vector<1x2100xf32>
    %add3A_725 = arith.addf %add3A_724, %mul3A_722 : vector<1x2100xf32>
    %mul3A_726 = arith.mulf %add3A_719, %add3A_725 : vector<1x2100xf32>
    %mul3A_727 = arith.constant 2.000000e+01 : f32
    %mul3A_728 = vector.broadcast %mul3A_727 : f32 to vector<1x2100xf32>
    %mul3A_729 = arith.mulf %mul3A_728, %broadcast_in_dim3A_708 : vector<1x2100xf32>
    %mul3A_730 = arith.mulf %mul3A_729, %slice3A_709 : vector<1x2100xf32>
    %sub3A_731 = arith.subf %mul3A_726, %mul3A_730 : vector<1x2100xf32>
    %reduce_sum3A_732 = vector.shape_cast %sub3A_731 : vector<1x2100xf32> to vector<1x1x2100xf32>
    %reduce_sum3A_733 = arith.constant dense<0.000000e+00> : vector<1xf32>
    %reduce_sum3A_734 = vector.multi_reduction <add>, %reduce_sum3A_732, %reduce_sum3A_733 [1, 2] : vector<1x1x2100xf32> to vector<1xf32>
    %reduce_sum3A_735 = vector.shape_cast %reduce_sum3A_734 : vector<1xf32> to vector<1x1x1xf32>
    %reduce_sum3A_736 = vector.extract %reduce_sum3A_735[0, 0, 0] : f32 from vector<1x1x1xf32>
    %mul3A_737 = arith.constant 4.76190471E-4 : f32
    %mul3A_738 = arith.mulf %reduce_sum3A_736, %mul3A_737 : f32
    %mul3A_739 = arith.constant 5.000000e+00 : f32
    %mul3A_740 = arith.mulf %mul3A_739, %mul3A_678 : f32
    %add3A_741 = arith.addf %mul3A_740, %mul3A_738 : f32
    %add3A_742 = arith.addf %add3A_741, %mul3A_705 : f32
    %add3A_743 = vector.broadcast %add3A_742 : f32 to vector<1x1xf32>
    %add3A_744 = arith.addf %add3A_636, %add3A_743 : vector<1x1xf32>
    %get3A_745 = arith.constant 7 : index
    %get3A_746 = arith.constant 0 : index
    %get3A_747 = arith.constant 0 : index
    %get3A_748 = vector.load %arg0[%get3A_745, %get3A_746, %get3A_747] : memref<8x35x2100xf32, #tpu.memory_space<vmem>>, vector<1x35x2100xf32>
    %get3A_749 = vector.shape_cast %get3A_748 : vector<1x35x2100xf32> to vector<35x2100xf32>
    %get3A_750 = arith.constant 7 : index
    %get3A_751 = arith.constant 0 : index
    %get3A_752 = arith.constant 0 : index
    %get3A_753 = vector.load %arg1[%get3A_750, %get3A_751, %get3A_752] : memref<8x50x5xf32, #tpu.memory_space<vmem>>, vector<1x50x5xf32>
    %get3A_754 = vector.shape_cast %get3A_753 : vector<1x50x5xf32> to vector<50x5xf32>
    %slice3A_755 = vector.extract_strided_slice %get3A_0 {offsets = [448], sizes = [64], strides = [1]} : vector<512xi32> to vector<64xi32>
    %reshape3A_756 = vector.shape_cast %slice3A_755 : vector<64xi32> to vector<1x64xi32>
    %broadcast_in_dim3A_757 = vector.shape_cast %reshape3A_756 : vector<1x64xi32> to vector<1x64xi32>
    %broadcast_in_dim3A_758 = vector.broadcast %broadcast_in_dim3A_757 : vector<1x64xi32> to vector<64x64xi32>
    %mul3A_759 = arith.muli %broadcast_in_dim3A_758, %convert_element_type3A : vector<64x64xi32>
    %reduce_sum3A_760 = arith.constant dense<0> : vector<64xi32>
    %reduce_sum3A_761 = vector.multi_reduction <add>, %mul3A_759, %reduce_sum3A_760 [1] : vector<64x64xi32> to vector<64xi32>
    %broadcast_in_dim3A_762 = vector.shape_cast %reduce_sum3A_761 : vector<64xi32> to vector<64x1xi32>
    %iota3A_763 = tpu.iota {dimensions = array<i32: 1>} : vector<64x2100xi32>
    %eq3A_764 = vector.broadcast %broadcast_in_dim3A_762 : vector<64x1xi32> to vector<64x2100xi32>
    %eq3A_765 = arith.cmpi eq, %iota3A_763, %eq3A_764 : vector<64x2100xi32>
    %convert_element_type3A_766 = arith.extui %eq3A_765 : vector<64x2100xi1> to vector<64x2100xi32>
    %convert_element_type3A_767 = arith.sitofp %convert_element_type3A_766 : vector<64x2100xi32> to vector<64x2100xf32>
    %dot_general3A_768 = arith.constant dense<0.000000e+00> : vector<64x35xf32>
    %dot_general3A_769 = tpu.matmul %convert_element_type3A_767, %get3A_749, %dot_general3A_768 {dimension_numbers = #tpu.dot_dimension_numbers<[1], [1], [0], [0], [0, 0, 1, 0], [], []>, transpose_lhs_hint = false} : vector<64x2100xf32>, vector<35x2100xf32>, vector<64x35xf32> -> vector<64x35xf32>
    %slice3A_770 = vector.extract_strided_slice %dot_general3A_769 {offsets = [0, 0], sizes = [50, 4], strides = [1, 1]} : vector<64x35xf32> to vector<50x4xf32>
    %logistic3A_771 = arith.negf %slice3A_770 : vector<50x4xf32>
    %logistic3A_772 = math.exp %logistic3A_771 : vector<50x4xf32>
    %logistic3A_773 = arith.constant 1.000000e+00 : f32
    %logistic3A_774 = vector.broadcast %logistic3A_773 : f32 to vector<50x4xf32>
    %logistic3A_775 = arith.addf %logistic3A_774, %logistic3A_772 : vector<50x4xf32>
    %logistic3A_776 = arith.divf %logistic3A_774, %logistic3A_775 : vector<50x4xf32>
    %slice3A_777 = vector.extract_strided_slice %get3A_754 {offsets = [0, 1], sizes = [50, 4], strides = [1, 1]} : vector<50x5xf32> to vector<50x4xf32>
    %sub3A_778 = arith.subf %logistic3A_776, %slice3A_777 : vector<50x4xf32>
    %mul3A_779 = arith.mulf %sub3A_778, %sub3A_778 : vector<50x4xf32>
    %reduce_sum3A_780 = vector.shape_cast %mul3A_779 : vector<50x4xf32> to vector<1x50x4xf32>
    %reduce_sum3A_781 = arith.constant dense<0.000000e+00> : vector<1xf32>
    %reduce_sum3A_782 = vector.multi_reduction <add>, %reduce_sum3A_780, %reduce_sum3A_781 [1, 2] : vector<1x50x4xf32> to vector<1xf32>
    %reduce_sum3A_783 = vector.shape_cast %reduce_sum3A_782 : vector<1xf32> to vector<1x1x1xf32>
    %reduce_sum3A_784 = vector.extract %reduce_sum3A_783[0, 0, 0] : f32 from vector<1x1x1xf32>
    %mul3A_785 = arith.constant 5.000000e-03 : f32
    %mul3A_786 = arith.mulf %reduce_sum3A_784, %mul3A_785 : f32
    %slice3A_787 = vector.extract_strided_slice %dot_general3A_769 {offsets = [0, 5], sizes = [50, 30], strides = [1, 1]} : vector<64x35xf32> to vector<50x30xf32>
    %slice3A_788 = vector.extract_strided_slice %get3A_754 {offsets = [0, 0], sizes = [50, 1], strides = [1, 1]} : vector<50x5xf32> to vector<50x1xf32>
    %convert_element_type3A_789 = arith.fptosi %slice3A_788 : vector<50x1xf32> to vector<50x1xi32>
    %iota3A_790 = tpu.iota {dimensions = array<i32: 1>} : vector<50x30xi32>
    %eq3A_791 = vector.broadcast %convert_element_type3A_789 : vector<50x1xi32> to vector<50x30xi32>
    %eq3A_792 = arith.cmpi eq, %iota3A_790, %eq3A_791 : vector<50x30xi32>
    %convert_element_type3A_793 = arith.extui %eq3A_792 : vector<50x30xi1> to vector<50x30xi32>
    %convert_element_type3A_794 = arith.sitofp %convert_element_type3A_793 : vector<50x30xi32> to vector<50x30xf32>
    %max3A_795 = arith.constant 0.000000e+00 : f32
    %max3A_796 = vector.broadcast %max3A_795 : f32 to vector<50x30xf32>
    %max3A_797 = arith.maximumf %slice3A_787, %max3A_796 : vector<50x30xf32>
    %abs3A_798 = math.absf %slice3A_787 : vector<50x30xf32>
    %neg3A_799 = arith.constant 0.000000e+00 : f32
    %neg3A_800 = vector.broadcast %neg3A_799 : f32 to vector<50x30xf32>
    %neg3A_801 = arith.subf %neg3A_800, %abs3A_798 : vector<50x30xf32>
    %exp3A_802 = math.exp %neg3A_801 : vector<50x30xf32>
    %log1p3A_803 = math.log1p %exp3A_802 : vector<50x30xf32>
    %add3A_804 = arith.addf %max3A_797, %log1p3A_803 : vector<50x30xf32>
    %mul3A_805 = arith.mulf %convert_element_type3A_794, %slice3A_787 : vector<50x30xf32>
    %sub3A_806 = arith.subf %add3A_804, %mul3A_805 : vector<50x30xf32>
    %reduce_sum3A_807 = vector.shape_cast %sub3A_806 : vector<50x30xf32> to vector<1x50x30xf32>
    %reduce_sum3A_808 = arith.constant dense<0.000000e+00> : vector<1xf32>
    %reduce_sum3A_809 = vector.multi_reduction <add>, %reduce_sum3A_807, %reduce_sum3A_808 [1, 2] : vector<1x50x30xf32> to vector<1xf32>
    %reduce_sum3A_810 = vector.shape_cast %reduce_sum3A_809 : vector<1xf32> to vector<1x1x1xf32>
    %reduce_sum3A_811 = vector.extract %reduce_sum3A_810[0, 0, 0] : f32 from vector<1x1x1xf32>
    %mul3A_812 = arith.constant 6.66666659E-4 : f32
    %mul3A_813 = arith.mulf %reduce_sum3A_811, %mul3A_812 : f32
    %reduce_max3A_814 = arith.constant dense<0xFF800000> : vector<2100xf32>
    %reduce_max3A_815 = vector.multi_reduction <maximumf>, %convert_element_type3A_767, %reduce_max3A_814 [0] : vector<64x2100xf32> to vector<2100xf32>
    %broadcast_in_dim3A_816 = vector.shape_cast %reduce_max3A_815 : vector<2100xf32> to vector<1x2100xf32>
    %slice3A_817 = vector.extract_strided_slice %get3A_749 {offsets = [4, 0], sizes = [1, 2100], strides = [1, 1]} : vector<35x2100xf32> to vector<1x2100xf32>
    %max3A_818 = arith.constant 0.000000e+00 : f32
    %max3A_819 = vector.broadcast %max3A_818 : f32 to vector<1x2100xf32>
    %max3A_820 = arith.maximumf %slice3A_817, %max3A_819 : vector<1x2100xf32>
    %abs3A_821 = math.absf %slice3A_817 : vector<1x2100xf32>
    %neg3A_822 = arith.constant 0.000000e+00 : f32
    %neg3A_823 = vector.broadcast %neg3A_822 : f32 to vector<1x2100xf32>
    %neg3A_824 = arith.subf %neg3A_823, %abs3A_821 : vector<1x2100xf32>
    %exp3A_825 = math.exp %neg3A_824 : vector<1x2100xf32>
    %log1p3A_826 = math.log1p %exp3A_825 : vector<1x2100xf32>
    %add3A_827 = arith.addf %max3A_820, %log1p3A_826 : vector<1x2100xf32>
    %mul3A_828 = arith.constant 1.900000e+01 : f32
    %mul3A_829 = vector.broadcast %mul3A_828 : f32 to vector<1x2100xf32>
    %mul3A_830 = arith.mulf %mul3A_829, %broadcast_in_dim3A_816 : vector<1x2100xf32>
    %add3A_831 = arith.constant 1.000000e+00 : f32
    %add3A_832 = vector.broadcast %add3A_831 : f32 to vector<1x2100xf32>
    %add3A_833 = arith.addf %add3A_832, %mul3A_830 : vector<1x2100xf32>
    %mul3A_834 = arith.mulf %add3A_827, %add3A_833 : vector<1x2100xf32>
    %mul3A_835 = arith.constant 2.000000e+01 : f32
    %mul3A_836 = vector.broadcast %mul3A_835 : f32 to vector<1x2100xf32>
    %mul3A_837 = arith.mulf %mul3A_836, %broadcast_in_dim3A_816 : vector<1x2100xf32>
    %mul3A_838 = arith.mulf %mul3A_837, %slice3A_817 : vector<1x2100xf32>
    %sub3A_839 = arith.subf %mul3A_834, %mul3A_838 : vector<1x2100xf32>
    %reduce_sum3A_840 = vector.shape_cast %sub3A_839 : vector<1x2100xf32> to vector<1x1x2100xf32>
    %reduce_sum3A_841 = arith.constant dense<0.000000e+00> : vector<1xf32>
    %reduce_sum3A_842 = vector.multi_reduction <add>, %reduce_sum3A_840, %reduce_sum3A_841 [1, 2] : vector<1x1x2100xf32> to vector<1xf32>
    %reduce_sum3A_843 = vector.shape_cast %reduce_sum3A_842 : vector<1xf32> to vector<1x1x1xf32>
    %reduce_sum3A_844 = vector.extract %reduce_sum3A_843[0, 0, 0] : f32 from vector<1x1x1xf32>
    %mul3A_845 = arith.constant 4.76190471E-4 : f32
    %mul3A_846 = arith.mulf %reduce_sum3A_844, %mul3A_845 : f32
    %mul3A_847 = arith.constant 5.000000e+00 : f32
    %mul3A_848 = arith.mulf %mul3A_847, %mul3A_786 : f32
    %add3A_849 = arith.addf %mul3A_848, %mul3A_846 : f32
    %add3A_850 = arith.addf %add3A_849, %mul3A_813 : f32
    %add3A_851 = vector.broadcast %add3A_850 : f32 to vector<1x1xf32>
    %add3A_852 = arith.addf %add3A_744, %add3A_851 : vector<1x1xf32>
    %swap3A = arith.constant 0 : index
    %swap3A_853 = arith.constant 0 : index
    %swap3A_854 = vector.load %arg3[%swap3A, %swap3A_853] : memref<1x1xf32, #tpu.memory_space<vmem>>, vector<1x1xf32>
    tpu.vector_store %arg3[%swap3A, %swap3A_853], %add3A_852 {strides = array<i32>} : memref<1x1xf32, #tpu.memory_space<vmem>>, vector<1x1xf32>,
    return
  }
}

</mosaic_0001>

<sc_bundles>
// kernel: kernel.4.cloned.1.call-start
scs
__scs_entry_jumppad:
0x0: {  	(pc) =	sbr.rel $0x88, $3  }
0x1: {  	(tag) =	ssettag $0x0;
	lr =	simm.s32 $0x1  }
0x2: {  	[smem:$0x3F9F] =	sst lr;
	_ =	strace $0xD0000000  }
0x3: {  	_ = 	snop  }
0x4: {  	_ = 	snop  }
0x5: {  	_ = 	snop  }
0x6: {  	_ = 	snop  }
0x7: {  	_ = 	snop  }
__scs_overlays_trampoline_lowered:
0x8: {  	[smem:$0x3FAE] =	sst s0  }
0x9: {  	[smem:$0x3FAF] =	sst s1  }
0xa: {  	[smem:$0x3FB0] =	sst s2  }
0xb: {  	[smem:$0x3FB1] =	sst s3  }
0xc: {  	[smem:$0x3FB2] =	sst s4  }
0xd: {  	[smem:$0x3FB3] =	sst s5  }
0xe: {  	[smem:$0x3FB4] =	sst s6  }
0xf: {  	[smem:$0x3FB5] =	sst s7  }
0x10: {  	[smem:$0x3FB6] =	sst s8  }
0x11: {  	[smem:$0x3FB7] =	sst s9;
	s0 =	simm.s32 @!p0 $0x0  }
0x12: {  	s1 =	sld [smem:$0x3F9D];
	s0 =	simm.s32 @p0 $0x1  }
0x13: {  	[smem:$0x3FB8] =	sst s0;
	s0 =	simm.s32 @!p1 $0x0  }
0x14: {  	s2 =	sld [smem:$0x3F9C];
	s0 =	simm.s32 @p1 $0x1  }
0x15: {  	[smem:$0x3FB9] =	sst s0;
	s0 =	simm.s32 @!p2 $0x0  }
0x16: {  	s3 =	sld [smem:$0x3FDB];
	s0 =	simm.s32 @p2 $0x1  }
0x17: {  	s4 =	simm.s32 $0x1BF5;
	[smem:$0x3FBB] =	sst s0  }
0x18: {  	s0 =	sld [smem:$0x3F9E];
	_ =	swait.ge [sflag:s4], $0x0  }
0x19: {  	s7 =	sld [smem:$0x3F9F]  }
0x1a: {  	s8 =	sadd.s32 $0xFFFFE003, lr  }
0x1b: {  	s9 =	sadd.s32 $0xFFFFFEF7, lr;
	s5 =	simm.s32 $0xFFFFFFFF;
	p2 =	slt.u32 s8, $0xFFFFF086  }
0x1c: {  	p1 =	slt.u32 s9, $0xF7A;
	s5 =	simm.s32 @!p2 $0x0  }
0x1d: {  	s5 =	simm.s32 @p1 $0x1;
	p0 =	seq.s32 s7, s2  }
0x1e: {  	s7 =	smul.u32 @!p0 $0xF7A, s2;
	p2 =	seq.s32 @!p0 s5, $0x0  }
0x1f: {  	s9 =	smul.u32 $0xF7A, s1;
	s8 =	simm.s32 @!p0 $0x1BF5;
	p2 =	por !p2, p0  }
0x20: {  	[sflag:s8] =	ssyncset.s32 @!p0 $0xFFFFF086;
	s6 =	sadd.s32 @!p0 s3, s7;
	s7 =	simm.s32 @!p0 $0x108  }
0x21: {  	s3 =	sadd.s32 s3, s9;
	s6 =	sadd.s32 @!p0 $0x88, s6;
	s7 =	simm.s32 @p2 $0x1082  }
0x22: {  	[simem:s7], [sflag:s8] =	dma.local @!p0 [hbm:s6], $0xF7A  }
0x23: {  	s9 =	sor.u32 $0xD0000000, s2;
	s6 =	simm.s32 $0x108;
	_ =	swait.ge @!p0 [sflag:s8], $0x0  }
0x24: {  	s3 =	sadd.s32 $0x88, s3;
	s6 =	simm.s32 @!p1 $0x1082;
	[sflag:s4] =	ssyncset.s32 $0xFFFFF086  }
0x25: {  	[simem:s6], [sflag:s4] =	dma.local [hbm:s3], $0xF7A  }
0x26: {  	[smem:$0x3F9F] =	sst s1;
	(tag) =	ssettag s2;
	_ =	strace s9  }
0x27: {  	s1 =	sld [smem:$0x3FAF]  }
0x28: {  	s2 =	sld [smem:$0x3FB0]  }
0x29: {  	s4 =	sld [smem:$0x3FB2]  }
0x2a: {  	p0 =	seq.s32 s5, $0x0;
	s5 =	sld [smem:$0x3FB3]  }
0x2b: {  	s6 =	sld [smem:$0x3FB4]  }
0x2c: {  	s7 =	sld [smem:$0x3FB5]  }
0x2d: {  	s3 =	simm.s32 $0x108;
	s8 =	sld [smem:$0x3FB6]  }
0x2e: {  	s3 =	simm.s32 @!p0 $0x1082;
	s9 =	sld [smem:$0x3FB7]  }
0x2f: {  	lr =	sadd.s32 s0, s3;
	s0 =	sld [smem:$0x3FAE]  }
0x30: {  	s3 =	sld [smem:$0x3FB1]  }
0x31: {  	[smem:$0x3FBA] =	sst s10  }
0x32: {  	s10 =	sld [smem:$0x3FB8];
	_ =	sdelay $0x3  }
0x33: {  	p0 =	seq.s32 s10, $0x1;
	s10 =	sld [smem:$0x3FBA];
	_ =	sdelay $0x3  }
0x34: {  	[smem:$0x3FBA] =	sst s10  }
0x35: {  	s10 =	sld [smem:$0x3FB9];
	_ =	sdelay $0x3  }
0x36: {  	p1 =	seq.s32 s10, $0x1;
	s10 =	sld [smem:$0x3FBA];
	_ =	sdelay $0x3  }
0x37: {  	[smem:$0x3FBA] =	sst s10  }
0x38: {  	s10 =	sld [smem:$0x3FBB]  }
0x39: {  	_ = 	snop;
	(pc) =	sbr.ind lr, $3  }
0x3a: {  	_ = 	snop  }
0x3b: {  	_ = 	snop  }
0x3c: {  	p2 =	seq.s32 s10, $0x1;
	s10 =	sld [smem:$0x3FBA]  }
0x3d: {  	_ =	shalt  }
0x3e: {  	_ =	shalt  }
0x3f: {  	_ =	shalt  }
0x40: {  	_ =	shalt  }
0x41: {  	_ =	shalt  }
0x42: {  	_ =	shalt  }
0x43: {  	_ =	shalt  }
0x44: {  	_ =	shalt  }
0x45: {  	_ =	shalt  }
0x46: {  	_ =	shalt  }
0x47: {  	_ =	shalt  }
0x48: {  	_ =	shalt  }
0x49: {  	_ =	shalt  }
0x4a: {  	_ =	shalt  }
0x4b: {  	_ =	shalt  }
0x4c: {  	_ =	shalt  }
0x4d: {  	_ =	shalt  }
0x4e: {  	_ =	shalt  }
0x4f: {  	_ =	shalt  }
0x50: {  	_ =	shalt  }
0x51: {  	_ =	shalt  }
0x52: {  	_ =	shalt  }
0x53: {  	_ =	shalt  }
0x54: {  	_ =	shalt  }
0x55: {  	_ =	shalt  }
0x56: {  	_ =	shalt  }
0x57: {  	_ =	shalt  }
0x58: {  	_ =	shalt  }
0x59: {  	_ =	shalt  }
0x5a: {  	_ =	shalt  }
0x5b: {  	_ =	shalt  }
0x5c: {  	_ =	shalt  }
0x5d: {  	_ =	shalt  }
0x5e: {  	_ =	shalt  }
0x5f: {  	_ =	shalt  }
0x60: {  	_ =	shalt  }
0x61: {  	_ =	shalt  }
0x62: {  	_ =	shalt  }
0x63: {  	_ =	shalt  }
0x64: {  	_ =	shalt  }
0x65: {  	_ =	shalt  }
0x66: {  	_ =	shalt  }
0x67: {  	_ =	shalt  }
0x68: {  	_ =	shalt  }
0x69: {  	_ =	shalt  }
0x6a: {  	_ =	shalt  }
0x6b: {  	_ =	shalt  }
0x6c: {  	_ =	shalt  }
0x6d: {  	_ =	shalt  }
0x6e: {  	_ =	shalt  }
0x6f: {  	_ =	shalt  }
0x70: {  	_ =	shalt  }
0x71: {  	_ =	shalt  }
0x72: {  	_ =	shalt  }
0x73: {  	_ =	shalt  }
0x74: {  	_ =	shalt  }
0x75: {  	_ =	shalt  }
0x76: {  	_ =	shalt  }
0x77: {  	_ =	shalt  }
0x78: {  	_ =	shalt  }
0x79: {  	_ =	shalt  }
0x7a: {  	_ =	shalt  }
0x7b: {  	_ =	shalt  }
0x7c: {  	_ =	shalt  }
0x7d: {  	_ =	shalt  }
0x7e: {  	_ =	shalt  }
0x7f: {  	_ =	shalt  }
0x80: {  	_ =	shalt  }
0x81: {  	_ =	shalt  }
0x82: {  	_ =	shalt  }
0x83: {  	_ =	shalt  }
0x84: {  	_ =	shalt  }
0x85: {  	_ =	shalt  }
0x86: {  	_ =	shalt  }
0x87: {  	_ =	shalt  }
.Lfunc_end0:
.L_simem_size_0:
called_computation_lowered:
.L_overlay_start_0:
0x88: {  	s0 =	sld [smem:$0x3FD9]  }
0x89: {  	s1 =	sld [smem:$0x3FFE];
	_ =	sdelay $0x3  }
0x8a: {  	s0 =	sadd.s32 s1, s0  }
0x8b: {  	[smem:$0x3FC6] =	sst s0  }
0x8c: {  	_ = 	snop  }
0x8d: {  	(tm) =	ssettm $0x1  }
0x8e: {  	s15 =	sld [smem:$0x3FFB];
	_ =	sdelay $0x3  }
0x8f: {  	_ =	strace s15  }
0x90: {  	s0 =	sld [smem:$0x3FFC];
	_ =	sdelay $0x3  }
0x91: {  	_ =	strace s0  }
0x92: {  	s0 =	sld [smem:$0x3FFD];
	_ =	sdelay $0x3  }
0x93: {  	_ =	strace s0  }
0x94: {  	_ =	strace $0x8FFFFFFF  }
0x95: {  	s16 =	sld [smem:$0x3FDB];
	_ =	sdelay $0x1  }
0x96: {  	s17 =	simm.s32 $_scs_section_size  }
0x97: {  	s2 =	simm.s32 $_size__tile_overlayer_lowered;
	s3 =	simm.s32 $_tile_overlayer_lowered  }
0x98: {  	s20 =	simm.s32 $0x1BFF;
	s19 =	sshll.u32 s3, $0x1;
	s0 =	sadd.s32 s17, s16  }
0x99: {  	s4 =	simm.s32 $0x0;
	s18 =	sshll.u32 s2, $0x1;
	s2 =	sadd.s32 s19, s0  }
0x9a: {  	[timem:s4], [sflag:s20] =	dma.local [hbm:s2], s18  }
0x9b: {  	_ =	swait.ge [sflag:s20], s18  }
0x9c: {  	s1 =	ssub.s32 $0x0, s18;
	[sflag:s20] =	ssyncset.done $0x0  }
0x9d: {  	[sflag:s20] =	ssyncadd.s32 s1;
	_ =	sdelay $0x1  }
0x9e: {  	s21 =	simm.s32 $0x1B8B  }
0x9f: {  	_ =	swait.ge [sflag:s21], $0x1  }
0xa0: {  	[sflag:s21] =	ssyncset.done $0x0  }
0xa1: {  	s23 =	simm.s32 $0x1B8E;
	s22 =	sld [smem:$0x3FFE];
	[sflag:s21] =	ssyncadd.s32 $0xFFFFFFFF  }
0xa2: {  	s24 =	simm.s32 $execute0_lowered;
	[smem:$0x3FD2] =	sst s23  }
0xa3: {  	s2 =	sshll.u32 s24, $0x1;
	_ =	strace $0x80000046;
	[dreg:$0x1] =	wrdreg $0xFFFFFFFF  }
0xa4: {  	s25 =	simm.s32 $_size_execute0_lowered;
	s0 =	sadd.s32 s0, s2;
	[dreg:$0x0] =	wrdreg $0x0  }
0xa5: {  	s2 =	sshll.u32 s25, $0x1;
	[dreg:$0x2] =	wrdreg s0  }
0xa6: {  	[dreg:$0x3] =	wrdreg s2  }
0xa7: {  	[dreg:$0x4] =	wrdreg $0xC0  }
0xa8: {  	_ =	task [dreg:s4], $0x5FFFF  }
0xa9: {  	[dreg:$0x1] =	wrdreg $0xFFFFFFFF  }
0xaa: {  	[dreg:$0x0] =	wrdreg $0x60  }
0xab: {  	[dreg:$0x2] =	wrdreg s22  }
0xac: {  	[dreg:$0x3] =	wrdreg $0x9  }
0xad: {  	_ =	task.clear_ibuf [dreg:s4], $0x4FFFF;
	_ =	strace $0x90000046  }
0xae: {  	s26 =	simm.s32 $0x9;
	_ =	strace $0x80000048  }
0xaf: {  	_ =	swait.ge [sflag:s26], $0x1  }
0xb0: {  	[sflag:s26] =	ssyncadd.s32 $0xFFFFFFFF  }
0xb1: {  	_ =	strace $0x90000048  }
0xb2: {  	_ =	sfence  }
0xb3: {  	s28 =	sld [smem:$0x0];
	_ =	sdelay $0x1  }
0xb4: {  	s29 =	srdreg.scid  }
0xb5: {  	s30 =	sshll.u32 s29, $0xD;
	s31 =	sshrl.u32 s29, $0x2  }
0xb6: {  	s1 =	sand.u32 $0x1, s29;
	s2 =	sand.u32 $0x4000, s30;
	s0 =	sadd.s32 s31, s28  }
0xb7: {  	s1 =	sor.u32 s2, s1;
	s0 =	sshll.u32 s0, $0x11  }
0xb8: {  	s0 =	sor.u32 s0, s1  }
0xb9: {  	s0 =	sadd.s32 $0x8F2B, s0  }
0xba: {  	[sflag:s0] =	ssyncadd.remote.s32 $0x1  }
0xbb: {  	_ =	sfence.sel $0xFFFF  }
0xbc: {  	[dreg:$0x0] =	wrdreg $0xFFFFFFFF;
	(pc) =	sbr.abs _section_cstart, $3  }
0xbd: {  	[dreg:$0x1] =	wrdreg $0xFFFFFFFF  }
0xbe: {  	_ =	task.clear_ibuf [dreg:s4], $0x2FFFF;
	_ =	strace $0x9FFFFFFF  }
0xbf: {  	(tm) =	ssettm $0x7FFFFFFF  }
tec
execute0_lowered:
.L_overlay_start_1:
0x0: {  	(tag) =	ssettag $0x1  }
0x1: {  	s0 =	stileid.u32  }
0x2: {  	s1 =	sshll.u32 s0, $0x6;
	s2 =	sshll.u32 s0, $0x5  }
0x3: {  	s4 =	rddreg [dreg:$0x0];
	s5 =	sand.u32 $0x380, s1;
	s3 =	sand.u32 $0x20, s2  }
0x4: {  	s25 =	simm.s32 $0x0;
	s26 =	simm.s32 $0x1;
	s3 =	sor.u32 s3, s5  }
0x5: {  	[smem:$0x7FF] =	sst s25;
	s6 =	sadd.s32 $0x600, s4;
	s7 =	sshrl.u32 s3, $0x3  }
0x6: {  	s1 =	rddreg [dreg:$0x1];
	_ =	strace $0x80000047;
	s3 =	sadd.s32 s6, s7  }
0x7: {  	[tilespmem:s25], [sflag:$0x1] =	stream.linear.gather [hbm4b:s3+s25], $0x10, $0x38;
	[tilespmem:$0x180] =	vst v63  }
0x8: {  	_ =	swait.ge [sflag:s26], $0x10  }
0x9: {  	s8 =	sadd.s32 $0x680, s4;
	[sflag:s26] =	ssyncset.done $0x0  }
0xa: {  	s10 =	simm.s32 $0x80;
	s7 =	sadd.s32 s7, s8;
	[sflag:s26] =	ssyncadd.s32 $0xFFFFFFF0  }
0xb: {  	[tilespmem:s10], [sflag:$0x1] =	stream.linear.gather [hbm4b:s7+s25], $0x10, $0x38;
	[tilespmem:$0x180] =	vst v63  }
0xc: {  	_ =	swait.ge [sflag:s26], $0x10  }
0xd: {  	[sflag:s26] =	ssyncset.done $0x0  }
0xe: {  	[sflag:s26] =	ssyncadd.s32 $0xFFFFFFF0  }
0xf: {  	v0 =	vld [tilespmem:$0x0]  }
0x10: {  	v2 =	vld [tilespmem:$0x80];
	_ =	sdelay $0x3  }
0x11: {  	v1 =	vmul.f32 $3.200000000e+02, v0  }
0x12: {  	v0 =	vmul.f32 $3.200000000e+02, v2  }
0x13: {  	v31 =	vmul.f32 $1.250000000e-01, v1  }
0x14: {  	v3 =	vmul.f32 $1.250000000e-01, v0;
	v40 =	vmul.f32 $6.250000000e-02, v1  }
0x15: {  	v41 =	vmul.f32 $6.250000000e-02, v0;
	v27 =	vmul.f32 $3.125000000e-02, v1  }
0x16: {  	v28 =	vmul.f32 $3.125000000e-02, v0;
	v2 =	vtrunc.f32 v31  }
0x17: {  	v3 =	vtrunc.f32 v3;
	v43 =	vtrunc.f32 v40  }
0x18: {  	v2 =	vcvt.f32.s32 v2;
	v3 =	vcvt.f32.s32 v3  }
0x19: {  	v45 =	vtrunc.f32 v41;
	v44 =	vcvt.f32.s32 v43  }
0x1a: {  	v31 =	vtrunc.f32 v28;
	v4 =	vadd.s32 $0xFFFFFFFF, v2;
	v5 =	vadd.s32 $0xFFFFFFFF, v3  }
0x1b: {  	vm11 =	vgt.s32 v2, $0x0;
	vm13 =	vgt.s32 v3, $0x0;
	v46 =	vadd.s32 $0xFFFFFFFF, v44  }
0x1c: {  	vm0 =	vgt.s32 v4, $0x0;
	vm10 =	vgt.s32 v5, $0x0;
	v8 =	vnsel vm11, $0x0, v2  }
0x1d: {  	v2 =	vadd.s32 $0x1, v2;
	v13 =	vnsel vm13, $0x0, v3;
	v3 =	vadd.s32 $0x1, v3  }
0x1e: {  	v4 =	vnsel vm0, $0x0, v4;
	v5 =	vnsel vm10, $0x0, v5;
	v8 =	vmin.u32 v8, $0x27  }
0x1f: {  	vm12 =	vgt.s32 v2, $0x0;
	v4 =	vmin.u32 v4, $0x27;
	v5 =	vmin.u32 v5, $0x27  }
0x20: {  	v13 =	vmin.u32 v13, $0x27;
	v6 =	vcvt.s32.f32 v4;
	v7 =	vcvt.s32.f32 v5  }
0x21: {  	vm7 =	vgt.s32 v3, $0x0;
	v9 =	vcvt.s32.f32 v8;
	v2 =	vnsel vm12, $0x0, v2  }
0x22: {  	v15 =	vcvt.s32.f32 v13;
	v6 =	vadd.f32 $5.000000000e-01, v6;
	v7 =	vadd.f32 $5.000000000e-01, v7  }
0x23: {  	v13 =	vmul.u32 $0x28, v13;
	v3 =	vnsel vm7, $0x0, v3;
	v2 =	vmin.u32 v2, $0x27  }
0x24: {  	v9 =	vadd.f32 $5.000000000e-01, v9;
	v6 =	vmul.f32 $8.000000000e+00, v6;
	v7 =	vmul.f32 $8.000000000e+00, v7  }
0x25: {  	v5 =	vmul.u32 $0x28, v5;
	v3 =	vmin.u32 v3, $0x27;
	v10 =	vcvt.s32.f32 v2  }
0x26: {  	v9 =	vmul.f32 $8.000000000e+00, v9;
	v6 =	vsub.f32 v1, v6;
	v7 =	vsub.f32 v0, v7  }
0x27: {  	v15 =	vadd.f32 $5.000000000e-01, v15;
	v34 =	vadd.s32 v4, v13;
	v10 =	vadd.f32 $5.000000000e-01, v10  }
0x28: {  	v9 =	vsub.f32 v1, v9;
	v6 =	vmul.f32 v6, v6;
	v7 =	vmul.f32 v7, v7  }
0x29: {  	v35 =	vcvt.s32.f32 v3;
	v37 =	vadd.s32 v8, v13;
	v39 =	vadd.s32 v2, v13  }
0x2a: {  	v10 =	vmul.f32 $8.000000000e+00, v10;
	v9 =	vmul.f32 v9, v9;
	v11 =	vadd.f32 v7, v6  }
0x2b: {  	v3 =	vmul.u32 $0x28, v3;
	v12 =	vadd.s32 v4, v5;
	v16 =	vadd.s32 v8, v5  }
0x2c: {  	v10 =	vsub.f32 v1, v10;
	v14 =	vadd.f32 v7, v9;
	vm14 =	vlt.f32 v11, $1.000000020e+30  }
0x2d: {  	v15 =	vmul.f32 $8.000000000e+00, v15;
	v11 =	vnsel vm14, $0x7149F2CA, v11;
	v12 =	vnsel vm14, $0x0, v12  }
0x2e: {  	v10 =	vmul.f32 v10, v10;
	vm15 =	veq.f32 v14, v11;
	vm1 =	vlt.u32 v16, v12  }
0x2f: {  	v5 =	vadd.s32 v2, v5;
	vm4 =	vlt.f32 v14, v11;
	vm0 =	vmand vm15, vm1  }
0x30: {  	v32 =	vsub.f32 v0, v15;
	v7 =	vadd.f32 v7, v10;
	vm0 =	vmor vm4, vm0  }
0x31: {  	v15 =	vadd.f32 $5.000000000e-01, v35;
	v11 =	vsel vm0, v14, v11;
	v12 =	vsel vm0, v16, v12  }
0x32: {  	v14 =	vmul.f32 v32, v32;
	vm6 =	veq.f32 v7, v11;
	vm2 =	vlt.u32 v5, v12  }
0x33: {  	v4 =	vadd.s32 v4, v3;
	vm5 =	vlt.f32 v7, v11;
	vm1 =	vmand vm6, vm2  }
0x34: {  	v38 =	vmul.f32 $8.000000000e+00, v15;
	v33 =	vadd.f32 v14, v6;
	vm0 =	vmor vm5, vm1  }
0x35: {  	v8 =	vadd.s32 v8, v3;
	v7 =	vsel vm0, v7, v11;
	v5 =	vsel vm0, v5, v12  }
0x36: {  	v12 =	vsub.f32 v0, v38;
	vm8 =	veq.f32 v33, v7;
	vm9 =	vlt.u32 v34, v5  }
0x37: {  	v2 =	vadd.s32 v2, v3;
	vm10 =	vlt.f32 v33, v7;
	vm0 =	vmand vm8, vm9  }
0x38: {  	v36 =	vadd.f32 v14, v9;
	v12 =	vmul.f32 v12, v12;
	vm0 =	vmor vm10, vm0  }
0x39: {  	v14 =	vadd.f32 v14, v10;
	v7 =	vsel vm0, v33, v7;
	v5 =	vsel vm0, v34, v5  }
0x3a: {  	v6 =	vadd.f32 v12, v6;
	v42 =	vadd.f32 v12, v9;
	v9 =	vcvt.f32.s32 v45  }
0x3b: {  	v10 =	vadd.f32 v12, v10;
	vm11 =	veq.f32 v36, v7;
	vm12 =	vlt.u32 v37, v5  }
0x3c: {  	vm13 =	vlt.f32 v36, v7;
	vm0 =	vmand vm11, vm12;
	vm11 =	vgt.s32 v46, $0x0  }
0x3d: {  	v47 =	vadd.s32 $0xFFFFFFFF, v9;
	vm0 =	vmor vm13, vm0;
	v11 =	vnsel vm11, $0x0, v46  }
0x3e: {  	vm12 =	vgt.s32 v47, $0x0;
	vm13 =	vgt.s32 v44, $0x0;
	v7 =	vsel vm0, v36, v7  }
0x3f: {  	v5 =	vsel vm0, v37, v5;
	v48 =	vmin.u32 v11, $0x13;
	v49 =	vnsel vm12, $0x0, v47  }
0x40: {  	v54 =	vnsel vm13, $0x0, v44;
	vm14 =	veq.f32 v14, v7;
	vm15 =	vlt.u32 v39, v5  }
0x41: {  	vm4 =	vlt.f32 v14, v7;
	v50 =	vmin.u32 v49, $0x13;
	v51 =	vcvt.s32.f32 v48  }
0x42: {  	v11 =	vmin.u32 v54, $0x13;
	vm0 =	vmand vm14, vm15;
	v52 =	vcvt.s32.f32 v50  }
0x43: {  	v55 =	vcvt.s32.f32 v11;
	vm0 =	vmor vm4, vm0;
	v53 =	vadd.f32 $5.000000000e-01, v51  }
0x44: {  	v7 =	vsel vm0, v14, v7;
	v5 =	vsel vm0, v39, v5;
	v12 =	vadd.f32 $5.000000000e-01, v52  }
0x45: {  	v13 =	vadd.f32 $5.000000000e-01, v55;
	vm5 =	veq.f32 v6, v7;
	vm6 =	vlt.u32 v4, v5  }
0x46: {  	vm7 =	vlt.f32 v6, v7;
	v3 =	vmul.f32 $1.600000000e+01, v53;
	vm0 =	vmand vm5, vm6  }
0x47: {  	v12 =	vmul.f32 $1.600000000e+01, v12;
	v13 =	vmul.f32 $1.600000000e+01, v13;
	vm0 =	vmor vm7, vm0  }
0x48: {  	v3 =	vsub.f32 v1, v3;
	vm7 =	vgt.s32 v9, $0x0;
	v6 =	vsel vm0, v6, v7  }
0x49: {  	v4 =	vsel vm0, v4, v5;
	v5 =	vadd.s32 $0x1, v44;
	v12 =	vsub.f32 v0, v12  }
0x4a: {  	v57 =	vsub.f32 v1, v13;
	v61 =	vnsel vm7, $0x0, v9;
	v9 =	vadd.s32 $0x1, v9  }
0x4b: {  	vm8 =	vlt.f32 v42, v6;
	vm9 =	veq.f32 v42, v6;
	vm10 =	vlt.u32 v8, v4  }
0x4c: {  	vm3 =	vgt.s32 v5, $0x0;
	v3 =	vmul.f32 v3, v3;
	v15 =	vmin.u32 v61, $0x13  }
0x4d: {  	vm1 =	vmand vm9, vm10;
	v5 =	vnsel vm3, $0x0, v5;
	v12 =	vmul.f32 v12, v12  }
0x4e: {  	v17 =	vcvt.s32.f32 v15;
	v19 =	vmul.u32 $0x14, v15;
	vm0 =	vmor vm8, vm1  }
0x4f: {  	v5 =	vmin.u32 v5, $0x13;
	v6 =	vsel vm0, v42, v6;
	v4 =	vsel vm0, v8, v4  }
0x50: {  	v56 =	vcvt.s32.f32 v5;
	v8 =	vmul.u32 $0x14, v50;
	v58 =	vadd.f32 v12, v3  }
0x51: {  	v14 =	vadd.s32 $0x640, v19;
	vm14 =	vlt.f32 v10, v6;
	vm15 =	veq.f32 v10, v6  }
0x52: {  	vm6 =	vlt.u32 v2, v4;
	v21 =	vadd.s32 v48, v14;
	v24 =	vadd.s32 v11, v14  }
0x53: {  	v26 =	vadd.s32 v5, v14;
	vm1 =	vmand vm15, vm6;
	v59 =	vadd.f32 $5.000000000e-01, v56  }
0x54: {  	v8 =	vadd.s32 $0x640, v8;
	vm15 =	vgt.s32 v9, $0x0;
	vm0 =	vmor vm14, vm1  }
0x55: {  	v60 =	vadd.s32 v48, v8;
	v18 =	vadd.s32 v11, v8;
	v8 =	vadd.s32 v5, v8  }
0x56: {  	v9 =	vnsel vm15, $0x0, v9;
	v6 =	vsel vm0, v10, v6;
	v2 =	vsel vm0, v2, v4  }
0x57: {  	v10 =	vmul.f32 v57, v57;
	v13 =	vmul.f32 $1.600000000e+01, v59;
	v9 =	vmin.u32 v9, $0x13  }
0x58: {  	vm8 =	vlt.f32 v58, v6;
	v22 =	vcvt.s32.f32 v9;
	v9 =	vmul.u32 $0x14, v9  }
0x59: {  	v62 =	vadd.f32 v12, v10;
	v4 =	vsel vm8, v58, v6;
	v2 =	vsel vm8, v60, v2  }
0x5a: {  	v63 =	vsub.f32 v1, v13;
	v13 =	vadd.f32 $5.000000000e-01, v17;
	vm10 =	vlt.u32 v18, v2  }
0x5b: {  	v15 =	vadd.f32 $5.000000000e-01, v22;
	v9 =	vadd.s32 $0x640, v9;
	vm9 =	veq.f32 v62, v4  }
0x5c: {  	v6 =	vmul.f32 v63, v63;
	vm11 =	vlt.f32 v62, v4;
	v13 =	vmul.f32 $1.600000000e+01, v13  }
0x5d: {  	v7 =	vadd.s32 v48, v9;
	v32 =	vadd.s32 v11, v9;
	vm0 =	vmand vm9, vm10  }
0x5e: {  	vm0 =	vmor vm11, vm0;
	v12 =	vadd.f32 v12, v6;
	v13 =	vsub.f32 v0, v13  }
0x5f: {  	v15 =	vmul.f32 $1.600000000e+01, v15;
	v4 =	vsel vm0, v62, v4;
	v2 =	vsel vm0, v18, v2  }
0x60: {  	vm12 =	veq.f32 v12, v4;
	vm13 =	vlt.u32 v8, v2;
	v13 =	vmul.f32 v13, v13  }
0x61: {  	v5 =	vadd.s32 v5, v9;
	vm14 =	vlt.f32 v12, v4;
	vm0 =	vmand vm12, vm13  }
0x62: {  	v25 =	vsub.f32 v0, v15;
	vm0 =	vmor vm14, vm0;
	v20 =	vadd.f32 v13, v3  }
0x63: {  	v23 =	vadd.f32 v13, v10;
	v13 =	vadd.f32 v13, v6;
	v4 =	vsel vm0, v12, v4  }
0x64: {  	v2 =	vsel vm0, v8, v2;
	v12 =	vmul.f32 v25, v25;
	v8 =	vtrunc.f32 v27  }
0x65: {  	vm4 =	veq.f32 v20, v4;
	vm5 =	vlt.u32 v21, v2;
	vm6 =	vlt.f32 v20, v4  }
0x66: {  	v30 =	vcvt.f32.s32 v8;
	v8 =	vcvt.f32.s32 v31;
	vm1 =	vmand vm4, vm5  }
0x67: {  	v3 =	vadd.f32 v12, v3;
	v29 =	vadd.f32 v12, v10;
	vm0 =	vmor vm6, vm1  }
0x68: {  	v6 =	vadd.f32 v12, v6;
	v4 =	vsel vm0, v20, v4;
	v2 =	vsel vm0, v21, v2  }
0x69: {  	v33 =	vadd.s32 $0xFFFFFFFF, v30;
	vm7 =	veq.f32 v23, v4;
	vm8 =	vlt.u32 v24, v2  }
0x6a: {  	v34 =	vadd.s32 $0xFFFFFFFF, v8;
	vm9 =	vlt.f32 v23, v4;
	vm0 =	vmand vm7, vm8  }
0x6b: {  	vm7 =	vgt.s32 v33, $0x0;
	vm8 =	vgt.s32 v34, $0x0;
	vm0 =	vmor vm9, vm0  }
0x6c: {  	v11 =	vnsel vm7, $0x0, v33;
	v36 =	vnsel vm8, $0x0, v34;
	vm9 =	vgt.s32 v30, $0x0  }
0x6d: {  	v4 =	vsel vm0, v23, v4;
	v2 =	vsel vm0, v24, v2;
	v35 =	vmin.u32 v11, $0x9  }
0x6e: {  	v37 =	vmin.u32 v36, $0x9;
	v41 =	vnsel vm9, $0x0, v30;
	vm10 =	veq.f32 v13, v4  }
0x6f: {  	vm11 =	vlt.u32 v26, v2;
	vm12 =	vlt.f32 v13, v4;
	v38 =	vcvt.s32.f32 v35  }
0x70: {  	v39 =	vcvt.s32.f32 v37;
	v11 =	vmin.u32 v41, $0x9;
	vm0 =	vmand vm10, vm11  }
0x71: {  	v44 =	vmul.u32 $0xA, v37;
	v42 =	vcvt.s32.f32 v11;
	vm0 =	vmor vm12, vm0  }
0x72: {  	v40 =	vadd.f32 $5.000000000e-01, v38;
	v12 =	vadd.f32 $5.000000000e-01, v39;
	v4 =	vsel vm0, v13, v4  }
0x73: {  	v2 =	vsel vm0, v26, v2;
	v13 =	vadd.f32 $5.000000000e-01, v42;
	vm13 =	veq.f32 v3, v4  }
0x74: {  	vm14 =	vlt.u32 v7, v2;
	vm15 =	vlt.f32 v3, v4;
	v9 =	vmul.f32 $3.200000000e+01, v40  }
0x75: {  	v12 =	vmul.f32 $3.200000000e+01, v12;
	vm0 =	vmand vm13, vm14;
	v13 =	vmul.f32 $3.200000000e+01, v13  }
0x76: {  	vm14 =	vgt.s32 v8, $0x0;
	vm0 =	vmor vm15, vm0;
	v9 =	vsub.f32 v1, v9  }
0x77: {  	v12 =	vsub.f32 v0, v12;
	v49 =	vnsel vm14, $0x0, v8;
	v8 =	vadd.s32 $0x1, v8  }
0x78: {  	v3 =	vsel vm0, v3, v4;
	v2 =	vsel vm0, v7, v2;
	v7 =	vadd.s32 $0x1, v30  }
0x79: {  	v45 =	vsub.f32 v1, v13;
	v15 =	vmin.u32 v49, $0x9;
	vm4 =	vlt.f32 v29, v3  }
0x7a: {  	vm5 =	veq.f32 v29, v3;
	vm6 =	vlt.u32 v32, v2;
	v9 =	vmul.f32 v9, v9  }
0x7b: {  	vm13 =	vgt.s32 v7, $0x0;
	v12 =	vmul.f32 v12, v12;
	v51 =	vcvt.s32.f32 v15  }
0x7c: {  	v53 =	vmul.u32 $0xA, v15;
	vm1 =	vmand vm5, vm6;
	v7 =	vnsel vm13, $0x0, v7  }
0x7d: {  	v10 =	vmul.f32 v45, v45;
	vm0 =	vmor vm4, vm1;
	v7 =	vmin.u32 v7, $0x9  }
0x7e: {  	v3 =	vsel vm0, v29, v3;
	v2 =	vsel vm0, v32, v2;
	v43 =	vcvt.s32.f32 v7  }
0x7f: {  	v46 =	vadd.f32 v12, v9;
	vm11 =	veq.f32 v6, v3;
	vm12 =	vlt.u32 v5, v2  }
0x80: {  	vm10 =	vlt.f32 v6, v3;
	vm1 =	vmand vm11, vm12;
	v47 =	vadd.f32 $5.000000000e-01, v43  }
0x81: {  	v50 =	vadd.f32 v12, v10;
	vm0 =	vmor vm10, vm1;
	vm10 =	vgt.s32 v8, $0x0  }
0x82: {  	v3 =	vsel vm0, v6, v3;
	v6 =	vadd.s32 $0x7D0, v44;
	v13 =	vmul.f32 $3.200000000e+01, v47  }
0x83: {  	v2 =	vsel vm0, v5, v2;
	v5 =	vadd.f32 $5.000000000e-01, v51;
	v48 =	vadd.s32 v35, v6  }
0x84: {  	vm15 =	vlt.f32 v46, v3;
	v52 =	vadd.s32 v11, v6;
	v1 =	vsub.f32 v1, v13  }
0x85: {  	v3 =	vsel vm15, v46, v3;
	v2 =	vsel vm15, v48, v2;
	v5 =	vmul.f32 $3.200000000e+01, v5  }
0x86: {  	vm4 =	veq.f32 v50, v3;
	vm5 =	vlt.u32 v52, v2;
	v1 =	vmul.f32 v1, v1  }
0x87: {  	v8 =	vnsel vm10, $0x0, v8;
	vm6 =	vlt.f32 v50, v3;
	vm0 =	vmand vm4, vm5  }
0x88: {  	v5 =	vsub.f32 v0, v5;
	vm0 =	vmor vm6, vm0;
	v12 =	vadd.f32 v12, v1  }
0x89: {  	v6 =	vadd.s32 v7, v6;
	v3 =	vsel vm0, v50, v3;
	v2 =	vsel vm0, v52, v2  }
0x8a: {  	v5 =	vmul.f32 v5, v5;
	vm8 =	vlt.u32 v6, v2;
	vm7 =	veq.f32 v12, v3  }
0x8b: {  	v8 =	vmin.u32 v8, $0x9;
	vm9 =	vlt.f32 v12, v3;
	vm0 =	vmand vm7, vm8  }
0x8c: {  	v13 =	vadd.s32 $0x7D0, v53;
	v54 =	vadd.f32 v5, v9;
	vm0 =	vmor vm9, vm0  }
0x8d: {  	v55 =	vadd.s32 v35, v13;
	v3 =	vsel vm0, v12, v3;
	v2 =	vsel vm0, v6, v2  }
0x8e: {  	v56 =	vcvt.s32.f32 v8;
	vm11 =	veq.f32 v54, v3;
	vm12 =	vlt.u32 v55, v2  }
0x8f: {  	vm13 =	vlt.f32 v54, v3;
	vm1 =	vmand vm11, vm12  }
0x90: {  	v14 =	vadd.f32 $5.000000000e-01, v56;
	v57 =	vadd.f32 v5, v10;
	vm0 =	vmor vm13, vm1  }
0x91: {  	v58 =	vadd.s32 v11, v13;
	v3 =	vsel vm0, v54, v3;
	v2 =	vsel vm0, v55, v2  }
0x92: {  	v14 =	vmul.f32 $3.200000000e+01, v14;
	vm14 =	veq.f32 v57, v3;
	vm15 =	vlt.u32 v58, v2  }
0x93: {  	v8 =	vmul.u32 $0xA, v8;
	vm4 =	vlt.f32 v57, v3;
	vm0 =	vmand vm14, vm15  }
0x94: {  	v5 =	vadd.f32 v5, v1;
	v0 =	vsub.f32 v0, v14;
	vm0 =	vmor vm4, vm0  }
0x95: {  	v59 =	vadd.s32 v7, v13;
	v3 =	vsel vm0, v57, v3;
	v2 =	vsel vm0, v58, v2  }
0x96: {  	v0 =	vmul.f32 v0, v0;
	vm5 =	veq.f32 v5, v3;
	vm6 =	vlt.u32 v59, v2  }
0x97: {  	vm7 =	vlt.f32 v5, v3;
	vm0 =	vmand vm5, vm6  }
0x98: {  	v8 =	vadd.s32 $0x7D0, v8;
	v9 =	vadd.f32 v0, v9;
	vm0 =	vmor vm7, vm0  }
0x99: {  	v4 =	vadd.s32 v35, v8;
	v3 =	vsel vm0, v5, v3;
	v2 =	vsel vm0, v59, v2  }
0x9a: {  	vm8 =	veq.f32 v9, v3;
	vm9 =	vlt.u32 v4, v2  }
0x9b: {  	vm10 =	vlt.f32 v9, v3;
	vm0 =	vmand vm8, vm9  }
0x9c: {  	v60 =	vadd.f32 v0, v10;
	vm0 =	vmor vm10, vm0  }
0x9d: {  	v61 =	vadd.s32 v11, v8;
	v3 =	vsel vm0, v9, v3;
	v2 =	vsel vm0, v4, v2  }
0x9e: {  	vm11 =	veq.f32 v60, v3;
	vm12 =	vlt.u32 v61, v2  }
0x9f: {  	vm13 =	vlt.f32 v60, v3;
	vm0 =	vmand vm11, vm12  }
0xa0: {  	v0 =	vadd.f32 v0, v1;
	vm0 =	vmor vm13, vm0  }
0xa1: {  	v63 =	vadd.s32 v7, v8;
	v62 =	vsel vm0, v60, v3;
	v2 =	vsel vm0, v61, v2  }
0xa2: {  	vm14 =	veq.f32 v0, v62;
	vm15 =	vlt.u32 v63, v2  }
0xa3: {  	vm4 =	vlt.f32 v0, v62;
	vm0 =	vmand vm14, vm15  }
0xa4: {  	vm0 =	vmor vm4, vm0  }
0xa5: {  	s4 =	sadd.s32 $0x800, s4;
	s28 =	sshll.u32 s0, $0x2;
	s9 =	sshllo.u32 s0, $0x1;
	v6 =	vsel vm0, v63, v2  }
0xa6: {  	s29 =	simm.s32 $0x100;
	s11 =	sadd.s32 s4, s28;
	s30 =	sshll.u32 s9, $0x4;
	[tilespmem:$0x100] =	vst v6  }
0xa7: {  	[hbm4b:s11+s25] =	stream.linear.scatter [tilespmem:s29], [sflag:$0x1], $0x10, $0x38;
	[tilespmem:$0x180] =	vst v63  }
0xa8: {  	s11 =	sand.u32 $0x30, s30  }
0xa9: {  	s5 =	sor.u32 s5, s11;
	_ =	swait.ge [sflag:s26], $0x10  }
0xaa: {  	s5 =	sshrl.u32 s5, $0x3;
	[sflag:s26] =	ssyncset.done $0x0  }
0xab: {  	s6 =	sadd.s32 s6, s5;
	[sflag:s26] =	ssyncadd.s32 $0xFFFFFFF0  }
0xac: {  	[tilespmem:s25], [sflag:$0x1] =	stream.linear.gather [hbm4b:s6+s25], $0x10, $0x38;
	[tilespmem:$0x180] =	vst v63  }
0xad: {  	_ =	swait.ge [sflag:s26], $0x10  }
0xae: {  	[sflag:s26] =	ssyncset.done $0x0  }
0xaf: {  	s5 =	sadd.s32 s5, s8;
	[sflag:s26] =	ssyncadd.s32 $0xFFFFFFF0  }
0xb0: {  	[tilespmem:s10], [sflag:$0x1] =	stream.linear.gather [hbm4b:s5+s25], $0x10, $0x38;
	[tilespmem:$0x180] =	vst v63  }
0xb1: {  	_ =	swait.ge [sflag:s26], $0x10  }
0xb2: {  	[sflag:s26] =	ssyncset.done $0x0  }
0xb3: {  	[sflag:s26] =	ssyncadd.s32 $0xFFFFFFF0  }
0xb4: {  	v7 =	vld [tilespmem:$0x0]  }
0xb5: {  	v8 =	vld [tilespmem:$0x80];
	_ =	sdelay $0x3  }
0xb6: {  	v1 =	vmul.f32 $3.200000000e+02, v7  }
0xb7: {  	v0 =	vmul.f32 $3.200000000e+02, v8  }
0xb8: {  	v9 =	vmul.f32 $1.250000000e-01, v1  }
0xb9: {  	v10 =	vmul.f32 $1.250000000e-01, v0;
	v32 =	vmul.f32 $6.250000000e-02, v1  }
0xba: {  	v33 =	vmul.f32 $6.250000000e-02, v0;
	v2 =	vtrunc.f32 v9  }
0xbb: {  	v3 =	vtrunc.f32 v10;
	v35 =	vtrunc.f32 v32  }
0xbc: {  	v2 =	vcvt.f32.s32 v2;
	v3 =	vcvt.f32.s32 v3  }
0xbd: {  	v36 =	vcvt.f32.s32 v35  }
0xbe: {  	v37 =	vtrunc.f32 v33;
	v11 =	vadd.s32 $0xFFFFFFFF, v2;
	v12 =	vadd.s32 $0xFFFFFFFF, v3  }
0xbf: {  	vm7 =	vgt.s32 v2, $0x0;
	vm9 =	vgt.s32 v3, $0x0;
	v38 =	vadd.s32 $0xFFFFFFFF, v36  }
0xc0: {  	vm5 =	vgt.s32 v11, $0x0;
	vm6 =	vgt.s32 v12, $0x0;
	v15 =	vnsel vm7, $0x0, v2  }
0xc1: {  	v2 =	vadd.s32 $0x1, v2;
	v20 =	vnsel vm9, $0x0, v3;
	v3 =	vadd.s32 $0x1, v3  }
0xc2: {  	v4 =	vnsel vm5, $0x0, v11;
	v5 =	vnsel vm6, $0x0, v12;
	v8 =	vmin.u32 v15, $0x27  }
0xc3: {  	vm8 =	vgt.s32 v2, $0x0;
	vm5 =	vgt.s32 v3, $0x0;
	v4 =	vmin.u32 v4, $0x27  }
0xc4: {  	v5 =	vmin.u32 v5, $0x27;
	v16 =	vcvt.s32.f32 v8;
	v2 =	vnsel vm8, $0x0, v2  }
0xc5: {  	v3 =	vnsel vm5, $0x0, v3;
	v13 =	vcvt.s32.f32 v4;
	v14 =	vcvt.s32.f32 v5  }
0xc6: {  	v2 =	vmin.u32 v2, $0x27;
	v5 =	vmul.u32 $0x28, v5;
	v9 =	vadd.f32 $5.000000000e-01, v16  }
0xc7: {  	v3 =	vmin.u32 v3, $0x27;
	v6 =	vadd.f32 $5.000000000e-01, v13;
	v7 =	vadd.f32 $5.000000000e-01, v14  }
0xc8: {  	v17 =	vcvt.s32.f32 v2;
	v27 =	vcvt.s32.f32 v3;
	v3 =	vmul.u32 $0x28, v3  }
0xc9: {  	v19 =	vadd.s32 v4, v5;
	v6 =	vmul.f32 $8.000000000e+00, v6;
	v7 =	vmul.f32 $8.000000000e+00, v7  }
0xca: {  	v13 =	vmin.u32 v20, $0x27;
	v23 =	vadd.s32 v8, v5;
	v5 =	vadd.s32 v2, v5  }
0xcb: {  	v9 =	vmul.f32 $8.000000000e+00, v9;
	v6 =	vsub.f32 v1, v6;
	v7 =	vsub.f32 v0, v7  }
0xcc: {  	v10 =	vadd.f32 $5.000000000e-01, v17;
	v22 =	vcvt.s32.f32 v13;
	v13 =	vmul.u32 $0x28, v13  }
0xcd: {  	v9 =	vsub.f32 v1, v9;
	v6 =	vmul.f32 v6, v6;
	v7 =	vmul.f32 v7, v7  }
0xce: {  	v20 =	vmul.f32 $3.125000000e-02, v1;
	v10 =	vmul.f32 $8.000000000e+00, v10;
	v15 =	vadd.f32 $5.000000000e-01, v22  }
0xcf: {  	v26 =	vadd.s32 v4, v13;
	v9 =	vmul.f32 v9, v9;
	v18 =	vadd.f32 v7, v6  }
0xd0: {  	v29 =	vadd.s32 v8, v13;
	v31 =	vadd.s32 v2, v13;
	v4 =	vadd.s32 v4, v3  }
0xd1: {  	v10 =	vsub.f32 v1, v10;
	v21 =	vadd.f32 v7, v9;
	vm10 =	vlt.f32 v18, $1.000000020e+30  }
0xd2: {  	v15 =	vmul.f32 $8.000000000e+00, v15;
	v11 =	vnsel vm10, $0x7149F2CA, v18;
	v12 =	vnsel vm10, $0x0, v19  }
0xd3: {  	v10 =	vmul.f32 v10, v10;
	vm11 =	veq.f32 v21, v11;
	vm12 =	vlt.u32 v23, v12  }
0xd4: {  	v8 =	vadd.s32 v8, v3;
	vm13 =	vlt.f32 v21, v11;
	vm0 =	vmand vm11, vm12  }
0xd5: {  	v24 =	vsub.f32 v0, v15;
	v7 =	vadd.f32 v7, v10;
	vm0 =	vmor vm13, vm0  }
0xd6: {  	v15 =	vadd.f32 $5.000000000e-01, v27;
	v11 =	vsel vm0, v21, v11;
	v12 =	vsel vm0, v23, v12  }
0xd7: {  	v14 =	vmul.f32 v24, v24;
	vm15 =	veq.f32 v7, v11;
	vm4 =	vlt.u32 v5, v12  }
0xd8: {  	v2 =	vadd.s32 v2, v3;
	vm14 =	vlt.f32 v7, v11;
	vm1 =	vmand vm15, vm4  }
0xd9: {  	v30 =	vmul.f32 $8.000000000e+00, v15;
	v25 =	vadd.f32 v14, v6;
	vm0 =	vmor vm14, vm1  }
0xda: {  	v28 =	vadd.f32 v14, v9;
	v7 =	vsel vm0, v7, v11;
	v5 =	vsel vm0, v5, v12  }
0xdb: {  	v12 =	vsub.f32 v0, v30;
	vm6 =	veq.f32 v25, v7;
	vm7 =	vlt.u32 v26, v5  }
0xdc: {  	v21 =	vmul.f32 $3.125000000e-02, v0;
	vm8 =	vlt.f32 v25, v7;
	vm0 =	vmand vm6, vm7  }
0xdd: {  	v14 =	vadd.f32 v14, v10;
	v12 =	vmul.f32 v12, v12;
	vm0 =	vmor vm8, vm0  }
0xde: {  	v24 =	vtrunc.f32 v21;
	v7 =	vsel vm0, v25, v7;
	v5 =	vsel vm0, v26, v5  }
0xdf: {  	v6 =	vadd.f32 v12, v6;
	v34 =	vadd.f32 v12, v9;
	v9 =	vcvt.f32.s32 v37  }
0xe0: {  	v10 =	vadd.f32 v12, v10;
	vm9 =	veq.f32 v28, v7;
	vm10 =	vlt.u32 v29, v5  }
0xe1: {  	vm11 =	vlt.f32 v28, v7;
	vm0 =	vmand vm9, vm10;
	vm9 =	vgt.s32 v38, $0x0  }
0xe2: {  	v39 =	vadd.s32 $0xFFFFFFFF, v9;
	vm0 =	vmor vm11, vm0;
	v11 =	vnsel vm9, $0x0, v38  }
0xe3: {  	vm10 =	vgt.s32 v39, $0x0;
	vm11 =	vgt.s32 v36, $0x0;
	v7 =	vsel vm0, v28, v7  }
0xe4: {  	v5 =	vsel vm0, v29, v5;
	v40 =	vmin.u32 v11, $0x13;
	v41 =	vnsel vm10, $0x0, v39  }
0xe5: {  	v46 =	vnsel vm11, $0x0, v36;
	vm12 =	veq.f32 v14, v7;
	vm13 =	vlt.u32 v31, v5  }
0xe6: {  	vm14 =	vlt.f32 v14, v7;
	v42 =	vmin.u32 v41, $0x13;
	v43 =	vcvt.s32.f32 v40  }
0xe7: {  	v11 =	vmin.u32 v46, $0x13;
	vm0 =	vmand vm12, vm13;
	v44 =	vcvt.s32.f32 v42  }
0xe8: {  	v47 =	vcvt.s32.f32 v11;
	vm0 =	vmor vm14, vm0;
	v45 =	vadd.f32 $5.000000000e-01, v43  }
0xe9: {  	v7 =	vsel vm0, v14, v7;
	v5 =	vsel vm0, v31, v5;
	v12 =	vadd.f32 $5.000000000e-01, v44  }
0xea: {  	v13 =	vadd.f32 $5.000000000e-01, v47;
	vm15 =	veq.f32 v6, v7;
	vm4 =	vlt.u32 v4, v5  }
0xeb: {  	vm5 =	vlt.f32 v6, v7;
	v3 =	vmul.f32 $1.600000000e+01, v45;
	vm0 =	vmand vm15, vm4  }
0xec: {  	v12 =	vmul.f32 $1.600000000e+01, v12;
	v13 =	vmul.f32 $1.600000000e+01, v13;
	vm0 =	vmor vm5, vm0  }
0xed: {  	v3 =	vsub.f32 v1, v3;
	v6 =	vsel vm0, v6, v7;
	v4 =	vsel vm0, v4, v5  }
0xee: {  	v5 =	vadd.s32 $0x1, v36;
	v12 =	vsub.f32 v0, v12;
	v49 =	vsub.f32 v1, v13  }
0xef: {  	vm6 =	vlt.f32 v34, v6;
	vm7 =	veq.f32 v34, v6;
	vm8 =	vlt.u32 v8, v4  }
0xf0: {  	vm15 =	vgt.s32 v5, $0x0;
	v3 =	vmul.f32 v3, v3;
	vm1 =	vmand vm7, vm8  }
0xf1: {  	v5 =	vnsel vm15, $0x0, v5;
	v12 =	vmul.f32 v12, v12;
	vm0 =	vmor vm6, vm1  }
0xf2: {  	v5 =	vmin.u32 v5, $0x13;
	vm6 =	vgt.s32 v9, $0x0;
	v6 =	vsel vm0, v34, v6  }
0xf3: {  	v4 =	vsel vm0, v8, v4;
	v48 =	vcvt.s32.f32 v5;
	v8 =	vmul.u32 $0x14, v42  }
0xf4: {  	v50 =	vadd.f32 v12, v3;
	v53 =	vnsel vm6, $0x0, v9;
	v9 =	vadd.s32 $0x1, v9  }
0xf5: {  	vm12 =	vlt.f32 v10, v6;
	vm13 =	veq.f32 v10, v6;
	vm14 =	vlt.u32 v2, v4  }
0xf6: {  	v15 =	vmin.u32 v53, $0x13;
	vm1 =	vmand vm13, vm14;
	v51 =	vadd.f32 $5.000000000e-01, v48  }
0xf7: {  	v8 =	vadd.s32 $0x640, v8;
	v56 =	vcvt.s32.f32 v15;
	v58 =	vmul.u32 $0x14, v15  }
0xf8: {  	vm14 =	vgt.s32 v9, $0x0;
	vm0 =	vmor vm12, vm1;
	v52 =	vadd.s32 v40, v8  }
0xf9: {  	v57 =	vadd.s32 v11, v8;
	v8 =	vadd.s32 v5, v8;
	v9 =	vnsel vm14, $0x0, v9  }
0xfa: {  	v6 =	vsel vm0, v10, v6;
	v2 =	vsel vm0, v2, v4;
	v10 =	vmul.f32 v49, v49  }
0xfb: {  	v13 =	vmul.f32 $1.600000000e+01, v51;
	v14 =	vadd.s32 $0x640, v58;
	v9 =	vmin.u32 v9, $0x13  }
0xfc: {  	vm7 =	vlt.f32 v50, v6;
	v60 =	vadd.s32 v40, v14;
	v61 =	vcvt.s32.f32 v9  }
0xfd: {  	v63 =	vadd.s32 v11, v14;
	v19 =	vadd.s32 v5, v14;
	v9 =	vmul.u32 $0x14, v9  }
0xfe: {  	v54 =	vadd.f32 v12, v10;
	v4 =	vsel vm7, v50, v6;
	v2 =	vsel vm7, v52, v2  }
0xff: {  	v55 =	vsub.f32 v1, v13;
	v13 =	vadd.f32 $5.000000000e-01, v56;
	vm9 =	vlt.u32 v57, v2  }
0x100: {  	v15 =	vadd.f32 $5.000000000e-01, v61;
	v9 =	vadd.s32 $0x640, v9;
	vm8 =	veq.f32 v54, v4  }
0x101: {  	v6 =	vmul.f32 v55, v55;
	vm10 =	vlt.f32 v54, v4;
	v13 =	vmul.f32 $1.600000000e+01, v13  }
0x102: {  	v7 =	vadd.s32 v40, v9;
	v25 =	vadd.s32 v11, v9;
	vm0 =	vmand vm8, vm9  }
0x103: {  	vm0 =	vmor vm10, vm0;
	v12 =	vadd.f32 v12, v6;
	v13 =	vsub.f32 v0, v13  }
0x104: {  	v15 =	vmul.f32 $1.600000000e+01, v15;
	v4 =	vsel vm0, v54, v4;
	v2 =	vsel vm0, v57, v2  }
0x105: {  	vm11 =	veq.f32 v12, v4;
	vm12 =	vlt.u32 v8, v2;
	v13 =	vmul.f32 v13, v13  }
0x106: {  	v5 =	vadd.s32 v5, v9;
	vm13 =	vlt.f32 v12, v4;
	vm0 =	vmand vm11, vm12  }
0x107: {  	v18 =	vsub.f32 v0, v15;
	vm0 =	vmor vm13, vm0;
	v59 =	vadd.f32 v13, v3  }
0x108: {  	v62 =	vadd.f32 v13, v10;
	v13 =	vadd.f32 v13, v6;
	v4 =	vsel vm0, v12, v4  }
0x109: {  	v2 =	vsel vm0, v8, v2;
	v12 =	vmul.f32 v18, v18;
	v8 =	vtrunc.f32 v20  }
0x10a: {  	vm15 =	veq.f32 v59, v4;
	vm4 =	vlt.u32 v60, v2;
	vm5 =	vlt.f32 v59, v4  }
0x10b: {  	v23 =	vcvt.f32.s32 v8;
	v8 =	vcvt.f32.s32 v24;
	vm1 =	vmand vm15, vm4  }
0x10c: {  	v3 =	vadd.f32 v12, v3;
	v22 =	vadd.f32 v12, v10;
	vm0 =	vmor vm5, vm1  }
0x10d: {  	v6 =	vadd.f32 v12, v6;
	v4 =	vsel vm0, v59, v4;
	v2 =	vsel vm0, v60, v2  }
0x10e: {  	v26 =	vadd.s32 $0xFFFFFFFF, v23;
	vm6 =	veq.f32 v62, v4;
	vm7 =	vlt.u32 v63, v2  }
0x10f: {  	v27 =	vadd.s32 $0xFFFFFFFF, v8;
	vm8 =	vlt.f32 v62, v4;
	vm0 =	vmand vm6, vm7  }
0x110: {  	vm6 =	vgt.s32 v26, $0x0;
	vm7 =	vgt.s32 v27, $0x0;
	vm0 =	vmor vm8, vm0  }
0x111: {  	v11 =	vnsel vm6, $0x0, v26;
	v29 =	vnsel vm7, $0x0, v27;
	vm8 =	vgt.s32 v23, $0x0  }
0x112: {  	v4 =	vsel vm0, v62, v4;
	v2 =	vsel vm0, v63, v2;
	v28 =	vmin.u32 v11, $0x9  }
0x113: {  	v30 =	vmin.u32 v29, $0x9;
	v34 =	vnsel vm8, $0x0, v23;
	vm9 =	veq.f32 v13, v4  }
0x114: {  	vm10 =	vlt.u32 v19, v2;
	vm11 =	vlt.f32 v13, v4;
	v31 =	vcvt.s32.f32 v28  }
0x115: {  	v32 =	vcvt.s32.f32 v30;
	v11 =	vmin.u32 v34, $0x9;
	vm0 =	vmand vm9, vm10  }
0x116: {  	v37 =	vmul.u32 $0xA, v30;
	v35 =	vcvt.s32.f32 v11;
	vm0 =	vmor vm11, vm0  }
0x117: {  	v33 =	vadd.f32 $5.000000000e-01, v31;
	v12 =	vadd.f32 $5.000000000e-01, v32;
	v4 =	vsel vm0, v13, v4  }
0x118: {  	v2 =	vsel vm0, v19, v2;
	v13 =	vadd.f32 $5.000000000e-01, v35;
	vm12 =	veq.f32 v3, v4  }
0x119: {  	vm13 =	vlt.u32 v7, v2;
	vm14 =	vlt.f32 v3, v4;
	v9 =	vmul.f32 $3.200000000e+01, v33  }
0x11a: {  	v12 =	vmul.f32 $3.200000000e+01, v12;
	vm0 =	vmand vm12, vm13;
	v13 =	vmul.f32 $3.200000000e+01, v13  }
0x11b: {  	vm13 =	vgt.s32 v8, $0x0;
	vm0 =	vmor vm14, vm0;
	v9 =	vsub.f32 v1, v9  }
0x11c: {  	v12 =	vsub.f32 v0, v12;
	v41 =	vnsel vm13, $0x0, v8;
	v8 =	vadd.s32 $0x1, v8  }
0x11d: {  	v3 =	vsel vm0, v3, v4;
	v2 =	vsel vm0, v7, v2;
	v7 =	vadd.s32 $0x1, v23  }
0x11e: {  	v38 =	vsub.f32 v1, v13;
	v14 =	vmin.u32 v41, $0x9;
	vm8 =	vgt.s32 v8, $0x0  }
0x11f: {  	vm15 =	vlt.f32 v22, v3;
	vm4 =	veq.f32 v22, v3;
	vm5 =	vlt.u32 v25, v2  }
0x120: {  	vm12 =	vgt.s32 v7, $0x0;
	v9 =	vmul.f32 v9, v9;
	v12 =	vmul.f32 v12, v12  }
0x121: {  	v44 =	vcvt.s32.f32 v14;
	vm1 =	vmand vm4, vm5;
	v7 =	vnsel vm12, $0x0, v7  }
0x122: {  	v48 =	vmul.u32 $0xA, v14;
	vm0 =	vmor vm15, vm1;
	v7 =	vmin.u32 v7, $0x9  }
0x123: {  	v3 =	vsel vm0, v22, v3;
	v2 =	vsel vm0, v25, v2;
	v36 =	vcvt.s32.f32 v7  }
0x124: {  	v10 =	vmul.f32 v38, v38;
	vm10 =	veq.f32 v6, v3;
	vm11 =	vlt.u32 v5, v2  }
0x125: {  	vm9 =	vlt.f32 v6, v3;
	vm1 =	vmand vm10, vm11;
	v40 =	vadd.f32 $5.000000000e-01, v36  }
0x126: {  	v39 =	vadd.f32 v12, v9;
	v42 =	vadd.f32 v12, v10;
	vm0 =	vmor vm9, vm1  }
0x127: {  	v3 =	vsel vm0, v6, v3;
	v6 =	vadd.s32 $0x7D0, v37;
	v13 =	vmul.f32 $3.200000000e+01, v40  }
0x128: {  	v2 =	vsel vm0, v5, v2;
	vm14 =	vlt.f32 v39, v3;
	v43 =	vadd.s32 v28, v6  }
0x129: {  	v3 =	vsel vm14, v39, v3;
	v1 =	vsub.f32 v1, v13;
	v13 =	vadd.f32 $5.000000000e-01, v44  }
0x12a: {  	v45 =	vadd.s32 v11, v6;
	v2 =	vsel vm14, v43, v2;
	vm15 =	veq.f32 v42, v3  }
0x12b: {  	vm1 =	vlt.u32 v45, v2;
	v1 =	vmul.f32 v1, v1;
	v13 =	vmul.f32 $3.200000000e+01, v13  }
0x12c: {  	v8 =	vnsel vm8, $0x0, v8;
	vm4 =	vlt.f32 v42, v3;
	vm0 =	vmand vm15, vm1  }
0x12d: {  	vm0 =	vmor vm4, vm0;
	v12 =	vadd.f32 v12, v1;
	v47 =	vsub.f32 v0, v13  }
0x12e: {  	v46 =	vadd.s32 v7, v6;
	v3 =	vsel vm0, v42, v3;
	v2 =	vsel vm0, v45, v2  }
0x12f: {  	vm6 =	vlt.u32 v46, v2;
	vm5 =	veq.f32 v12, v3;
	v6 =	vmul.f32 v47, v47  }
0x130: {  	v8 =	vmin.u32 v8, $0x9;
	vm7 =	vlt.f32 v12, v3;
	vm0 =	vmand vm5, vm6  }
0x131: {  	v13 =	vadd.s32 $0x7D0, v48;
	vm0 =	vmor vm7, vm0;
	v49 =	vadd.f32 v6, v9  }
0x132: {  	v50 =	vadd.s32 v28, v13;
	v3 =	vsel vm0, v12, v3;
	v2 =	vsel vm0, v46, v2  }
0x133: {  	v51 =	vcvt.s32.f32 v8;
	vm9 =	veq.f32 v49, v3;
	vm10 =	vlt.u32 v50, v2  }
0x134: {  	vm11 =	vlt.f32 v49, v3;
	vm1 =	vmand vm9, vm10  }
0x135: {  	v14 =	vadd.f32 $5.000000000e-01, v51;
	v52 =	vadd.f32 v6, v10;
	vm0 =	vmor vm11, vm1  }
0x136: {  	v53 =	vadd.s32 v11, v13;
	v3 =	vsel vm0, v49, v3;
	v2 =	vsel vm0, v50, v2  }
0x137: {  	v14 =	vmul.f32 $3.200000000e+01, v14;
	vm12 =	veq.f32 v52, v3;
	vm13 =	vlt.u32 v53, v2  }
0x138: {  	v8 =	vmul.u32 $0xA, v8;
	vm14 =	vlt.f32 v52, v3;
	vm0 =	vmand vm12, vm13  }
0x139: {  	v0 =	vsub.f32 v0, v14;
	v6 =	vadd.f32 v6, v1;
	vm0 =	vmor vm14, vm0  }
0x13a: {  	v54 =	vadd.s32 v7, v13;
	v3 =	vsel vm0, v52, v3;
	v2 =	vsel vm0, v53, v2  }
0x13b: {  	v0 =	vmul.f32 v0, v0;
	vm15 =	veq.f32 v6, v3;
	vm4 =	vlt.u32 v54, v2  }
0x13c: {  	vm5 =	vlt.f32 v6, v3;
	vm0 =	vmand vm15, vm4  }
0x13d: {  	v8 =	vadd.s32 $0x7D0, v8;
	v9 =	vadd.f32 v0, v9;
	vm0 =	vmor vm5, vm0  }
0x13e: {  	v4 =	vadd.s32 v28, v8;
	v3 =	vsel vm0, v6, v3;
	v2 =	vsel vm0, v54, v2  }
0x13f: {  	vm6 =	veq.f32 v9, v3;
	vm7 =	vlt.u32 v4, v2  }
0x140: {  	vm8 =	vlt.f32 v9, v3;
	vm0 =	vmand vm6, vm7  }
0x141: {  	v55 =	vadd.f32 v0, v10;
	vm0 =	vmor vm8, vm0  }
0x142: {  	v56 =	vadd.s32 v11, v8;
	v3 =	vsel vm0, v9, v3;
	v2 =	vsel vm0, v4, v2  }
0x143: {  	vm9 =	veq.f32 v55, v3;
	vm10 =	vlt.u32 v56, v2  }
0x144: {  	vm11 =	vlt.f32 v55, v3;
	vm0 =	vmand vm9, vm10  }
0x145: {  	v57 =	vlaneseq.u32;
	v0 =	vadd.f32 v0, v1;
	vm0 =	vmor vm11, vm0  }
0x146: {  	v59 =	vadd.s32 v7, v8;
	v58 =	vsel vm0, v55, v3;
	v2 =	vsel vm0, v56, v2  }
0x147: {  	v60 =	vmul.u32 $0xFFFFFFFF, v57;
	vm12 =	veq.f32 v0, v58;
	vm13 =	vlt.u32 v59, v2  }
0x148: {  	vm14 =	vlt.f32 v0, v58;
	vm0 =	vmand vm12, vm13  }
0x149: {  	v61 =	vmov s11;
	v62 =	vadd.s32 $0x32, v60;
	vm0 =	vmor vm14, vm0  }
0x14a: {  	vm15 =	vlt.u32 v61, v62;
	v63 =	vsel vm0, v59, v2  }
0x14b: {  	s31 =	sshll.u32 s9, $0x1;
	v0 =	vnsel vm15, $0xFFFFFFFF, v63  }
0x14c: {  	s4 =	sadd.s32 s4, s31;
	[tilespmem:$0x100] =	vst v0  }
0x14d: {  	[hbm4b:s4+s25] =	stream.linear.scatter [tilespmem:s29], [sflag:$0x1], $0x10, $0x38;
	[tilespmem:$0x180] =	vst v63  }
0x14e: {  	_ =	swait.ge [sflag:s26], $0x10  }
0x14f: {  	[sflag:s26] =	ssyncset.done $0x0  }
0x150: {  	[sflag:s26] =	ssyncadd.s32 $0xFFFFFFF0  }
0x151: {  	_ =	sfence.sel $0x180000  }
0x152: {  	[bflag:$0x0] =	sbarrier.arrive $0xFFFF  }
0x153: {  	p0 =	sne.s32 s0, $0x0;
	_ =	strace $0x90000047  }
0x154: {  	s0 =	sadd.s32 @!p0 $0x100000, s1;
	[bflag:$0x2] =	sbarrier.arrive $0xFFFF  }
0x155: {  	[sflag:s0] =	ssyncadd.tile.s32 @!p0 $0x1;
	_ =	shalt  }
.Lfunc_end2:
_tile_overlayer_lowered:
.L_overlay_start_2:
0x156: {  	(tag) =	ssettag $0x2  }
0x157: {  	s0 =	rddreg [dreg:$0x0];
	s2 =	stileid.u32  }
0x158: {  	s1 =	rddreg [dreg:$0x1];
	p0 =	sne.s32 s2, $0x0  }
0x159: {  	s3 =	rddreg [dreg:$0x2];
	[bflag:$0x3] =	sbarrier.arrive $0xFFFF;
	s2 =	simm.s32 @!p0 $0x1C01  }
0x15a: {  	[timem:s3], [sflag:s2] =	dma.local @!p0 [hbm:s0], s1  }
0x15b: {  	s0 =	simm.s32 @!p0 $0x1  }
0x15c: {  	_ =	swait.ge @!p0 [sflag:s0], s1  }
0x15d: {  	s1 =	ssub.s32 @!p0 $0x0, s1;
	[sflag:s0] =	ssyncset.done @!p0 $0x0  }
0x15e: {  	[sflag:s0] =	ssyncadd.s32 @!p0 s1  }
0x15f: {  	[bflag:$0x3] =	sbarrier.arrive $0xFFFF  }
0x160: {  	_ =	shalt  }

</sc_bundles>
